<compile_context>
chip_gen: v7x
topology: tpu7x:2x2x1
jax: 0.10.2.dev20260603
libtpu: 0.0.44.dev20260713+nightly
codegen_flags: <defaults>
</compile_context>

<pallas_src>
import jax
import jax.numpy as jnp
from jax import lax
from jax.experimental import pallas as pl
from jax.experimental.pallas import tpu as pltpu
from jax.experimental.pallas import tpu_sc as plsc

NUM_EMB = 1000000
DIM = 64
TOTAL = 16384 * 20

_info = plsc.get_sparse_core_info()
NC, NS = _info.num_cores, _info.num_subcores
NW = NC * NS
PER_W = TOTAL // NW
CHUNK = 2048
N_CHUNK = PER_W // CHUNK
SUB = 128
N_SUB = CHUNK // SUB


CH_R = 128
N_CH2 = 16384 // NW // CH_R


def _sc_gather(idx_hbm, table_hbm, out_hbm, idx_v, rows_v, sem):
  wid = lax.axis_index("s") * NC + lax.axis_index("c")

  def body(c, carry):
    row0 = wid * (N_CH2 * CH_R) + c * CH_R
    pltpu.sync_copy(idx_hbm.at[pl.ds(row0, CH_R), :], idx_v)
    for j in range(CH_R):
      pltpu.async_copy(
          table_hbm.at[idx_v.at[j]],
          rows_v.at[pl.ds(j * 20, 20)],
          sem,
      )
    for j in range(CH_R):
      pltpu.make_async_copy(
          table_hbm.at[idx_v.at[j]],
          rows_v.at[pl.ds(j * 20, 20)],
          sem,
      ).wait()
    pltpu.sync_copy(rows_v, out_hbm.at[pl.ds(row0 * 20, CH_R * 20)])
    return carry

  lax.fori_loop(0, N_CH2, body, 0)


def _gather_rows(idx, table):
  mesh = plsc.VectorSubcoreMesh(core_axis_name="c", subcore_axis_name="s")
  k = pl.kernel(
      _sc_gather,
      mesh=mesh,
      out_type=jax.ShapeDtypeStruct((TOTAL, DIM), jnp.int8),
      scratch_types=[
          pltpu.VMEM((CH_R, 20), jnp.int32),
          pltpu.VMEM((CH_R * 20, DIM), jnp.int8),
          pltpu.SemaphoreType.DMA,
      ],
      compiler_params=pltpu.CompilerParams(use_tc_tiling_on_sc=False),
  )
  return k(idx, table)


def _dequant_body(x_ref, s_ref, o_ref):
  s = jnp.reshape(s_ref[0:1, 0:DIM], (1, 1, DIM))
  o_ref[...] = (x_ref[...] * s).astype(jnp.bfloat16)


def _dequant(rows, scaler, b, h):
  x = rows.reshape(b, h, DIM)
  s = jnp.broadcast_to(
      jnp.pad(scaler.astype(jnp.float32), (0, 2 * DIM - DIM)).reshape(1, -1),
      (8, 2 * DIM),
  )
  blk = 1024
  return pl.pallas_call(
      _dequant_body,
      grid=(b // blk,),
      in_specs=[
          pl.BlockSpec((blk, h, DIM), lambda i: (i, 0, 0)),
          pl.BlockSpec((8, 2 * DIM), lambda i: (0, 0)),
      ],
      out_specs=pl.BlockSpec((blk, h, DIM), lambda i: (i, 0, 0)),
      out_shape=jax.ShapeDtypeStruct((b, h, DIM), jnp.bfloat16),
  )(x, s)


def kernel(input, weight, weight_scaler):
  b, h = input.shape
  rows = _gather_rows(input.astype(jnp.int32), weight)
  return _dequant(rows, weight_scaler, b, h)

# --- scband reference (transcript-rebuilt; emitter-appended) ---
"""Pipeline reference for scband-int8-embedding-24257975288000 (READ-ONLY COPY).

The authoritative reference and input builder live on the scoring server;
editing this copy changes nothing except your own understanding.
"""

import jax, jax.numpy as jnp
import numpy as np

NUM_EMBEDDINGS = 1000000
EMBEDDING_DIMS = 64
BATCH = 16384
HIST_LEN = 20


def setup_inputs(seed: int = 0) -> dict:
    key = jax.random.key(seed)
    k_idx = jax.random.fold_in(key, 0)
    indices = jax.random.randint(k_idx, (BATCH, HIST_LEN), 0, NUM_EMBEDDINGS)
    # Parameters (buffers) sized per init_kwargs, matching torch init (ones)
    weight = jnp.ones((NUM_EMBEDDINGS, EMBEDDING_DIMS), dtype=jnp.int8)
    weight_scaler = jnp.ones((EMBEDDING_DIMS,), dtype=jnp.bfloat16)
    return {"input": indices, "weight": weight, "weight_scaler": weight_scaler}


def reference(input, weight, weight_scaler):
    # F.embedding(input, int8 weight) -> gather rows; then elementwise scale by
    # per-dim bf16 scaler (int8 * bf16 promotes to bf16, matching torch).
    emb = jnp.take(weight, input, axis=0)  # [B, L, D] int8
    return emb * weight_scaler  # [B, L, D] bfloat16

if __name__ == "__main__":
    import jax
    _d = setup_inputs()
    print(jax.jit(kernel)(*tuple(_d.values())))

</pallas_src>

<mosaic_0001>
#map = affine_map<(d0, d1) -> (0, 0)>
module attributes {stable_mosaic.version = 14 : i64} {
  func.func @_sc_gather(%arg0: i32, %arg1: i32, %arg2: memref<16384x20xi32, #tpu.memory_space<hbm>>, %arg3: memref<1000000x64xi8, #tpu.memory_space<hbm>>, %arg4: memref<327680x64xi8, #tpu.memory_space<hbm>>, %arg5: memref<128x20xi32, #tpu.memory_space<vmem>>, %arg6: memref<2560x64xi8, #tpu.memory_space<vmem>>, %arg7: memref<!tpu.dma_semaphore, #tpu.memory_space<semaphore_mem>>) attributes {dimension_semantics = [#tpu.dimension_semantics<core_parallel>, #tpu.dimension_semantics<subcore_parallel>], iteration_bounds = array<i64: 2, 16>, scalar_prefetch = 0 : i64, scratch_operands = 3 : i64, tpu.core_type = #tpu.core_type<sc_vector_subcore>, window_params = [{transform_indices = #map}, {transform_indices = #map}, {transform_indices = #map}]} {
    %mul3A = arith.constant 2 : i32
    %mul3A_0 = arith.muli %arg1, %mul3A : i32
    %add3A = arith.addi %mul3A_0, %arg0 : i32
    %scan3A = arith.constant 0 : i32
    %scan3A_1 = arith.constant 0 : i32
    %scan3A_2 = arith.constant 4 : i32
    %scan3A_3 = arith.addi %scan3A_1, %scan3A_2 : i32
    %scan3A_4 = arith.constant 1 : i32
    scf.for %scan3A_6 = %scan3A_1 to %scan3A_3 step %scan3A_4  : i32 {
      %mul3A_7 = arith.constant 512 : i32
      %mul3A_8 = arith.muli %add3A, %mul3A_7 : i32
      %mul3A_9 = arith.constant 128 : i32
      %mul3A_10 = arith.muli %scan3A_6, %mul3A_9 : i32
      %add3A_11 = arith.addi %mul3A_8, %mul3A_10 : i32
      "tpu.region"() ({
        %run_scoped3A = tpu.sem_alloc : memref<!tpu.dma_semaphore, #tpu.memory_space<semaphore_mem>>
        %dma_start3A_2572 = arith.constant 0 : i32
        %dma_start3A_2573 = tpu.memref_slice %arg2[%add3A_11, %dma_start3A_2572] : memref<16384x20xi32, #tpu.memory_space<hbm>> -> memref<128x20xi32, #tpu.memory_space<hbm>>
        %dma_start3A_2574 = arith.constant 0 : i32
        %dma_start3A_2575 = tpu.memref_slice %arg2[%add3A_11, %dma_start3A_2574] : memref<16384x20xi32, #tpu.memory_space<hbm>> -> memref<128x20xi32, #tpu.memory_space<hbm>>
        tpu.enqueue_dma source(%dma_start3A_2575 : memref<128x20xi32, #tpu.memory_space<hbm>>) target(%arg5 : memref<128x20xi32, #tpu.memory_space<vmem>>) target_semaphore(%run_scoped3A : memref<!tpu.dma_semaphore, #tpu.memory_space<semaphore_mem>>)
        %dma_wait3A_2576 = arith.constant 0 : i32
        %dma_wait3A_2577 = tpu.memref_slice %arg2[%add3A_11, %dma_wait3A_2576] : memref<16384x20xi32, #tpu.memory_space<hbm>> -> memref<128x20xi32, #tpu.memory_space<hbm>>
        %dma_wait3A_2578 = arith.constant 0 : i32
        %dma_wait3A_2579 = tpu.memref_slice %arg2[%add3A_11, %dma_wait3A_2578] : memref<16384x20xi32, #tpu.memory_space<hbm>> -> memref<128x20xi32, #tpu.memory_space<hbm>>
        tpu.wait_dma2 semaphore(%run_scoped3A : memref<!tpu.dma_semaphore, #tpu.memory_space<semaphore_mem>>) src(%dma_wait3A_2579 : memref<128x20xi32, #tpu.memory_space<hbm>>) dst(%arg5 : memref<128x20xi32, #tpu.memory_space<vmem>>)
        tpu.yield
      }) : () -> ()
      %dma_start3A = arith.constant 0 : i32
      %dma_start3A_12 = arith.constant 0 : i32
      %dma_start3A_13 = arith.constant 0 : i32
      %dma_start3A_14 = tpu.memref_slice %arg6[%dma_start3A_12, %dma_start3A_13] : memref<2560x64xi8, #tpu.memory_space<vmem>> -> memref<20x64xi8, #tpu.memory_space<vmem>>
      %dma_start3A_15 = arith.constant 0 : i32
      %dma_start3A_16 = tpu.memref_slice %arg5[%dma_start3A, %dma_start3A_15] : memref<128x20xi32, #tpu.memory_space<vmem>> -> memref<1x20xi32, #tpu.memory_space<vmem>>
      %dma_start3A_17 = tpu.memref_squeeze %dma_start3A_16 : memref<1x20xi32, #tpu.memory_space<vmem>> -> memref<20xi32, #tpu.memory_space<vmem>>
      %dma_start3A_18 = arith.constant 0 : i32
      %dma_start3A_19 = arith.constant 0 : i32
      %dma_start3A_20 = tpu.memref_slice %arg3[%dma_start3A_18, %dma_start3A_19] : memref<1000000x64xi8, #tpu.memory_space<hbm>> -> memref<1000000x64xi8, #tpu.memory_space<hbm>>
      tpu.enqueue_indirect_dma source(%dma_start3A_20 : memref<1000000x64xi8, #tpu.memory_space<hbm>>) target(%dma_start3A_14 : memref<20x64xi8, #tpu.memory_space<vmem>>) offsets(%dma_start3A_17 : memref<20xi32, #tpu.memory_space<vmem>>) semaphore(%arg7 : memref<!tpu.dma_semaphore, #tpu.memory_space<semaphore_mem>>)
      %dma_start3A_21 = arith.constant 1 : i32
      %dma_start3A_22 = arith.constant 20 : i32
      %dma_start3A_23 = arith.constant 0 : i32
      %dma_start3A_24 = tpu.memref_slice %arg6[%dma_start3A_22, %dma_start3A_23] : memref<2560x64xi8, #tpu.memory_space<vmem>> -> memref<20x64xi8, #tpu.memory_space<vmem>>
      %dma_start3A_25 = arith.constant 0 : i32
      %dma_start3A_26 = tpu.memref_slice %arg5[%dma_start3A_21, %dma_start3A_25] : memref<128x20xi32, #tpu.memory_space<vmem>> -> memref<1x20xi32, #tpu.memory_space<vmem>>
      %dma_start3A_27 = tpu.memref_squeeze %dma_start3A_26 : memref<1x20xi32, #tpu.memory_space<vmem>> -> memref<20xi32, #tpu.memory_space<vmem>>
      %dma_start3A_28 = arith.constant 0 : i32
      %dma_start3A_29 = arith.constant 0 : i32
      %dma_start3A_30 = tpu.memref_slice %arg3[%dma_start3A_28, %dma_start3A_29] : memref<1000000x64xi8, #tpu.memory_space<hbm>> -> memref<1000000x64xi8, #tpu.memory_space<hbm>>
      tpu.enqueue_indirect_dma source(%dma_start3A_30 : memref<1000000x64xi8, #tpu.memory_space<hbm>>) target(%dma_start3A_24 : memref<20x64xi8, #tpu.memory_space<vmem>>) offsets(%dma_start3A_27 : memref<20xi32, #tpu.memory_space<vmem>>) semaphore(%arg7 : memref<!tpu.dma_semaphore, #tpu.memory_space<semaphore_mem>>)
      %dma_start3A_31 = arith.constant 2 : i32
      %dma_start3A_32 = arith.constant 40 : i32
      %dma_start3A_33 = arith.constant 0 : i32
      %dma_start3A_34 = tpu.memref_slice %arg6[%dma_start3A_32, %dma_start3A_33] : memref<2560x64xi8, #tpu.memory_space<vmem>> -> memref<20x64xi8, #tpu.memory_space<vmem>>
      %dma_start3A_35 = arith.constant 0 : i32
      %dma_start3A_36 = tpu.memref_slice %arg5[%dma_start3A_31, %dma_start3A_35] : memref<128x20xi32, #tpu.memory_space<vmem>> -> memref<1x20xi32, #tpu.memory_space<vmem>>
      %dma_start3A_37 = tpu.memref_squeeze %dma_start3A_36 : memref<1x20xi32, #tpu.memory_space<vmem>> -> memref<20xi32, #tpu.memory_space<vmem>>
      %dma_start3A_38 = arith.constant 0 : i32
      %dma_start3A_39 = arith.constant 0 : i32
      %dma_start3A_40 = tpu.memref_slice %arg3[%dma_start3A_38, %dma_start3A_39] : memref<1000000x64xi8, #tpu.memory_space<hbm>> -> memref<1000000x64xi8, #tpu.memory_space<hbm>>
      tpu.enqueue_indirect_dma source(%dma_start3A_40 : memref<1000000x64xi8, #tpu.memory_space<hbm>>) target(%dma_start3A_34 : memref<20x64xi8, #tpu.memory_space<vmem>>) offsets(%dma_start3A_37 : memref<20xi32, #tpu.memory_space<vmem>>) semaphore(%arg7 : memref<!tpu.dma_semaphore, #tpu.memory_space<semaphore_mem>>)
      %dma_start3A_41 = arith.constant 3 : i32
      %dma_start3A_42 = arith.constant 60 : i32
      %dma_start3A_43 = arith.constant 0 : i32
      %dma_start3A_44 = tpu.memref_slice %arg6[%dma_start3A_42, %dma_start3A_43] : memref<2560x64xi8, #tpu.memory_space<vmem>> -> memref<20x64xi8, #tpu.memory_space<vmem>>
      %dma_start3A_45 = arith.constant 0 : i32
      %dma_start3A_46 = tpu.memref_slice %arg5[%dma_start3A_41, %dma_start3A_45] : memref<128x20xi32, #tpu.memory_space<vmem>> -> memref<1x20xi32, #tpu.memory_space<vmem>>
      %dma_start3A_47 = tpu.memref_squeeze %dma_start3A_46 : memref<1x20xi32, #tpu.memory_space<vmem>> -> memref<20xi32, #tpu.memory_space<vmem>>
      %dma_start3A_48 = arith.constant 0 : i32
      %dma_start3A_49 = arith.constant 0 : i32
      %dma_start3A_50 = tpu.memref_slice %arg3[%dma_start3A_48, %dma_start3A_49] : memref<1000000x64xi8, #tpu.memory_space<hbm>> -> memref<1000000x64xi8, #tpu.memory_space<hbm>>
      tpu.enqueue_indirect_dma source(%dma_start3A_50 : memref<1000000x64xi8, #tpu.memory_space<hbm>>) target(%dma_start3A_44 : memref<20x64xi8, #tpu.memory_space<vmem>>) offsets(%dma_start3A_47 : memref<20xi32, #tpu.memory_space<vmem>>) semaphore(%arg7 : memref<!tpu.dma_semaphore, #tpu.memory_space<semaphore_mem>>)
      %dma_start3A_51 = arith.constant 4 : i32
      %dma_start3A_52 = arith.constant 80 : i32
      %dma_start3A_53 = arith.constant 0 : i32
      %dma_start3A_54 = tpu.memref_slice %arg6[%dma_start3A_52, %dma_start3A_53] : memref<2560x64xi8, #tpu.memory_space<vmem>> -> memref<20x64xi8, #tpu.memory_space<vmem>>
      %dma_start3A_55 = arith.constant 0 : i32
      %dma_start3A_56 = tpu.memref_slice %arg5[%dma_start3A_51, %dma_start3A_55] : memref<128x20xi32, #tpu.memory_space<vmem>> -> memref<1x20xi32, #tpu.memory_space<vmem>>
      %dma_start3A_57 = tpu.memref_squeeze %dma_start3A_56 : memref<1x20xi32, #tpu.memory_space<vmem>> -> memref<20xi32, #tpu.memory_space<vmem>>
      %dma_start3A_58 = arith.constant 0 : i32
      %dma_start3A_59 = arith.constant 0 : i32
      %dma_start3A_60 = tpu.memref_slice %arg3[%dma_start3A_58, %dma_start3A_59] : memref<1000000x64xi8, #tpu.memory_space<hbm>> -> memref<1000000x64xi8, #tpu.memory_space<hbm>>
      tpu.enqueue_indirect_dma source(%dma_start3A_60 : memref<1000000x64xi8, #tpu.memory_space<hbm>>) target(%dma_start3A_54 : memref<20x64xi8, #tpu.memory_space<vmem>>) offsets(%dma_start3A_57 : memref<20xi32, #tpu.memory_space<vmem>>) semaphore(%arg7 : memref<!tpu.dma_semaphore, #tpu.memory_space<semaphore_mem>>)
      %dma_start3A_61 = arith.constant 5 : i32
      %dma_start3A_62 = arith.constant 100 : i32
      %dma_start3A_63 = arith.constant 0 : i32
      %dma_start3A_64 = tpu.memref_slice %arg6[%dma_start3A_62, %dma_start3A_63] : memref<2560x64xi8, #tpu.memory_space<vmem>> -> memref<20x64xi8, #tpu.memory_space<vmem>>
      %dma_start3A_65 = arith.constant 0 : i32
      %dma_start3A_66 = tpu.memref_slice %arg5[%dma_start3A_61, %dma_start3A_65] : memref<128x20xi32, #tpu.memory_space<vmem>> -> memref<1x20xi32, #tpu.memory_space<vmem>>
      %dma_start3A_67 = tpu.memref_squeeze %dma_start3A_66 : memref<1x20xi32, #tpu.memory_space<vmem>> -> memref<20xi32, #tpu.memory_space<vmem>>
      %dma_start3A_68 = arith.constant 0 : i32
      %dma_start3A_69 = arith.constant 0 : i32
      %dma_start3A_70 = tpu.memref_slice %arg3[%dma_start3A_68, %dma_start3A_69] : memref<1000000x64xi8, #tpu.memory_space<hbm>> -> memref<1000000x64xi8, #tpu.memory_space<hbm>>
      tpu.enqueue_indirect_dma source(%dma_start3A_70 : memref<1000000x64xi8, #tpu.memory_space<hbm>>) target(%dma_start3A_64 : memref<20x64xi8, #tpu.memory_space<vmem>>) offsets(%dma_start3A_67 : memref<20xi32, #tpu.memory_space<vmem>>) semaphore(%arg7 : memref<!tpu.dma_semaphore, #tpu.memory_space<semaphore_mem>>)
      %dma_start3A_71 = arith.constant 6 : i32
      %dma_start3A_72 = arith.constant 120 : i32
      %dma_start3A_73 = arith.constant 0 : i32
      %dma_start3A_74 = tpu.memref_slice %arg6[%dma_start3A_72, %dma_start3A_73] : memref<2560x64xi8, #tpu.memory_space<vmem>> -> memref<20x64xi8, #tpu.memory_space<vmem>>
      %dma_start3A_75 = arith.constant 0 : i32
      %dma_start3A_76 = tpu.memref_slice %arg5[%dma_start3A_71, %dma_start3A_75] : memref<128x20xi32, #tpu.memory_space<vmem>> -> memref<1x20xi32, #tpu.memory_space<vmem>>
      %dma_start3A_77 = tpu.memref_squeeze %dma_start3A_76 : memref<1x20xi32, #tpu.memory_space<vmem>> -> memref<20xi32, #tpu.memory_space<vmem>>
      %dma_start3A_78 = arith.constant 0 : i32
      %dma_start3A_79 = arith.constant 0 : i32
      %dma_start3A_80 = tpu.memref_slice %arg3[%dma_start3A_78, %dma_start3A_79] : memref<1000000x64xi8, #tpu.memory_space<hbm>> -> memref<1000000x64xi8, #tpu.memory_space<hbm>>
      tpu.enqueue_indirect_dma source(%dma_start3A_80 : memref<1000000x64xi8, #tpu.memory_space<hbm>>) target(%dma_start3A_74 : memref<20x64xi8, #tpu.memory_space<vmem>>) offsets(%dma_start3A_77 : memref<20xi32, #tpu.memory_space<vmem>>) semaphore(%arg7 : memref<!tpu.dma_semaphore, #tpu.memory_space<semaphore_mem>>)
      %dma_start3A_81 = arith.constant 7 : i32
      %dma_start3A_82 = arith.constant 140 : i32
      %dma_start3A_83 = arith.constant 0 : i32
      %dma_start3A_84 = tpu.memref_slice %arg6[%dma_start3A_82, %dma_start3A_83] : memref<2560x64xi8, #tpu.memory_space<vmem>> -> memref<20x64xi8, #tpu.memory_space<vmem>>
      %dma_start3A_85 = arith.constant 0 : i32
      %dma_start3A_86 = tpu.memref_slice %arg5[%dma_start3A_81, %dma_start3A_85] : memref<128x20xi32, #tpu.memory_space<vmem>> -> memref<1x20xi32, #tpu.memory_space<vmem>>
      %dma_start3A_87 = tpu.memref_squeeze %dma_start3A_86 : memref<1x20xi32, #tpu.memory_space<vmem>> -> memref<20xi32, #tpu.memory_space<vmem>>
      %dma_start3A_88 = arith.constant 0 : i32
      %dma_start3A_89 = arith.constant 0 : i32
      %dma_start3A_90 = tpu.memref_slice %arg3[%dma_start3A_88, %dma_start3A_89] : memref<1000000x64xi8, #tpu.memory_space<hbm>> -> memref<1000000x64xi8, #tpu.memory_space<hbm>>
      tpu.enqueue_indirect_dma source(%dma_start3A_90 : memref<1000000x64xi8, #tpu.memory_space<hbm>>) target(%dma_start3A_84 : memref<20x64xi8, #tpu.memory_space<vmem>>) offsets(%dma_start3A_87 : memref<20xi32, #tpu.memory_space<vmem>>) semaphore(%arg7 : memref<!tpu.dma_semaphore, #tpu.memory_space<semaphore_mem>>)
      %dma_start3A_91 = arith.constant 8 : i32
      %dma_start3A_92 = arith.constant 160 : i32
      %dma_start3A_93 = arith.constant 0 : i32
      %dma_start3A_94 = tpu.memref_slice %arg6[%dma_start3A_92, %dma_start3A_93] : memref<2560x64xi8, #tpu.memory_space<vmem>> -> memref<20x64xi8, #tpu.memory_space<vmem>>
      %dma_start3A_95 = arith.constant 0 : i32
      %dma_start3A_96 = tpu.memref_slice %arg5[%dma_start3A_91, %dma_start3A_95] : memref<128x20xi32, #tpu.memory_space<vmem>> -> memref<1x20xi32, #tpu.memory_space<vmem>>
      %dma_start3A_97 = tpu.memref_squeeze %dma_start3A_96 : memref<1x20xi32, #tpu.memory_space<vmem>> -> memref<20xi32, #tpu.memory_space<vmem>>
      %dma_start3A_98 = arith.constant 0 : i32
      %dma_start3A_99 = arith.constant 0 : i32
      %dma_start3A_100 = tpu.memref_slice %arg3[%dma_start3A_98, %dma_start3A_99] : memref<1000000x64xi8, #tpu.memory_space<hbm>> -> memref<1000000x64xi8, #tpu.memory_space<hbm>>
      tpu.enqueue_indirect_dma source(%dma_start3A_100 : memref<1000000x64xi8, #tpu.memory_space<hbm>>) target(%dma_start3A_94 : memref<20x64xi8, #tpu.memory_space<vmem>>) offsets(%dma_start3A_97 : memref<20xi32, #tpu.memory_space<vmem>>) semaphore(%arg7 : memref<!tpu.dma_semaphore, #tpu.memory_space<semaphore_mem>>)
      %dma_start3A_101 = arith.constant 9 : i32
      %dma_start3A_102 = arith.constant 180 : i32
      %dma_start3A_103 = arith.constant 0 : i32
      %dma_start3A_104 = tpu.memref_slice %arg6[%dma_start3A_102, %dma_start3A_103] : memref<2560x64xi8, #tpu.memory_space<vmem>> -> memref<20x64xi8, #tpu.memory_space<vmem>>
      %dma_start3A_105 = arith.constant 0 : i32
      %dma_start3A_106 = tpu.memref_slice %arg5[%dma_start3A_101, %dma_start3A_105] : memref<128x20xi32, #tpu.memory_space<vmem>> -> memref<1x20xi32, #tpu.memory_space<vmem>>
      %dma_start3A_107 = tpu.memref_squeeze %dma_start3A_106 : memref<1x20xi32, #tpu.memory_space<vmem>> -> memref<20xi32, #tpu.memory_space<vmem>>
      %dma_start3A_108 = arith.constant 0 : i32
      %dma_start3A_109 = arith.constant 0 : i32
      %dma_start3A_110 = tpu.memref_slice %arg3[%dma_start3A_108, %dma_start3A_109] : memref<1000000x64xi8, #tpu.memory_space<hbm>> -> memref<1000000x64xi8, #tpu.memory_space<hbm>>
      tpu.enqueue_indirect_dma source(%dma_start3A_110 : memref<1000000x64xi8, #tpu.memory_space<hbm>>) target(%dma_start3A_104 : memref<20x64xi8, #tpu.memory_space<vmem>>) offsets(%dma_start3A_107 : memref<20xi32, #tpu.memory_space<vmem>>) semaphore(%arg7 : memref<!tpu.dma_semaphore, #tpu.memory_space<semaphore_mem>>)
      %dma_start3A_111 = arith.constant 10 : i32
      %dma_start3A_112 = arith.constant 200 : i32
      %dma_start3A_113 = arith.constant 0 : i32
      %dma_start3A_114 = tpu.memref_slice %arg6[%dma_start3A_112, %dma_start3A_113] : memref<2560x64xi8, #tpu.memory_space<vmem>> -> memref<20x64xi8, #tpu.memory_space<vmem>>
      %dma_start3A_115 = arith.constant 0 : i32
      %dma_start3A_116 = tpu.memref_slice %arg5[%dma_start3A_111, %dma_start3A_115] : memref<128x20xi32, #tpu.memory_space<vmem>> -> memref<1x20xi32, #tpu.memory_space<vmem>>
      %dma_start3A_117 = tpu.memref_squeeze %dma_start3A_116 : memref<1x20xi32, #tpu.memory_space<vmem>> -> memref<20xi32, #tpu.memory_space<vmem>>
      %dma_start3A_118 = arith.constant 0 : i32
      %dma_start3A_119 = arith.constant 0 : i32
      %dma_start3A_120 = tpu.memref_slice %arg3[%dma_start3A_118, %dma_start3A_119] : memref<1000000x64xi8, #tpu.memory_space<hbm>> -> memref<1000000x64xi8, #tpu.memory_space<hbm>>
      tpu.enqueue_indirect_dma source(%dma_start3A_120 : memref<1000000x64xi8, #tpu.memory_space<hbm>>) target(%dma_start3A_114 : memref<20x64xi8, #tpu.memory_space<vmem>>) offsets(%dma_start3A_117 : memref<20xi32, #tpu.memory_space<vmem>>) semaphore(%arg7 : memref<!tpu.dma_semaphore, #tpu.memory_space<semaphore_mem>>)
      %dma_start3A_121 = arith.constant 11 : i32
      %dma_start3A_122 = arith.constant 220 : i32
      %dma_start3A_123 = arith.constant 0 : i32
      %dma_start3A_124 = tpu.memref_slice %arg6[%dma_start3A_122, %dma_start3A_123] : memref<2560x64xi8, #tpu.memory_space<vmem>> -> memref<20x64xi8, #tpu.memory_space<vmem>>
      %dma_start3A_125 = arith.constant 0 : i32
      %dma_start3A_126 = tpu.memref_slice %arg5[%dma_start3A_121, %dma_start3A_125] : memref<128x20xi32, #tpu.memory_space<vmem>> -> memref<1x20xi32, #tpu.memory_space<vmem>>
      %dma_start3A_127 = tpu.memref_squeeze %dma_start3A_126 : memref<1x20xi32, #tpu.memory_space<vmem>> -> memref<20xi32, #tpu.memory_space<vmem>>
      %dma_start3A_128 = arith.constant 0 : i32
      %dma_start3A_129 = arith.constant 0 : i32
      %dma_start3A_130 = tpu.memref_slice %arg3[%dma_start3A_128, %dma_start3A_129] : memref<1000000x64xi8, #tpu.memory_space<hbm>> -> memref<1000000x64xi8, #tpu.memory_space<hbm>>
      tpu.enqueue_indirect_dma source(%dma_start3A_130 : memref<1000000x64xi8, #tpu.memory_space<hbm>>) target(%dma_start3A_124 : memref<20x64xi8, #tpu.memory_space<vmem>>) offsets(%dma_start3A_127 : memref<20xi32, #tpu.memory_space<vmem>>) semaphore(%arg7 : memref<!tpu.dma_semaphore, #tpu.memory_space<semaphore_mem>>)
      %dma_start3A_131 = arith.constant 12 : i32
      %dma_start3A_132 = arith.constant 240 : i32
      %dma_start3A_133 = arith.constant 0 : i32
      %dma_start3A_134 = tpu.memref_slice %arg6[%dma_start3A_132, %dma_start3A_133] : memref<2560x64xi8, #tpu.memory_space<vmem>> -> memref<20x64xi8, #tpu.memory_space<vmem>>
      %dma_start3A_135 = arith.constant 0 : i32
      %dma_start3A_136 = tpu.memref_slice %arg5[%dma_start3A_131, %dma_start3A_135] : memref<128x20xi32, #tpu.memory_space<vmem>> -> memref<1x20xi32, #tpu.memory_space<vmem>>
      %dma_start3A_137 = tpu.memref_squeeze %dma_start3A_136 : memref<1x20xi32, #tpu.memory_space<vmem>> -> memref<20xi32, #tpu.memory_space<vmem>>
      %dma_start3A_138 = arith.constant 0 : i32
      %dma_start3A_139 = arith.constant 0 : i32
      %dma_start3A_140 = tpu.memref_slice %arg3[%dma_start3A_138, %dma_start3A_139] : memref<1000000x64xi8, #tpu.memory_space<hbm>> -> memref<1000000x64xi8, #tpu.memory_space<hbm>>
      tpu.enqueue_indirect_dma source(%dma_start3A_140 : memref<1000000x64xi8, #tpu.memory_space<hbm>>) target(%dma_start3A_134 : memref<20x64xi8, #tpu.memory_space<vmem>>) offsets(%dma_start3A_137 : memref<20xi32, #tpu.memory_space<vmem>>) semaphore(%arg7 : memref<!tpu.dma_semaphore, #tpu.memory_space<semaphore_mem>>)
      %dma_start3A_141 = arith.constant 13 : i32
      %dma_start3A_142 = arith.constant 260 : i32
      %dma_start3A_143 = arith.constant 0 : i32
      %dma_start3A_144 = tpu.memref_slice %arg6[%dma_start3A_142, %dma_start3A_143] : memref<2560x64xi8, #tpu.memory_space<vmem>> -> memref<20x64xi8, #tpu.memory_space<vmem>>
      %dma_start3A_145 = arith.constant 0 : i32
      %dma_start3A_146 = tpu.memref_slice %arg5[%dma_start3A_141, %dma_start3A_145] : memref<128x20xi32, #tpu.memory_space<vmem>> -> memref<1x20xi32, #tpu.memory_space<vmem>>
      %dma_start3A_147 = tpu.memref_squeeze %dma_start3A_146 : memref<1x20xi32, #tpu.memory_space<vmem>> -> memref<20xi32, #tpu.memory_space<vmem>>
      %dma_start3A_148 = arith.constant 0 : i32
      %dma_start3A_149 = arith.constant 0 : i32
      %dma_start3A_150 = tpu.memref_slice %arg3[%dma_start3A_148, %dma_start3A_149] : memref<1000000x64xi8, #tpu.memory_space<hbm>> -> memref<1000000x64xi8, #tpu.memory_space<hbm>>
      tpu.enqueue_indirect_dma source(%dma_start3A_150 : memref<1000000x64xi8, #tpu.memory_space<hbm>>) target(%dma_start3A_144 : memref<20x64xi8, #tpu.memory_space<vmem>>) offsets(%dma_start3A_147 : memref<20xi32, #tpu.memory_space<vmem>>) semaphore(%arg7 : memref<!tpu.dma_semaphore, #tpu.memory_space<semaphore_mem>>)
      %dma_start3A_151 = arith.constant 14 : i32
      %dma_start3A_152 = arith.constant 280 : i32
      %dma_start3A_153 = arith.constant 0 : i32
      %dma_start3A_154 = tpu.memref_slice %arg6[%dma_start3A_152, %dma_start3A_153] : memref<2560x64xi8, #tpu.memory_space<vmem>> -> memref<20x64xi8, #tpu.memory_space<vmem>>
      %dma_start3A_155 = arith.constant 0 : i32
      %dma_start3A_156 = tpu.memref_slice %arg5[%dma_start3A_151, %dma_start3A_155] : memref<128x20xi32, #tpu.memory_space<vmem>> -> memref<1x20xi32, #tpu.memory_space<vmem>>
      %dma_start3A_157 = tpu.memref_squeeze %dma_start3A_156 : memref<1x20xi32, #tpu.memory_space<vmem>> -> memref<20xi32, #tpu.memory_space<vmem>>
      %dma_start3A_158 = arith.constant 0 : i32
      %dma_start3A_159 = arith.constant 0 : i32
      %dma_start3A_160 = tpu.memref_slice %arg3[%dma_start3A_158, %dma_start3A_159] : memref<1000000x64xi8, #tpu.memory_space<hbm>> -> memref<1000000x64xi8, #tpu.memory_space<hbm>>
      tpu.enqueue_indirect_dma source(%dma_start3A_160 : memref<1000000x64xi8, #tpu.memory_space<hbm>>) target(%dma_start3A_154 : memref<20x64xi8, #tpu.memory_space<vmem>>) offsets(%dma_start3A_157 : memref<20xi32, #tpu.memory_space<vmem>>) semaphore(%arg7 : memref<!tpu.dma_semaphore, #tpu.memory_space<semaphore_mem>>)
      %dma_start3A_161 = arith.constant 15 : i32
      %dma_start3A_162 = arith.constant 300 : i32
      %dma_start3A_163 = arith.constant 0 : i32
      %dma_start3A_164 = tpu.memref_slice %arg6[%dma_start3A_162, %dma_start3A_163] : memref<2560x64xi8, #tpu.memory_space<vmem>> -> memref<20x64xi8, #tpu.memory_space<vmem>>
      %dma_start3A_165 = arith.constant 0 : i32
      %dma_start3A_166 = tpu.memref_slice %arg5[%dma_start3A_161, %dma_start3A_165] : memref<128x20xi32, #tpu.memory_space<vmem>> -> memref<1x20xi32, #tpu.memory_space<vmem>>
      %dma_start3A_167 = tpu.memref_squeeze %dma_start3A_166 : memref<1x20xi32, #tpu.memory_space<vmem>> -> memref<20xi32, #tpu.memory_space<vmem>>
      %dma_start3A_168 = arith.constant 0 : i32
      %dma_start3A_169 = arith.constant 0 : i32
      %dma_start3A_170 = tpu.memref_slice %arg3[%dma_start3A_168, %dma_start3A_169] : memref<1000000x64xi8, #tpu.memory_space<hbm>> -> memref<1000000x64xi8, #tpu.memory_space<hbm>>
      tpu.enqueue_indirect_dma source(%dma_start3A_170 : memref<1000000x64xi8, #tpu.memory_space<hbm>>) target(%dma_start3A_164 : memref<20x64xi8, #tpu.memory_space<vmem>>) offsets(%dma_start3A_167 : memref<20xi32, #tpu.memory_space<vmem>>) semaphore(%arg7 : memref<!tpu.dma_semaphore, #tpu.memory_space<semaphore_mem>>)
      %dma_start3A_171 = arith.constant 16 : i32
      %dma_start3A_172 = arith.constant 320 : i32
      %dma_start3A_173 = arith.constant 0 : i32
      %dma_start3A_174 = tpu.memref_slice %arg6[%dma_start3A_172, %dma_start3A_173] : memref<2560x64xi8, #tpu.memory_space<vmem>> -> memref<20x64xi8, #tpu.memory_space<vmem>>
      %dma_start3A_175 = arith.constant 0 : i32
      %dma_start3A_176 = tpu.memref_slice %arg5[%dma_start3A_171, %dma_start3A_175] : memref<128x20xi32, #tpu.memory_space<vmem>> -> memref<1x20xi32, #tpu.memory_space<vmem>>
      %dma_start3A_177 = tpu.memref_squeeze %dma_start3A_176 : memref<1x20xi32, #tpu.memory_space<vmem>> -> memref<20xi32, #tpu.memory_space<vmem>>
      %dma_start3A_178 = arith.constant 0 : i32
      %dma_start3A_179 = arith.constant 0 : i32
      %dma_start3A_180 = tpu.memref_slice %arg3[%dma_start3A_178, %dma_start3A_179] : memref<1000000x64xi8, #tpu.memory_space<hbm>> -> memref<1000000x64xi8, #tpu.memory_space<hbm>>
      tpu.enqueue_indirect_dma source(%dma_start3A_180 : memref<1000000x64xi8, #tpu.memory_space<hbm>>) target(%dma_start3A_174 : memref<20x64xi8, #tpu.memory_space<vmem>>) offsets(%dma_start3A_177 : memref<20xi32, #tpu.memory_space<vmem>>) semaphore(%arg7 : memref<!tpu.dma_semaphore, #tpu.memory_space<semaphore_mem>>)
      %dma_start3A_181 = arith.constant 17 : i32
      %dma_start3A_182 = arith.constant 340 : i32
      %dma_start3A_183 = arith.constant 0 : i32
      %dma_start3A_184 = tpu.memref_slice %arg6[%dma_start3A_182, %dma_start3A_183] : memref<2560x64xi8, #tpu.memory_space<vmem>> -> memref<20x64xi8, #tpu.memory_space<vmem>>
      %dma_start3A_185 = arith.constant 0 : i32
      %dma_start3A_186 = tpu.memref_slice %arg5[%dma_start3A_181, %dma_start3A_185] : memref<128x20xi32, #tpu.memory_space<vmem>> -> memref<1x20xi32, #tpu.memory_space<vmem>>
      %dma_start3A_187 = tpu.memref_squeeze %dma_start3A_186 : memref<1x20xi32, #tpu.memory_space<vmem>> -> memref<20xi32, #tpu.memory_space<vmem>>
      %dma_start3A_188 = arith.constant 0 : i32
      %dma_start3A_189 = arith.constant 0 : i32
      %dma_start3A_190 = tpu.memref_slice %arg3[%dma_start3A_188, %dma_start3A_189] : memref<1000000x64xi8, #tpu.memory_space<hbm>> -> memref<1000000x64xi8, #tpu.memory_space<hbm>>
      tpu.enqueue_indirect_dma source(%dma_start3A_190 : memref<1000000x64xi8, #tpu.memory_space<hbm>>) target(%dma_start3A_184 : memref<20x64xi8, #tpu.memory_space<vmem>>) offsets(%dma_start3A_187 : memref<20xi32, #tpu.memory_space<vmem>>) semaphore(%arg7 : memref<!tpu.dma_semaphore, #tpu.memory_space<semaphore_mem>>)
      %dma_start3A_191 = arith.constant 18 : i32
      %dma_start3A_192 = arith.constant 360 : i32
      %dma_start3A_193 = arith.constant 0 : i32
      %dma_start3A_194 = tpu.memref_slice %arg6[%dma_start3A_192, %dma_start3A_193] : memref<2560x64xi8, #tpu.memory_space<vmem>> -> memref<20x64xi8, #tpu.memory_space<vmem>>
      %dma_start3A_195 = arith.constant 0 : i32
      %dma_start3A_196 = tpu.memref_slice %arg5[%dma_start3A_191, %dma_start3A_195] : memref<128x20xi32, #tpu.memory_space<vmem>> -> memref<1x20xi32, #tpu.memory_space<vmem>>
      %dma_start3A_197 = tpu.memref_squeeze %dma_start3A_196 : memref<1x20xi32, #tpu.memory_space<vmem>> -> memref<20xi32, #tpu.memory_space<vmem>>
      %dma_start3A_198 = arith.constant 0 : i32
      %dma_start3A_199 = arith.constant 0 : i32
      %dma_start3A_200 = tpu.memref_slice %arg3[%dma_start3A_198, %dma_start3A_199] : memref<1000000x64xi8, #tpu.memory_space<hbm>> -> memref<1000000x64xi8, #tpu.memory_space<hbm>>
      tpu.enqueue_indirect_dma source(%dma_start3A_200 : memref<1000000x64xi8, #tpu.memory_space<hbm>>) target(%dma_start3A_194 : memref<20x64xi8, #tpu.memory_space<vmem>>) offsets(%dma_start3A_197 : memref<20xi32, #tpu.memory_space<vmem>>) semaphore(%arg7 : memref<!tpu.dma_semaphore, #tpu.memory_space<semaphore_mem>>)
      %dma_start3A_201 = arith.constant 19 : i32
      %dma_start3A_202 = arith.constant 380 : i32
      %dma_start3A_203 = arith.constant 0 : i32
      %dma_start3A_204 = tpu.memref_slice %arg6[%dma_start3A_202, %dma_start3A_203] : memref<2560x64xi8, #tpu.memory_space<vmem>> -> memref<20x64xi8, #tpu.memory_space<vmem>>
      %dma_start3A_205 = arith.constant 0 : i32
      %dma_start3A_206 = tpu.memref_slice %arg5[%dma_start3A_201, %dma_start3A_205] : memref<128x20xi32, #tpu.memory_space<vmem>> -> memref<1x20xi32, #tpu.memory_space<vmem>>
      %dma_start3A_207 = tpu.memref_squeeze %dma_start3A_206 : memref<1x20xi32, #tpu.memory_space<vmem>> -> memref<20xi32, #tpu.memory_space<vmem>>
      %dma_start3A_208 = arith.constant 0 : i32
      %dma_start3A_209 = arith.constant 0 : i32
      %dma_start3A_210 = tpu.memref_slice %arg3[%dma_start3A_208, %dma_start3A_209] : memref<1000000x64xi8, #tpu.memory_space<hbm>> -> memref<1000000x64xi8, #tpu.memory_space<hbm>>
      tpu.enqueue_indirect_dma source(%dma_start3A_210 : memref<1000000x64xi8, #tpu.memory_space<hbm>>) target(%dma_start3A_204 : memref<20x64xi8, #tpu.memory_space<vmem>>) offsets(%dma_start3A_207 : memref<20xi32, #tpu.memory_space<vmem>>) semaphore(%arg7 : memref<!tpu.dma_semaphore, #tpu.memory_space<semaphore_mem>>)
      %dma_start3A_211 = arith.constant 20 : i32
      %dma_start3A_212 = arith.constant 400 : i32
      %dma_start3A_213 = arith.constant 0 : i32
      %dma_start3A_214 = tpu.memref_slice %arg6[%dma_start3A_212, %dma_start3A_213] : memref<2560x64xi8, #tpu.memory_space<vmem>> -> memref<20x64xi8, #tpu.memory_space<vmem>>
      %dma_start3A_215 = arith.constant 0 : i32
      %dma_start3A_216 = tpu.memref_slice %arg5[%dma_start3A_211, %dma_start3A_215] : memref<128x20xi32, #tpu.memory_space<vmem>> -> memref<1x20xi32, #tpu.memory_space<vmem>>
      %dma_start3A_217 = tpu.memref_squeeze %dma_start3A_216 : memref<1x20xi32, #tpu.memory_space<vmem>> -> memref<20xi32, #tpu.memory_space<vmem>>
      %dma_start3A_218 = arith.constant 0 : i32
      %dma_start3A_219 = arith.constant 0 : i32
      %dma_start3A_220 = tpu.memref_slice %arg3[%dma_start3A_218, %dma_start3A_219] : memref<1000000x64xi8, #tpu.memory_space<hbm>> -> memref<1000000x64xi8, #tpu.memory_space<hbm>>
      tpu.enqueue_indirect_dma source(%dma_start3A_220 : memref<1000000x64xi8, #tpu.memory_space<hbm>>) target(%dma_start3A_214 : memref<20x64xi8, #tpu.memory_space<vmem>>) offsets(%dma_start3A_217 : memref<20xi32, #tpu.memory_space<vmem>>) semaphore(%arg7 : memref<!tpu.dma_semaphore, #tpu.memory_space<semaphore_mem>>)
      %dma_start3A_221 = arith.constant 21 : i32
      %dma_start3A_222 = arith.constant 420 : i32
      %dma_start3A_223 = arith.constant 0 : i32
      %dma_start3A_224 = tpu.memref_slice %arg6[%dma_start3A_222, %dma_start3A_223] : memref<2560x64xi8, #tpu.memory_space<vmem>> -> memref<20x64xi8, #tpu.memory_space<vmem>>
      %dma_start3A_225 = arith.constant 0 : i32
      %dma_start3A_226 = tpu.memref_slice %arg5[%dma_start3A_221, %dma_start3A_225] : memref<128x20xi32, #tpu.memory_space<vmem>> -> memref<1x20xi32, #tpu.memory_space<vmem>>
      %dma_start3A_227 = tpu.memref_squeeze %dma_start3A_226 : memref<1x20xi32, #tpu.memory_space<vmem>> -> memref<20xi32, #tpu.memory_space<vmem>>
      %dma_start3A_228 = arith.constant 0 : i32
      %dma_start3A_229 = arith.constant 0 : i32
      %dma_start3A_230 = tpu.memref_slice %arg3[%dma_start3A_228, %dma_start3A_229] : memref<1000000x64xi8, #tpu.memory_space<hbm>> -> memref<1000000x64xi8, #tpu.memory_space<hbm>>
      tpu.enqueue_indirect_dma source(%dma_start3A_230 : memref<1000000x64xi8, #tpu.memory_space<hbm>>) target(%dma_start3A_224 : memref<20x64xi8, #tpu.memory_space<vmem>>) offsets(%dma_start3A_227 : memref<20xi32, #tpu.memory_space<vmem>>) semaphore(%arg7 : memref<!tpu.dma_semaphore, #tpu.memory_space<semaphore_mem>>)
      %dma_start3A_231 = arith.constant 22 : i32
      %dma_start3A_232 = arith.constant 440 : i32
      %dma_start3A_233 = arith.constant 0 : i32
      %dma_start3A_234 = tpu.memref_slice %arg6[%dma_start3A_232, %dma_start3A_233] : memref<2560x64xi8, #tpu.memory_space<vmem>> -> memref<20x64xi8, #tpu.memory_space<vmem>>
      %dma_start3A_235 = arith.constant 0 : i32
      %dma_start3A_236 = tpu.memref_slice %arg5[%dma_start3A_231, %dma_start3A_235] : memref<128x20xi32, #tpu.memory_space<vmem>> -> memref<1x20xi32, #tpu.memory_space<vmem>>
      %dma_start3A_237 = tpu.memref_squeeze %dma_start3A_236 : memref<1x20xi32, #tpu.memory_space<vmem>> -> memref<20xi32, #tpu.memory_space<vmem>>
      %dma_start3A_238 = arith.constant 0 : i32
      %dma_start3A_239 = arith.constant 0 : i32
      %dma_start3A_240 = tpu.memref_slice %arg3[%dma_start3A_238, %dma_start3A_239] : memref<1000000x64xi8, #tpu.memory_space<hbm>> -> memref<1000000x64xi8, #tpu.memory_space<hbm>>
      tpu.enqueue_indirect_dma source(%dma_start3A_240 : memref<1000000x64xi8, #tpu.memory_space<hbm>>) target(%dma_start3A_234 : memref<20x64xi8, #tpu.memory_space<vmem>>) offsets(%dma_start3A_237 : memref<20xi32, #tpu.memory_space<vmem>>) semaphore(%arg7 : memref<!tpu.dma_semaphore, #tpu.memory_space<semaphore_mem>>)
      %dma_start3A_241 = arith.constant 23 : i32
      %dma_start3A_242 = arith.constant 460 : i32
      %dma_start3A_243 = arith.constant 0 : i32
      %dma_start3A_244 = tpu.memref_slice %arg6[%dma_start3A_242, %dma_start3A_243] : memref<2560x64xi8, #tpu.memory_space<vmem>> -> memref<20x64xi8, #tpu.memory_space<vmem>>
      %dma_start3A_245 = arith.constant 0 : i32
      %dma_start3A_246 = tpu.memref_slice %arg5[%dma_start3A_241, %dma_start3A_245] : memref<128x20xi32, #tpu.memory_space<vmem>> -> memref<1x20xi32, #tpu.memory_space<vmem>>
      %dma_start3A_247 = tpu.memref_squeeze %dma_start3A_246 : memref<1x20xi32, #tpu.memory_space<vmem>> -> memref<20xi32, #tpu.memory_space<vmem>>
      %dma_start3A_248 = arith.constant 0 : i32
      %dma_start3A_249 = arith.constant 0 : i32
      %dma_start3A_250 = tpu.memref_slice %arg3[%dma_start3A_248, %dma_start3A_249] : memref<1000000x64xi8, #tpu.memory_space<hbm>> -> memref<1000000x64xi8, #tpu.memory_space<hbm>>
      tpu.enqueue_indirect_dma source(%dma_start3A_250 : memref<1000000x64xi8, #tpu.memory_space<hbm>>) target(%dma_start3A_244 : memref<20x64xi8, #tpu.memory_space<vmem>>) offsets(%dma_start3A_247 : memref<20xi32, #tpu.memory_space<vmem>>) semaphore(%arg7 : memref<!tpu.dma_semaphore, #tpu.memory_space<semaphore_mem>>)
      %dma_start3A_251 = arith.constant 24 : i32
      %dma_start3A_252 = arith.constant 480 : i32
      %dma_start3A_253 = arith.constant 0 : i32
      %dma_start3A_254 = tpu.memref_slice %arg6[%dma_start3A_252, %dma_start3A_253] : memref<2560x64xi8, #tpu.memory_space<vmem>> -> memref<20x64xi8, #tpu.memory_space<vmem>>
      %dma_start3A_255 = arith.constant 0 : i32
      %dma_start3A_256 = tpu.memref_slice %arg5[%dma_start3A_251, %dma_start3A_255] : memref<128x20xi32, #tpu.memory_space<vmem>> -> memref<1x20xi32, #tpu.memory_space<vmem>>
      %dma_start3A_257 = tpu.memref_squeeze %dma_start3A_256 : memref<1x20xi32, #tpu.memory_space<vmem>> -> memref<20xi32, #tpu.memory_space<vmem>>
      %dma_start3A_258 = arith.constant 0 : i32
      %dma_start3A_259 = arith.constant 0 : i32
      %dma_start3A_260 = tpu.memref_slice %arg3[%dma_start3A_258, %dma_start3A_259] : memref<1000000x64xi8, #tpu.memory_space<hbm>> -> memref<1000000x64xi8, #tpu.memory_space<hbm>>
      tpu.enqueue_indirect_dma source(%dma_start3A_260 : memref<1000000x64xi8, #tpu.memory_space<hbm>>) target(%dma_start3A_254 : memref<20x64xi8, #tpu.memory_space<vmem>>) offsets(%dma_start3A_257 : memref<20xi32, #tpu.memory_space<vmem>>) semaphore(%arg7 : memref<!tpu.dma_semaphore, #tpu.memory_space<semaphore_mem>>)
      %dma_start3A_261 = arith.constant 25 : i32
      %dma_start3A_262 = arith.constant 500 : i32
      %dma_start3A_263 = arith.constant 0 : i32
      %dma_start3A_264 = tpu.memref_slice %arg6[%dma_start3A_262, %dma_start3A_263] : memref<2560x64xi8, #tpu.memory_space<vmem>> -> memref<20x64xi8, #tpu.memory_space<vmem>>
      %dma_start3A_265 = arith.constant 0 : i32
      %dma_start3A_266 = tpu.memref_slice %arg5[%dma_start3A_261, %dma_start3A_265] : memref<128x20xi32, #tpu.memory_space<vmem>> -> memref<1x20xi32, #tpu.memory_space<vmem>>
      %dma_start3A_267 = tpu.memref_squeeze %dma_start3A_266 : memref<1x20xi32, #tpu.memory_space<vmem>> -> memref<20xi32, #tpu.memory_space<vmem>>
      %dma_start3A_268 = arith.constant 0 : i32
      %dma_start3A_269 = arith.constant 0 : i32
      %dma_start3A_270 = tpu.memref_slice %arg3[%dma_start3A_268, %dma_start3A_269] : memref<1000000x64xi8, #tpu.memory_space<hbm>> -> memref<1000000x64xi8, #tpu.memory_space<hbm>>
      tpu.enqueue_indirect_dma source(%dma_start3A_270 : memref<1000000x64xi8, #tpu.memory_space<hbm>>) target(%dma_start3A_264 : memref<20x64xi8, #tpu.memory_space<vmem>>) offsets(%dma_start3A_267 : memref<20xi32, #tpu.memory_space<vmem>>) semaphore(%arg7 : memref<!tpu.dma_semaphore, #tpu.memory_space<semaphore_mem>>)
      %dma_start3A_271 = arith.constant 26 : i32
      %dma_start3A_272 = arith.constant 520 : i32
      %dma_start3A_273 = arith.constant 0 : i32
      %dma_start3A_274 = tpu.memref_slice %arg6[%dma_start3A_272, %dma_start3A_273] : memref<2560x64xi8, #tpu.memory_space<vmem>> -> memref<20x64xi8, #tpu.memory_space<vmem>>
      %dma_start3A_275 = arith.constant 0 : i32
      %dma_start3A_276 = tpu.memref_slice %arg5[%dma_start3A_271, %dma_start3A_275] : memref<128x20xi32, #tpu.memory_space<vmem>> -> memref<1x20xi32, #tpu.memory_space<vmem>>
      %dma_start3A_277 = tpu.memref_squeeze %dma_start3A_276 : memref<1x20xi32, #tpu.memory_space<vmem>> -> memref<20xi32, #tpu.memory_space<vmem>>
      %dma_start3A_278 = arith.constant 0 : i32
      %dma_start3A_279 = arith.constant 0 : i32
      %dma_start3A_280 = tpu.memref_slice %arg3[%dma_start3A_278, %dma_start3A_279] : memref<1000000x64xi8, #tpu.memory_space<hbm>> -> memref<1000000x64xi8, #tpu.memory_space<hbm>>
      tpu.enqueue_indirect_dma source(%dma_start3A_280 : memref<1000000x64xi8, #tpu.memory_space<hbm>>) target(%dma_start3A_274 : memref<20x64xi8, #tpu.memory_space<vmem>>) offsets(%dma_start3A_277 : memref<20xi32, #tpu.memory_space<vmem>>) semaphore(%arg7 : memref<!tpu.dma_semaphore, #tpu.memory_space<semaphore_mem>>)
      %dma_start3A_281 = arith.constant 27 : i32
      %dma_start3A_282 = arith.constant 540 : i32
      %dma_start3A_283 = arith.constant 0 : i32
      %dma_start3A_284 = tpu.memref_slice %arg6[%dma_start3A_282, %dma_start3A_283] : memref<2560x64xi8, #tpu.memory_space<vmem>> -> memref<20x64xi8, #tpu.memory_space<vmem>>
      %dma_start3A_285 = arith.constant 0 : i32
      %dma_start3A_286 = tpu.memref_slice %arg5[%dma_start3A_281, %dma_start3A_285] : memref<128x20xi32, #tpu.memory_space<vmem>> -> memref<1x20xi32, #tpu.memory_space<vmem>>
      %dma_start3A_287 = tpu.memref_squeeze %dma_start3A_286 : memref<1x20xi32, #tpu.memory_space<vmem>> -> memref<20xi32, #tpu.memory_space<vmem>>
      %dma_start3A_288 = arith.constant 0 : i32
      %dma_start3A_289 = arith.constant 0 : i32
      %dma_start3A_290 = tpu.memref_slice %arg3[%dma_start3A_288, %dma_start3A_289] : memref<1000000x64xi8, #tpu.memory_space<hbm>> -> memref<1000000x64xi8, #tpu.memory_space<hbm>>
      tpu.enqueue_indirect_dma source(%dma_start3A_290 : memref<1000000x64xi8, #tpu.memory_space<hbm>>) target(%dma_start3A_284 : memref<20x64xi8, #tpu.memory_space<vmem>>) offsets(%dma_start3A_287 : memref<20xi32, #tpu.memory_space<vmem>>) semaphore(%arg7 : memref<!tpu.dma_semaphore, #tpu.memory_space<semaphore_mem>>)
      %dma_start3A_291 = arith.constant 28 : i32
      %dma_start3A_292 = arith.constant 560 : i32
      %dma_start3A_293 = arith.constant 0 : i32
      %dma_start3A_294 = tpu.memref_slice %arg6[%dma_start3A_292, %dma_start3A_293] : memref<2560x64xi8, #tpu.memory_space<vmem>> -> memref<20x64xi8, #tpu.memory_space<vmem>>
      %dma_start3A_295 = arith.constant 0 : i32
      %dma_start3A_296 = tpu.memref_slice %arg5[%dma_start3A_291, %dma_start3A_295] : memref<128x20xi32, #tpu.memory_space<vmem>> -> memref<1x20xi32, #tpu.memory_space<vmem>>
      %dma_start3A_297 = tpu.memref_squeeze %dma_start3A_296 : memref<1x20xi32, #tpu.memory_space<vmem>> -> memref<20xi32, #tpu.memory_space<vmem>>
      %dma_start3A_298 = arith.constant 0 : i32
      %dma_start3A_299 = arith.constant 0 : i32
      %dma_start3A_300 = tpu.memref_slice %arg3[%dma_start3A_298, %dma_start3A_299] : memref<1000000x64xi8, #tpu.memory_space<hbm>> -> memref<1000000x64xi8, #tpu.memory_space<hbm>>
      tpu.enqueue_indirect_dma source(%dma_start3A_300 : memref<1000000x64xi8, #tpu.memory_space<hbm>>) target(%dma_start3A_294 : memref<20x64xi8, #tpu.memory_space<vmem>>) offsets(%dma_start3A_297 : memref<20xi32, #tpu.memory_space<vmem>>) semaphore(%arg7 : memref<!tpu.dma_semaphore, #tpu.memory_space<semaphore_mem>>)
      %dma_start3A_301 = arith.constant 29 : i32
      %dma_start3A_302 = arith.constant 580 : i32
      %dma_start3A_303 = arith.constant 0 : i32
      %dma_start3A_304 = tpu.memref_slice %arg6[%dma_start3A_302, %dma_start3A_303] : memref<2560x64xi8, #tpu.memory_space<vmem>> -> memref<20x64xi8, #tpu.memory_space<vmem>>
      %dma_start3A_305 = arith.constant 0 : i32
      %dma_start3A_306 = tpu.memref_slice %arg5[%dma_start3A_301, %dma_start3A_305] : memref<128x20xi32, #tpu.memory_space<vmem>> -> memref<1x20xi32, #tpu.memory_space<vmem>>
      %dma_start3A_307 = tpu.memref_squeeze %dma_start3A_306 : memref<1x20xi32, #tpu.memory_space<vmem>> -> memref<20xi32, #tpu.memory_space<vmem>>
      %dma_start3A_308 = arith.constant 0 : i32
      %dma_start3A_309 = arith.constant 0 : i32
      %dma_start3A_310 = tpu.memref_slice %arg3[%dma_start3A_308, %dma_start3A_309] : memref<1000000x64xi8, #tpu.memory_space<hbm>> -> memref<1000000x64xi8, #tpu.memory_space<hbm>>
      tpu.enqueue_indirect_dma source(%dma_start3A_310 : memref<1000000x64xi8, #tpu.memory_space<hbm>>) target(%dma_start3A_304 : memref<20x64xi8, #tpu.memory_space<vmem>>) offsets(%dma_start3A_307 : memref<20xi32, #tpu.memory_space<vmem>>) semaphore(%arg7 : memref<!tpu.dma_semaphore, #tpu.memory_space<semaphore_mem>>)
      %dma_start3A_311 = arith.constant 30 : i32
      %dma_start3A_312 = arith.constant 600 : i32
      %dma_start3A_313 = arith.constant 0 : i32
      %dma_start3A_314 = tpu.memref_slice %arg6[%dma_start3A_312, %dma_start3A_313] : memref<2560x64xi8, #tpu.memory_space<vmem>> -> memref<20x64xi8, #tpu.memory_space<vmem>>
      %dma_start3A_315 = arith.constant 0 : i32
      %dma_start3A_316 = tpu.memref_slice %arg5[%dma_start3A_311, %dma_start3A_315] : memref<128x20xi32, #tpu.memory_space<vmem>> -> memref<1x20xi32, #tpu.memory_space<vmem>>
      %dma_start3A_317 = tpu.memref_squeeze %dma_start3A_316 : memref<1x20xi32, #tpu.memory_space<vmem>> -> memref<20xi32, #tpu.memory_space<vmem>>
      %dma_start3A_318 = arith.constant 0 : i32
      %dma_start3A_319 = arith.constant 0 : i32
      %dma_start3A_320 = tpu.memref_slice %arg3[%dma_start3A_318, %dma_start3A_319] : memref<1000000x64xi8, #tpu.memory_space<hbm>> -> memref<1000000x64xi8, #tpu.memory_space<hbm>>
      tpu.enqueue_indirect_dma source(%dma_start3A_320 : memref<1000000x64xi8, #tpu.memory_space<hbm>>) target(%dma_start3A_314 : memref<20x64xi8, #tpu.memory_space<vmem>>) offsets(%dma_start3A_317 : memref<20xi32, #tpu.memory_space<vmem>>) semaphore(%arg7 : memref<!tpu.dma_semaphore, #tpu.memory_space<semaphore_mem>>)
      %dma_start3A_321 = arith.constant 31 : i32
      %dma_start3A_322 = arith.constant 620 : i32
      %dma_start3A_323 = arith.constant 0 : i32
      %dma_start3A_324 = tpu.memref_slice %arg6[%dma_start3A_322, %dma_start3A_323] : memref<2560x64xi8, #tpu.memory_space<vmem>> -> memref<20x64xi8, #tpu.memory_space<vmem>>
      %dma_start3A_325 = arith.constant 0 : i32
      %dma_start3A_326 = tpu.memref_slice %arg5[%dma_start3A_321, %dma_start3A_325] : memref<128x20xi32, #tpu.memory_space<vmem>> -> memref<1x20xi32, #tpu.memory_space<vmem>>
      %dma_start3A_327 = tpu.memref_squeeze %dma_start3A_326 : memref<1x20xi32, #tpu.memory_space<vmem>> -> memref<20xi32, #tpu.memory_space<vmem>>
      %dma_start3A_328 = arith.constant 0 : i32
      %dma_start3A_329 = arith.constant 0 : i32
      %dma_start3A_330 = tpu.memref_slice %arg3[%dma_start3A_328, %dma_start3A_329] : memref<1000000x64xi8, #tpu.memory_space<hbm>> -> memref<1000000x64xi8, #tpu.memory_space<hbm>>
      tpu.enqueue_indirect_dma source(%dma_start3A_330 : memref<1000000x64xi8, #tpu.memory_space<hbm>>) target(%dma_start3A_324 : memref<20x64xi8, #tpu.memory_space<vmem>>) offsets(%dma_start3A_327 : memref<20xi32, #tpu.memory_space<vmem>>) semaphore(%arg7 : memref<!tpu.dma_semaphore, #tpu.memory_space<semaphore_mem>>)
      %dma_start3A_331 = arith.constant 32 : i32
      %dma_start3A_332 = arith.constant 640 : i32
      %dma_start3A_333 = arith.constant 0 : i32
      %dma_start3A_334 = tpu.memref_slice %arg6[%dma_start3A_332, %dma_start3A_333] : memref<2560x64xi8, #tpu.memory_space<vmem>> -> memref<20x64xi8, #tpu.memory_space<vmem>>
      %dma_start3A_335 = arith.constant 0 : i32
      %dma_start3A_336 = tpu.memref_slice %arg5[%dma_start3A_331, %dma_start3A_335] : memref<128x20xi32, #tpu.memory_space<vmem>> -> memref<1x20xi32, #tpu.memory_space<vmem>>
      %dma_start3A_337 = tpu.memref_squeeze %dma_start3A_336 : memref<1x20xi32, #tpu.memory_space<vmem>> -> memref<20xi32, #tpu.memory_space<vmem>>
      %dma_start3A_338 = arith.constant 0 : i32
      %dma_start3A_339 = arith.constant 0 : i32
      %dma_start3A_340 = tpu.memref_slice %arg3[%dma_start3A_338, %dma_start3A_339] : memref<1000000x64xi8, #tpu.memory_space<hbm>> -> memref<1000000x64xi8, #tpu.memory_space<hbm>>
      tpu.enqueue_indirect_dma source(%dma_start3A_340 : memref<1000000x64xi8, #tpu.memory_space<hbm>>) target(%dma_start3A_334 : memref<20x64xi8, #tpu.memory_space<vmem>>) offsets(%dma_start3A_337 : memref<20xi32, #tpu.memory_space<vmem>>) semaphore(%arg7 : memref<!tpu.dma_semaphore, #tpu.memory_space<semaphore_mem>>)
      %dma_start3A_341 = arith.constant 33 : i32
      %dma_start3A_342 = arith.constant 660 : i32
      %dma_start3A_343 = arith.constant 0 : i32
      %dma_start3A_344 = tpu.memref_slice %arg6[%dma_start3A_342, %dma_start3A_343] : memref<2560x64xi8, #tpu.memory_space<vmem>> -> memref<20x64xi8, #tpu.memory_space<vmem>>
      %dma_start3A_345 = arith.constant 0 : i32
      %dma_start3A_346 = tpu.memref_slice %arg5[%dma_start3A_341, %dma_start3A_345] : memref<128x20xi32, #tpu.memory_space<vmem>> -> memref<1x20xi32, #tpu.memory_space<vmem>>
      %dma_start3A_347 = tpu.memref_squeeze %dma_start3A_346 : memref<1x20xi32, #tpu.memory_space<vmem>> -> memref<20xi32, #tpu.memory_space<vmem>>
      %dma_start3A_348 = arith.constant 0 : i32
      %dma_start3A_349 = arith.constant 0 : i32
      %dma_start3A_350 = tpu.memref_slice %arg3[%dma_start3A_348, %dma_start3A_349] : memref<1000000x64xi8, #tpu.memory_space<hbm>> -> memref<1000000x64xi8, #tpu.memory_space<hbm>>
      tpu.enqueue_indirect_dma source(%dma_start3A_350 : memref<1000000x64xi8, #tpu.memory_space<hbm>>) target(%dma_start3A_344 : memref<20x64xi8, #tpu.memory_space<vmem>>) offsets(%dma_start3A_347 : memref<20xi32, #tpu.memory_space<vmem>>) semaphore(%arg7 : memref<!tpu.dma_semaphore, #tpu.memory_space<semaphore_mem>>)
      %dma_start3A_351 = arith.constant 34 : i32
      %dma_start3A_352 = arith.constant 680 : i32
      %dma_start3A_353 = arith.constant 0 : i32
      %dma_start3A_354 = tpu.memref_slice %arg6[%dma_start3A_352, %dma_start3A_353] : memref<2560x64xi8, #tpu.memory_space<vmem>> -> memref<20x64xi8, #tpu.memory_space<vmem>>
      %dma_start3A_355 = arith.constant 0 : i32
      %dma_start3A_356 = tpu.memref_slice %arg5[%dma_start3A_351, %dma_start3A_355] : memref<128x20xi32, #tpu.memory_space<vmem>> -> memref<1x20xi32, #tpu.memory_space<vmem>>
      %dma_start3A_357 = tpu.memref_squeeze %dma_start3A_356 : memref<1x20xi32, #tpu.memory_space<vmem>> -> memref<20xi32, #tpu.memory_space<vmem>>
      %dma_start3A_358 = arith.constant 0 : i32
      %dma_start3A_359 = arith.constant 0 : i32
      %dma_start3A_360 = tpu.memref_slice %arg3[%dma_start3A_358, %dma_start3A_359] : memref<1000000x64xi8, #tpu.memory_space<hbm>> -> memref<1000000x64xi8, #tpu.memory_space<hbm>>
      tpu.enqueue_indirect_dma source(%dma_start3A_360 : memref<1000000x64xi8, #tpu.memory_space<hbm>>) target(%dma_start3A_354 : memref<20x64xi8, #tpu.memory_space<vmem>>) offsets(%dma_start3A_357 : memref<20xi32, #tpu.memory_space<vmem>>) semaphore(%arg7 : memref<!tpu.dma_semaphore, #tpu.memory_space<semaphore_mem>>)
      %dma_start3A_361 = arith.constant 35 : i32
      %dma_start3A_362 = arith.constant 700 : i32
      %dma_start3A_363 = arith.constant 0 : i32
      %dma_start3A_364 = tpu.memref_slice %arg6[%dma_start3A_362, %dma_start3A_363] : memref<2560x64xi8, #tpu.memory_space<vmem>> -> memref<20x64xi8, #tpu.memory_space<vmem>>
      %dma_start3A_365 = arith.constant 0 : i32
      %dma_start3A_366 = tpu.memref_slice %arg5[%dma_start3A_361, %dma_start3A_365] : memref<128x20xi32, #tpu.memory_space<vmem>> -> memref<1x20xi32, #tpu.memory_space<vmem>>
      %dma_start3A_367 = tpu.memref_squeeze %dma_start3A_366 : memref<1x20xi32, #tpu.memory_space<vmem>> -> memref<20xi32, #tpu.memory_space<vmem>>
      %dma_start3A_368 = arith.constant 0 : i32
      %dma_start3A_369 = arith.constant 0 : i32
      %dma_start3A_370 = tpu.memref_slice %arg3[%dma_start3A_368, %dma_start3A_369] : memref<1000000x64xi8, #tpu.memory_space<hbm>> -> memref<1000000x64xi8, #tpu.memory_space<hbm>>
      tpu.enqueue_indirect_dma source(%dma_start3A_370 : memref<1000000x64xi8, #tpu.memory_space<hbm>>) target(%dma_start3A_364 : memref<20x64xi8, #tpu.memory_space<vmem>>) offsets(%dma_start3A_367 : memref<20xi32, #tpu.memory_space<vmem>>) semaphore(%arg7 : memref<!tpu.dma_semaphore, #tpu.memory_space<semaphore_mem>>)
      %dma_start3A_371 = arith.constant 36 : i32
      %dma_start3A_372 = arith.constant 720 : i32
      %dma_start3A_373 = arith.constant 0 : i32
      %dma_start3A_374 = tpu.memref_slice %arg6[%dma_start3A_372, %dma_start3A_373] : memref<2560x64xi8, #tpu.memory_space<vmem>> -> memref<20x64xi8, #tpu.memory_space<vmem>>
      %dma_start3A_375 = arith.constant 0 : i32
      %dma_start3A_376 = tpu.memref_slice %arg5[%dma_start3A_371, %dma_start3A_375] : memref<128x20xi32, #tpu.memory_space<vmem>> -> memref<1x20xi32, #tpu.memory_space<vmem>>
      %dma_start3A_377 = tpu.memref_squeeze %dma_start3A_376 : memref<1x20xi32, #tpu.memory_space<vmem>> -> memref<20xi32, #tpu.memory_space<vmem>>
      %dma_start3A_378 = arith.constant 0 : i32
      %dma_start3A_379 = arith.constant 0 : i32
      %dma_start3A_380 = tpu.memref_slice %arg3[%dma_start3A_378, %dma_start3A_379] : memref<1000000x64xi8, #tpu.memory_space<hbm>> -> memref<1000000x64xi8, #tpu.memory_space<hbm>>
      tpu.enqueue_indirect_dma source(%dma_start3A_380 : memref<1000000x64xi8, #tpu.memory_space<hbm>>) target(%dma_start3A_374 : memref<20x64xi8, #tpu.memory_space<vmem>>) offsets(%dma_start3A_377 : memref<20xi32, #tpu.memory_space<vmem>>) semaphore(%arg7 : memref<!tpu.dma_semaphore, #tpu.memory_space<semaphore_mem>>)
      %dma_start3A_381 = arith.constant 37 : i32
      %dma_start3A_382 = arith.constant 740 : i32
      %dma_start3A_383 = arith.constant 0 : i32
      %dma_start3A_384 = tpu.memref_slice %arg6[%dma_start3A_382, %dma_start3A_383] : memref<2560x64xi8, #tpu.memory_space<vmem>> -> memref<20x64xi8, #tpu.memory_space<vmem>>
      %dma_start3A_385 = arith.constant 0 : i32
      %dma_start3A_386 = tpu.memref_slice %arg5[%dma_start3A_381, %dma_start3A_385] : memref<128x20xi32, #tpu.memory_space<vmem>> -> memref<1x20xi32, #tpu.memory_space<vmem>>
      %dma_start3A_387 = tpu.memref_squeeze %dma_start3A_386 : memref<1x20xi32, #tpu.memory_space<vmem>> -> memref<20xi32, #tpu.memory_space<vmem>>
      %dma_start3A_388 = arith.constant 0 : i32
      %dma_start3A_389 = arith.constant 0 : i32
      %dma_start3A_390 = tpu.memref_slice %arg3[%dma_start3A_388, %dma_start3A_389] : memref<1000000x64xi8, #tpu.memory_space<hbm>> -> memref<1000000x64xi8, #tpu.memory_space<hbm>>
      tpu.enqueue_indirect_dma source(%dma_start3A_390 : memref<1000000x64xi8, #tpu.memory_space<hbm>>) target(%dma_start3A_384 : memref<20x64xi8, #tpu.memory_space<vmem>>) offsets(%dma_start3A_387 : memref<20xi32, #tpu.memory_space<vmem>>) semaphore(%arg7 : memref<!tpu.dma_semaphore, #tpu.memory_space<semaphore_mem>>)
      %dma_start3A_391 = arith.constant 38 : i32
      %dma_start3A_392 = arith.constant 760 : i32
      %dma_start3A_393 = arith.constant 0 : i32
      %dma_start3A_394 = tpu.memref_slice %arg6[%dma_start3A_392, %dma_start3A_393] : memref<2560x64xi8, #tpu.memory_space<vmem>> -> memref<20x64xi8, #tpu.memory_space<vmem>>
      %dma_start3A_395 = arith.constant 0 : i32
      %dma_start3A_396 = tpu.memref_slice %arg5[%dma_start3A_391, %dma_start3A_395] : memref<128x20xi32, #tpu.memory_space<vmem>> -> memref<1x20xi32, #tpu.memory_space<vmem>>
      %dma_start3A_397 = tpu.memref_squeeze %dma_start3A_396 : memref<1x20xi32, #tpu.memory_space<vmem>> -> memref<20xi32, #tpu.memory_space<vmem>>
      %dma_start3A_398 = arith.constant 0 : i32
      %dma_start3A_399 = arith.constant 0 : i32
      %dma_start3A_400 = tpu.memref_slice %arg3[%dma_start3A_398, %dma_start3A_399] : memref<1000000x64xi8, #tpu.memory_space<hbm>> -> memref<1000000x64xi8, #tpu.memory_space<hbm>>
      tpu.enqueue_indirect_dma source(%dma_start3A_400 : memref<1000000x64xi8, #tpu.memory_space<hbm>>) target(%dma_start3A_394 : memref<20x64xi8, #tpu.memory_space<vmem>>) offsets(%dma_start3A_397 : memref<20xi32, #tpu.memory_space<vmem>>) semaphore(%arg7 : memref<!tpu.dma_semaphore, #tpu.memory_space<semaphore_mem>>)
      %dma_start3A_401 = arith.constant 39 : i32
      %dma_start3A_402 = arith.constant 780 : i32
      %dma_start3A_403 = arith.constant 0 : i32
      %dma_start3A_404 = tpu.memref_slice %arg6[%dma_start3A_402, %dma_start3A_403] : memref<2560x64xi8, #tpu.memory_space<vmem>> -> memref<20x64xi8, #tpu.memory_space<vmem>>
      %dma_start3A_405 = arith.constant 0 : i32
      %dma_start3A_406 = tpu.memref_slice %arg5[%dma_start3A_401, %dma_start3A_405] : memref<128x20xi32, #tpu.memory_space<vmem>> -> memref<1x20xi32, #tpu.memory_space<vmem>>
      %dma_start3A_407 = tpu.memref_squeeze %dma_start3A_406 : memref<1x20xi32, #tpu.memory_space<vmem>> -> memref<20xi32, #tpu.memory_space<vmem>>
      %dma_start3A_408 = arith.constant 0 : i32
      %dma_start3A_409 = arith.constant 0 : i32
      %dma_start3A_410 = tpu.memref_slice %arg3[%dma_start3A_408, %dma_start3A_409] : memref<1000000x64xi8, #tpu.memory_space<hbm>> -> memref<1000000x64xi8, #tpu.memory_space<hbm>>
      tpu.enqueue_indirect_dma source(%dma_start3A_410 : memref<1000000x64xi8, #tpu.memory_space<hbm>>) target(%dma_start3A_404 : memref<20x64xi8, #tpu.memory_space<vmem>>) offsets(%dma_start3A_407 : memref<20xi32, #tpu.memory_space<vmem>>) semaphore(%arg7 : memref<!tpu.dma_semaphore, #tpu.memory_space<semaphore_mem>>)
      %dma_start3A_411 = arith.constant 40 : i32
      %dma_start3A_412 = arith.constant 800 : i32
      %dma_start3A_413 = arith.constant 0 : i32
      %dma_start3A_414 = tpu.memref_slice %arg6[%dma_start3A_412, %dma_start3A_413] : memref<2560x64xi8, #tpu.memory_space<vmem>> -> memref<20x64xi8, #tpu.memory_space<vmem>>
      %dma_start3A_415 = arith.constant 0 : i32
      %dma_start3A_416 = tpu.memref_slice %arg5[%dma_start3A_411, %dma_start3A_415] : memref<128x20xi32, #tpu.memory_space<vmem>> -> memref<1x20xi32, #tpu.memory_space<vmem>>
      %dma_start3A_417 = tpu.memref_squeeze %dma_start3A_416 : memref<1x20xi32, #tpu.memory_space<vmem>> -> memref<20xi32, #tpu.memory_space<vmem>>
      %dma_start3A_418 = arith.constant 0 : i32
      %dma_start3A_419 = arith.constant 0 : i32
      %dma_start3A_420 = tpu.memref_slice %arg3[%dma_start3A_418, %dma_start3A_419] : memref<1000000x64xi8, #tpu.memory_space<hbm>> -> memref<1000000x64xi8, #tpu.memory_space<hbm>>
      tpu.enqueue_indirect_dma source(%dma_start3A_420 : memref<1000000x64xi8, #tpu.memory_space<hbm>>) target(%dma_start3A_414 : memref<20x64xi8, #tpu.memory_space<vmem>>) offsets(%dma_start3A_417 : memref<20xi32, #tpu.memory_space<vmem>>) semaphore(%arg7 : memref<!tpu.dma_semaphore, #tpu.memory_space<semaphore_mem>>)
      %dma_start3A_421 = arith.constant 41 : i32
      %dma_start3A_422 = arith.constant 820 : i32
      %dma_start3A_423 = arith.constant 0 : i32
      %dma_start3A_424 = tpu.memref_slice %arg6[%dma_start3A_422, %dma_start3A_423] : memref<2560x64xi8, #tpu.memory_space<vmem>> -> memref<20x64xi8, #tpu.memory_space<vmem>>
      %dma_start3A_425 = arith.constant 0 : i32
      %dma_start3A_426 = tpu.memref_slice %arg5[%dma_start3A_421, %dma_start3A_425] : memref<128x20xi32, #tpu.memory_space<vmem>> -> memref<1x20xi32, #tpu.memory_space<vmem>>
      %dma_start3A_427 = tpu.memref_squeeze %dma_start3A_426 : memref<1x20xi32, #tpu.memory_space<vmem>> -> memref<20xi32, #tpu.memory_space<vmem>>
      %dma_start3A_428 = arith.constant 0 : i32
      %dma_start3A_429 = arith.constant 0 : i32
      %dma_start3A_430 = tpu.memref_slice %arg3[%dma_start3A_428, %dma_start3A_429] : memref<1000000x64xi8, #tpu.memory_space<hbm>> -> memref<1000000x64xi8, #tpu.memory_space<hbm>>
      tpu.enqueue_indirect_dma source(%dma_start3A_430 : memref<1000000x64xi8, #tpu.memory_space<hbm>>) target(%dma_start3A_424 : memref<20x64xi8, #tpu.memory_space<vmem>>) offsets(%dma_start3A_427 : memref<20xi32, #tpu.memory_space<vmem>>) semaphore(%arg7 : memref<!tpu.dma_semaphore, #tpu.memory_space<semaphore_mem>>)
      %dma_start3A_431 = arith.constant 42 : i32
      %dma_start3A_432 = arith.constant 840 : i32
      %dma_start3A_433 = arith.constant 0 : i32
      %dma_start3A_434 = tpu.memref_slice %arg6[%dma_start3A_432, %dma_start3A_433] : memref<2560x64xi8, #tpu.memory_space<vmem>> -> memref<20x64xi8, #tpu.memory_space<vmem>>
      %dma_start3A_435 = arith.constant 0 : i32
      %dma_start3A_436 = tpu.memref_slice %arg5[%dma_start3A_431, %dma_start3A_435] : memref<128x20xi32, #tpu.memory_space<vmem>> -> memref<1x20xi32, #tpu.memory_space<vmem>>
      %dma_start3A_437 = tpu.memref_squeeze %dma_start3A_436 : memref<1x20xi32, #tpu.memory_space<vmem>> -> memref<20xi32, #tpu.memory_space<vmem>>
      %dma_start3A_438 = arith.constant 0 : i32
      %dma_start3A_439 = arith.constant 0 : i32
      %dma_start3A_440 = tpu.memref_slice %arg3[%dma_start3A_438, %dma_start3A_439] : memref<1000000x64xi8, #tpu.memory_space<hbm>> -> memref<1000000x64xi8, #tpu.memory_space<hbm>>
      tpu.enqueue_indirect_dma source(%dma_start3A_440 : memref<1000000x64xi8, #tpu.memory_space<hbm>>) target(%dma_start3A_434 : memref<20x64xi8, #tpu.memory_space<vmem>>) offsets(%dma_start3A_437 : memref<20xi32, #tpu.memory_space<vmem>>) semaphore(%arg7 : memref<!tpu.dma_semaphore, #tpu.memory_space<semaphore_mem>>)
      %dma_start3A_441 = arith.constant 43 : i32
      %dma_start3A_442 = arith.constant 860 : i32
      %dma_start3A_443 = arith.constant 0 : i32
      %dma_start3A_444 = tpu.memref_slice %arg6[%dma_start3A_442, %dma_start3A_443] : memref<2560x64xi8, #tpu.memory_space<vmem>> -> memref<20x64xi8, #tpu.memory_space<vmem>>
      %dma_start3A_445 = arith.constant 0 : i32
      %dma_start3A_446 = tpu.memref_slice %arg5[%dma_start3A_441, %dma_start3A_445] : memref<128x20xi32, #tpu.memory_space<vmem>> -> memref<1x20xi32, #tpu.memory_space<vmem>>
      %dma_start3A_447 = tpu.memref_squeeze %dma_start3A_446 : memref<1x20xi32, #tpu.memory_space<vmem>> -> memref<20xi32, #tpu.memory_space<vmem>>
      %dma_start3A_448 = arith.constant 0 : i32
      %dma_start3A_449 = arith.constant 0 : i32
      %dma_start3A_450 = tpu.memref_slice %arg3[%dma_start3A_448, %dma_start3A_449] : memref<1000000x64xi8, #tpu.memory_space<hbm>> -> memref<1000000x64xi8, #tpu.memory_space<hbm>>
      tpu.enqueue_indirect_dma source(%dma_start3A_450 : memref<1000000x64xi8, #tpu.memory_space<hbm>>) target(%dma_start3A_444 : memref<20x64xi8, #tpu.memory_space<vmem>>) offsets(%dma_start3A_447 : memref<20xi32, #tpu.memory_space<vmem>>) semaphore(%arg7 : memref<!tpu.dma_semaphore, #tpu.memory_space<semaphore_mem>>)
      %dma_start3A_451 = arith.constant 44 : i32
      %dma_start3A_452 = arith.constant 880 : i32
      %dma_start3A_453 = arith.constant 0 : i32
      %dma_start3A_454 = tpu.memref_slice %arg6[%dma_start3A_452, %dma_start3A_453] : memref<2560x64xi8, #tpu.memory_space<vmem>> -> memref<20x64xi8, #tpu.memory_space<vmem>>
      %dma_start3A_455 = arith.constant 0 : i32
      %dma_start3A_456 = tpu.memref_slice %arg5[%dma_start3A_451, %dma_start3A_455] : memref<128x20xi32, #tpu.memory_space<vmem>> -> memref<1x20xi32, #tpu.memory_space<vmem>>
      %dma_start3A_457 = tpu.memref_squeeze %dma_start3A_456 : memref<1x20xi32, #tpu.memory_space<vmem>> -> memref<20xi32, #tpu.memory_space<vmem>>
      %dma_start3A_458 = arith.constant 0 : i32
      %dma_start3A_459 = arith.constant 0 : i32
      %dma_start3A_460 = tpu.memref_slice %arg3[%dma_start3A_458, %dma_start3A_459] : memref<1000000x64xi8, #tpu.memory_space<hbm>> -> memref<1000000x64xi8, #tpu.memory_space<hbm>>
      tpu.enqueue_indirect_dma source(%dma_start3A_460 : memref<1000000x64xi8, #tpu.memory_space<hbm>>) target(%dma_start3A_454 : memref<20x64xi8, #tpu.memory_space<vmem>>) offsets(%dma_start3A_457 : memref<20xi32, #tpu.memory_space<vmem>>) semaphore(%arg7 : memref<!tpu.dma_semaphore, #tpu.memory_space<semaphore_mem>>)
      %dma_start3A_461 = arith.constant 45 : i32
      %dma_start3A_462 = arith.constant 900 : i32
      %dma_start3A_463 = arith.constant 0 : i32
      %dma_start3A_464 = tpu.memref_slice %arg6[%dma_start3A_462, %dma_start3A_463] : memref<2560x64xi8, #tpu.memory_space<vmem>> -> memref<20x64xi8, #tpu.memory_space<vmem>>
      %dma_start3A_465 = arith.constant 0 : i32
      %dma_start3A_466 = tpu.memref_slice %arg5[%dma_start3A_461, %dma_start3A_465] : memref<128x20xi32, #tpu.memory_space<vmem>> -> memref<1x20xi32, #tpu.memory_space<vmem>>
      %dma_start3A_467 = tpu.memref_squeeze %dma_start3A_466 : memref<1x20xi32, #tpu.memory_space<vmem>> -> memref<20xi32, #tpu.memory_space<vmem>>
      %dma_start3A_468 = arith.constant 0 : i32
      %dma_start3A_469 = arith.constant 0 : i32
      %dma_start3A_470 = tpu.memref_slice %arg3[%dma_start3A_468, %dma_start3A_469] : memref<1000000x64xi8, #tpu.memory_space<hbm>> -> memref<1000000x64xi8, #tpu.memory_space<hbm>>
      tpu.enqueue_indirect_dma source(%dma_start3A_470 : memref<1000000x64xi8, #tpu.memory_space<hbm>>) target(%dma_start3A_464 : memref<20x64xi8, #tpu.memory_space<vmem>>) offsets(%dma_start3A_467 : memref<20xi32, #tpu.memory_space<vmem>>) semaphore(%arg7 : memref<!tpu.dma_semaphore, #tpu.memory_space<semaphore_mem>>)
      %dma_start3A_471 = arith.constant 46 : i32
      %dma_start3A_472 = arith.constant 920 : i32
      %dma_start3A_473 = arith.constant 0 : i32
      %dma_start3A_474 = tpu.memref_slice %arg6[%dma_start3A_472, %dma_start3A_473] : memref<2560x64xi8, #tpu.memory_space<vmem>> -> memref<20x64xi8, #tpu.memory_space<vmem>>
      %dma_start3A_475 = arith.constant 0 : i32
      %dma_start3A_476 = tpu.memref_slice %arg5[%dma_start3A_471, %dma_start3A_475] : memref<128x20xi32, #tpu.memory_space<vmem>> -> memref<1x20xi32, #tpu.memory_space<vmem>>
      %dma_start3A_477 = tpu.memref_squeeze %dma_start3A_476 : memref<1x20xi32, #tpu.memory_space<vmem>> -> memref<20xi32, #tpu.memory_space<vmem>>
      %dma_start3A_478 = arith.constant 0 : i32
      %dma_start3A_479 = arith.constant 0 : i32
      %dma_start3A_480 = tpu.memref_slice %arg3[%dma_start3A_478, %dma_start3A_479] : memref<1000000x64xi8, #tpu.memory_space<hbm>> -> memref<1000000x64xi8, #tpu.memory_space<hbm>>
      tpu.enqueue_indirect_dma source(%dma_start3A_480 : memref<1000000x64xi8, #tpu.memory_space<hbm>>) target(%dma_start3A_474 : memref<20x64xi8, #tpu.memory_space<vmem>>) offsets(%dma_start3A_477 : memref<20xi32, #tpu.memory_space<vmem>>) semaphore(%arg7 : memref<!tpu.dma_semaphore, #tpu.memory_space<semaphore_mem>>)
      %dma_start3A_481 = arith.constant 47 : i32
      %dma_start3A_482 = arith.constant 940 : i32
      %dma_start3A_483 = arith.constant 0 : i32
      %dma_start3A_484 = tpu.memref_slice %arg6[%dma_start3A_482, %dma_start3A_483] : memref<2560x64xi8, #tpu.memory_space<vmem>> -> memref<20x64xi8, #tpu.memory_space<vmem>>
      %dma_start3A_485 = arith.constant 0 : i32
      %dma_start3A_486 = tpu.memref_slice %arg5[%dma_start3A_481, %dma_start3A_485] : memref<128x20xi32, #tpu.memory_space<vmem>> -> memref<1x20xi32, #tpu.memory_space<vmem>>
      %dma_start3A_487 = tpu.memref_squeeze %dma_start3A_486 : memref<1x20xi32, #tpu.memory_space<vmem>> -> memref<20xi32, #tpu.memory_space<vmem>>
      %dma_start3A_488 = arith.constant 0 : i32
      %dma_start3A_489 = arith.constant 0 : i32
      %dma_start3A_490 = tpu.memref_slice %arg3[%dma_start3A_488, %dma_start3A_489] : memref<1000000x64xi8, #tpu.memory_space<hbm>> -> memref<1000000x64xi8, #tpu.memory_space<hbm>>
      tpu.enqueue_indirect_dma source(%dma_start3A_490 : memref<1000000x64xi8, #tpu.memory_space<hbm>>) target(%dma_start3A_484 : memref<20x64xi8, #tpu.memory_space<vmem>>) offsets(%dma_start3A_487 : memref<20xi32, #tpu.memory_space<vmem>>) semaphore(%arg7 : memref<!tpu.dma_semaphore, #tpu.memory_space<semaphore_mem>>)
      %dma_start3A_491 = arith.constant 48 : i32
      %dma_start3A_492 = arith.constant 960 : i32
      %dma_start3A_493 = arith.constant 0 : i32
      %dma_start3A_494 = tpu.memref_slice %arg6[%dma_start3A_492, %dma_start3A_493] : memref<2560x64xi8, #tpu.memory_space<vmem>> -> memref<20x64xi8, #tpu.memory_space<vmem>>
      %dma_start3A_495 = arith.constant 0 : i32
      %dma_start3A_496 = tpu.memref_slice %arg5[%dma_start3A_491, %dma_start3A_495] : memref<128x20xi32, #tpu.memory_space<vmem>> -> memref<1x20xi32, #tpu.memory_space<vmem>>
      %dma_start3A_497 = tpu.memref_squeeze %dma_start3A_496 : memref<1x20xi32, #tpu.memory_space<vmem>> -> memref<20xi32, #tpu.memory_space<vmem>>
      %dma_start3A_498 = arith.constant 0 : i32
      %dma_start3A_499 = arith.constant 0 : i32
      %dma_start3A_500 = tpu.memref_slice %arg3[%dma_start3A_498, %dma_start3A_499] : memref<1000000x64xi8, #tpu.memory_space<hbm>> -> memref<1000000x64xi8, #tpu.memory_space<hbm>>
      tpu.enqueue_indirect_dma source(%dma_start3A_500 : memref<1000000x64xi8, #tpu.memory_space<hbm>>) target(%dma_start3A_494 : memref<20x64xi8, #tpu.memory_space<vmem>>) offsets(%dma_start3A_497 : memref<20xi32, #tpu.memory_space<vmem>>) semaphore(%arg7 : memref<!tpu.dma_semaphore, #tpu.memory_space<semaphore_mem>>)
      %dma_start3A_501 = arith.constant 49 : i32
      %dma_start3A_502 = arith.constant 980 : i32
      %dma_start3A_503 = arith.constant 0 : i32
      %dma_start3A_504 = tpu.memref_slice %arg6[%dma_start3A_502, %dma_start3A_503] : memref<2560x64xi8, #tpu.memory_space<vmem>> -> memref<20x64xi8, #tpu.memory_space<vmem>>
      %dma_start3A_505 = arith.constant 0 : i32
      %dma_start3A_506 = tpu.memref_slice %arg5[%dma_start3A_501, %dma_start3A_505] : memref<128x20xi32, #tpu.memory_space<vmem>> -> memref<1x20xi32, #tpu.memory_space<vmem>>
      %dma_start3A_507 = tpu.memref_squeeze %dma_start3A_506 : memref<1x20xi32, #tpu.memory_space<vmem>> -> memref<20xi32, #tpu.memory_space<vmem>>
      %dma_start3A_508 = arith.constant 0 : i32
      %dma_start3A_509 = arith.constant 0 : i32
      %dma_start3A_510 = tpu.memref_slice %arg3[%dma_start3A_508, %dma_start3A_509] : memref<1000000x64xi8, #tpu.memory_space<hbm>> -> memref<1000000x64xi8, #tpu.memory_space<hbm>>
      tpu.enqueue_indirect_dma source(%dma_start3A_510 : memref<1000000x64xi8, #tpu.memory_space<hbm>>) target(%dma_start3A_504 : memref<20x64xi8, #tpu.memory_space<vmem>>) offsets(%dma_start3A_507 : memref<20xi32, #tpu.memory_space<vmem>>) semaphore(%arg7 : memref<!tpu.dma_semaphore, #tpu.memory_space<semaphore_mem>>)
      %dma_start3A_511 = arith.constant 50 : i32
      %dma_start3A_512 = arith.constant 1000 : i32
      %dma_start3A_513 = arith.constant 0 : i32
      %dma_start3A_514 = tpu.memref_slice %arg6[%dma_start3A_512, %dma_start3A_513] : memref<2560x64xi8, #tpu.memory_space<vmem>> -> memref<20x64xi8, #tpu.memory_space<vmem>>
      %dma_start3A_515 = arith.constant 0 : i32
      %dma_start3A_516 = tpu.memref_slice %arg5[%dma_start3A_511, %dma_start3A_515] : memref<128x20xi32, #tpu.memory_space<vmem>> -> memref<1x20xi32, #tpu.memory_space<vmem>>
      %dma_start3A_517 = tpu.memref_squeeze %dma_start3A_516 : memref<1x20xi32, #tpu.memory_space<vmem>> -> memref<20xi32, #tpu.memory_space<vmem>>
      %dma_start3A_518 = arith.constant 0 : i32
      %dma_start3A_519 = arith.constant 0 : i32
      %dma_start3A_520 = tpu.memref_slice %arg3[%dma_start3A_518, %dma_start3A_519] : memref<1000000x64xi8, #tpu.memory_space<hbm>> -> memref<1000000x64xi8, #tpu.memory_space<hbm>>
      tpu.enqueue_indirect_dma source(%dma_start3A_520 : memref<1000000x64xi8, #tpu.memory_space<hbm>>) target(%dma_start3A_514 : memref<20x64xi8, #tpu.memory_space<vmem>>) offsets(%dma_start3A_517 : memref<20xi32, #tpu.memory_space<vmem>>) semaphore(%arg7 : memref<!tpu.dma_semaphore, #tpu.memory_space<semaphore_mem>>)
      %dma_start3A_521 = arith.constant 51 : i32
      %dma_start3A_522 = arith.constant 1020 : i32
      %dma_start3A_523 = arith.constant 0 : i32
      %dma_start3A_524 = tpu.memref_slice %arg6[%dma_start3A_522, %dma_start3A_523] : memref<2560x64xi8, #tpu.memory_space<vmem>> -> memref<20x64xi8, #tpu.memory_space<vmem>>
      %dma_start3A_525 = arith.constant 0 : i32
      %dma_start3A_526 = tpu.memref_slice %arg5[%dma_start3A_521, %dma_start3A_525] : memref<128x20xi32, #tpu.memory_space<vmem>> -> memref<1x20xi32, #tpu.memory_space<vmem>>
      %dma_start3A_527 = tpu.memref_squeeze %dma_start3A_526 : memref<1x20xi32, #tpu.memory_space<vmem>> -> memref<20xi32, #tpu.memory_space<vmem>>
      %dma_start3A_528 = arith.constant 0 : i32
      %dma_start3A_529 = arith.constant 0 : i32
      %dma_start3A_530 = tpu.memref_slice %arg3[%dma_start3A_528, %dma_start3A_529] : memref<1000000x64xi8, #tpu.memory_space<hbm>> -> memref<1000000x64xi8, #tpu.memory_space<hbm>>
      tpu.enqueue_indirect_dma source(%dma_start3A_530 : memref<1000000x64xi8, #tpu.memory_space<hbm>>) target(%dma_start3A_524 : memref<20x64xi8, #tpu.memory_space<vmem>>) offsets(%dma_start3A_527 : memref<20xi32, #tpu.memory_space<vmem>>) semaphore(%arg7 : memref<!tpu.dma_semaphore, #tpu.memory_space<semaphore_mem>>)
      %dma_start3A_531 = arith.constant 52 : i32
      %dma_start3A_532 = arith.constant 1040 : i32
      %dma_start3A_533 = arith.constant 0 : i32
      %dma_start3A_534 = tpu.memref_slice %arg6[%dma_start3A_532, %dma_start3A_533] : memref<2560x64xi8, #tpu.memory_space<vmem>> -> memref<20x64xi8, #tpu.memory_space<vmem>>
      %dma_start3A_535 = arith.constant 0 : i32
      %dma_start3A_536 = tpu.memref_slice %arg5[%dma_start3A_531, %dma_start3A_535] : memref<128x20xi32, #tpu.memory_space<vmem>> -> memref<1x20xi32, #tpu.memory_space<vmem>>
      %dma_start3A_537 = tpu.memref_squeeze %dma_start3A_536 : memref<1x20xi32, #tpu.memory_space<vmem>> -> memref<20xi32, #tpu.memory_space<vmem>>
      %dma_start3A_538 = arith.constant 0 : i32
      %dma_start3A_539 = arith.constant 0 : i32
      %dma_start3A_540 = tpu.memref_slice %arg3[%dma_start3A_538, %dma_start3A_539] : memref<1000000x64xi8, #tpu.memory_space<hbm>> -> memref<1000000x64xi8, #tpu.memory_space<hbm>>
      tpu.enqueue_indirect_dma source(%dma_start3A_540 : memref<1000000x64xi8, #tpu.memory_space<hbm>>) target(%dma_start3A_534 : memref<20x64xi8, #tpu.memory_space<vmem>>) offsets(%dma_start3A_537 : memref<20xi32, #tpu.memory_space<vmem>>) semaphore(%arg7 : memref<!tpu.dma_semaphore, #tpu.memory_space<semaphore_mem>>)
      %dma_start3A_541 = arith.constant 53 : i32
      %dma_start3A_542 = arith.constant 1060 : i32
      %dma_start3A_543 = arith.constant 0 : i32
      %dma_start3A_544 = tpu.memref_slice %arg6[%dma_start3A_542, %dma_start3A_543] : memref<2560x64xi8, #tpu.memory_space<vmem>> -> memref<20x64xi8, #tpu.memory_space<vmem>>
      %dma_start3A_545 = arith.constant 0 : i32
      %dma_start3A_546 = tpu.memref_slice %arg5[%dma_start3A_541, %dma_start3A_545] : memref<128x20xi32, #tpu.memory_space<vmem>> -> memref<1x20xi32, #tpu.memory_space<vmem>>
      %dma_start3A_547 = tpu.memref_squeeze %dma_start3A_546 : memref<1x20xi32, #tpu.memory_space<vmem>> -> memref<20xi32, #tpu.memory_space<vmem>>
      %dma_start3A_548 = arith.constant 0 : i32
      %dma_start3A_549 = arith.constant 0 : i32
      %dma_start3A_550 = tpu.memref_slice %arg3[%dma_start3A_548, %dma_start3A_549] : memref<1000000x64xi8, #tpu.memory_space<hbm>> -> memref<1000000x64xi8, #tpu.memory_space<hbm>>
      tpu.enqueue_indirect_dma source(%dma_start3A_550 : memref<1000000x64xi8, #tpu.memory_space<hbm>>) target(%dma_start3A_544 : memref<20x64xi8, #tpu.memory_space<vmem>>) offsets(%dma_start3A_547 : memref<20xi32, #tpu.memory_space<vmem>>) semaphore(%arg7 : memref<!tpu.dma_semaphore, #tpu.memory_space<semaphore_mem>>)
      %dma_start3A_551 = arith.constant 54 : i32
      %dma_start3A_552 = arith.constant 1080 : i32
      %dma_start3A_553 = arith.constant 0 : i32
      %dma_start3A_554 = tpu.memref_slice %arg6[%dma_start3A_552, %dma_start3A_553] : memref<2560x64xi8, #tpu.memory_space<vmem>> -> memref<20x64xi8, #tpu.memory_space<vmem>>
      %dma_start3A_555 = arith.constant 0 : i32
      %dma_start3A_556 = tpu.memref_slice %arg5[%dma_start3A_551, %dma_start3A_555] : memref<128x20xi32, #tpu.memory_space<vmem>> -> memref<1x20xi32, #tpu.memory_space<vmem>>
      %dma_start3A_557 = tpu.memref_squeeze %dma_start3A_556 : memref<1x20xi32, #tpu.memory_space<vmem>> -> memref<20xi32, #tpu.memory_space<vmem>>
      %dma_start3A_558 = arith.constant 0 : i32
      %dma_start3A_559 = arith.constant 0 : i32
      %dma_start3A_560 = tpu.memref_slice %arg3[%dma_start3A_558, %dma_start3A_559] : memref<1000000x64xi8, #tpu.memory_space<hbm>> -> memref<1000000x64xi8, #tpu.memory_space<hbm>>
      tpu.enqueue_indirect_dma source(%dma_start3A_560 : memref<1000000x64xi8, #tpu.memory_space<hbm>>) target(%dma_start3A_554 : memref<20x64xi8, #tpu.memory_space<vmem>>) offsets(%dma_start3A_557 : memref<20xi32, #tpu.memory_space<vmem>>) semaphore(%arg7 : memref<!tpu.dma_semaphore, #tpu.memory_space<semaphore_mem>>)
      %dma_start3A_561 = arith.constant 55 : i32
      %dma_start3A_562 = arith.constant 1100 : i32
      %dma_start3A_563 = arith.constant 0 : i32
      %dma_start3A_564 = tpu.memref_slice %arg6[%dma_start3A_562, %dma_start3A_563] : memref<2560x64xi8, #tpu.memory_space<vmem>> -> memref<20x64xi8, #tpu.memory_space<vmem>>
      %dma_start3A_565 = arith.constant 0 : i32
      %dma_start3A_566 = tpu.memref_slice %arg5[%dma_start3A_561, %dma_start3A_565] : memref<128x20xi32, #tpu.memory_space<vmem>> -> memref<1x20xi32, #tpu.memory_space<vmem>>
      %dma_start3A_567 = tpu.memref_squeeze %dma_start3A_566 : memref<1x20xi32, #tpu.memory_space<vmem>> -> memref<20xi32, #tpu.memory_space<vmem>>
      %dma_start3A_568 = arith.constant 0 : i32
      %dma_start3A_569 = arith.constant 0 : i32
      %dma_start3A_570 = tpu.memref_slice %arg3[%dma_start3A_568, %dma_start3A_569] : memref<1000000x64xi8, #tpu.memory_space<hbm>> -> memref<1000000x64xi8, #tpu.memory_space<hbm>>
      tpu.enqueue_indirect_dma source(%dma_start3A_570 : memref<1000000x64xi8, #tpu.memory_space<hbm>>) target(%dma_start3A_564 : memref<20x64xi8, #tpu.memory_space<vmem>>) offsets(%dma_start3A_567 : memref<20xi32, #tpu.memory_space<vmem>>) semaphore(%arg7 : memref<!tpu.dma_semaphore, #tpu.memory_space<semaphore_mem>>)
      %dma_start3A_571 = arith.constant 56 : i32
      %dma_start3A_572 = arith.constant 1120 : i32
      %dma_start3A_573 = arith.constant 0 : i32
      %dma_start3A_574 = tpu.memref_slice %arg6[%dma_start3A_572, %dma_start3A_573] : memref<2560x64xi8, #tpu.memory_space<vmem>> -> memref<20x64xi8, #tpu.memory_space<vmem>>
      %dma_start3A_575 = arith.constant 0 : i32
      %dma_start3A_576 = tpu.memref_slice %arg5[%dma_start3A_571, %dma_start3A_575] : memref<128x20xi32, #tpu.memory_space<vmem>> -> memref<1x20xi32, #tpu.memory_space<vmem>>
      %dma_start3A_577 = tpu.memref_squeeze %dma_start3A_576 : memref<1x20xi32, #tpu.memory_space<vmem>> -> memref<20xi32, #tpu.memory_space<vmem>>
      %dma_start3A_578 = arith.constant 0 : i32
      %dma_start3A_579 = arith.constant 0 : i32
      %dma_start3A_580 = tpu.memref_slice %arg3[%dma_start3A_578, %dma_start3A_579] : memref<1000000x64xi8, #tpu.memory_space<hbm>> -> memref<1000000x64xi8, #tpu.memory_space<hbm>>
      tpu.enqueue_indirect_dma source(%dma_start3A_580 : memref<1000000x64xi8, #tpu.memory_space<hbm>>) target(%dma_start3A_574 : memref<20x64xi8, #tpu.memory_space<vmem>>) offsets(%dma_start3A_577 : memref<20xi32, #tpu.memory_space<vmem>>) semaphore(%arg7 : memref<!tpu.dma_semaphore, #tpu.memory_space<semaphore_mem>>)
      %dma_start3A_581 = arith.constant 57 : i32
      %dma_start3A_582 = arith.constant 1140 : i32
      %dma_start3A_583 = arith.constant 0 : i32
      %dma_start3A_584 = tpu.memref_slice %arg6[%dma_start3A_582, %dma_start3A_583] : memref<2560x64xi8, #tpu.memory_space<vmem>> -> memref<20x64xi8, #tpu.memory_space<vmem>>
      %dma_start3A_585 = arith.constant 0 : i32
      %dma_start3A_586 = tpu.memref_slice %arg5[%dma_start3A_581, %dma_start3A_585] : memref<128x20xi32, #tpu.memory_space<vmem>> -> memref<1x20xi32, #tpu.memory_space<vmem>>
      %dma_start3A_587 = tpu.memref_squeeze %dma_start3A_586 : memref<1x20xi32, #tpu.memory_space<vmem>> -> memref<20xi32, #tpu.memory_space<vmem>>
      %dma_start3A_588 = arith.constant 0 : i32
      %dma_start3A_589 = arith.constant 0 : i32
      %dma_start3A_590 = tpu.memref_slice %arg3[%dma_start3A_588, %dma_start3A_589] : memref<1000000x64xi8, #tpu.memory_space<hbm>> -> memref<1000000x64xi8, #tpu.memory_space<hbm>>
      tpu.enqueue_indirect_dma source(%dma_start3A_590 : memref<1000000x64xi8, #tpu.memory_space<hbm>>) target(%dma_start3A_584 : memref<20x64xi8, #tpu.memory_space<vmem>>) offsets(%dma_start3A_587 : memref<20xi32, #tpu.memory_space<vmem>>) semaphore(%arg7 : memref<!tpu.dma_semaphore, #tpu.memory_space<semaphore_mem>>)
      %dma_start3A_591 = arith.constant 58 : i32
      %dma_start3A_592 = arith.constant 1160 : i32
      %dma_start3A_593 = arith.constant 0 : i32
      %dma_start3A_594 = tpu.memref_slice %arg6[%dma_start3A_592, %dma_start3A_593] : memref<2560x64xi8, #tpu.memory_space<vmem>> -> memref<20x64xi8, #tpu.memory_space<vmem>>
      %dma_start3A_595 = arith.constant 0 : i32
      %dma_start3A_596 = tpu.memref_slice %arg5[%dma_start3A_591, %dma_start3A_595] : memref<128x20xi32, #tpu.memory_space<vmem>> -> memref<1x20xi32, #tpu.memory_space<vmem>>
      %dma_start3A_597 = tpu.memref_squeeze %dma_start3A_596 : memref<1x20xi32, #tpu.memory_space<vmem>> -> memref<20xi32, #tpu.memory_space<vmem>>
      %dma_start3A_598 = arith.constant 0 : i32
      %dma_start3A_599 = arith.constant 0 : i32
      %dma_start3A_600 = tpu.memref_slice %arg3[%dma_start3A_598, %dma_start3A_599] : memref<1000000x64xi8, #tpu.memory_space<hbm>> -> memref<1000000x64xi8, #tpu.memory_space<hbm>>
      tpu.enqueue_indirect_dma source(%dma_start3A_600 : memref<1000000x64xi8, #tpu.memory_space<hbm>>) target(%dma_start3A_594 : memref<20x64xi8, #tpu.memory_space<vmem>>) offsets(%dma_start3A_597 : memref<20xi32, #tpu.memory_space<vmem>>) semaphore(%arg7 : memref<!tpu.dma_semaphore, #tpu.memory_space<semaphore_mem>>)
      %dma_start3A_601 = arith.constant 59 : i32
      %dma_start3A_602 = arith.constant 1180 : i32
      %dma_start3A_603 = arith.constant 0 : i32
      %dma_start3A_604 = tpu.memref_slice %arg6[%dma_start3A_602, %dma_start3A_603] : memref<2560x64xi8, #tpu.memory_space<vmem>> -> memref<20x64xi8, #tpu.memory_space<vmem>>
      %dma_start3A_605 = arith.constant 0 : i32
      %dma_start3A_606 = tpu.memref_slice %arg5[%dma_start3A_601, %dma_start3A_605] : memref<128x20xi32, #tpu.memory_space<vmem>> -> memref<1x20xi32, #tpu.memory_space<vmem>>
      %dma_start3A_607 = tpu.memref_squeeze %dma_start3A_606 : memref<1x20xi32, #tpu.memory_space<vmem>> -> memref<20xi32, #tpu.memory_space<vmem>>
      %dma_start3A_608 = arith.constant 0 : i32
      %dma_start3A_609 = arith.constant 0 : i32
      %dma_start3A_610 = tpu.memref_slice %arg3[%dma_start3A_608, %dma_start3A_609] : memref<1000000x64xi8, #tpu.memory_space<hbm>> -> memref<1000000x64xi8, #tpu.memory_space<hbm>>
      tpu.enqueue_indirect_dma source(%dma_start3A_610 : memref<1000000x64xi8, #tpu.memory_space<hbm>>) target(%dma_start3A_604 : memref<20x64xi8, #tpu.memory_space<vmem>>) offsets(%dma_start3A_607 : memref<20xi32, #tpu.memory_space<vmem>>) semaphore(%arg7 : memref<!tpu.dma_semaphore, #tpu.memory_space<semaphore_mem>>)
      %dma_start3A_611 = arith.constant 60 : i32
      %dma_start3A_612 = arith.constant 1200 : i32
      %dma_start3A_613 = arith.constant 0 : i32
      %dma_start3A_614 = tpu.memref_slice %arg6[%dma_start3A_612, %dma_start3A_613] : memref<2560x64xi8, #tpu.memory_space<vmem>> -> memref<20x64xi8, #tpu.memory_space<vmem>>
      %dma_start3A_615 = arith.constant 0 : i32
      %dma_start3A_616 = tpu.memref_slice %arg5[%dma_start3A_611, %dma_start3A_615] : memref<128x20xi32, #tpu.memory_space<vmem>> -> memref<1x20xi32, #tpu.memory_space<vmem>>
      %dma_start3A_617 = tpu.memref_squeeze %dma_start3A_616 : memref<1x20xi32, #tpu.memory_space<vmem>> -> memref<20xi32, #tpu.memory_space<vmem>>
      %dma_start3A_618 = arith.constant 0 : i32
      %dma_start3A_619 = arith.constant 0 : i32
      %dma_start3A_620 = tpu.memref_slice %arg3[%dma_start3A_618, %dma_start3A_619] : memref<1000000x64xi8, #tpu.memory_space<hbm>> -> memref<1000000x64xi8, #tpu.memory_space<hbm>>
      tpu.enqueue_indirect_dma source(%dma_start3A_620 : memref<1000000x64xi8, #tpu.memory_space<hbm>>) target(%dma_start3A_614 : memref<20x64xi8, #tpu.memory_space<vmem>>) offsets(%dma_start3A_617 : memref<20xi32, #tpu.memory_space<vmem>>) semaphore(%arg7 : memref<!tpu.dma_semaphore, #tpu.memory_space<semaphore_mem>>)
      %dma_start3A_621 = arith.constant 61 : i32
      %dma_start3A_622 = arith.constant 1220 : i32
      %dma_start3A_623 = arith.constant 0 : i32
      %dma_start3A_624 = tpu.memref_slice %arg6[%dma_start3A_622, %dma_start3A_623] : memref<2560x64xi8, #tpu.memory_space<vmem>> -> memref<20x64xi8, #tpu.memory_space<vmem>>
      %dma_start3A_625 = arith.constant 0 : i32
      %dma_start3A_626 = tpu.memref_slice %arg5[%dma_start3A_621, %dma_start3A_625] : memref<128x20xi32, #tpu.memory_space<vmem>> -> memref<1x20xi32, #tpu.memory_space<vmem>>
      %dma_start3A_627 = tpu.memref_squeeze %dma_start3A_626 : memref<1x20xi32, #tpu.memory_space<vmem>> -> memref<20xi32, #tpu.memory_space<vmem>>
      %dma_start3A_628 = arith.constant 0 : i32
      %dma_start3A_629 = arith.constant 0 : i32
      %dma_start3A_630 = tpu.memref_slice %arg3[%dma_start3A_628, %dma_start3A_629] : memref<1000000x64xi8, #tpu.memory_space<hbm>> -> memref<1000000x64xi8, #tpu.memory_space<hbm>>
      tpu.enqueue_indirect_dma source(%dma_start3A_630 : memref<1000000x64xi8, #tpu.memory_space<hbm>>) target(%dma_start3A_624 : memref<20x64xi8, #tpu.memory_space<vmem>>) offsets(%dma_start3A_627 : memref<20xi32, #tpu.memory_space<vmem>>) semaphore(%arg7 : memref<!tpu.dma_semaphore, #tpu.memory_space<semaphore_mem>>)
      %dma_start3A_631 = arith.constant 62 : i32
      %dma_start3A_632 = arith.constant 1240 : i32
      %dma_start3A_633 = arith.constant 0 : i32
      %dma_start3A_634 = tpu.memref_slice %arg6[%dma_start3A_632, %dma_start3A_633] : memref<2560x64xi8, #tpu.memory_space<vmem>> -> memref<20x64xi8, #tpu.memory_space<vmem>>
      %dma_start3A_635 = arith.constant 0 : i32
      %dma_start3A_636 = tpu.memref_slice %arg5[%dma_start3A_631, %dma_start3A_635] : memref<128x20xi32, #tpu.memory_space<vmem>> -> memref<1x20xi32, #tpu.memory_space<vmem>>
      %dma_start3A_637 = tpu.memref_squeeze %dma_start3A_636 : memref<1x20xi32, #tpu.memory_space<vmem>> -> memref<20xi32, #tpu.memory_space<vmem>>
      %dma_start3A_638 = arith.constant 0 : i32
      %dma_start3A_639 = arith.constant 0 : i32
      %dma_start3A_640 = tpu.memref_slice %arg3[%dma_start3A_638, %dma_start3A_639] : memref<1000000x64xi8, #tpu.memory_space<hbm>> -> memref<1000000x64xi8, #tpu.memory_space<hbm>>
      tpu.enqueue_indirect_dma source(%dma_start3A_640 : memref<1000000x64xi8, #tpu.memory_space<hbm>>) target(%dma_start3A_634 : memref<20x64xi8, #tpu.memory_space<vmem>>) offsets(%dma_start3A_637 : memref<20xi32, #tpu.memory_space<vmem>>) semaphore(%arg7 : memref<!tpu.dma_semaphore, #tpu.memory_space<semaphore_mem>>)
      %dma_start3A_641 = arith.constant 63 : i32
      %dma_start3A_642 = arith.constant 1260 : i32
      %dma_start3A_643 = arith.constant 0 : i32
      %dma_start3A_644 = tpu.memref_slice %arg6[%dma_start3A_642, %dma_start3A_643] : memref<2560x64xi8, #tpu.memory_space<vmem>> -> memref<20x64xi8, #tpu.memory_space<vmem>>
      %dma_start3A_645 = arith.constant 0 : i32
      %dma_start3A_646 = tpu.memref_slice %arg5[%dma_start3A_641, %dma_start3A_645] : memref<128x20xi32, #tpu.memory_space<vmem>> -> memref<1x20xi32, #tpu.memory_space<vmem>>
      %dma_start3A_647 = tpu.memref_squeeze %dma_start3A_646 : memref<1x20xi32, #tpu.memory_space<vmem>> -> memref<20xi32, #tpu.memory_space<vmem>>
      %dma_start3A_648 = arith.constant 0 : i32
      %dma_start3A_649 = arith.constant 0 : i32
      %dma_start3A_650 = tpu.memref_slice %arg3[%dma_start3A_648, %dma_start3A_649] : memref<1000000x64xi8, #tpu.memory_space<hbm>> -> memref<1000000x64xi8, #tpu.memory_space<hbm>>
      tpu.enqueue_indirect_dma source(%dma_start3A_650 : memref<1000000x64xi8, #tpu.memory_space<hbm>>) target(%dma_start3A_644 : memref<20x64xi8, #tpu.memory_space<vmem>>) offsets(%dma_start3A_647 : memref<20xi32, #tpu.memory_space<vmem>>) semaphore(%arg7 : memref<!tpu.dma_semaphore, #tpu.memory_space<semaphore_mem>>)
      %dma_start3A_651 = arith.constant 64 : i32
      %dma_start3A_652 = arith.constant 1280 : i32
      %dma_start3A_653 = arith.constant 0 : i32
      %dma_start3A_654 = tpu.memref_slice %arg6[%dma_start3A_652, %dma_start3A_653] : memref<2560x64xi8, #tpu.memory_space<vmem>> -> memref<20x64xi8, #tpu.memory_space<vmem>>
      %dma_start3A_655 = arith.constant 0 : i32
      %dma_start3A_656 = tpu.memref_slice %arg5[%dma_start3A_651, %dma_start3A_655] : memref<128x20xi32, #tpu.memory_space<vmem>> -> memref<1x20xi32, #tpu.memory_space<vmem>>
      %dma_start3A_657 = tpu.memref_squeeze %dma_start3A_656 : memref<1x20xi32, #tpu.memory_space<vmem>> -> memref<20xi32, #tpu.memory_space<vmem>>
      %dma_start3A_658 = arith.constant 0 : i32
      %dma_start3A_659 = arith.constant 0 : i32
      %dma_start3A_660 = tpu.memref_slice %arg3[%dma_start3A_658, %dma_start3A_659] : memref<1000000x64xi8, #tpu.memory_space<hbm>> -> memref<1000000x64xi8, #tpu.memory_space<hbm>>
      tpu.enqueue_indirect_dma source(%dma_start3A_660 : memref<1000000x64xi8, #tpu.memory_space<hbm>>) target(%dma_start3A_654 : memref<20x64xi8, #tpu.memory_space<vmem>>) offsets(%dma_start3A_657 : memref<20xi32, #tpu.memory_space<vmem>>) semaphore(%arg7 : memref<!tpu.dma_semaphore, #tpu.memory_space<semaphore_mem>>)
      %dma_start3A_661 = arith.constant 65 : i32
      %dma_start3A_662 = arith.constant 1300 : i32
      %dma_start3A_663 = arith.constant 0 : i32
      %dma_start3A_664 = tpu.memref_slice %arg6[%dma_start3A_662, %dma_start3A_663] : memref<2560x64xi8, #tpu.memory_space<vmem>> -> memref<20x64xi8, #tpu.memory_space<vmem>>
      %dma_start3A_665 = arith.constant 0 : i32
      %dma_start3A_666 = tpu.memref_slice %arg5[%dma_start3A_661, %dma_start3A_665] : memref<128x20xi32, #tpu.memory_space<vmem>> -> memref<1x20xi32, #tpu.memory_space<vmem>>
      %dma_start3A_667 = tpu.memref_squeeze %dma_start3A_666 : memref<1x20xi32, #tpu.memory_space<vmem>> -> memref<20xi32, #tpu.memory_space<vmem>>
      %dma_start3A_668 = arith.constant 0 : i32
      %dma_start3A_669 = arith.constant 0 : i32
      %dma_start3A_670 = tpu.memref_slice %arg3[%dma_start3A_668, %dma_start3A_669] : memref<1000000x64xi8, #tpu.memory_space<hbm>> -> memref<1000000x64xi8, #tpu.memory_space<hbm>>
      tpu.enqueue_indirect_dma source(%dma_start3A_670 : memref<1000000x64xi8, #tpu.memory_space<hbm>>) target(%dma_start3A_664 : memref<20x64xi8, #tpu.memory_space<vmem>>) offsets(%dma_start3A_667 : memref<20xi32, #tpu.memory_space<vmem>>) semaphore(%arg7 : memref<!tpu.dma_semaphore, #tpu.memory_space<semaphore_mem>>)
      %dma_start3A_671 = arith.constant 66 : i32
      %dma_start3A_672 = arith.constant 1320 : i32
      %dma_start3A_673 = arith.constant 0 : i32
      %dma_start3A_674 = tpu.memref_slice %arg6[%dma_start3A_672, %dma_start3A_673] : memref<2560x64xi8, #tpu.memory_space<vmem>> -> memref<20x64xi8, #tpu.memory_space<vmem>>
      %dma_start3A_675 = arith.constant 0 : i32
      %dma_start3A_676 = tpu.memref_slice %arg5[%dma_start3A_671, %dma_start3A_675] : memref<128x20xi32, #tpu.memory_space<vmem>> -> memref<1x20xi32, #tpu.memory_space<vmem>>
      %dma_start3A_677 = tpu.memref_squeeze %dma_start3A_676 : memref<1x20xi32, #tpu.memory_space<vmem>> -> memref<20xi32, #tpu.memory_space<vmem>>
      %dma_start3A_678 = arith.constant 0 : i32
      %dma_start3A_679 = arith.constant 0 : i32
      %dma_start3A_680 = tpu.memref_slice %arg3[%dma_start3A_678, %dma_start3A_679] : memref<1000000x64xi8, #tpu.memory_space<hbm>> -> memref<1000000x64xi8, #tpu.memory_space<hbm>>
      tpu.enqueue_indirect_dma source(%dma_start3A_680 : memref<1000000x64xi8, #tpu.memory_space<hbm>>) target(%dma_start3A_674 : memref<20x64xi8, #tpu.memory_space<vmem>>) offsets(%dma_start3A_677 : memref<20xi32, #tpu.memory_space<vmem>>) semaphore(%arg7 : memref<!tpu.dma_semaphore, #tpu.memory_space<semaphore_mem>>)
      %dma_start3A_681 = arith.constant 67 : i32
      %dma_start3A_682 = arith.constant 1340 : i32
      %dma_start3A_683 = arith.constant 0 : i32
      %dma_start3A_684 = tpu.memref_slice %arg6[%dma_start3A_682, %dma_start3A_683] : memref<2560x64xi8, #tpu.memory_space<vmem>> -> memref<20x64xi8, #tpu.memory_space<vmem>>
      %dma_start3A_685 = arith.constant 0 : i32
      %dma_start3A_686 = tpu.memref_slice %arg5[%dma_start3A_681, %dma_start3A_685] : memref<128x20xi32, #tpu.memory_space<vmem>> -> memref<1x20xi32, #tpu.memory_space<vmem>>
      %dma_start3A_687 = tpu.memref_squeeze %dma_start3A_686 : memref<1x20xi32, #tpu.memory_space<vmem>> -> memref<20xi32, #tpu.memory_space<vmem>>
      %dma_start3A_688 = arith.constant 0 : i32
      %dma_start3A_689 = arith.constant 0 : i32
      %dma_start3A_690 = tpu.memref_slice %arg3[%dma_start3A_688, %dma_start3A_689] : memref<1000000x64xi8, #tpu.memory_space<hbm>> -> memref<1000000x64xi8, #tpu.memory_space<hbm>>
      tpu.enqueue_indirect_dma source(%dma_start3A_690 : memref<1000000x64xi8, #tpu.memory_space<hbm>>) target(%dma_start3A_684 : memref<20x64xi8, #tpu.memory_space<vmem>>) offsets(%dma_start3A_687 : memref<20xi32, #tpu.memory_space<vmem>>) semaphore(%arg7 : memref<!tpu.dma_semaphore, #tpu.memory_space<semaphore_mem>>)
      %dma_start3A_691 = arith.constant 68 : i32
      %dma_start3A_692 = arith.constant 1360 : i32
      %dma_start3A_693 = arith.constant 0 : i32
      %dma_start3A_694 = tpu.memref_slice %arg6[%dma_start3A_692, %dma_start3A_693] : memref<2560x64xi8, #tpu.memory_space<vmem>> -> memref<20x64xi8, #tpu.memory_space<vmem>>
      %dma_start3A_695 = arith.constant 0 : i32
      %dma_start3A_696 = tpu.memref_slice %arg5[%dma_start3A_691, %dma_start3A_695] : memref<128x20xi32, #tpu.memory_space<vmem>> -> memref<1x20xi32, #tpu.memory_space<vmem>>
      %dma_start3A_697 = tpu.memref_squeeze %dma_start3A_696 : memref<1x20xi32, #tpu.memory_space<vmem>> -> memref<20xi32, #tpu.memory_space<vmem>>
      %dma_start3A_698 = arith.constant 0 : i32
      %dma_start3A_699 = arith.constant 0 : i32
      %dma_start3A_700 = tpu.memref_slice %arg3[%dma_start3A_698, %dma_start3A_699] : memref<1000000x64xi8, #tpu.memory_space<hbm>> -> memref<1000000x64xi8, #tpu.memory_space<hbm>>
      tpu.enqueue_indirect_dma source(%dma_start3A_700 : memref<1000000x64xi8, #tpu.memory_space<hbm>>) target(%dma_start3A_694 : memref<20x64xi8, #tpu.memory_space<vmem>>) offsets(%dma_start3A_697 : memref<20xi32, #tpu.memory_space<vmem>>) semaphore(%arg7 : memref<!tpu.dma_semaphore, #tpu.memory_space<semaphore_mem>>)
      %dma_start3A_701 = arith.constant 69 : i32
      %dma_start3A_702 = arith.constant 1380 : i32
      %dma_start3A_703 = arith.constant 0 : i32
      %dma_start3A_704 = tpu.memref_slice %arg6[%dma_start3A_702, %dma_start3A_703] : memref<2560x64xi8, #tpu.memory_space<vmem>> -> memref<20x64xi8, #tpu.memory_space<vmem>>
      %dma_start3A_705 = arith.constant 0 : i32
      %dma_start3A_706 = tpu.memref_slice %arg5[%dma_start3A_701, %dma_start3A_705] : memref<128x20xi32, #tpu.memory_space<vmem>> -> memref<1x20xi32, #tpu.memory_space<vmem>>
      %dma_start3A_707 = tpu.memref_squeeze %dma_start3A_706 : memref<1x20xi32, #tpu.memory_space<vmem>> -> memref<20xi32, #tpu.memory_space<vmem>>
      %dma_start3A_708 = arith.constant 0 : i32
      %dma_start3A_709 = arith.constant 0 : i32
      %dma_start3A_710 = tpu.memref_slice %arg3[%dma_start3A_708, %dma_start3A_709] : memref<1000000x64xi8, #tpu.memory_space<hbm>> -> memref<1000000x64xi8, #tpu.memory_space<hbm>>
      tpu.enqueue_indirect_dma source(%dma_start3A_710 : memref<1000000x64xi8, #tpu.memory_space<hbm>>) target(%dma_start3A_704 : memref<20x64xi8, #tpu.memory_space<vmem>>) offsets(%dma_start3A_707 : memref<20xi32, #tpu.memory_space<vmem>>) semaphore(%arg7 : memref<!tpu.dma_semaphore, #tpu.memory_space<semaphore_mem>>)
      %dma_start3A_711 = arith.constant 70 : i32
      %dma_start3A_712 = arith.constant 1400 : i32
      %dma_start3A_713 = arith.constant 0 : i32
      %dma_start3A_714 = tpu.memref_slice %arg6[%dma_start3A_712, %dma_start3A_713] : memref<2560x64xi8, #tpu.memory_space<vmem>> -> memref<20x64xi8, #tpu.memory_space<vmem>>
      %dma_start3A_715 = arith.constant 0 : i32
      %dma_start3A_716 = tpu.memref_slice %arg5[%dma_start3A_711, %dma_start3A_715] : memref<128x20xi32, #tpu.memory_space<vmem>> -> memref<1x20xi32, #tpu.memory_space<vmem>>
      %dma_start3A_717 = tpu.memref_squeeze %dma_start3A_716 : memref<1x20xi32, #tpu.memory_space<vmem>> -> memref<20xi32, #tpu.memory_space<vmem>>
      %dma_start3A_718 = arith.constant 0 : i32
      %dma_start3A_719 = arith.constant 0 : i32
      %dma_start3A_720 = tpu.memref_slice %arg3[%dma_start3A_718, %dma_start3A_719] : memref<1000000x64xi8, #tpu.memory_space<hbm>> -> memref<1000000x64xi8, #tpu.memory_space<hbm>>
      tpu.enqueue_indirect_dma source(%dma_start3A_720 : memref<1000000x64xi8, #tpu.memory_space<hbm>>) target(%dma_start3A_714 : memref<20x64xi8, #tpu.memory_space<vmem>>) offsets(%dma_start3A_717 : memref<20xi32, #tpu.memory_space<vmem>>) semaphore(%arg7 : memref<!tpu.dma_semaphore, #tpu.memory_space<semaphore_mem>>)
      %dma_start3A_721 = arith.constant 71 : i32
      %dma_start3A_722 = arith.constant 1420 : i32
      %dma_start3A_723 = arith.constant 0 : i32
      %dma_start3A_724 = tpu.memref_slice %arg6[%dma_start3A_722, %dma_start3A_723] : memref<2560x64xi8, #tpu.memory_space<vmem>> -> memref<20x64xi8, #tpu.memory_space<vmem>>
      %dma_start3A_725 = arith.constant 0 : i32
      %dma_start3A_726 = tpu.memref_slice %arg5[%dma_start3A_721, %dma_start3A_725] : memref<128x20xi32, #tpu.memory_space<vmem>> -> memref<1x20xi32, #tpu.memory_space<vmem>>
      %dma_start3A_727 = tpu.memref_squeeze %dma_start3A_726 : memref<1x20xi32, #tpu.memory_space<vmem>> -> memref<20xi32, #tpu.memory_space<vmem>>
      %dma_start3A_728 = arith.constant 0 : i32
      %dma_start3A_729 = arith.constant 0 : i32
      %dma_start3A_730 = tpu.memref_slice %arg3[%dma_start3A_728, %dma_start3A_729] : memref<1000000x64xi8, #tpu.memory_space<hbm>> -> memref<1000000x64xi8, #tpu.memory_space<hbm>>
      tpu.enqueue_indirect_dma source(%dma_start3A_730 : memref<1000000x64xi8, #tpu.memory_space<hbm>>) target(%dma_start3A_724 : memref<20x64xi8, #tpu.memory_space<vmem>>) offsets(%dma_start3A_727 : memref<20xi32, #tpu.memory_space<vmem>>) semaphore(%arg7 : memref<!tpu.dma_semaphore, #tpu.memory_space<semaphore_mem>>)
      %dma_start3A_731 = arith.constant 72 : i32
      %dma_start3A_732 = arith.constant 1440 : i32
      %dma_start3A_733 = arith.constant 0 : i32
      %dma_start3A_734 = tpu.memref_slice %arg6[%dma_start3A_732, %dma_start3A_733] : memref<2560x64xi8, #tpu.memory_space<vmem>> -> memref<20x64xi8, #tpu.memory_space<vmem>>
      %dma_start3A_735 = arith.constant 0 : i32
      %dma_start3A_736 = tpu.memref_slice %arg5[%dma_start3A_731, %dma_start3A_735] : memref<128x20xi32, #tpu.memory_space<vmem>> -> memref<1x20xi32, #tpu.memory_space<vmem>>
      %dma_start3A_737 = tpu.memref_squeeze %dma_start3A_736 : memref<1x20xi32, #tpu.memory_space<vmem>> -> memref<20xi32, #tpu.memory_space<vmem>>
      %dma_start3A_738 = arith.constant 0 : i32
      %dma_start3A_739 = arith.constant 0 : i32
      %dma_start3A_740 = tpu.memref_slice %arg3[%dma_start3A_738, %dma_start3A_739] : memref<1000000x64xi8, #tpu.memory_space<hbm>> -> memref<1000000x64xi8, #tpu.memory_space<hbm>>
      tpu.enqueue_indirect_dma source(%dma_start3A_740 : memref<1000000x64xi8, #tpu.memory_space<hbm>>) target(%dma_start3A_734 : memref<20x64xi8, #tpu.memory_space<vmem>>) offsets(%dma_start3A_737 : memref<20xi32, #tpu.memory_space<vmem>>) semaphore(%arg7 : memref<!tpu.dma_semaphore, #tpu.memory_space<semaphore_mem>>)
      %dma_start3A_741 = arith.constant 73 : i32
      %dma_start3A_742 = arith.constant 1460 : i32
      %dma_start3A_743 = arith.constant 0 : i32
      %dma_start3A_744 = tpu.memref_slice %arg6[%dma_start3A_742, %dma_start3A_743] : memref<2560x64xi8, #tpu.memory_space<vmem>> -> memref<20x64xi8, #tpu.memory_space<vmem>>
      %dma_start3A_745 = arith.constant 0 : i32
      %dma_start3A_746 = tpu.memref_slice %arg5[%dma_start3A_741, %dma_start3A_745] : memref<128x20xi32, #tpu.memory_space<vmem>> -> memref<1x20xi32, #tpu.memory_space<vmem>>
      %dma_start3A_747 = tpu.memref_squeeze %dma_start3A_746 : memref<1x20xi32, #tpu.memory_space<vmem>> -> memref<20xi32, #tpu.memory_space<vmem>>
      %dma_start3A_748 = arith.constant 0 : i32
      %dma_start3A_749 = arith.constant 0 : i32
      %dma_start3A_750 = tpu.memref_slice %arg3[%dma_start3A_748, %dma_start3A_749] : memref<1000000x64xi8, #tpu.memory_space<hbm>> -> memref<1000000x64xi8, #tpu.memory_space<hbm>>
      tpu.enqueue_indirect_dma source(%dma_start3A_750 : memref<1000000x64xi8, #tpu.memory_space<hbm>>) target(%dma_start3A_744 : memref<20x64xi8, #tpu.memory_space<vmem>>) offsets(%dma_start3A_747 : memref<20xi32, #tpu.memory_space<vmem>>) semaphore(%arg7 : memref<!tpu.dma_semaphore, #tpu.memory_space<semaphore_mem>>)
      %dma_start3A_751 = arith.constant 74 : i32
      %dma_start3A_752 = arith.constant 1480 : i32
      %dma_start3A_753 = arith.constant 0 : i32
      %dma_start3A_754 = tpu.memref_slice %arg6[%dma_start3A_752, %dma_start3A_753] : memref<2560x64xi8, #tpu.memory_space<vmem>> -> memref<20x64xi8, #tpu.memory_space<vmem>>
      %dma_start3A_755 = arith.constant 0 : i32
      %dma_start3A_756 = tpu.memref_slice %arg5[%dma_start3A_751, %dma_start3A_755] : memref<128x20xi32, #tpu.memory_space<vmem>> -> memref<1x20xi32, #tpu.memory_space<vmem>>
      %dma_start3A_757 = tpu.memref_squeeze %dma_start3A_756 : memref<1x20xi32, #tpu.memory_space<vmem>> -> memref<20xi32, #tpu.memory_space<vmem>>
      %dma_start3A_758 = arith.constant 0 : i32
      %dma_start3A_759 = arith.constant 0 : i32
      %dma_start3A_760 = tpu.memref_slice %arg3[%dma_start3A_758, %dma_start3A_759] : memref<1000000x64xi8, #tpu.memory_space<hbm>> -> memref<1000000x64xi8, #tpu.memory_space<hbm>>
      tpu.enqueue_indirect_dma source(%dma_start3A_760 : memref<1000000x64xi8, #tpu.memory_space<hbm>>) target(%dma_start3A_754 : memref<20x64xi8, #tpu.memory_space<vmem>>) offsets(%dma_start3A_757 : memref<20xi32, #tpu.memory_space<vmem>>) semaphore(%arg7 : memref<!tpu.dma_semaphore, #tpu.memory_space<semaphore_mem>>)
      %dma_start3A_761 = arith.constant 75 : i32
      %dma_start3A_762 = arith.constant 1500 : i32
      %dma_start3A_763 = arith.constant 0 : i32
      %dma_start3A_764 = tpu.memref_slice %arg6[%dma_start3A_762, %dma_start3A_763] : memref<2560x64xi8, #tpu.memory_space<vmem>> -> memref<20x64xi8, #tpu.memory_space<vmem>>
      %dma_start3A_765 = arith.constant 0 : i32
      %dma_start3A_766 = tpu.memref_slice %arg5[%dma_start3A_761, %dma_start3A_765] : memref<128x20xi32, #tpu.memory_space<vmem>> -> memref<1x20xi32, #tpu.memory_space<vmem>>
      %dma_start3A_767 = tpu.memref_squeeze %dma_start3A_766 : memref<1x20xi32, #tpu.memory_space<vmem>> -> memref<20xi32, #tpu.memory_space<vmem>>
      %dma_start3A_768 = arith.constant 0 : i32
      %dma_start3A_769 = arith.constant 0 : i32
      %dma_start3A_770 = tpu.memref_slice %arg3[%dma_start3A_768, %dma_start3A_769] : memref<1000000x64xi8, #tpu.memory_space<hbm>> -> memref<1000000x64xi8, #tpu.memory_space<hbm>>
      tpu.enqueue_indirect_dma source(%dma_start3A_770 : memref<1000000x64xi8, #tpu.memory_space<hbm>>) target(%dma_start3A_764 : memref<20x64xi8, #tpu.memory_space<vmem>>) offsets(%dma_start3A_767 : memref<20xi32, #tpu.memory_space<vmem>>) semaphore(%arg7 : memref<!tpu.dma_semaphore, #tpu.memory_space<semaphore_mem>>)
      %dma_start3A_771 = arith.constant 76 : i32
      %dma_start3A_772 = arith.constant 1520 : i32
      %dma_start3A_773 = arith.constant 0 : i32
      %dma_start3A_774 = tpu.memref_slice %arg6[%dma_start3A_772, %dma_start3A_773] : memref<2560x64xi8, #tpu.memory_space<vmem>> -> memref<20x64xi8, #tpu.memory_space<vmem>>
      %dma_start3A_775 = arith.constant 0 : i32
      %dma_start3A_776 = tpu.memref_slice %arg5[%dma_start3A_771, %dma_start3A_775] : memref<128x20xi32, #tpu.memory_space<vmem>> -> memref<1x20xi32, #tpu.memory_space<vmem>>
      %dma_start3A_777 = tpu.memref_squeeze %dma_start3A_776 : memref<1x20xi32, #tpu.memory_space<vmem>> -> memref<20xi32, #tpu.memory_space<vmem>>
      %dma_start3A_778 = arith.constant 0 : i32
      %dma_start3A_779 = arith.constant 0 : i32
      %dma_start3A_780 = tpu.memref_slice %arg3[%dma_start3A_778, %dma_start3A_779] : memref<1000000x64xi8, #tpu.memory_space<hbm>> -> memref<1000000x64xi8, #tpu.memory_space<hbm>>
      tpu.enqueue_indirect_dma source(%dma_start3A_780 : memref<1000000x64xi8, #tpu.memory_space<hbm>>) target(%dma_start3A_774 : memref<20x64xi8, #tpu.memory_space<vmem>>) offsets(%dma_start3A_777 : memref<20xi32, #tpu.memory_space<vmem>>) semaphore(%arg7 : memref<!tpu.dma_semaphore, #tpu.memory_space<semaphore_mem>>)
      %dma_start3A_781 = arith.constant 77 : i32
      %dma_start3A_782 = arith.constant 1540 : i32
      %dma_start3A_783 = arith.constant 0 : i32
      %dma_start3A_784 = tpu.memref_slice %arg6[%dma_start3A_782, %dma_start3A_783] : memref<2560x64xi8, #tpu.memory_space<vmem>> -> memref<20x64xi8, #tpu.memory_space<vmem>>
      %dma_start3A_785 = arith.constant 0 : i32
      %dma_start3A_786 = tpu.memref_slice %arg5[%dma_start3A_781, %dma_start3A_785] : memref<128x20xi32, #tpu.memory_space<vmem>> -> memref<1x20xi32, #tpu.memory_space<vmem>>
      %dma_start3A_787 = tpu.memref_squeeze %dma_start3A_786 : memref<1x20xi32, #tpu.memory_space<vmem>> -> memref<20xi32, #tpu.memory_space<vmem>>
      %dma_start3A_788 = arith.constant 0 : i32
      %dma_start3A_789 = arith.constant 0 : i32
      %dma_start3A_790 = tpu.memref_slice %arg3[%dma_start3A_788, %dma_start3A_789] : memref<1000000x64xi8, #tpu.memory_space<hbm>> -> memref<1000000x64xi8, #tpu.memory_space<hbm>>
      tpu.enqueue_indirect_dma source(%dma_start3A_790 : memref<1000000x64xi8, #tpu.memory_space<hbm>>) target(%dma_start3A_784 : memref<20x64xi8, #tpu.memory_space<vmem>>) offsets(%dma_start3A_787 : memref<20xi32, #tpu.memory_space<vmem>>) semaphore(%arg7 : memref<!tpu.dma_semaphore, #tpu.memory_space<semaphore_mem>>)
      %dma_start3A_791 = arith.constant 78 : i32
      %dma_start3A_792 = arith.constant 1560 : i32
      %dma_start3A_793 = arith.constant 0 : i32
      %dma_start3A_794 = tpu.memref_slice %arg6[%dma_start3A_792, %dma_start3A_793] : memref<2560x64xi8, #tpu.memory_space<vmem>> -> memref<20x64xi8, #tpu.memory_space<vmem>>
      %dma_start3A_795 = arith.constant 0 : i32
      %dma_start3A_796 = tpu.memref_slice %arg5[%dma_start3A_791, %dma_start3A_795] : memref<128x20xi32, #tpu.memory_space<vmem>> -> memref<1x20xi32, #tpu.memory_space<vmem>>
      %dma_start3A_797 = tpu.memref_squeeze %dma_start3A_796 : memref<1x20xi32, #tpu.memory_space<vmem>> -> memref<20xi32, #tpu.memory_space<vmem>>
      %dma_start3A_798 = arith.constant 0 : i32
      %dma_start3A_799 = arith.constant 0 : i32
      %dma_start3A_800 = tpu.memref_slice %arg3[%dma_start3A_798, %dma_start3A_799] : memref<1000000x64xi8, #tpu.memory_space<hbm>> -> memref<1000000x64xi8, #tpu.memory_space<hbm>>
      tpu.enqueue_indirect_dma source(%dma_start3A_800 : memref<1000000x64xi8, #tpu.memory_space<hbm>>) target(%dma_start3A_794 : memref<20x64xi8, #tpu.memory_space<vmem>>) offsets(%dma_start3A_797 : memref<20xi32, #tpu.memory_space<vmem>>) semaphore(%arg7 : memref<!tpu.dma_semaphore, #tpu.memory_space<semaphore_mem>>)
      %dma_start3A_801 = arith.constant 79 : i32
      %dma_start3A_802 = arith.constant 1580 : i32
      %dma_start3A_803 = arith.constant 0 : i32
      %dma_start3A_804 = tpu.memref_slice %arg6[%dma_start3A_802, %dma_start3A_803] : memref<2560x64xi8, #tpu.memory_space<vmem>> -> memref<20x64xi8, #tpu.memory_space<vmem>>
      %dma_start3A_805 = arith.constant 0 : i32
      %dma_start3A_806 = tpu.memref_slice %arg5[%dma_start3A_801, %dma_start3A_805] : memref<128x20xi32, #tpu.memory_space<vmem>> -> memref<1x20xi32, #tpu.memory_space<vmem>>
      %dma_start3A_807 = tpu.memref_squeeze %dma_start3A_806 : memref<1x20xi32, #tpu.memory_space<vmem>> -> memref<20xi32, #tpu.memory_space<vmem>>
      %dma_start3A_808 = arith.constant 0 : i32
      %dma_start3A_809 = arith.constant 0 : i32
      %dma_start3A_810 = tpu.memref_slice %arg3[%dma_start3A_808, %dma_start3A_809] : memref<1000000x64xi8, #tpu.memory_space<hbm>> -> memref<1000000x64xi8, #tpu.memory_space<hbm>>
      tpu.enqueue_indirect_dma source(%dma_start3A_810 : memref<1000000x64xi8, #tpu.memory_space<hbm>>) target(%dma_start3A_804 : memref<20x64xi8, #tpu.memory_space<vmem>>) offsets(%dma_start3A_807 : memref<20xi32, #tpu.memory_space<vmem>>) semaphore(%arg7 : memref<!tpu.dma_semaphore, #tpu.memory_space<semaphore_mem>>)
      %dma_start3A_811 = arith.constant 80 : i32
      %dma_start3A_812 = arith.constant 1600 : i32
      %dma_start3A_813 = arith.constant 0 : i32
      %dma_start3A_814 = tpu.memref_slice %arg6[%dma_start3A_812, %dma_start3A_813] : memref<2560x64xi8, #tpu.memory_space<vmem>> -> memref<20x64xi8, #tpu.memory_space<vmem>>
      %dma_start3A_815 = arith.constant 0 : i32
      %dma_start3A_816 = tpu.memref_slice %arg5[%dma_start3A_811, %dma_start3A_815] : memref<128x20xi32, #tpu.memory_space<vmem>> -> memref<1x20xi32, #tpu.memory_space<vmem>>
      %dma_start3A_817 = tpu.memref_squeeze %dma_start3A_816 : memref<1x20xi32, #tpu.memory_space<vmem>> -> memref<20xi32, #tpu.memory_space<vmem>>
      %dma_start3A_818 = arith.constant 0 : i32
      %dma_start3A_819 = arith.constant 0 : i32
      %dma_start3A_820 = tpu.memref_slice %arg3[%dma_start3A_818, %dma_start3A_819] : memref<1000000x64xi8, #tpu.memory_space<hbm>> -> memref<1000000x64xi8, #tpu.memory_space<hbm>>
      tpu.enqueue_indirect_dma source(%dma_start3A_820 : memref<1000000x64xi8, #tpu.memory_space<hbm>>) target(%dma_start3A_814 : memref<20x64xi8, #tpu.memory_space<vmem>>) offsets(%dma_start3A_817 : memref<20xi32, #tpu.memory_space<vmem>>) semaphore(%arg7 : memref<!tpu.dma_semaphore, #tpu.memory_space<semaphore_mem>>)
      %dma_start3A_821 = arith.constant 81 : i32
      %dma_start3A_822 = arith.constant 1620 : i32
      %dma_start3A_823 = arith.constant 0 : i32
      %dma_start3A_824 = tpu.memref_slice %arg6[%dma_start3A_822, %dma_start3A_823] : memref<2560x64xi8, #tpu.memory_space<vmem>> -> memref<20x64xi8, #tpu.memory_space<vmem>>
      %dma_start3A_825 = arith.constant 0 : i32
      %dma_start3A_826 = tpu.memref_slice %arg5[%dma_start3A_821, %dma_start3A_825] : memref<128x20xi32, #tpu.memory_space<vmem>> -> memref<1x20xi32, #tpu.memory_space<vmem>>
      %dma_start3A_827 = tpu.memref_squeeze %dma_start3A_826 : memref<1x20xi32, #tpu.memory_space<vmem>> -> memref<20xi32, #tpu.memory_space<vmem>>
      %dma_start3A_828 = arith.constant 0 : i32
      %dma_start3A_829 = arith.constant 0 : i32
      %dma_start3A_830 = tpu.memref_slice %arg3[%dma_start3A_828, %dma_start3A_829] : memref<1000000x64xi8, #tpu.memory_space<hbm>> -> memref<1000000x64xi8, #tpu.memory_space<hbm>>
      tpu.enqueue_indirect_dma source(%dma_start3A_830 : memref<1000000x64xi8, #tpu.memory_space<hbm>>) target(%dma_start3A_824 : memref<20x64xi8, #tpu.memory_space<vmem>>) offsets(%dma_start3A_827 : memref<20xi32, #tpu.memory_space<vmem>>) semaphore(%arg7 : memref<!tpu.dma_semaphore, #tpu.memory_space<semaphore_mem>>)
      %dma_start3A_831 = arith.constant 82 : i32
      %dma_start3A_832 = arith.constant 1640 : i32
      %dma_start3A_833 = arith.constant 0 : i32
      %dma_start3A_834 = tpu.memref_slice %arg6[%dma_start3A_832, %dma_start3A_833] : memref<2560x64xi8, #tpu.memory_space<vmem>> -> memref<20x64xi8, #tpu.memory_space<vmem>>
      %dma_start3A_835 = arith.constant 0 : i32
      %dma_start3A_836 = tpu.memref_slice %arg5[%dma_start3A_831, %dma_start3A_835] : memref<128x20xi32, #tpu.memory_space<vmem>> -> memref<1x20xi32, #tpu.memory_space<vmem>>
      %dma_start3A_837 = tpu.memref_squeeze %dma_start3A_836 : memref<1x20xi32, #tpu.memory_space<vmem>> -> memref<20xi32, #tpu.memory_space<vmem>>
      %dma_start3A_838 = arith.constant 0 : i32
      %dma_start3A_839 = arith.constant 0 : i32
      %dma_start3A_840 = tpu.memref_slice %arg3[%dma_start3A_838, %dma_start3A_839] : memref<1000000x64xi8, #tpu.memory_space<hbm>> -> memref<1000000x64xi8, #tpu.memory_space<hbm>>
      tpu.enqueue_indirect_dma source(%dma_start3A_840 : memref<1000000x64xi8, #tpu.memory_space<hbm>>) target(%dma_start3A_834 : memref<20x64xi8, #tpu.memory_space<vmem>>) offsets(%dma_start3A_837 : memref<20xi32, #tpu.memory_space<vmem>>) semaphore(%arg7 : memref<!tpu.dma_semaphore, #tpu.memory_space<semaphore_mem>>)
      %dma_start3A_841 = arith.constant 83 : i32
      %dma_start3A_842 = arith.constant 1660 : i32
      %dma_start3A_843 = arith.constant 0 : i32
      %dma_start3A_844 = tpu.memref_slice %arg6[%dma_start3A_842, %dma_start3A_843] : memref<2560x64xi8, #tpu.memory_space<vmem>> -> memref<20x64xi8, #tpu.memory_space<vmem>>
      %dma_start3A_845 = arith.constant 0 : i32
      %dma_start3A_846 = tpu.memref_slice %arg5[%dma_start3A_841, %dma_start3A_845] : memref<128x20xi32, #tpu.memory_space<vmem>> -> memref<1x20xi32, #tpu.memory_space<vmem>>
      %dma_start3A_847 = tpu.memref_squeeze %dma_start3A_846 : memref<1x20xi32, #tpu.memory_space<vmem>> -> memref<20xi32, #tpu.memory_space<vmem>>
      %dma_start3A_848 = arith.constant 0 : i32
      %dma_start3A_849 = arith.constant 0 : i32
      %dma_start3A_850 = tpu.memref_slice %arg3[%dma_start3A_848, %dma_start3A_849] : memref<1000000x64xi8, #tpu.memory_space<hbm>> -> memref<1000000x64xi8, #tpu.memory_space<hbm>>
      tpu.enqueue_indirect_dma source(%dma_start3A_850 : memref<1000000x64xi8, #tpu.memory_space<hbm>>) target(%dma_start3A_844 : memref<20x64xi8, #tpu.memory_space<vmem>>) offsets(%dma_start3A_847 : memref<20xi32, #tpu.memory_space<vmem>>) semaphore(%arg7 : memref<!tpu.dma_semaphore, #tpu.memory_space<semaphore_mem>>)
      %dma_start3A_851 = arith.constant 84 : i32
      %dma_start3A_852 = arith.constant 1680 : i32
      %dma_start3A_853 = arith.constant 0 : i32
      %dma_start3A_854 = tpu.memref_slice %arg6[%dma_start3A_852, %dma_start3A_853] : memref<2560x64xi8, #tpu.memory_space<vmem>> -> memref<20x64xi8, #tpu.memory_space<vmem>>
      %dma_start3A_855 = arith.constant 0 : i32
      %dma_start3A_856 = tpu.memref_slice %arg5[%dma_start3A_851, %dma_start3A_855] : memref<128x20xi32, #tpu.memory_space<vmem>> -> memref<1x20xi32, #tpu.memory_space<vmem>>
      %dma_start3A_857 = tpu.memref_squeeze %dma_start3A_856 : memref<1x20xi32, #tpu.memory_space<vmem>> -> memref<20xi32, #tpu.memory_space<vmem>>
      %dma_start3A_858 = arith.constant 0 : i32
      %dma_start3A_859 = arith.constant 0 : i32
      %dma_start3A_860 = tpu.memref_slice %arg3[%dma_start3A_858, %dma_start3A_859] : memref<1000000x64xi8, #tpu.memory_space<hbm>> -> memref<1000000x64xi8, #tpu.memory_space<hbm>>
      tpu.enqueue_indirect_dma source(%dma_start3A_860 : memref<1000000x64xi8, #tpu.memory_space<hbm>>) target(%dma_start3A_854 : memref<20x64xi8, #tpu.memory_space<vmem>>) offsets(%dma_start3A_857 : memref<20xi32, #tpu.memory_space<vmem>>) semaphore(%arg7 : memref<!tpu.dma_semaphore, #tpu.memory_space<semaphore_mem>>)
      %dma_start3A_861 = arith.constant 85 : i32
      %dma_start3A_862 = arith.constant 1700 : i32
      %dma_start3A_863 = arith.constant 0 : i32
      %dma_start3A_864 = tpu.memref_slice %arg6[%dma_start3A_862, %dma_start3A_863] : memref<2560x64xi8, #tpu.memory_space<vmem>> -> memref<20x64xi8, #tpu.memory_space<vmem>>
      %dma_start3A_865 = arith.constant 0 : i32
      %dma_start3A_866 = tpu.memref_slice %arg5[%dma_start3A_861, %dma_start3A_865] : memref<128x20xi32, #tpu.memory_space<vmem>> -> memref<1x20xi32, #tpu.memory_space<vmem>>
      %dma_start3A_867 = tpu.memref_squeeze %dma_start3A_866 : memref<1x20xi32, #tpu.memory_space<vmem>> -> memref<20xi32, #tpu.memory_space<vmem>>
      %dma_start3A_868 = arith.constant 0 : i32
      %dma_start3A_869 = arith.constant 0 : i32
      %dma_start3A_870 = tpu.memref_slice %arg3[%dma_start3A_868, %dma_start3A_869] : memref<1000000x64xi8, #tpu.memory_space<hbm>> -> memref<1000000x64xi8, #tpu.memory_space<hbm>>
      tpu.enqueue_indirect_dma source(%dma_start3A_870 : memref<1000000x64xi8, #tpu.memory_space<hbm>>) target(%dma_start3A_864 : memref<20x64xi8, #tpu.memory_space<vmem>>) offsets(%dma_start3A_867 : memref<20xi32, #tpu.memory_space<vmem>>) semaphore(%arg7 : memref<!tpu.dma_semaphore, #tpu.memory_space<semaphore_mem>>)
      %dma_start3A_871 = arith.constant 86 : i32
      %dma_start3A_872 = arith.constant 1720 : i32
      %dma_start3A_873 = arith.constant 0 : i32
      %dma_start3A_874 = tpu.memref_slice %arg6[%dma_start3A_872, %dma_start3A_873] : memref<2560x64xi8, #tpu.memory_space<vmem>> -> memref<20x64xi8, #tpu.memory_space<vmem>>
      %dma_start3A_875 = arith.constant 0 : i32
      %dma_start3A_876 = tpu.memref_slice %arg5[%dma_start3A_871, %dma_start3A_875] : memref<128x20xi32, #tpu.memory_space<vmem>> -> memref<1x20xi32, #tpu.memory_space<vmem>>
      %dma_start3A_877 = tpu.memref_squeeze %dma_start3A_876 : memref<1x20xi32, #tpu.memory_space<vmem>> -> memref<20xi32, #tpu.memory_space<vmem>>
      %dma_start3A_878 = arith.constant 0 : i32
      %dma_start3A_879 = arith.constant 0 : i32
      %dma_start3A_880 = tpu.memref_slice %arg3[%dma_start3A_878, %dma_start3A_879] : memref<1000000x64xi8, #tpu.memory_space<hbm>> -> memref<1000000x64xi8, #tpu.memory_space<hbm>>
      tpu.enqueue_indirect_dma source(%dma_start3A_880 : memref<1000000x64xi8, #tpu.memory_space<hbm>>) target(%dma_start3A_874 : memref<20x64xi8, #tpu.memory_space<vmem>>) offsets(%dma_start3A_877 : memref<20xi32, #tpu.memory_space<vmem>>) semaphore(%arg7 : memref<!tpu.dma_semaphore, #tpu.memory_space<semaphore_mem>>)
      %dma_start3A_881 = arith.constant 87 : i32
      %dma_start3A_882 = arith.constant 1740 : i32
      %dma_start3A_883 = arith.constant 0 : i32
      %dma_start3A_884 = tpu.memref_slice %arg6[%dma_start3A_882, %dma_start3A_883] : memref<2560x64xi8, #tpu.memory_space<vmem>> -> memref<20x64xi8, #tpu.memory_space<vmem>>
      %dma_start3A_885 = arith.constant 0 : i32
      %dma_start3A_886 = tpu.memref_slice %arg5[%dma_start3A_881, %dma_start3A_885] : memref<128x20xi32, #tpu.memory_space<vmem>> -> memref<1x20xi32, #tpu.memory_space<vmem>>
      %dma_start3A_887 = tpu.memref_squeeze %dma_start3A_886 : memref<1x20xi32, #tpu.memory_space<vmem>> -> memref<20xi32, #tpu.memory_space<vmem>>
      %dma_start3A_888 = arith.constant 0 : i32
      %dma_start3A_889 = arith.constant 0 : i32
      %dma_start3A_890 = tpu.memref_slice %arg3[%dma_start3A_888, %dma_start3A_889] : memref<1000000x64xi8, #tpu.memory_space<hbm>> -> memref<1000000x64xi8, #tpu.memory_space<hbm>>
      tpu.enqueue_indirect_dma source(%dma_start3A_890 : memref<1000000x64xi8, #tpu.memory_space<hbm>>) target(%dma_start3A_884 : memref<20x64xi8, #tpu.memory_space<vmem>>) offsets(%dma_start3A_887 : memref<20xi32, #tpu.memory_space<vmem>>) semaphore(%arg7 : memref<!tpu.dma_semaphore, #tpu.memory_space<semaphore_mem>>)
      %dma_start3A_891 = arith.constant 88 : i32
      %dma_start3A_892 = arith.constant 1760 : i32
      %dma_start3A_893 = arith.constant 0 : i32
      %dma_start3A_894 = tpu.memref_slice %arg6[%dma_start3A_892, %dma_start3A_893] : memref<2560x64xi8, #tpu.memory_space<vmem>> -> memref<20x64xi8, #tpu.memory_space<vmem>>
      %dma_start3A_895 = arith.constant 0 : i32
      %dma_start3A_896 = tpu.memref_slice %arg5[%dma_start3A_891, %dma_start3A_895] : memref<128x20xi32, #tpu.memory_space<vmem>> -> memref<1x20xi32, #tpu.memory_space<vmem>>
      %dma_start3A_897 = tpu.memref_squeeze %dma_start3A_896 : memref<1x20xi32, #tpu.memory_space<vmem>> -> memref<20xi32, #tpu.memory_space<vmem>>
      %dma_start3A_898 = arith.constant 0 : i32
      %dma_start3A_899 = arith.constant 0 : i32
      %dma_start3A_900 = tpu.memref_slice %arg3[%dma_start3A_898, %dma_start3A_899] : memref<1000000x64xi8, #tpu.memory_space<hbm>> -> memref<1000000x64xi8, #tpu.memory_space<hbm>>
      tpu.enqueue_indirect_dma source(%dma_start3A_900 : memref<1000000x64xi8, #tpu.memory_space<hbm>>) target(%dma_start3A_894 : memref<20x64xi8, #tpu.memory_space<vmem>>) offsets(%dma_start3A_897 : memref<20xi32, #tpu.memory_space<vmem>>) semaphore(%arg7 : memref<!tpu.dma_semaphore, #tpu.memory_space<semaphore_mem>>)
      %dma_start3A_901 = arith.constant 89 : i32
      %dma_start3A_902 = arith.constant 1780 : i32
      %dma_start3A_903 = arith.constant 0 : i32
      %dma_start3A_904 = tpu.memref_slice %arg6[%dma_start3A_902, %dma_start3A_903] : memref<2560x64xi8, #tpu.memory_space<vmem>> -> memref<20x64xi8, #tpu.memory_space<vmem>>
      %dma_start3A_905 = arith.constant 0 : i32
      %dma_start3A_906 = tpu.memref_slice %arg5[%dma_start3A_901, %dma_start3A_905] : memref<128x20xi32, #tpu.memory_space<vmem>> -> memref<1x20xi32, #tpu.memory_space<vmem>>
      %dma_start3A_907 = tpu.memref_squeeze %dma_start3A_906 : memref<1x20xi32, #tpu.memory_space<vmem>> -> memref<20xi32, #tpu.memory_space<vmem>>
      %dma_start3A_908 = arith.constant 0 : i32
      %dma_start3A_909 = arith.constant 0 : i32
      %dma_start3A_910 = tpu.memref_slice %arg3[%dma_start3A_908, %dma_start3A_909] : memref<1000000x64xi8, #tpu.memory_space<hbm>> -> memref<1000000x64xi8, #tpu.memory_space<hbm>>
      tpu.enqueue_indirect_dma source(%dma_start3A_910 : memref<1000000x64xi8, #tpu.memory_space<hbm>>) target(%dma_start3A_904 : memref<20x64xi8, #tpu.memory_space<vmem>>) offsets(%dma_start3A_907 : memref<20xi32, #tpu.memory_space<vmem>>) semaphore(%arg7 : memref<!tpu.dma_semaphore, #tpu.memory_space<semaphore_mem>>)
      %dma_start3A_911 = arith.constant 90 : i32
      %dma_start3A_912 = arith.constant 1800 : i32
      %dma_start3A_913 = arith.constant 0 : i32
      %dma_start3A_914 = tpu.memref_slice %arg6[%dma_start3A_912, %dma_start3A_913] : memref<2560x64xi8, #tpu.memory_space<vmem>> -> memref<20x64xi8, #tpu.memory_space<vmem>>
      %dma_start3A_915 = arith.constant 0 : i32
      %dma_start3A_916 = tpu.memref_slice %arg5[%dma_start3A_911, %dma_start3A_915] : memref<128x20xi32, #tpu.memory_space<vmem>> -> memref<1x20xi32, #tpu.memory_space<vmem>>
      %dma_start3A_917 = tpu.memref_squeeze %dma_start3A_916 : memref<1x20xi32, #tpu.memory_space<vmem>> -> memref<20xi32, #tpu.memory_space<vmem>>
      %dma_start3A_918 = arith.constant 0 : i32
      %dma_start3A_919 = arith.constant 0 : i32
      %dma_start3A_920 = tpu.memref_slice %arg3[%dma_start3A_918, %dma_start3A_919] : memref<1000000x64xi8, #tpu.memory_space<hbm>> -> memref<1000000x64xi8, #tpu.memory_space<hbm>>
      tpu.enqueue_indirect_dma source(%dma_start3A_920 : memref<1000000x64xi8, #tpu.memory_space<hbm>>) target(%dma_start3A_914 : memref<20x64xi8, #tpu.memory_space<vmem>>) offsets(%dma_start3A_917 : memref<20xi32, #tpu.memory_space<vmem>>) semaphore(%arg7 : memref<!tpu.dma_semaphore, #tpu.memory_space<semaphore_mem>>)
      %dma_start3A_921 = arith.constant 91 : i32
      %dma_start3A_922 = arith.constant 1820 : i32
      %dma_start3A_923 = arith.constant 0 : i32
      %dma_start3A_924 = tpu.memref_slice %arg6[%dma_start3A_922, %dma_start3A_923] : memref<2560x64xi8, #tpu.memory_space<vmem>> -> memref<20x64xi8, #tpu.memory_space<vmem>>
      %dma_start3A_925 = arith.constant 0 : i32
      %dma_start3A_926 = tpu.memref_slice %arg5[%dma_start3A_921, %dma_start3A_925] : memref<128x20xi32, #tpu.memory_space<vmem>> -> memref<1x20xi32, #tpu.memory_space<vmem>>
      %dma_start3A_927 = tpu.memref_squeeze %dma_start3A_926 : memref<1x20xi32, #tpu.memory_space<vmem>> -> memref<20xi32, #tpu.memory_space<vmem>>
      %dma_start3A_928 = arith.constant 0 : i32
      %dma_start3A_929 = arith.constant 0 : i32
      %dma_start3A_930 = tpu.memref_slice %arg3[%dma_start3A_928, %dma_start3A_929] : memref<1000000x64xi8, #tpu.memory_space<hbm>> -> memref<1000000x64xi8, #tpu.memory_space<hbm>>
      tpu.enqueue_indirect_dma source(%dma_start3A_930 : memref<1000000x64xi8, #tpu.memory_space<hbm>>) target(%dma_start3A_924 : memref<20x64xi8, #tpu.memory_space<vmem>>) offsets(%dma_start3A_927 : memref<20xi32, #tpu.memory_space<vmem>>) semaphore(%arg7 : memref<!tpu.dma_semaphore, #tpu.memory_space<semaphore_mem>>)
      %dma_start3A_931 = arith.constant 92 : i32
      %dma_start3A_932 = arith.constant 1840 : i32
      %dma_start3A_933 = arith.constant 0 : i32
      %dma_start3A_934 = tpu.memref_slice %arg6[%dma_start3A_932, %dma_start3A_933] : memref<2560x64xi8, #tpu.memory_space<vmem>> -> memref<20x64xi8, #tpu.memory_space<vmem>>
      %dma_start3A_935 = arith.constant 0 : i32
      %dma_start3A_936 = tpu.memref_slice %arg5[%dma_start3A_931, %dma_start3A_935] : memref<128x20xi32, #tpu.memory_space<vmem>> -> memref<1x20xi32, #tpu.memory_space<vmem>>
      %dma_start3A_937 = tpu.memref_squeeze %dma_start3A_936 : memref<1x20xi32, #tpu.memory_space<vmem>> -> memref<20xi32, #tpu.memory_space<vmem>>
      %dma_start3A_938 = arith.constant 0 : i32
      %dma_start3A_939 = arith.constant 0 : i32
      %dma_start3A_940 = tpu.memref_slice %arg3[%dma_start3A_938, %dma_start3A_939] : memref<1000000x64xi8, #tpu.memory_space<hbm>> -> memref<1000000x64xi8, #tpu.memory_space<hbm>>
      tpu.enqueue_indirect_dma source(%dma_start3A_940 : memref<1000000x64xi8, #tpu.memory_space<hbm>>) target(%dma_start3A_934 : memref<20x64xi8, #tpu.memory_space<vmem>>) offsets(%dma_start3A_937 : memref<20xi32, #tpu.memory_space<vmem>>) semaphore(%arg7 : memref<!tpu.dma_semaphore, #tpu.memory_space<semaphore_mem>>)
      %dma_start3A_941 = arith.constant 93 : i32
      %dma_start3A_942 = arith.constant 1860 : i32
      %dma_start3A_943 = arith.constant 0 : i32
      %dma_start3A_944 = tpu.memref_slice %arg6[%dma_start3A_942, %dma_start3A_943] : memref<2560x64xi8, #tpu.memory_space<vmem>> -> memref<20x64xi8, #tpu.memory_space<vmem>>
      %dma_start3A_945 = arith.constant 0 : i32
      %dma_start3A_946 = tpu.memref_slice %arg5[%dma_start3A_941, %dma_start3A_945] : memref<128x20xi32, #tpu.memory_space<vmem>> -> memref<1x20xi32, #tpu.memory_space<vmem>>
      %dma_start3A_947 = tpu.memref_squeeze %dma_start3A_946 : memref<1x20xi32, #tpu.memory_space<vmem>> -> memref<20xi32, #tpu.memory_space<vmem>>
      %dma_start3A_948 = arith.constant 0 : i32
      %dma_start3A_949 = arith.constant 0 : i32
      %dma_start3A_950 = tpu.memref_slice %arg3[%dma_start3A_948, %dma_start3A_949] : memref<1000000x64xi8, #tpu.memory_space<hbm>> -> memref<1000000x64xi8, #tpu.memory_space<hbm>>
      tpu.enqueue_indirect_dma source(%dma_start3A_950 : memref<1000000x64xi8, #tpu.memory_space<hbm>>) target(%dma_start3A_944 : memref<20x64xi8, #tpu.memory_space<vmem>>) offsets(%dma_start3A_947 : memref<20xi32, #tpu.memory_space<vmem>>) semaphore(%arg7 : memref<!tpu.dma_semaphore, #tpu.memory_space<semaphore_mem>>)
      %dma_start3A_951 = arith.constant 94 : i32
      %dma_start3A_952 = arith.constant 1880 : i32
      %dma_start3A_953 = arith.constant 0 : i32
      %dma_start3A_954 = tpu.memref_slice %arg6[%dma_start3A_952, %dma_start3A_953] : memref<2560x64xi8, #tpu.memory_space<vmem>> -> memref<20x64xi8, #tpu.memory_space<vmem>>
      %dma_start3A_955 = arith.constant 0 : i32
      %dma_start3A_956 = tpu.memref_slice %arg5[%dma_start3A_951, %dma_start3A_955] : memref<128x20xi32, #tpu.memory_space<vmem>> -> memref<1x20xi32, #tpu.memory_space<vmem>>
      %dma_start3A_957 = tpu.memref_squeeze %dma_start3A_956 : memref<1x20xi32, #tpu.memory_space<vmem>> -> memref<20xi32, #tpu.memory_space<vmem>>
      %dma_start3A_958 = arith.constant 0 : i32
      %dma_start3A_959 = arith.constant 0 : i32
      %dma_start3A_960 = tpu.memref_slice %arg3[%dma_start3A_958, %dma_start3A_959] : memref<1000000x64xi8, #tpu.memory_space<hbm>> -> memref<1000000x64xi8, #tpu.memory_space<hbm>>
      tpu.enqueue_indirect_dma source(%dma_start3A_960 : memref<1000000x64xi8, #tpu.memory_space<hbm>>) target(%dma_start3A_954 : memref<20x64xi8, #tpu.memory_space<vmem>>) offsets(%dma_start3A_957 : memref<20xi32, #tpu.memory_space<vmem>>) semaphore(%arg7 : memref<!tpu.dma_semaphore, #tpu.memory_space<semaphore_mem>>)
      %dma_start3A_961 = arith.constant 95 : i32
      %dma_start3A_962 = arith.constant 1900 : i32
      %dma_start3A_963 = arith.constant 0 : i32
      %dma_start3A_964 = tpu.memref_slice %arg6[%dma_start3A_962, %dma_start3A_963] : memref<2560x64xi8, #tpu.memory_space<vmem>> -> memref<20x64xi8, #tpu.memory_space<vmem>>
      %dma_start3A_965 = arith.constant 0 : i32
      %dma_start3A_966 = tpu.memref_slice %arg5[%dma_start3A_961, %dma_start3A_965] : memref<128x20xi32, #tpu.memory_space<vmem>> -> memref<1x20xi32, #tpu.memory_space<vmem>>
      %dma_start3A_967 = tpu.memref_squeeze %dma_start3A_966 : memref<1x20xi32, #tpu.memory_space<vmem>> -> memref<20xi32, #tpu.memory_space<vmem>>
      %dma_start3A_968 = arith.constant 0 : i32
      %dma_start3A_969 = arith.constant 0 : i32
      %dma_start3A_970 = tpu.memref_slice %arg3[%dma_start3A_968, %dma_start3A_969] : memref<1000000x64xi8, #tpu.memory_space<hbm>> -> memref<1000000x64xi8, #tpu.memory_space<hbm>>
      tpu.enqueue_indirect_dma source(%dma_start3A_970 : memref<1000000x64xi8, #tpu.memory_space<hbm>>) target(%dma_start3A_964 : memref<20x64xi8, #tpu.memory_space<vmem>>) offsets(%dma_start3A_967 : memref<20xi32, #tpu.memory_space<vmem>>) semaphore(%arg7 : memref<!tpu.dma_semaphore, #tpu.memory_space<semaphore_mem>>)
      %dma_start3A_971 = arith.constant 96 : i32
      %dma_start3A_972 = arith.constant 1920 : i32
      %dma_start3A_973 = arith.constant 0 : i32
      %dma_start3A_974 = tpu.memref_slice %arg6[%dma_start3A_972, %dma_start3A_973] : memref<2560x64xi8, #tpu.memory_space<vmem>> -> memref<20x64xi8, #tpu.memory_space<vmem>>
      %dma_start3A_975 = arith.constant 0 : i32
      %dma_start3A_976 = tpu.memref_slice %arg5[%dma_start3A_971, %dma_start3A_975] : memref<128x20xi32, #tpu.memory_space<vmem>> -> memref<1x20xi32, #tpu.memory_space<vmem>>
      %dma_start3A_977 = tpu.memref_squeeze %dma_start3A_976 : memref<1x20xi32, #tpu.memory_space<vmem>> -> memref<20xi32, #tpu.memory_space<vmem>>
      %dma_start3A_978 = arith.constant 0 : i32
      %dma_start3A_979 = arith.constant 0 : i32
      %dma_start3A_980 = tpu.memref_slice %arg3[%dma_start3A_978, %dma_start3A_979] : memref<1000000x64xi8, #tpu.memory_space<hbm>> -> memref<1000000x64xi8, #tpu.memory_space<hbm>>
      tpu.enqueue_indirect_dma source(%dma_start3A_980 : memref<1000000x64xi8, #tpu.memory_space<hbm>>) target(%dma_start3A_974 : memref<20x64xi8, #tpu.memory_space<vmem>>) offsets(%dma_start3A_977 : memref<20xi32, #tpu.memory_space<vmem>>) semaphore(%arg7 : memref<!tpu.dma_semaphore, #tpu.memory_space<semaphore_mem>>)
      %dma_start3A_981 = arith.constant 97 : i32
      %dma_start3A_982 = arith.constant 1940 : i32
      %dma_start3A_983 = arith.constant 0 : i32
      %dma_start3A_984 = tpu.memref_slice %arg6[%dma_start3A_982, %dma_start3A_983] : memref<2560x64xi8, #tpu.memory_space<vmem>> -> memref<20x64xi8, #tpu.memory_space<vmem>>
      %dma_start3A_985 = arith.constant 0 : i32
      %dma_start3A_986 = tpu.memref_slice %arg5[%dma_start3A_981, %dma_start3A_985] : memref<128x20xi32, #tpu.memory_space<vmem>> -> memref<1x20xi32, #tpu.memory_space<vmem>>
      %dma_start3A_987 = tpu.memref_squeeze %dma_start3A_986 : memref<1x20xi32, #tpu.memory_space<vmem>> -> memref<20xi32, #tpu.memory_space<vmem>>
      %dma_start3A_988 = arith.constant 0 : i32
      %dma_start3A_989 = arith.constant 0 : i32
      %dma_start3A_990 = tpu.memref_slice %arg3[%dma_start3A_988, %dma_start3A_989] : memref<1000000x64xi8, #tpu.memory_space<hbm>> -> memref<1000000x64xi8, #tpu.memory_space<hbm>>
      tpu.enqueue_indirect_dma source(%dma_start3A_990 : memref<1000000x64xi8, #tpu.memory_space<hbm>>) target(%dma_start3A_984 : memref<20x64xi8, #tpu.memory_space<vmem>>) offsets(%dma_start3A_987 : memref<20xi32, #tpu.memory_space<vmem>>) semaphore(%arg7 : memref<!tpu.dma_semaphore, #tpu.memory_space<semaphore_mem>>)
      %dma_start3A_991 = arith.constant 98 : i32
      %dma_start3A_992 = arith.constant 1960 : i32
      %dma_start3A_993 = arith.constant 0 : i32
      %dma_start3A_994 = tpu.memref_slice %arg6[%dma_start3A_992, %dma_start3A_993] : memref<2560x64xi8, #tpu.memory_space<vmem>> -> memref<20x64xi8, #tpu.memory_space<vmem>>
      %dma_start3A_995 = arith.constant 0 : i32
      %dma_start3A_996 = tpu.memref_slice %arg5[%dma_start3A_991, %dma_start3A_995] : memref<128x20xi32, #tpu.memory_space<vmem>> -> memref<1x20xi32, #tpu.memory_space<vmem>>
      %dma_start3A_997 = tpu.memref_squeeze %dma_start3A_996 : memref<1x20xi32, #tpu.memory_space<vmem>> -> memref<20xi32, #tpu.memory_space<vmem>>
      %dma_start3A_998 = arith.constant 0 : i32
      %dma_start3A_999 = arith.constant 0 : i32
      %dma_start3A_1000 = tpu.memref_slice %arg3[%dma_start3A_998, %dma_start3A_999] : memref<1000000x64xi8, #tpu.memory_space<hbm>> -> memref<1000000x64xi8, #tpu.memory_space<hbm>>
      tpu.enqueue_indirect_dma source(%dma_start3A_1000 : memref<1000000x64xi8, #tpu.memory_space<hbm>>) target(%dma_start3A_994 : memref<20x64xi8, #tpu.memory_space<vmem>>) offsets(%dma_start3A_997 : memref<20xi32, #tpu.memory_space<vmem>>) semaphore(%arg7 : memref<!tpu.dma_semaphore, #tpu.memory_space<semaphore_mem>>)
      %dma_start3A_1001 = arith.constant 99 : i32
      %dma_start3A_1002 = arith.constant 1980 : i32
      %dma_start3A_1003 = arith.constant 0 : i32
      %dma_start3A_1004 = tpu.memref_slice %arg6[%dma_start3A_1002, %dma_start3A_1003] : memref<2560x64xi8, #tpu.memory_space<vmem>> -> memref<20x64xi8, #tpu.memory_space<vmem>>
      %dma_start3A_1005 = arith.constant 0 : i32
      %dma_start3A_1006 = tpu.memref_slice %arg5[%dma_start3A_1001, %dma_start3A_1005] : memref<128x20xi32, #tpu.memory_space<vmem>> -> memref<1x20xi32, #tpu.memory_space<vmem>>
      %dma_start3A_1007 = tpu.memref_squeeze %dma_start3A_1006 : memref<1x20xi32, #tpu.memory_space<vmem>> -> memref<20xi32, #tpu.memory_space<vmem>>
      %dma_start3A_1008 = arith.constant 0 : i32
      %dma_start3A_1009 = arith.constant 0 : i32
      %dma_start3A_1010 = tpu.memref_slice %arg3[%dma_start3A_1008, %dma_start3A_1009] : memref<1000000x64xi8, #tpu.memory_space<hbm>> -> memref<1000000x64xi8, #tpu.memory_space<hbm>>
      tpu.enqueue_indirect_dma source(%dma_start3A_1010 : memref<1000000x64xi8, #tpu.memory_space<hbm>>) target(%dma_start3A_1004 : memref<20x64xi8, #tpu.memory_space<vmem>>) offsets(%dma_start3A_1007 : memref<20xi32, #tpu.memory_space<vmem>>) semaphore(%arg7 : memref<!tpu.dma_semaphore, #tpu.memory_space<semaphore_mem>>)
      %dma_start3A_1011 = arith.constant 100 : i32
      %dma_start3A_1012 = arith.constant 2000 : i32
      %dma_start3A_1013 = arith.constant 0 : i32
      %dma_start3A_1014 = tpu.memref_slice %arg6[%dma_start3A_1012, %dma_start3A_1013] : memref<2560x64xi8, #tpu.memory_space<vmem>> -> memref<20x64xi8, #tpu.memory_space<vmem>>
      %dma_start3A_1015 = arith.constant 0 : i32
      %dma_start3A_1016 = tpu.memref_slice %arg5[%dma_start3A_1011, %dma_start3A_1015] : memref<128x20xi32, #tpu.memory_space<vmem>> -> memref<1x20xi32, #tpu.memory_space<vmem>>
      %dma_start3A_1017 = tpu.memref_squeeze %dma_start3A_1016 : memref<1x20xi32, #tpu.memory_space<vmem>> -> memref<20xi32, #tpu.memory_space<vmem>>
      %dma_start3A_1018 = arith.constant 0 : i32
      %dma_start3A_1019 = arith.constant 0 : i32
      %dma_start3A_1020 = tpu.memref_slice %arg3[%dma_start3A_1018, %dma_start3A_1019] : memref<1000000x64xi8, #tpu.memory_space<hbm>> -> memref<1000000x64xi8, #tpu.memory_space<hbm>>
      tpu.enqueue_indirect_dma source(%dma_start3A_1020 : memref<1000000x64xi8, #tpu.memory_space<hbm>>) target(%dma_start3A_1014 : memref<20x64xi8, #tpu.memory_space<vmem>>) offsets(%dma_start3A_1017 : memref<20xi32, #tpu.memory_space<vmem>>) semaphore(%arg7 : memref<!tpu.dma_semaphore, #tpu.memory_space<semaphore_mem>>)
      %dma_start3A_1021 = arith.constant 101 : i32
      %dma_start3A_1022 = arith.constant 2020 : i32
      %dma_start3A_1023 = arith.constant 0 : i32
      %dma_start3A_1024 = tpu.memref_slice %arg6[%dma_start3A_1022, %dma_start3A_1023] : memref<2560x64xi8, #tpu.memory_space<vmem>> -> memref<20x64xi8, #tpu.memory_space<vmem>>
      %dma_start3A_1025 = arith.constant 0 : i32
      %dma_start3A_1026 = tpu.memref_slice %arg5[%dma_start3A_1021, %dma_start3A_1025] : memref<128x20xi32, #tpu.memory_space<vmem>> -> memref<1x20xi32, #tpu.memory_space<vmem>>
      %dma_start3A_1027 = tpu.memref_squeeze %dma_start3A_1026 : memref<1x20xi32, #tpu.memory_space<vmem>> -> memref<20xi32, #tpu.memory_space<vmem>>
      %dma_start3A_1028 = arith.constant 0 : i32
      %dma_start3A_1029 = arith.constant 0 : i32
      %dma_start3A_1030 = tpu.memref_slice %arg3[%dma_start3A_1028, %dma_start3A_1029] : memref<1000000x64xi8, #tpu.memory_space<hbm>> -> memref<1000000x64xi8, #tpu.memory_space<hbm>>
      tpu.enqueue_indirect_dma source(%dma_start3A_1030 : memref<1000000x64xi8, #tpu.memory_space<hbm>>) target(%dma_start3A_1024 : memref<20x64xi8, #tpu.memory_space<vmem>>) offsets(%dma_start3A_1027 : memref<20xi32, #tpu.memory_space<vmem>>) semaphore(%arg7 : memref<!tpu.dma_semaphore, #tpu.memory_space<semaphore_mem>>)
      %dma_start3A_1031 = arith.constant 102 : i32
      %dma_start3A_1032 = arith.constant 2040 : i32
      %dma_start3A_1033 = arith.constant 0 : i32
      %dma_start3A_1034 = tpu.memref_slice %arg6[%dma_start3A_1032, %dma_start3A_1033] : memref<2560x64xi8, #tpu.memory_space<vmem>> -> memref<20x64xi8, #tpu.memory_space<vmem>>
      %dma_start3A_1035 = arith.constant 0 : i32
      %dma_start3A_1036 = tpu.memref_slice %arg5[%dma_start3A_1031, %dma_start3A_1035] : memref<128x20xi32, #tpu.memory_space<vmem>> -> memref<1x20xi32, #tpu.memory_space<vmem>>
      %dma_start3A_1037 = tpu.memref_squeeze %dma_start3A_1036 : memref<1x20xi32, #tpu.memory_space<vmem>> -> memref<20xi32, #tpu.memory_space<vmem>>
      %dma_start3A_1038 = arith.constant 0 : i32
      %dma_start3A_1039 = arith.constant 0 : i32
      %dma_start3A_1040 = tpu.memref_slice %arg3[%dma_start3A_1038, %dma_start3A_1039] : memref<1000000x64xi8, #tpu.memory_space<hbm>> -> memref<1000000x64xi8, #tpu.memory_space<hbm>>
      tpu.enqueue_indirect_dma source(%dma_start3A_1040 : memref<1000000x64xi8, #tpu.memory_space<hbm>>) target(%dma_start3A_1034 : memref<20x64xi8, #tpu.memory_space<vmem>>) offsets(%dma_start3A_1037 : memref<20xi32, #tpu.memory_space<vmem>>) semaphore(%arg7 : memref<!tpu.dma_semaphore, #tpu.memory_space<semaphore_mem>>)
      %dma_start3A_1041 = arith.constant 103 : i32
      %dma_start3A_1042 = arith.constant 2060 : i32
      %dma_start3A_1043 = arith.constant 0 : i32
      %dma_start3A_1044 = tpu.memref_slice %arg6[%dma_start3A_1042, %dma_start3A_1043] : memref<2560x64xi8, #tpu.memory_space<vmem>> -> memref<20x64xi8, #tpu.memory_space<vmem>>
      %dma_start3A_1045 = arith.constant 0 : i32
      %dma_start3A_1046 = tpu.memref_slice %arg5[%dma_start3A_1041, %dma_start3A_1045] : memref<128x20xi32, #tpu.memory_space<vmem>> -> memref<1x20xi32, #tpu.memory_space<vmem>>
      %dma_start3A_1047 = tpu.memref_squeeze %dma_start3A_1046 : memref<1x20xi32, #tpu.memory_space<vmem>> -> memref<20xi32, #tpu.memory_space<vmem>>
      %dma_start3A_1048 = arith.constant 0 : i32
      %dma_start3A_1049 = arith.constant 0 : i32
      %dma_start3A_1050 = tpu.memref_slice %arg3[%dma_start3A_1048, %dma_start3A_1049] : memref<1000000x64xi8, #tpu.memory_space<hbm>> -> memref<1000000x64xi8, #tpu.memory_space<hbm>>
      tpu.enqueue_indirect_dma source(%dma_start3A_1050 : memref<1000000x64xi8, #tpu.memory_space<hbm>>) target(%dma_start3A_1044 : memref<20x64xi8, #tpu.memory_space<vmem>>) offsets(%dma_start3A_1047 : memref<20xi32, #tpu.memory_space<vmem>>) semaphore(%arg7 : memref<!tpu.dma_semaphore, #tpu.memory_space<semaphore_mem>>)
      %dma_start3A_1051 = arith.constant 104 : i32
      %dma_start3A_1052 = arith.constant 2080 : i32
      %dma_start3A_1053 = arith.constant 0 : i32
      %dma_start3A_1054 = tpu.memref_slice %arg6[%dma_start3A_1052, %dma_start3A_1053] : memref<2560x64xi8, #tpu.memory_space<vmem>> -> memref<20x64xi8, #tpu.memory_space<vmem>>
      %dma_start3A_1055 = arith.constant 0 : i32
      %dma_start3A_1056 = tpu.memref_slice %arg5[%dma_start3A_1051, %dma_start3A_1055] : memref<128x20xi32, #tpu.memory_space<vmem>> -> memref<1x20xi32, #tpu.memory_space<vmem>>
      %dma_start3A_1057 = tpu.memref_squeeze %dma_start3A_1056 : memref<1x20xi32, #tpu.memory_space<vmem>> -> memref<20xi32, #tpu.memory_space<vmem>>
      %dma_start3A_1058 = arith.constant 0 : i32
      %dma_start3A_1059 = arith.constant 0 : i32
      %dma_start3A_1060 = tpu.memref_slice %arg3[%dma_start3A_1058, %dma_start3A_1059] : memref<1000000x64xi8, #tpu.memory_space<hbm>> -> memref<1000000x64xi8, #tpu.memory_space<hbm>>
      tpu.enqueue_indirect_dma source(%dma_start3A_1060 : memref<1000000x64xi8, #tpu.memory_space<hbm>>) target(%dma_start3A_1054 : memref<20x64xi8, #tpu.memory_space<vmem>>) offsets(%dma_start3A_1057 : memref<20xi32, #tpu.memory_space<vmem>>) semaphore(%arg7 : memref<!tpu.dma_semaphore, #tpu.memory_space<semaphore_mem>>)
      %dma_start3A_1061 = arith.constant 105 : i32
      %dma_start3A_1062 = arith.constant 2100 : i32
      %dma_start3A_1063 = arith.constant 0 : i32
      %dma_start3A_1064 = tpu.memref_slice %arg6[%dma_start3A_1062, %dma_start3A_1063] : memref<2560x64xi8, #tpu.memory_space<vmem>> -> memref<20x64xi8, #tpu.memory_space<vmem>>
      %dma_start3A_1065 = arith.constant 0 : i32
      %dma_start3A_1066 = tpu.memref_slice %arg5[%dma_start3A_1061, %dma_start3A_1065] : memref<128x20xi32, #tpu.memory_space<vmem>> -> memref<1x20xi32, #tpu.memory_space<vmem>>
      %dma_start3A_1067 = tpu.memref_squeeze %dma_start3A_1066 : memref<1x20xi32, #tpu.memory_space<vmem>> -> memref<20xi32, #tpu.memory_space<vmem>>
      %dma_start3A_1068 = arith.constant 0 : i32
      %dma_start3A_1069 = arith.constant 0 : i32
      %dma_start3A_1070 = tpu.memref_slice %arg3[%dma_start3A_1068, %dma_start3A_1069] : memref<1000000x64xi8, #tpu.memory_space<hbm>> -> memref<1000000x64xi8, #tpu.memory_space<hbm>>
      tpu.enqueue_indirect_dma source(%dma_start3A_1070 : memref<1000000x64xi8, #tpu.memory_space<hbm>>) target(%dma_start3A_1064 : memref<20x64xi8, #tpu.memory_space<vmem>>) offsets(%dma_start3A_1067 : memref<20xi32, #tpu.memory_space<vmem>>) semaphore(%arg7 : memref<!tpu.dma_semaphore, #tpu.memory_space<semaphore_mem>>)
      %dma_start3A_1071 = arith.constant 106 : i32
      %dma_start3A_1072 = arith.constant 2120 : i32
      %dma_start3A_1073 = arith.constant 0 : i32
      %dma_start3A_1074 = tpu.memref_slice %arg6[%dma_start3A_1072, %dma_start3A_1073] : memref<2560x64xi8, #tpu.memory_space<vmem>> -> memref<20x64xi8, #tpu.memory_space<vmem>>
      %dma_start3A_1075 = arith.constant 0 : i32
      %dma_start3A_1076 = tpu.memref_slice %arg5[%dma_start3A_1071, %dma_start3A_1075] : memref<128x20xi32, #tpu.memory_space<vmem>> -> memref<1x20xi32, #tpu.memory_space<vmem>>
      %dma_start3A_1077 = tpu.memref_squeeze %dma_start3A_1076 : memref<1x20xi32, #tpu.memory_space<vmem>> -> memref<20xi32, #tpu.memory_space<vmem>>
      %dma_start3A_1078 = arith.constant 0 : i32
      %dma_start3A_1079 = arith.constant 0 : i32
      %dma_start3A_1080 = tpu.memref_slice %arg3[%dma_start3A_1078, %dma_start3A_1079] : memref<1000000x64xi8, #tpu.memory_space<hbm>> -> memref<1000000x64xi8, #tpu.memory_space<hbm>>
      tpu.enqueue_indirect_dma source(%dma_start3A_1080 : memref<1000000x64xi8, #tpu.memory_space<hbm>>) target(%dma_start3A_1074 : memref<20x64xi8, #tpu.memory_space<vmem>>) offsets(%dma_start3A_1077 : memref<20xi32, #tpu.memory_space<vmem>>) semaphore(%arg7 : memref<!tpu.dma_semaphore, #tpu.memory_space<semaphore_mem>>)
      %dma_start3A_1081 = arith.constant 107 : i32
      %dma_start3A_1082 = arith.constant 2140 : i32
      %dma_start3A_1083 = arith.constant 0 : i32
      %dma_start3A_1084 = tpu.memref_slice %arg6[%dma_start3A_1082, %dma_start3A_1083] : memref<2560x64xi8, #tpu.memory_space<vmem>> -> memref<20x64xi8, #tpu.memory_space<vmem>>
      %dma_start3A_1085 = arith.constant 0 : i32
      %dma_start3A_1086 = tpu.memref_slice %arg5[%dma_start3A_1081, %dma_start3A_1085] : memref<128x20xi32, #tpu.memory_space<vmem>> -> memref<1x20xi32, #tpu.memory_space<vmem>>
      %dma_start3A_1087 = tpu.memref_squeeze %dma_start3A_1086 : memref<1x20xi32, #tpu.memory_space<vmem>> -> memref<20xi32, #tpu.memory_space<vmem>>
      %dma_start3A_1088 = arith.constant 0 : i32
      %dma_start3A_1089 = arith.constant 0 : i32
      %dma_start3A_1090 = tpu.memref_slice %arg3[%dma_start3A_1088, %dma_start3A_1089] : memref<1000000x64xi8, #tpu.memory_space<hbm>> -> memref<1000000x64xi8, #tpu.memory_space<hbm>>
      tpu.enqueue_indirect_dma source(%dma_start3A_1090 : memref<1000000x64xi8, #tpu.memory_space<hbm>>) target(%dma_start3A_1084 : memref<20x64xi8, #tpu.memory_space<vmem>>) offsets(%dma_start3A_1087 : memref<20xi32, #tpu.memory_space<vmem>>) semaphore(%arg7 : memref<!tpu.dma_semaphore, #tpu.memory_space<semaphore_mem>>)
      %dma_start3A_1091 = arith.constant 108 : i32
      %dma_start3A_1092 = arith.constant 2160 : i32
      %dma_start3A_1093 = arith.constant 0 : i32
      %dma_start3A_1094 = tpu.memref_slice %arg6[%dma_start3A_1092, %dma_start3A_1093] : memref<2560x64xi8, #tpu.memory_space<vmem>> -> memref<20x64xi8, #tpu.memory_space<vmem>>
      %dma_start3A_1095 = arith.constant 0 : i32
      %dma_start3A_1096 = tpu.memref_slice %arg5[%dma_start3A_1091, %dma_start3A_1095] : memref<128x20xi32, #tpu.memory_space<vmem>> -> memref<1x20xi32, #tpu.memory_space<vmem>>
      %dma_start3A_1097 = tpu.memref_squeeze %dma_start3A_1096 : memref<1x20xi32, #tpu.memory_space<vmem>> -> memref<20xi32, #tpu.memory_space<vmem>>
      %dma_start3A_1098 = arith.constant 0 : i32
      %dma_start3A_1099 = arith.constant 0 : i32
      %dma_start3A_1100 = tpu.memref_slice %arg3[%dma_start3A_1098, %dma_start3A_1099] : memref<1000000x64xi8, #tpu.memory_space<hbm>> -> memref<1000000x64xi8, #tpu.memory_space<hbm>>
      tpu.enqueue_indirect_dma source(%dma_start3A_1100 : memref<1000000x64xi8, #tpu.memory_space<hbm>>) target(%dma_start3A_1094 : memref<20x64xi8, #tpu.memory_space<vmem>>) offsets(%dma_start3A_1097 : memref<20xi32, #tpu.memory_space<vmem>>) semaphore(%arg7 : memref<!tpu.dma_semaphore, #tpu.memory_space<semaphore_mem>>)
      %dma_start3A_1101 = arith.constant 109 : i32
      %dma_start3A_1102 = arith.constant 2180 : i32
      %dma_start3A_1103 = arith.constant 0 : i32
      %dma_start3A_1104 = tpu.memref_slice %arg6[%dma_start3A_1102, %dma_start3A_1103] : memref<2560x64xi8, #tpu.memory_space<vmem>> -> memref<20x64xi8, #tpu.memory_space<vmem>>
      %dma_start3A_1105 = arith.constant 0 : i32
      %dma_start3A_1106 = tpu.memref_slice %arg5[%dma_start3A_1101, %dma_start3A_1105] : memref<128x20xi32, #tpu.memory_space<vmem>> -> memref<1x20xi32, #tpu.memory_space<vmem>>
      %dma_start3A_1107 = tpu.memref_squeeze %dma_start3A_1106 : memref<1x20xi32, #tpu.memory_space<vmem>> -> memref<20xi32, #tpu.memory_space<vmem>>
      %dma_start3A_1108 = arith.constant 0 : i32
      %dma_start3A_1109 = arith.constant 0 : i32
      %dma_start3A_1110 = tpu.memref_slice %arg3[%dma_start3A_1108, %dma_start3A_1109] : memref<1000000x64xi8, #tpu.memory_space<hbm>> -> memref<1000000x64xi8, #tpu.memory_space<hbm>>
      tpu.enqueue_indirect_dma source(%dma_start3A_1110 : memref<1000000x64xi8, #tpu.memory_space<hbm>>) target(%dma_start3A_1104 : memref<20x64xi8, #tpu.memory_space<vmem>>) offsets(%dma_start3A_1107 : memref<20xi32, #tpu.memory_space<vmem>>) semaphore(%arg7 : memref<!tpu.dma_semaphore, #tpu.memory_space<semaphore_mem>>)
      %dma_start3A_1111 = arith.constant 110 : i32
      %dma_start3A_1112 = arith.constant 2200 : i32
      %dma_start3A_1113 = arith.constant 0 : i32
      %dma_start3A_1114 = tpu.memref_slice %arg6[%dma_start3A_1112, %dma_start3A_1113] : memref<2560x64xi8, #tpu.memory_space<vmem>> -> memref<20x64xi8, #tpu.memory_space<vmem>>
      %dma_start3A_1115 = arith.constant 0 : i32
      %dma_start3A_1116 = tpu.memref_slice %arg5[%dma_start3A_1111, %dma_start3A_1115] : memref<128x20xi32, #tpu.memory_space<vmem>> -> memref<1x20xi32, #tpu.memory_space<vmem>>
      %dma_start3A_1117 = tpu.memref_squeeze %dma_start3A_1116 : memref<1x20xi32, #tpu.memory_space<vmem>> -> memref<20xi32, #tpu.memory_space<vmem>>
      %dma_start3A_1118 = arith.constant 0 : i32
      %dma_start3A_1119 = arith.constant 0 : i32
      %dma_start3A_1120 = tpu.memref_slice %arg3[%dma_start3A_1118, %dma_start3A_1119] : memref<1000000x64xi8, #tpu.memory_space<hbm>> -> memref<1000000x64xi8, #tpu.memory_space<hbm>>
      tpu.enqueue_indirect_dma source(%dma_start3A_1120 : memref<1000000x64xi8, #tpu.memory_space<hbm>>) target(%dma_start3A_1114 : memref<20x64xi8, #tpu.memory_space<vmem>>) offsets(%dma_start3A_1117 : memref<20xi32, #tpu.memory_space<vmem>>) semaphore(%arg7 : memref<!tpu.dma_semaphore, #tpu.memory_space<semaphore_mem>>)
      %dma_start3A_1121 = arith.constant 111 : i32
      %dma_start3A_1122 = arith.constant 2220 : i32
      %dma_start3A_1123 = arith.constant 0 : i32
      %dma_start3A_1124 = tpu.memref_slice %arg6[%dma_start3A_1122, %dma_start3A_1123] : memref<2560x64xi8, #tpu.memory_space<vmem>> -> memref<20x64xi8, #tpu.memory_space<vmem>>
      %dma_start3A_1125 = arith.constant 0 : i32
      %dma_start3A_1126 = tpu.memref_slice %arg5[%dma_start3A_1121, %dma_start3A_1125] : memref<128x20xi32, #tpu.memory_space<vmem>> -> memref<1x20xi32, #tpu.memory_space<vmem>>
      %dma_start3A_1127 = tpu.memref_squeeze %dma_start3A_1126 : memref<1x20xi32, #tpu.memory_space<vmem>> -> memref<20xi32, #tpu.memory_space<vmem>>
      %dma_start3A_1128 = arith.constant 0 : i32
      %dma_start3A_1129 = arith.constant 0 : i32
      %dma_start3A_1130 = tpu.memref_slice %arg3[%dma_start3A_1128, %dma_start3A_1129] : memref<1000000x64xi8, #tpu.memory_space<hbm>> -> memref<1000000x64xi8, #tpu.memory_space<hbm>>
      tpu.enqueue_indirect_dma source(%dma_start3A_1130 : memref<1000000x64xi8, #tpu.memory_space<hbm>>) target(%dma_start3A_1124 : memref<20x64xi8, #tpu.memory_space<vmem>>) offsets(%dma_start3A_1127 : memref<20xi32, #tpu.memory_space<vmem>>) semaphore(%arg7 : memref<!tpu.dma_semaphore, #tpu.memory_space<semaphore_mem>>)
      %dma_start3A_1131 = arith.constant 112 : i32
      %dma_start3A_1132 = arith.constant 2240 : i32
      %dma_start3A_1133 = arith.constant 0 : i32
      %dma_start3A_1134 = tpu.memref_slice %arg6[%dma_start3A_1132, %dma_start3A_1133] : memref<2560x64xi8, #tpu.memory_space<vmem>> -> memref<20x64xi8, #tpu.memory_space<vmem>>
      %dma_start3A_1135 = arith.constant 0 : i32
      %dma_start3A_1136 = tpu.memref_slice %arg5[%dma_start3A_1131, %dma_start3A_1135] : memref<128x20xi32, #tpu.memory_space<vmem>> -> memref<1x20xi32, #tpu.memory_space<vmem>>
      %dma_start3A_1137 = tpu.memref_squeeze %dma_start3A_1136 : memref<1x20xi32, #tpu.memory_space<vmem>> -> memref<20xi32, #tpu.memory_space<vmem>>
      %dma_start3A_1138 = arith.constant 0 : i32
      %dma_start3A_1139 = arith.constant 0 : i32
      %dma_start3A_1140 = tpu.memref_slice %arg3[%dma_start3A_1138, %dma_start3A_1139] : memref<1000000x64xi8, #tpu.memory_space<hbm>> -> memref<1000000x64xi8, #tpu.memory_space<hbm>>
      tpu.enqueue_indirect_dma source(%dma_start3A_1140 : memref<1000000x64xi8, #tpu.memory_space<hbm>>) target(%dma_start3A_1134 : memref<20x64xi8, #tpu.memory_space<vmem>>) offsets(%dma_start3A_1137 : memref<20xi32, #tpu.memory_space<vmem>>) semaphore(%arg7 : memref<!tpu.dma_semaphore, #tpu.memory_space<semaphore_mem>>)
      %dma_start3A_1141 = arith.constant 113 : i32
      %dma_start3A_1142 = arith.constant 2260 : i32
      %dma_start3A_1143 = arith.constant 0 : i32
      %dma_start3A_1144 = tpu.memref_slice %arg6[%dma_start3A_1142, %dma_start3A_1143] : memref<2560x64xi8, #tpu.memory_space<vmem>> -> memref<20x64xi8, #tpu.memory_space<vmem>>
      %dma_start3A_1145 = arith.constant 0 : i32
      %dma_start3A_1146 = tpu.memref_slice %arg5[%dma_start3A_1141, %dma_start3A_1145] : memref<128x20xi32, #tpu.memory_space<vmem>> -> memref<1x20xi32, #tpu.memory_space<vmem>>
      %dma_start3A_1147 = tpu.memref_squeeze %dma_start3A_1146 : memref<1x20xi32, #tpu.memory_space<vmem>> -> memref<20xi32, #tpu.memory_space<vmem>>
      %dma_start3A_1148 = arith.constant 0 : i32
      %dma_start3A_1149 = arith.constant 0 : i32
      %dma_start3A_1150 = tpu.memref_slice %arg3[%dma_start3A_1148, %dma_start3A_1149] : memref<1000000x64xi8, #tpu.memory_space<hbm>> -> memref<1000000x64xi8, #tpu.memory_space<hbm>>
      tpu.enqueue_indirect_dma source(%dma_start3A_1150 : memref<1000000x64xi8, #tpu.memory_space<hbm>>) target(%dma_start3A_1144 : memref<20x64xi8, #tpu.memory_space<vmem>>) offsets(%dma_start3A_1147 : memref<20xi32, #tpu.memory_space<vmem>>) semaphore(%arg7 : memref<!tpu.dma_semaphore, #tpu.memory_space<semaphore_mem>>)
      %dma_start3A_1151 = arith.constant 114 : i32
      %dma_start3A_1152 = arith.constant 2280 : i32
      %dma_start3A_1153 = arith.constant 0 : i32
      %dma_start3A_1154 = tpu.memref_slice %arg6[%dma_start3A_1152, %dma_start3A_1153] : memref<2560x64xi8, #tpu.memory_space<vmem>> -> memref<20x64xi8, #tpu.memory_space<vmem>>
      %dma_start3A_1155 = arith.constant 0 : i32
      %dma_start3A_1156 = tpu.memref_slice %arg5[%dma_start3A_1151, %dma_start3A_1155] : memref<128x20xi32, #tpu.memory_space<vmem>> -> memref<1x20xi32, #tpu.memory_space<vmem>>
      %dma_start3A_1157 = tpu.memref_squeeze %dma_start3A_1156 : memref<1x20xi32, #tpu.memory_space<vmem>> -> memref<20xi32, #tpu.memory_space<vmem>>
      %dma_start3A_1158 = arith.constant 0 : i32
      %dma_start3A_1159 = arith.constant 0 : i32
      %dma_start3A_1160 = tpu.memref_slice %arg3[%dma_start3A_1158, %dma_start3A_1159] : memref<1000000x64xi8, #tpu.memory_space<hbm>> -> memref<1000000x64xi8, #tpu.memory_space<hbm>>
      tpu.enqueue_indirect_dma source(%dma_start3A_1160 : memref<1000000x64xi8, #tpu.memory_space<hbm>>) target(%dma_start3A_1154 : memref<20x64xi8, #tpu.memory_space<vmem>>) offsets(%dma_start3A_1157 : memref<20xi32, #tpu.memory_space<vmem>>) semaphore(%arg7 : memref<!tpu.dma_semaphore, #tpu.memory_space<semaphore_mem>>)
      %dma_start3A_1161 = arith.constant 115 : i32
      %dma_start3A_1162 = arith.constant 2300 : i32
      %dma_start3A_1163 = arith.constant 0 : i32
      %dma_start3A_1164 = tpu.memref_slice %arg6[%dma_start3A_1162, %dma_start3A_1163] : memref<2560x64xi8, #tpu.memory_space<vmem>> -> memref<20x64xi8, #tpu.memory_space<vmem>>
      %dma_start3A_1165 = arith.constant 0 : i32
      %dma_start3A_1166 = tpu.memref_slice %arg5[%dma_start3A_1161, %dma_start3A_1165] : memref<128x20xi32, #tpu.memory_space<vmem>> -> memref<1x20xi32, #tpu.memory_space<vmem>>
      %dma_start3A_1167 = tpu.memref_squeeze %dma_start3A_1166 : memref<1x20xi32, #tpu.memory_space<vmem>> -> memref<20xi32, #tpu.memory_space<vmem>>
      %dma_start3A_1168 = arith.constant 0 : i32
      %dma_start3A_1169 = arith.constant 0 : i32
      %dma_start3A_1170 = tpu.memref_slice %arg3[%dma_start3A_1168, %dma_start3A_1169] : memref<1000000x64xi8, #tpu.memory_space<hbm>> -> memref<1000000x64xi8, #tpu.memory_space<hbm>>
      tpu.enqueue_indirect_dma source(%dma_start3A_1170 : memref<1000000x64xi8, #tpu.memory_space<hbm>>) target(%dma_start3A_1164 : memref<20x64xi8, #tpu.memory_space<vmem>>) offsets(%dma_start3A_1167 : memref<20xi32, #tpu.memory_space<vmem>>) semaphore(%arg7 : memref<!tpu.dma_semaphore, #tpu.memory_space<semaphore_mem>>)
      %dma_start3A_1171 = arith.constant 116 : i32
      %dma_start3A_1172 = arith.constant 2320 : i32
      %dma_start3A_1173 = arith.constant 0 : i32
      %dma_start3A_1174 = tpu.memref_slice %arg6[%dma_start3A_1172, %dma_start3A_1173] : memref<2560x64xi8, #tpu.memory_space<vmem>> -> memref<20x64xi8, #tpu.memory_space<vmem>>
      %dma_start3A_1175 = arith.constant 0 : i32
      %dma_start3A_1176 = tpu.memref_slice %arg5[%dma_start3A_1171, %dma_start3A_1175] : memref<128x20xi32, #tpu.memory_space<vmem>> -> memref<1x20xi32, #tpu.memory_space<vmem>>
      %dma_start3A_1177 = tpu.memref_squeeze %dma_start3A_1176 : memref<1x20xi32, #tpu.memory_space<vmem>> -> memref<20xi32, #tpu.memory_space<vmem>>
      %dma_start3A_1178 = arith.constant 0 : i32
      %dma_start3A_1179 = arith.constant 0 : i32
      %dma_start3A_1180 = tpu.memref_slice %arg3[%dma_start3A_1178, %dma_start3A_1179] : memref<1000000x64xi8, #tpu.memory_space<hbm>> -> memref<1000000x64xi8, #tpu.memory_space<hbm>>
      tpu.enqueue_indirect_dma source(%dma_start3A_1180 : memref<1000000x64xi8, #tpu.memory_space<hbm>>) target(%dma_start3A_1174 : memref<20x64xi8, #tpu.memory_space<vmem>>) offsets(%dma_start3A_1177 : memref<20xi32, #tpu.memory_space<vmem>>) semaphore(%arg7 : memref<!tpu.dma_semaphore, #tpu.memory_space<semaphore_mem>>)
      %dma_start3A_1181 = arith.constant 117 : i32
      %dma_start3A_1182 = arith.constant 2340 : i32
      %dma_start3A_1183 = arith.constant 0 : i32
      %dma_start3A_1184 = tpu.memref_slice %arg6[%dma_start3A_1182, %dma_start3A_1183] : memref<2560x64xi8, #tpu.memory_space<vmem>> -> memref<20x64xi8, #tpu.memory_space<vmem>>
      %dma_start3A_1185 = arith.constant 0 : i32
      %dma_start3A_1186 = tpu.memref_slice %arg5[%dma_start3A_1181, %dma_start3A_1185] : memref<128x20xi32, #tpu.memory_space<vmem>> -> memref<1x20xi32, #tpu.memory_space<vmem>>
      %dma_start3A_1187 = tpu.memref_squeeze %dma_start3A_1186 : memref<1x20xi32, #tpu.memory_space<vmem>> -> memref<20xi32, #tpu.memory_space<vmem>>
      %dma_start3A_1188 = arith.constant 0 : i32
      %dma_start3A_1189 = arith.constant 0 : i32
      %dma_start3A_1190 = tpu.memref_slice %arg3[%dma_start3A_1188, %dma_start3A_1189] : memref<1000000x64xi8, #tpu.memory_space<hbm>> -> memref<1000000x64xi8, #tpu.memory_space<hbm>>
      tpu.enqueue_indirect_dma source(%dma_start3A_1190 : memref<1000000x64xi8, #tpu.memory_space<hbm>>) target(%dma_start3A_1184 : memref<20x64xi8, #tpu.memory_space<vmem>>) offsets(%dma_start3A_1187 : memref<20xi32, #tpu.memory_space<vmem>>) semaphore(%arg7 : memref<!tpu.dma_semaphore, #tpu.memory_space<semaphore_mem>>)
      %dma_start3A_1191 = arith.constant 118 : i32
      %dma_start3A_1192 = arith.constant 2360 : i32
      %dma_start3A_1193 = arith.constant 0 : i32
      %dma_start3A_1194 = tpu.memref_slice %arg6[%dma_start3A_1192, %dma_start3A_1193] : memref<2560x64xi8, #tpu.memory_space<vmem>> -> memref<20x64xi8, #tpu.memory_space<vmem>>
      %dma_start3A_1195 = arith.constant 0 : i32
      %dma_start3A_1196 = tpu.memref_slice %arg5[%dma_start3A_1191, %dma_start3A_1195] : memref<128x20xi32, #tpu.memory_space<vmem>> -> memref<1x20xi32, #tpu.memory_space<vmem>>
      %dma_start3A_1197 = tpu.memref_squeeze %dma_start3A_1196 : memref<1x20xi32, #tpu.memory_space<vmem>> -> memref<20xi32, #tpu.memory_space<vmem>>
      %dma_start3A_1198 = arith.constant 0 : i32
      %dma_start3A_1199 = arith.constant 0 : i32
      %dma_start3A_1200 = tpu.memref_slice %arg3[%dma_start3A_1198, %dma_start3A_1199] : memref<1000000x64xi8, #tpu.memory_space<hbm>> -> memref<1000000x64xi8, #tpu.memory_space<hbm>>
      tpu.enqueue_indirect_dma source(%dma_start3A_1200 : memref<1000000x64xi8, #tpu.memory_space<hbm>>) target(%dma_start3A_1194 : memref<20x64xi8, #tpu.memory_space<vmem>>) offsets(%dma_start3A_1197 : memref<20xi32, #tpu.memory_space<vmem>>) semaphore(%arg7 : memref<!tpu.dma_semaphore, #tpu.memory_space<semaphore_mem>>)
      %dma_start3A_1201 = arith.constant 119 : i32
      %dma_start3A_1202 = arith.constant 2380 : i32
      %dma_start3A_1203 = arith.constant 0 : i32
      %dma_start3A_1204 = tpu.memref_slice %arg6[%dma_start3A_1202, %dma_start3A_1203] : memref<2560x64xi8, #tpu.memory_space<vmem>> -> memref<20x64xi8, #tpu.memory_space<vmem>>
      %dma_start3A_1205 = arith.constant 0 : i32
      %dma_start3A_1206 = tpu.memref_slice %arg5[%dma_start3A_1201, %dma_start3A_1205] : memref<128x20xi32, #tpu.memory_space<vmem>> -> memref<1x20xi32, #tpu.memory_space<vmem>>
      %dma_start3A_1207 = tpu.memref_squeeze %dma_start3A_1206 : memref<1x20xi32, #tpu.memory_space<vmem>> -> memref<20xi32, #tpu.memory_space<vmem>>
      %dma_start3A_1208 = arith.constant 0 : i32
      %dma_start3A_1209 = arith.constant 0 : i32
      %dma_start3A_1210 = tpu.memref_slice %arg3[%dma_start3A_1208, %dma_start3A_1209] : memref<1000000x64xi8, #tpu.memory_space<hbm>> -> memref<1000000x64xi8, #tpu.memory_space<hbm>>
      tpu.enqueue_indirect_dma source(%dma_start3A_1210 : memref<1000000x64xi8, #tpu.memory_space<hbm>>) target(%dma_start3A_1204 : memref<20x64xi8, #tpu.memory_space<vmem>>) offsets(%dma_start3A_1207 : memref<20xi32, #tpu.memory_space<vmem>>) semaphore(%arg7 : memref<!tpu.dma_semaphore, #tpu.memory_space<semaphore_mem>>)
      %dma_start3A_1211 = arith.constant 120 : i32
      %dma_start3A_1212 = arith.constant 2400 : i32
      %dma_start3A_1213 = arith.constant 0 : i32
      %dma_start3A_1214 = tpu.memref_slice %arg6[%dma_start3A_1212, %dma_start3A_1213] : memref<2560x64xi8, #tpu.memory_space<vmem>> -> memref<20x64xi8, #tpu.memory_space<vmem>>
      %dma_start3A_1215 = arith.constant 0 : i32
      %dma_start3A_1216 = tpu.memref_slice %arg5[%dma_start3A_1211, %dma_start3A_1215] : memref<128x20xi32, #tpu.memory_space<vmem>> -> memref<1x20xi32, #tpu.memory_space<vmem>>
      %dma_start3A_1217 = tpu.memref_squeeze %dma_start3A_1216 : memref<1x20xi32, #tpu.memory_space<vmem>> -> memref<20xi32, #tpu.memory_space<vmem>>
      %dma_start3A_1218 = arith.constant 0 : i32
      %dma_start3A_1219 = arith.constant 0 : i32
      %dma_start3A_1220 = tpu.memref_slice %arg3[%dma_start3A_1218, %dma_start3A_1219] : memref<1000000x64xi8, #tpu.memory_space<hbm>> -> memref<1000000x64xi8, #tpu.memory_space<hbm>>
      tpu.enqueue_indirect_dma source(%dma_start3A_1220 : memref<1000000x64xi8, #tpu.memory_space<hbm>>) target(%dma_start3A_1214 : memref<20x64xi8, #tpu.memory_space<vmem>>) offsets(%dma_start3A_1217 : memref<20xi32, #tpu.memory_space<vmem>>) semaphore(%arg7 : memref<!tpu.dma_semaphore, #tpu.memory_space<semaphore_mem>>)
      %dma_start3A_1221 = arith.constant 121 : i32
      %dma_start3A_1222 = arith.constant 2420 : i32
      %dma_start3A_1223 = arith.constant 0 : i32
      %dma_start3A_1224 = tpu.memref_slice %arg6[%dma_start3A_1222, %dma_start3A_1223] : memref<2560x64xi8, #tpu.memory_space<vmem>> -> memref<20x64xi8, #tpu.memory_space<vmem>>
      %dma_start3A_1225 = arith.constant 0 : i32
      %dma_start3A_1226 = tpu.memref_slice %arg5[%dma_start3A_1221, %dma_start3A_1225] : memref<128x20xi32, #tpu.memory_space<vmem>> -> memref<1x20xi32, #tpu.memory_space<vmem>>
      %dma_start3A_1227 = tpu.memref_squeeze %dma_start3A_1226 : memref<1x20xi32, #tpu.memory_space<vmem>> -> memref<20xi32, #tpu.memory_space<vmem>>
      %dma_start3A_1228 = arith.constant 0 : i32
      %dma_start3A_1229 = arith.constant 0 : i32
      %dma_start3A_1230 = tpu.memref_slice %arg3[%dma_start3A_1228, %dma_start3A_1229] : memref<1000000x64xi8, #tpu.memory_space<hbm>> -> memref<1000000x64xi8, #tpu.memory_space<hbm>>
      tpu.enqueue_indirect_dma source(%dma_start3A_1230 : memref<1000000x64xi8, #tpu.memory_space<hbm>>) target(%dma_start3A_1224 : memref<20x64xi8, #tpu.memory_space<vmem>>) offsets(%dma_start3A_1227 : memref<20xi32, #tpu.memory_space<vmem>>) semaphore(%arg7 : memref<!tpu.dma_semaphore, #tpu.memory_space<semaphore_mem>>)
      %dma_start3A_1231 = arith.constant 122 : i32
      %dma_start3A_1232 = arith.constant 2440 : i32
      %dma_start3A_1233 = arith.constant 0 : i32
      %dma_start3A_1234 = tpu.memref_slice %arg6[%dma_start3A_1232, %dma_start3A_1233] : memref<2560x64xi8, #tpu.memory_space<vmem>> -> memref<20x64xi8, #tpu.memory_space<vmem>>
      %dma_start3A_1235 = arith.constant 0 : i32
      %dma_start3A_1236 = tpu.memref_slice %arg5[%dma_start3A_1231, %dma_start3A_1235] : memref<128x20xi32, #tpu.memory_space<vmem>> -> memref<1x20xi32, #tpu.memory_space<vmem>>
      %dma_start3A_1237 = tpu.memref_squeeze %dma_start3A_1236 : memref<1x20xi32, #tpu.memory_space<vmem>> -> memref<20xi32, #tpu.memory_space<vmem>>
      %dma_start3A_1238 = arith.constant 0 : i32
      %dma_start3A_1239 = arith.constant 0 : i32
      %dma_start3A_1240 = tpu.memref_slice %arg3[%dma_start3A_1238, %dma_start3A_1239] : memref<1000000x64xi8, #tpu.memory_space<hbm>> -> memref<1000000x64xi8, #tpu.memory_space<hbm>>
      tpu.enqueue_indirect_dma source(%dma_start3A_1240 : memref<1000000x64xi8, #tpu.memory_space<hbm>>) target(%dma_start3A_1234 : memref<20x64xi8, #tpu.memory_space<vmem>>) offsets(%dma_start3A_1237 : memref<20xi32, #tpu.memory_space<vmem>>) semaphore(%arg7 : memref<!tpu.dma_semaphore, #tpu.memory_space<semaphore_mem>>)
      %dma_start3A_1241 = arith.constant 123 : i32
      %dma_start3A_1242 = arith.constant 2460 : i32
      %dma_start3A_1243 = arith.constant 0 : i32
      %dma_start3A_1244 = tpu.memref_slice %arg6[%dma_start3A_1242, %dma_start3A_1243] : memref<2560x64xi8, #tpu.memory_space<vmem>> -> memref<20x64xi8, #tpu.memory_space<vmem>>
      %dma_start3A_1245 = arith.constant 0 : i32
      %dma_start3A_1246 = tpu.memref_slice %arg5[%dma_start3A_1241, %dma_start3A_1245] : memref<128x20xi32, #tpu.memory_space<vmem>> -> memref<1x20xi32, #tpu.memory_space<vmem>>
      %dma_start3A_1247 = tpu.memref_squeeze %dma_start3A_1246 : memref<1x20xi32, #tpu.memory_space<vmem>> -> memref<20xi32, #tpu.memory_space<vmem>>
      %dma_start3A_1248 = arith.constant 0 : i32
      %dma_start3A_1249 = arith.constant 0 : i32
      %dma_start3A_1250 = tpu.memref_slice %arg3[%dma_start3A_1248, %dma_start3A_1249] : memref<1000000x64xi8, #tpu.memory_space<hbm>> -> memref<1000000x64xi8, #tpu.memory_space<hbm>>
      tpu.enqueue_indirect_dma source(%dma_start3A_1250 : memref<1000000x64xi8, #tpu.memory_space<hbm>>) target(%dma_start3A_1244 : memref<20x64xi8, #tpu.memory_space<vmem>>) offsets(%dma_start3A_1247 : memref<20xi32, #tpu.memory_space<vmem>>) semaphore(%arg7 : memref<!tpu.dma_semaphore, #tpu.memory_space<semaphore_mem>>)
      %dma_start3A_1251 = arith.constant 124 : i32
      %dma_start3A_1252 = arith.constant 2480 : i32
      %dma_start3A_1253 = arith.constant 0 : i32
      %dma_start3A_1254 = tpu.memref_slice %arg6[%dma_start3A_1252, %dma_start3A_1253] : memref<2560x64xi8, #tpu.memory_space<vmem>> -> memref<20x64xi8, #tpu.memory_space<vmem>>
      %dma_start3A_1255 = arith.constant 0 : i32
      %dma_start3A_1256 = tpu.memref_slice %arg5[%dma_start3A_1251, %dma_start3A_1255] : memref<128x20xi32, #tpu.memory_space<vmem>> -> memref<1x20xi32, #tpu.memory_space<vmem>>
      %dma_start3A_1257 = tpu.memref_squeeze %dma_start3A_1256 : memref<1x20xi32, #tpu.memory_space<vmem>> -> memref<20xi32, #tpu.memory_space<vmem>>
      %dma_start3A_1258 = arith.constant 0 : i32
      %dma_start3A_1259 = arith.constant 0 : i32
      %dma_start3A_1260 = tpu.memref_slice %arg3[%dma_start3A_1258, %dma_start3A_1259] : memref<1000000x64xi8, #tpu.memory_space<hbm>> -> memref<1000000x64xi8, #tpu.memory_space<hbm>>
      tpu.enqueue_indirect_dma source(%dma_start3A_1260 : memref<1000000x64xi8, #tpu.memory_space<hbm>>) target(%dma_start3A_1254 : memref<20x64xi8, #tpu.memory_space<vmem>>) offsets(%dma_start3A_1257 : memref<20xi32, #tpu.memory_space<vmem>>) semaphore(%arg7 : memref<!tpu.dma_semaphore, #tpu.memory_space<semaphore_mem>>)
      %dma_start3A_1261 = arith.constant 125 : i32
      %dma_start3A_1262 = arith.constant 2500 : i32
      %dma_start3A_1263 = arith.constant 0 : i32
      %dma_start3A_1264 = tpu.memref_slice %arg6[%dma_start3A_1262, %dma_start3A_1263] : memref<2560x64xi8, #tpu.memory_space<vmem>> -> memref<20x64xi8, #tpu.memory_space<vmem>>
      %dma_start3A_1265 = arith.constant 0 : i32
      %dma_start3A_1266 = tpu.memref_slice %arg5[%dma_start3A_1261, %dma_start3A_1265] : memref<128x20xi32, #tpu.memory_space<vmem>> -> memref<1x20xi32, #tpu.memory_space<vmem>>
      %dma_start3A_1267 = tpu.memref_squeeze %dma_start3A_1266 : memref<1x20xi32, #tpu.memory_space<vmem>> -> memref<20xi32, #tpu.memory_space<vmem>>
      %dma_start3A_1268 = arith.constant 0 : i32
      %dma_start3A_1269 = arith.constant 0 : i32
      %dma_start3A_1270 = tpu.memref_slice %arg3[%dma_start3A_1268, %dma_start3A_1269] : memref<1000000x64xi8, #tpu.memory_space<hbm>> -> memref<1000000x64xi8, #tpu.memory_space<hbm>>
      tpu.enqueue_indirect_dma source(%dma_start3A_1270 : memref<1000000x64xi8, #tpu.memory_space<hbm>>) target(%dma_start3A_1264 : memref<20x64xi8, #tpu.memory_space<vmem>>) offsets(%dma_start3A_1267 : memref<20xi32, #tpu.memory_space<vmem>>) semaphore(%arg7 : memref<!tpu.dma_semaphore, #tpu.memory_space<semaphore_mem>>)
      %dma_start3A_1271 = arith.constant 126 : i32
      %dma_start3A_1272 = arith.constant 2520 : i32
      %dma_start3A_1273 = arith.constant 0 : i32
      %dma_start3A_1274 = tpu.memref_slice %arg6[%dma_start3A_1272, %dma_start3A_1273] : memref<2560x64xi8, #tpu.memory_space<vmem>> -> memref<20x64xi8, #tpu.memory_space<vmem>>
      %dma_start3A_1275 = arith.constant 0 : i32
      %dma_start3A_1276 = tpu.memref_slice %arg5[%dma_start3A_1271, %dma_start3A_1275] : memref<128x20xi32, #tpu.memory_space<vmem>> -> memref<1x20xi32, #tpu.memory_space<vmem>>
      %dma_start3A_1277 = tpu.memref_squeeze %dma_start3A_1276 : memref<1x20xi32, #tpu.memory_space<vmem>> -> memref<20xi32, #tpu.memory_space<vmem>>
      %dma_start3A_1278 = arith.constant 0 : i32
      %dma_start3A_1279 = arith.constant 0 : i32
      %dma_start3A_1280 = tpu.memref_slice %arg3[%dma_start3A_1278, %dma_start3A_1279] : memref<1000000x64xi8, #tpu.memory_space<hbm>> -> memref<1000000x64xi8, #tpu.memory_space<hbm>>
      tpu.enqueue_indirect_dma source(%dma_start3A_1280 : memref<1000000x64xi8, #tpu.memory_space<hbm>>) target(%dma_start3A_1274 : memref<20x64xi8, #tpu.memory_space<vmem>>) offsets(%dma_start3A_1277 : memref<20xi32, #tpu.memory_space<vmem>>) semaphore(%arg7 : memref<!tpu.dma_semaphore, #tpu.memory_space<semaphore_mem>>)
      %dma_start3A_1281 = arith.constant 127 : i32
      %dma_start3A_1282 = arith.constant 2540 : i32
      %dma_start3A_1283 = arith.constant 0 : i32
      %dma_start3A_1284 = tpu.memref_slice %arg6[%dma_start3A_1282, %dma_start3A_1283] : memref<2560x64xi8, #tpu.memory_space<vmem>> -> memref<20x64xi8, #tpu.memory_space<vmem>>
      %dma_start3A_1285 = arith.constant 0 : i32
      %dma_start3A_1286 = tpu.memref_slice %arg5[%dma_start3A_1281, %dma_start3A_1285] : memref<128x20xi32, #tpu.memory_space<vmem>> -> memref<1x20xi32, #tpu.memory_space<vmem>>
      %dma_start3A_1287 = tpu.memref_squeeze %dma_start3A_1286 : memref<1x20xi32, #tpu.memory_space<vmem>> -> memref<20xi32, #tpu.memory_space<vmem>>
      %dma_start3A_1288 = arith.constant 0 : i32
      %dma_start3A_1289 = arith.constant 0 : i32
      %dma_start3A_1290 = tpu.memref_slice %arg3[%dma_start3A_1288, %dma_start3A_1289] : memref<1000000x64xi8, #tpu.memory_space<hbm>> -> memref<1000000x64xi8, #tpu.memory_space<hbm>>
      tpu.enqueue_indirect_dma source(%dma_start3A_1290 : memref<1000000x64xi8, #tpu.memory_space<hbm>>) target(%dma_start3A_1284 : memref<20x64xi8, #tpu.memory_space<vmem>>) offsets(%dma_start3A_1287 : memref<20xi32, #tpu.memory_space<vmem>>) semaphore(%arg7 : memref<!tpu.dma_semaphore, #tpu.memory_space<semaphore_mem>>)
      %dma_wait3A = arith.constant 0 : i32
      %dma_wait3A_1291 = arith.constant 0 : i32
      %dma_wait3A_1292 = arith.constant 0 : i32
      %dma_wait3A_1293 = tpu.memref_slice %arg6[%dma_wait3A_1291, %dma_wait3A_1292] : memref<2560x64xi8, #tpu.memory_space<vmem>> -> memref<20x64xi8, #tpu.memory_space<vmem>>
      %dma_wait3A_1294 = arith.constant 0 : i32
      %dma_wait3A_1295 = tpu.memref_slice %arg5[%dma_wait3A, %dma_wait3A_1294] : memref<128x20xi32, #tpu.memory_space<vmem>> -> memref<1x20xi32, #tpu.memory_space<vmem>>
      %dma_wait3A_1296 = tpu.memref_squeeze %dma_wait3A_1295 : memref<1x20xi32, #tpu.memory_space<vmem>> -> memref<20xi32, #tpu.memory_space<vmem>>
      %dma_wait3A_1297 = arith.constant 0 : i32
      %dma_wait3A_1298 = arith.constant 0 : i32
      %dma_wait3A_1299 = tpu.memref_slice %arg3[%dma_wait3A_1297, %dma_wait3A_1298] : memref<1000000x64xi8, #tpu.memory_space<hbm>> -> memref<1000000x64xi8, #tpu.memory_space<hbm>>
      tpu.wait_indirect_dma semaphore(%arg7 : memref<!tpu.dma_semaphore, #tpu.memory_space<semaphore_mem>>) src(%dma_wait3A_1299 : memref<1000000x64xi8, #tpu.memory_space<hbm>>) dst(%dma_wait3A_1293 : memref<20x64xi8, #tpu.memory_space<vmem>>)
      %dma_wait3A_1300 = arith.constant 1 : i32
      %dma_wait3A_1301 = arith.constant 20 : i32
      %dma_wait3A_1302 = arith.constant 0 : i32
      %dma_wait3A_1303 = tpu.memref_slice %arg6[%dma_wait3A_1301, %dma_wait3A_1302] : memref<2560x64xi8, #tpu.memory_space<vmem>> -> memref<20x64xi8, #tpu.memory_space<vmem>>
      %dma_wait3A_1304 = arith.constant 0 : i32
      %dma_wait3A_1305 = tpu.memref_slice %arg5[%dma_wait3A_1300, %dma_wait3A_1304] : memref<128x20xi32, #tpu.memory_space<vmem>> -> memref<1x20xi32, #tpu.memory_space<vmem>>
      %dma_wait3A_1306 = tpu.memref_squeeze %dma_wait3A_1305 : memref<1x20xi32, #tpu.memory_space<vmem>> -> memref<20xi32, #tpu.memory_space<vmem>>
      %dma_wait3A_1307 = arith.constant 0 : i32
      %dma_wait3A_1308 = arith.constant 0 : i32
      %dma_wait3A_1309 = tpu.memref_slice %arg3[%dma_wait3A_1307, %dma_wait3A_1308] : memref<1000000x64xi8, #tpu.memory_space<hbm>> -> memref<1000000x64xi8, #tpu.memory_space<hbm>>
      tpu.wait_indirect_dma semaphore(%arg7 : memref<!tpu.dma_semaphore, #tpu.memory_space<semaphore_mem>>) src(%dma_wait3A_1309 : memref<1000000x64xi8, #tpu.memory_space<hbm>>) dst(%dma_wait3A_1303 : memref<20x64xi8, #tpu.memory_space<vmem>>)
      %dma_wait3A_1310 = arith.constant 2 : i32
      %dma_wait3A_1311 = arith.constant 40 : i32
      %dma_wait3A_1312 = arith.constant 0 : i32
      %dma_wait3A_1313 = tpu.memref_slice %arg6[%dma_wait3A_1311, %dma_wait3A_1312] : memref<2560x64xi8, #tpu.memory_space<vmem>> -> memref<20x64xi8, #tpu.memory_space<vmem>>
      %dma_wait3A_1314 = arith.constant 0 : i32
      %dma_wait3A_1315 = tpu.memref_slice %arg5[%dma_wait3A_1310, %dma_wait3A_1314] : memref<128x20xi32, #tpu.memory_space<vmem>> -> memref<1x20xi32, #tpu.memory_space<vmem>>
      %dma_wait3A_1316 = tpu.memref_squeeze %dma_wait3A_1315 : memref<1x20xi32, #tpu.memory_space<vmem>> -> memref<20xi32, #tpu.memory_space<vmem>>
      %dma_wait3A_1317 = arith.constant 0 : i32
      %dma_wait3A_1318 = arith.constant 0 : i32
      %dma_wait3A_1319 = tpu.memref_slice %arg3[%dma_wait3A_1317, %dma_wait3A_1318] : memref<1000000x64xi8, #tpu.memory_space<hbm>> -> memref<1000000x64xi8, #tpu.memory_space<hbm>>
      tpu.wait_indirect_dma semaphore(%arg7 : memref<!tpu.dma_semaphore, #tpu.memory_space<semaphore_mem>>) src(%dma_wait3A_1319 : memref<1000000x64xi8, #tpu.memory_space<hbm>>) dst(%dma_wait3A_1313 : memref<20x64xi8, #tpu.memory_space<vmem>>)
      %dma_wait3A_1320 = arith.constant 3 : i32
      %dma_wait3A_1321 = arith.constant 60 : i32
      %dma_wait3A_1322 = arith.constant 0 : i32
      %dma_wait3A_1323 = tpu.memref_slice %arg6[%dma_wait3A_1321, %dma_wait3A_1322] : memref<2560x64xi8, #tpu.memory_space<vmem>> -> memref<20x64xi8, #tpu.memory_space<vmem>>
      %dma_wait3A_1324 = arith.constant 0 : i32
      %dma_wait3A_1325 = tpu.memref_slice %arg5[%dma_wait3A_1320, %dma_wait3A_1324] : memref<128x20xi32, #tpu.memory_space<vmem>> -> memref<1x20xi32, #tpu.memory_space<vmem>>
      %dma_wait3A_1326 = tpu.memref_squeeze %dma_wait3A_1325 : memref<1x20xi32, #tpu.memory_space<vmem>> -> memref<20xi32, #tpu.memory_space<vmem>>
      %dma_wait3A_1327 = arith.constant 0 : i32
      %dma_wait3A_1328 = arith.constant 0 : i32
      %dma_wait3A_1329 = tpu.memref_slice %arg3[%dma_wait3A_1327, %dma_wait3A_1328] : memref<1000000x64xi8, #tpu.memory_space<hbm>> -> memref<1000000x64xi8, #tpu.memory_space<hbm>>
      tpu.wait_indirect_dma semaphore(%arg7 : memref<!tpu.dma_semaphore, #tpu.memory_space<semaphore_mem>>) src(%dma_wait3A_1329 : memref<1000000x64xi8, #tpu.memory_space<hbm>>) dst(%dma_wait3A_1323 : memref<20x64xi8, #tpu.memory_space<vmem>>)
      %dma_wait3A_1330 = arith.constant 4 : i32
      %dma_wait3A_1331 = arith.constant 80 : i32
      %dma_wait3A_1332 = arith.constant 0 : i32
      %dma_wait3A_1333 = tpu.memref_slice %arg6[%dma_wait3A_1331, %dma_wait3A_1332] : memref<2560x64xi8, #tpu.memory_space<vmem>> -> memref<20x64xi8, #tpu.memory_space<vmem>>
      %dma_wait3A_1334 = arith.constant 0 : i32
      %dma_wait3A_1335 = tpu.memref_slice %arg5[%dma_wait3A_1330, %dma_wait3A_1334] : memref<128x20xi32, #tpu.memory_space<vmem>> -> memref<1x20xi32, #tpu.memory_space<vmem>>
      %dma_wait3A_1336 = tpu.memref_squeeze %dma_wait3A_1335 : memref<1x20xi32, #tpu.memory_space<vmem>> -> memref<20xi32, #tpu.memory_space<vmem>>
      %dma_wait3A_1337 = arith.constant 0 : i32
      %dma_wait3A_1338 = arith.constant 0 : i32
      %dma_wait3A_1339 = tpu.memref_slice %arg3[%dma_wait3A_1337, %dma_wait3A_1338] : memref<1000000x64xi8, #tpu.memory_space<hbm>> -> memref<1000000x64xi8, #tpu.memory_space<hbm>>
      tpu.wait_indirect_dma semaphore(%arg7 : memref<!tpu.dma_semaphore, #tpu.memory_space<semaphore_mem>>) src(%dma_wait3A_1339 : memref<1000000x64xi8, #tpu.memory_space<hbm>>) dst(%dma_wait3A_1333 : memref<20x64xi8, #tpu.memory_space<vmem>>)
      %dma_wait3A_1340 = arith.constant 5 : i32
      %dma_wait3A_1341 = arith.constant 100 : i32
      %dma_wait3A_1342 = arith.constant 0 : i32
      %dma_wait3A_1343 = tpu.memref_slice %arg6[%dma_wait3A_1341, %dma_wait3A_1342] : memref<2560x64xi8, #tpu.memory_space<vmem>> -> memref<20x64xi8, #tpu.memory_space<vmem>>
      %dma_wait3A_1344 = arith.constant 0 : i32
      %dma_wait3A_1345 = tpu.memref_slice %arg5[%dma_wait3A_1340, %dma_wait3A_1344] : memref<128x20xi32, #tpu.memory_space<vmem>> -> memref<1x20xi32, #tpu.memory_space<vmem>>
      %dma_wait3A_1346 = tpu.memref_squeeze %dma_wait3A_1345 : memref<1x20xi32, #tpu.memory_space<vmem>> -> memref<20xi32, #tpu.memory_space<vmem>>
      %dma_wait3A_1347 = arith.constant 0 : i32
      %dma_wait3A_1348 = arith.constant 0 : i32
      %dma_wait3A_1349 = tpu.memref_slice %arg3[%dma_wait3A_1347, %dma_wait3A_1348] : memref<1000000x64xi8, #tpu.memory_space<hbm>> -> memref<1000000x64xi8, #tpu.memory_space<hbm>>
      tpu.wait_indirect_dma semaphore(%arg7 : memref<!tpu.dma_semaphore, #tpu.memory_space<semaphore_mem>>) src(%dma_wait3A_1349 : memref<1000000x64xi8, #tpu.memory_space<hbm>>) dst(%dma_wait3A_1343 : memref<20x64xi8, #tpu.memory_space<vmem>>)
      %dma_wait3A_1350 = arith.constant 6 : i32
      %dma_wait3A_1351 = arith.constant 120 : i32
      %dma_wait3A_1352 = arith.constant 0 : i32
      %dma_wait3A_1353 = tpu.memref_slice %arg6[%dma_wait3A_1351, %dma_wait3A_1352] : memref<2560x64xi8, #tpu.memory_space<vmem>> -> memref<20x64xi8, #tpu.memory_space<vmem>>
      %dma_wait3A_1354 = arith.constant 0 : i32
      %dma_wait3A_1355 = tpu.memref_slice %arg5[%dma_wait3A_1350, %dma_wait3A_1354] : memref<128x20xi32, #tpu.memory_space<vmem>> -> memref<1x20xi32, #tpu.memory_space<vmem>>
      %dma_wait3A_1356 = tpu.memref_squeeze %dma_wait3A_1355 : memref<1x20xi32, #tpu.memory_space<vmem>> -> memref<20xi32, #tpu.memory_space<vmem>>
      %dma_wait3A_1357 = arith.constant 0 : i32
      %dma_wait3A_1358 = arith.constant 0 : i32
      %dma_wait3A_1359 = tpu.memref_slice %arg3[%dma_wait3A_1357, %dma_wait3A_1358] : memref<1000000x64xi8, #tpu.memory_space<hbm>> -> memref<1000000x64xi8, #tpu.memory_space<hbm>>
      tpu.wait_indirect_dma semaphore(%arg7 : memref<!tpu.dma_semaphore, #tpu.memory_space<semaphore_mem>>) src(%dma_wait3A_1359 : memref<1000000x64xi8, #tpu.memory_space<hbm>>) dst(%dma_wait3A_1353 : memref<20x64xi8, #tpu.memory_space<vmem>>)
      %dma_wait3A_1360 = arith.constant 7 : i32
      %dma_wait3A_1361 = arith.constant 140 : i32
      %dma_wait3A_1362 = arith.constant 0 : i32
      %dma_wait3A_1363 = tpu.memref_slice %arg6[%dma_wait3A_1361, %dma_wait3A_1362] : memref<2560x64xi8, #tpu.memory_space<vmem>> -> memref<20x64xi8, #tpu.memory_space<vmem>>
      %dma_wait3A_1364 = arith.constant 0 : i32
      %dma_wait3A_1365 = tpu.memref_slice %arg5[%dma_wait3A_1360, %dma_wait3A_1364] : memref<128x20xi32, #tpu.memory_space<vmem>> -> memref<1x20xi32, #tpu.memory_space<vmem>>
      %dma_wait3A_1366 = tpu.memref_squeeze %dma_wait3A_1365 : memref<1x20xi32, #tpu.memory_space<vmem>> -> memref<20xi32, #tpu.memory_space<vmem>>
      %dma_wait3A_1367 = arith.constant 0 : i32
      %dma_wait3A_1368 = arith.constant 0 : i32
      %dma_wait3A_1369 = tpu.memref_slice %arg3[%dma_wait3A_1367, %dma_wait3A_1368] : memref<1000000x64xi8, #tpu.memory_space<hbm>> -> memref<1000000x64xi8, #tpu.memory_space<hbm>>
      tpu.wait_indirect_dma semaphore(%arg7 : memref<!tpu.dma_semaphore, #tpu.memory_space<semaphore_mem>>) src(%dma_wait3A_1369 : memref<1000000x64xi8, #tpu.memory_space<hbm>>) dst(%dma_wait3A_1363 : memref<20x64xi8, #tpu.memory_space<vmem>>)
      %dma_wait3A_1370 = arith.constant 8 : i32
      %dma_wait3A_1371 = arith.constant 160 : i32
      %dma_wait3A_1372 = arith.constant 0 : i32
      %dma_wait3A_1373 = tpu.memref_slice %arg6[%dma_wait3A_1371, %dma_wait3A_1372] : memref<2560x64xi8, #tpu.memory_space<vmem>> -> memref<20x64xi8, #tpu.memory_space<vmem>>
      %dma_wait3A_1374 = arith.constant 0 : i32
      %dma_wait3A_1375 = tpu.memref_slice %arg5[%dma_wait3A_1370, %dma_wait3A_1374] : memref<128x20xi32, #tpu.memory_space<vmem>> -> memref<1x20xi32, #tpu.memory_space<vmem>>
      %dma_wait3A_1376 = tpu.memref_squeeze %dma_wait3A_1375 : memref<1x20xi32, #tpu.memory_space<vmem>> -> memref<20xi32, #tpu.memory_space<vmem>>
      %dma_wait3A_1377 = arith.constant 0 : i32
      %dma_wait3A_1378 = arith.constant 0 : i32
      %dma_wait3A_1379 = tpu.memref_slice %arg3[%dma_wait3A_1377, %dma_wait3A_1378] : memref<1000000x64xi8, #tpu.memory_space<hbm>> -> memref<1000000x64xi8, #tpu.memory_space<hbm>>
      tpu.wait_indirect_dma semaphore(%arg7 : memref<!tpu.dma_semaphore, #tpu.memory_space<semaphore_mem>>) src(%dma_wait3A_1379 : memref<1000000x64xi8, #tpu.memory_space<hbm>>) dst(%dma_wait3A_1373 : memref<20x64xi8, #tpu.memory_space<vmem>>)
      %dma_wait3A_1380 = arith.constant 9 : i32
      %dma_wait3A_1381 = arith.constant 180 : i32
      %dma_wait3A_1382 = arith.constant 0 : i32
      %dma_wait3A_1383 = tpu.memref_slice %arg6[%dma_wait3A_1381, %dma_wait3A_1382] : memref<2560x64xi8, #tpu.memory_space<vmem>> -> memref<20x64xi8, #tpu.memory_space<vmem>>
      %dma_wait3A_1384 = arith.constant 0 : i32
      %dma_wait3A_1385 = tpu.memref_slice %arg5[%dma_wait3A_1380, %dma_wait3A_1384] : memref<128x20xi32, #tpu.memory_space<vmem>> -> memref<1x20xi32, #tpu.memory_space<vmem>>
      %dma_wait3A_1386 = tpu.memref_squeeze %dma_wait3A_1385 : memref<1x20xi32, #tpu.memory_space<vmem>> -> memref<20xi32, #tpu.memory_space<vmem>>
      %dma_wait3A_1387 = arith.constant 0 : i32
      %dma_wait3A_1388 = arith.constant 0 : i32
      %dma_wait3A_1389 = tpu.memref_slice %arg3[%dma_wait3A_1387, %dma_wait3A_1388] : memref<1000000x64xi8, #tpu.memory_space<hbm>> -> memref<1000000x64xi8, #tpu.memory_space<hbm>>
      tpu.wait_indirect_dma semaphore(%arg7 : memref<!tpu.dma_semaphore, #tpu.memory_space<semaphore_mem>>) src(%dma_wait3A_1389 : memref<1000000x64xi8, #tpu.memory_space<hbm>>) dst(%dma_wait3A_1383 : memref<20x64xi8, #tpu.memory_space<vmem>>)
      %dma_wait3A_1390 = arith.constant 10 : i32
      %dma_wait3A_1391 = arith.constant 200 : i32
      %dma_wait3A_1392 = arith.constant 0 : i32
      %dma_wait3A_1393 = tpu.memref_slice %arg6[%dma_wait3A_1391, %dma_wait3A_1392] : memref<2560x64xi8, #tpu.memory_space<vmem>> -> memref<20x64xi8, #tpu.memory_space<vmem>>
      %dma_wait3A_1394 = arith.constant 0 : i32
      %dma_wait3A_1395 = tpu.memref_slice %arg5[%dma_wait3A_1390, %dma_wait3A_1394] : memref<128x20xi32, #tpu.memory_space<vmem>> -> memref<1x20xi32, #tpu.memory_space<vmem>>
      %dma_wait3A_1396 = tpu.memref_squeeze %dma_wait3A_1395 : memref<1x20xi32, #tpu.memory_space<vmem>> -> memref<20xi32, #tpu.memory_space<vmem>>
      %dma_wait3A_1397 = arith.constant 0 : i32
      %dma_wait3A_1398 = arith.constant 0 : i32
      %dma_wait3A_1399 = tpu.memref_slice %arg3[%dma_wait3A_1397, %dma_wait3A_1398] : memref<1000000x64xi8, #tpu.memory_space<hbm>> -> memref<1000000x64xi8, #tpu.memory_space<hbm>>
      tpu.wait_indirect_dma semaphore(%arg7 : memref<!tpu.dma_semaphore, #tpu.memory_space<semaphore_mem>>) src(%dma_wait3A_1399 : memref<1000000x64xi8, #tpu.memory_space<hbm>>) dst(%dma_wait3A_1393 : memref<20x64xi8, #tpu.memory_space<vmem>>)
      %dma_wait3A_1400 = arith.constant 11 : i32
      %dma_wait3A_1401 = arith.constant 220 : i32
      %dma_wait3A_1402 = arith.constant 0 : i32
      %dma_wait3A_1403 = tpu.memref_slice %arg6[%dma_wait3A_1401, %dma_wait3A_1402] : memref<2560x64xi8, #tpu.memory_space<vmem>> -> memref<20x64xi8, #tpu.memory_space<vmem>>
      %dma_wait3A_1404 = arith.constant 0 : i32
      %dma_wait3A_1405 = tpu.memref_slice %arg5[%dma_wait3A_1400, %dma_wait3A_1404] : memref<128x20xi32, #tpu.memory_space<vmem>> -> memref<1x20xi32, #tpu.memory_space<vmem>>
      %dma_wait3A_1406 = tpu.memref_squeeze %dma_wait3A_1405 : memref<1x20xi32, #tpu.memory_space<vmem>> -> memref<20xi32, #tpu.memory_space<vmem>>
      %dma_wait3A_1407 = arith.constant 0 : i32
      %dma_wait3A_1408 = arith.constant 0 : i32
      %dma_wait3A_1409 = tpu.memref_slice %arg3[%dma_wait3A_1407, %dma_wait3A_1408] : memref<1000000x64xi8, #tpu.memory_space<hbm>> -> memref<1000000x64xi8, #tpu.memory_space<hbm>>
      tpu.wait_indirect_dma semaphore(%arg7 : memref<!tpu.dma_semaphore, #tpu.memory_space<semaphore_mem>>) src(%dma_wait3A_1409 : memref<1000000x64xi8, #tpu.memory_space<hbm>>) dst(%dma_wait3A_1403 : memref<20x64xi8, #tpu.memory_space<vmem>>)
      %dma_wait3A_1410 = arith.constant 12 : i32
      %dma_wait3A_1411 = arith.constant 240 : i32
      %dma_wait3A_1412 = arith.constant 0 : i32
      %dma_wait3A_1413 = tpu.memref_slice %arg6[%dma_wait3A_1411, %dma_wait3A_1412] : memref<2560x64xi8, #tpu.memory_space<vmem>> -> memref<20x64xi8, #tpu.memory_space<vmem>>
      %dma_wait3A_1414 = arith.constant 0 : i32
      %dma_wait3A_1415 = tpu.memref_slice %arg5[%dma_wait3A_1410, %dma_wait3A_1414] : memref<128x20xi32, #tpu.memory_space<vmem>> -> memref<1x20xi32, #tpu.memory_space<vmem>>
      %dma_wait3A_1416 = tpu.memref_squeeze %dma_wait3A_1415 : memref<1x20xi32, #tpu.memory_space<vmem>> -> memref<20xi32, #tpu.memory_space<vmem>>
      %dma_wait3A_1417 = arith.constant 0 : i32
      %dma_wait3A_1418 = arith.constant 0 : i32
      %dma_wait3A_1419 = tpu.memref_slice %arg3[%dma_wait3A_1417, %dma_wait3A_1418] : memref<1000000x64xi8, #tpu.memory_space<hbm>> -> memref<1000000x64xi8, #tpu.memory_space<hbm>>
      tpu.wait_indirect_dma semaphore(%arg7 : memref<!tpu.dma_semaphore, #tpu.memory_space<semaphore_mem>>) src(%dma_wait3A_1419 : memref<1000000x64xi8, #tpu.memory_space<hbm>>) dst(%dma_wait3A_1413 : memref<20x64xi8, #tpu.memory_space<vmem>>)
      %dma_wait3A_1420 = arith.constant 13 : i32
      %dma_wait3A_1421 = arith.constant 260 : i32
      %dma_wait3A_1422 = arith.constant 0 : i32
      %dma_wait3A_1423 = tpu.memref_slice %arg6[%dma_wait3A_1421, %dma_wait3A_1422] : memref<2560x64xi8, #tpu.memory_space<vmem>> -> memref<20x64xi8, #tpu.memory_space<vmem>>
      %dma_wait3A_1424 = arith.constant 0 : i32
      %dma_wait3A_1425 = tpu.memref_slice %arg5[%dma_wait3A_1420, %dma_wait3A_1424] : memref<128x20xi32, #tpu.memory_space<vmem>> -> memref<1x20xi32, #tpu.memory_space<vmem>>
      %dma_wait3A_1426 = tpu.memref_squeeze %dma_wait3A_1425 : memref<1x20xi32, #tpu.memory_space<vmem>> -> memref<20xi32, #tpu.memory_space<vmem>>
      %dma_wait3A_1427 = arith.constant 0 : i32
      %dma_wait3A_1428 = arith.constant 0 : i32
      %dma_wait3A_1429 = tpu.memref_slice %arg3[%dma_wait3A_1427, %dma_wait3A_1428] : memref<1000000x64xi8, #tpu.memory_space<hbm>> -> memref<1000000x64xi8, #tpu.memory_space<hbm>>
      tpu.wait_indirect_dma semaphore(%arg7 : memref<!tpu.dma_semaphore, #tpu.memory_space<semaphore_mem>>) src(%dma_wait3A_1429 : memref<1000000x64xi8, #tpu.memory_space<hbm>>) dst(%dma_wait3A_1423 : memref<20x64xi8, #tpu.memory_space<vmem>>)
      %dma_wait3A_1430 = arith.constant 14 : i32
      %dma_wait3A_1431 = arith.constant 280 : i32
      %dma_wait3A_1432 = arith.constant 0 : i32
      %dma_wait3A_1433 = tpu.memref_slice %arg6[%dma_wait3A_1431, %dma_wait3A_1432] : memref<2560x64xi8, #tpu.memory_space<vmem>> -> memref<20x64xi8, #tpu.memory_space<vmem>>
      %dma_wait3A_1434 = arith.constant 0 : i32
      %dma_wait3A_1435 = tpu.memref_slice %arg5[%dma_wait3A_1430, %dma_wait3A_1434] : memref<128x20xi32, #tpu.memory_space<vmem>> -> memref<1x20xi32, #tpu.memory_space<vmem>>
      %dma_wait3A_1436 = tpu.memref_squeeze %dma_wait3A_1435 : memref<1x20xi32, #tpu.memory_space<vmem>> -> memref<20xi32, #tpu.memory_space<vmem>>
      %dma_wait3A_1437 = arith.constant 0 : i32
      %dma_wait3A_1438 = arith.constant 0 : i32
      %dma_wait3A_1439 = tpu.memref_slice %arg3[%dma_wait3A_1437, %dma_wait3A_1438] : memref<1000000x64xi8, #tpu.memory_space<hbm>> -> memref<1000000x64xi8, #tpu.memory_space<hbm>>
      tpu.wait_indirect_dma semaphore(%arg7 : memref<!tpu.dma_semaphore, #tpu.memory_space<semaphore_mem>>) src(%dma_wait3A_1439 : memref<1000000x64xi8, #tpu.memory_space<hbm>>) dst(%dma_wait3A_1433 : memref<20x64xi8, #tpu.memory_space<vmem>>)
      %dma_wait3A_1440 = arith.constant 15 : i32
      %dma_wait3A_1441 = arith.constant 300 : i32
      %dma_wait3A_1442 = arith.constant 0 : i32
      %dma_wait3A_1443 = tpu.memref_slice %arg6[%dma_wait3A_1441, %dma_wait3A_1442] : memref<2560x64xi8, #tpu.memory_space<vmem>> -> memref<20x64xi8, #tpu.memory_space<vmem>>
      %dma_wait3A_1444 = arith.constant 0 : i32
      %dma_wait3A_1445 = tpu.memref_slice %arg5[%dma_wait3A_1440, %dma_wait3A_1444] : memref<128x20xi32, #tpu.memory_space<vmem>> -> memref<1x20xi32, #tpu.memory_space<vmem>>
      %dma_wait3A_1446 = tpu.memref_squeeze %dma_wait3A_1445 : memref<1x20xi32, #tpu.memory_space<vmem>> -> memref<20xi32, #tpu.memory_space<vmem>>
      %dma_wait3A_1447 = arith.constant 0 : i32
      %dma_wait3A_1448 = arith.constant 0 : i32
      %dma_wait3A_1449 = tpu.memref_slice %arg3[%dma_wait3A_1447, %dma_wait3A_1448] : memref<1000000x64xi8, #tpu.memory_space<hbm>> -> memref<1000000x64xi8, #tpu.memory_space<hbm>>
      tpu.wait_indirect_dma semaphore(%arg7 : memref<!tpu.dma_semaphore, #tpu.memory_space<semaphore_mem>>) src(%dma_wait3A_1449 : memref<1000000x64xi8, #tpu.memory_space<hbm>>) dst(%dma_wait3A_1443 : memref<20x64xi8, #tpu.memory_space<vmem>>)
      %dma_wait3A_1450 = arith.constant 16 : i32
      %dma_wait3A_1451 = arith.constant 320 : i32
      %dma_wait3A_1452 = arith.constant 0 : i32
      %dma_wait3A_1453 = tpu.memref_slice %arg6[%dma_wait3A_1451, %dma_wait3A_1452] : memref<2560x64xi8, #tpu.memory_space<vmem>> -> memref<20x64xi8, #tpu.memory_space<vmem>>
      %dma_wait3A_1454 = arith.constant 0 : i32
      %dma_wait3A_1455 = tpu.memref_slice %arg5[%dma_wait3A_1450, %dma_wait3A_1454] : memref<128x20xi32, #tpu.memory_space<vmem>> -> memref<1x20xi32, #tpu.memory_space<vmem>>
      %dma_wait3A_1456 = tpu.memref_squeeze %dma_wait3A_1455 : memref<1x20xi32, #tpu.memory_space<vmem>> -> memref<20xi32, #tpu.memory_space<vmem>>
      %dma_wait3A_1457 = arith.constant 0 : i32
      %dma_wait3A_1458 = arith.constant 0 : i32
      %dma_wait3A_1459 = tpu.memref_slice %arg3[%dma_wait3A_1457, %dma_wait3A_1458] : memref<1000000x64xi8, #tpu.memory_space<hbm>> -> memref<1000000x64xi8, #tpu.memory_space<hbm>>
      tpu.wait_indirect_dma semaphore(%arg7 : memref<!tpu.dma_semaphore, #tpu.memory_space<semaphore_mem>>) src(%dma_wait3A_1459 : memref<1000000x64xi8, #tpu.memory_space<hbm>>) dst(%dma_wait3A_1453 : memref<20x64xi8, #tpu.memory_space<vmem>>)
      %dma_wait3A_1460 = arith.constant 17 : i32
      %dma_wait3A_1461 = arith.constant 340 : i32
      %dma_wait3A_1462 = arith.constant 0 : i32
      %dma_wait3A_1463 = tpu.memref_slice %arg6[%dma_wait3A_1461, %dma_wait3A_1462] : memref<2560x64xi8, #tpu.memory_space<vmem>> -> memref<20x64xi8, #tpu.memory_space<vmem>>
      %dma_wait3A_1464 = arith.constant 0 : i32
      %dma_wait3A_1465 = tpu.memref_slice %arg5[%dma_wait3A_1460, %dma_wait3A_1464] : memref<128x20xi32, #tpu.memory_space<vmem>> -> memref<1x20xi32, #tpu.memory_space<vmem>>
      %dma_wait3A_1466 = tpu.memref_squeeze %dma_wait3A_1465 : memref<1x20xi32, #tpu.memory_space<vmem>> -> memref<20xi32, #tpu.memory_space<vmem>>
      %dma_wait3A_1467 = arith.constant 0 : i32
      %dma_wait3A_1468 = arith.constant 0 : i32
      %dma_wait3A_1469 = tpu.memref_slice %arg3[%dma_wait3A_1467, %dma_wait3A_1468] : memref<1000000x64xi8, #tpu.memory_space<hbm>> -> memref<1000000x64xi8, #tpu.memory_space<hbm>>
      tpu.wait_indirect_dma semaphore(%arg7 : memref<!tpu.dma_semaphore, #tpu.memory_space<semaphore_mem>>) src(%dma_wait3A_1469 : memref<1000000x64xi8, #tpu.memory_space<hbm>>) dst(%dma_wait3A_1463 : memref<20x64xi8, #tpu.memory_space<vmem>>)
      %dma_wait3A_1470 = arith.constant 18 : i32
      %dma_wait3A_1471 = arith.constant 360 : i32
      %dma_wait3A_1472 = arith.constant 0 : i32
      %dma_wait3A_1473 = tpu.memref_slice %arg6[%dma_wait3A_1471, %dma_wait3A_1472] : memref<2560x64xi8, #tpu.memory_space<vmem>> -> memref<20x64xi8, #tpu.memory_space<vmem>>
      %dma_wait3A_1474 = arith.constant 0 : i32
      %dma_wait3A_1475 = tpu.memref_slice %arg5[%dma_wait3A_1470, %dma_wait3A_1474] : memref<128x20xi32, #tpu.memory_space<vmem>> -> memref<1x20xi32, #tpu.memory_space<vmem>>
      %dma_wait3A_1476 = tpu.memref_squeeze %dma_wait3A_1475 : memref<1x20xi32, #tpu.memory_space<vmem>> -> memref<20xi32, #tpu.memory_space<vmem>>
      %dma_wait3A_1477 = arith.constant 0 : i32
      %dma_wait3A_1478 = arith.constant 0 : i32
      %dma_wait3A_1479 = tpu.memref_slice %arg3[%dma_wait3A_1477, %dma_wait3A_1478] : memref<1000000x64xi8, #tpu.memory_space<hbm>> -> memref<1000000x64xi8, #tpu.memory_space<hbm>>
      tpu.wait_indirect_dma semaphore(%arg7 : memref<!tpu.dma_semaphore, #tpu.memory_space<semaphore_mem>>) src(%dma_wait3A_1479 : memref<1000000x64xi8, #tpu.memory_space<hbm>>) dst(%dma_wait3A_1473 : memref<20x64xi8, #tpu.memory_space<vmem>>)
      %dma_wait3A_1480 = arith.constant 19 : i32
      %dma_wait3A_1481 = arith.constant 380 : i32
      %dma_wait3A_1482 = arith.constant 0 : i32
      %dma_wait3A_1483 = tpu.memref_slice %arg6[%dma_wait3A_1481, %dma_wait3A_1482] : memref<2560x64xi8, #tpu.memory_space<vmem>> -> memref<20x64xi8, #tpu.memory_space<vmem>>
      %dma_wait3A_1484 = arith.constant 0 : i32
      %dma_wait3A_1485 = tpu.memref_slice %arg5[%dma_wait3A_1480, %dma_wait3A_1484] : memref<128x20xi32, #tpu.memory_space<vmem>> -> memref<1x20xi32, #tpu.memory_space<vmem>>
      %dma_wait3A_1486 = tpu.memref_squeeze %dma_wait3A_1485 : memref<1x20xi32, #tpu.memory_space<vmem>> -> memref<20xi32, #tpu.memory_space<vmem>>
      %dma_wait3A_1487 = arith.constant 0 : i32
      %dma_wait3A_1488 = arith.constant 0 : i32
      %dma_wait3A_1489 = tpu.memref_slice %arg3[%dma_wait3A_1487, %dma_wait3A_1488] : memref<1000000x64xi8, #tpu.memory_space<hbm>> -> memref<1000000x64xi8, #tpu.memory_space<hbm>>
      tpu.wait_indirect_dma semaphore(%arg7 : memref<!tpu.dma_semaphore, #tpu.memory_space<semaphore_mem>>) src(%dma_wait3A_1489 : memref<1000000x64xi8, #tpu.memory_space<hbm>>) dst(%dma_wait3A_1483 : memref<20x64xi8, #tpu.memory_space<vmem>>)
      %dma_wait3A_1490 = arith.constant 20 : i32
      %dma_wait3A_1491 = arith.constant 400 : i32
      %dma_wait3A_1492 = arith.constant 0 : i32
      %dma_wait3A_1493 = tpu.memref_slice %arg6[%dma_wait3A_1491, %dma_wait3A_1492] : memref<2560x64xi8, #tpu.memory_space<vmem>> -> memref<20x64xi8, #tpu.memory_space<vmem>>
      %dma_wait3A_1494 = arith.constant 0 : i32
      %dma_wait3A_1495 = tpu.memref_slice %arg5[%dma_wait3A_1490, %dma_wait3A_1494] : memref<128x20xi32, #tpu.memory_space<vmem>> -> memref<1x20xi32, #tpu.memory_space<vmem>>
      %dma_wait3A_1496 = tpu.memref_squeeze %dma_wait3A_1495 : memref<1x20xi32, #tpu.memory_space<vmem>> -> memref<20xi32, #tpu.memory_space<vmem>>
      %dma_wait3A_1497 = arith.constant 0 : i32
      %dma_wait3A_1498 = arith.constant 0 : i32
      %dma_wait3A_1499 = tpu.memref_slice %arg3[%dma_wait3A_1497, %dma_wait3A_1498] : memref<1000000x64xi8, #tpu.memory_space<hbm>> -> memref<1000000x64xi8, #tpu.memory_space<hbm>>
      tpu.wait_indirect_dma semaphore(%arg7 : memref<!tpu.dma_semaphore, #tpu.memory_space<semaphore_mem>>) src(%dma_wait3A_1499 : memref<1000000x64xi8, #tpu.memory_space<hbm>>) dst(%dma_wait3A_1493 : memref<20x64xi8, #tpu.memory_space<vmem>>)
      %dma_wait3A_1500 = arith.constant 21 : i32
      %dma_wait3A_1501 = arith.constant 420 : i32
      %dma_wait3A_1502 = arith.constant 0 : i32
      %dma_wait3A_1503 = tpu.memref_slice %arg6[%dma_wait3A_1501, %dma_wait3A_1502] : memref<2560x64xi8, #tpu.memory_space<vmem>> -> memref<20x64xi8, #tpu.memory_space<vmem>>
      %dma_wait3A_1504 = arith.constant 0 : i32
      %dma_wait3A_1505 = tpu.memref_slice %arg5[%dma_wait3A_1500, %dma_wait3A_1504] : memref<128x20xi32, #tpu.memory_space<vmem>> -> memref<1x20xi32, #tpu.memory_space<vmem>>
      %dma_wait3A_1506 = tpu.memref_squeeze %dma_wait3A_1505 : memref<1x20xi32, #tpu.memory_space<vmem>> -> memref<20xi32, #tpu.memory_space<vmem>>
      %dma_wait3A_1507 = arith.constant 0 : i32
      %dma_wait3A_1508 = arith.constant 0 : i32
      %dma_wait3A_1509 = tpu.memref_slice %arg3[%dma_wait3A_1507, %dma_wait3A_1508] : memref<1000000x64xi8, #tpu.memory_space<hbm>> -> memref<1000000x64xi8, #tpu.memory_space<hbm>>
      tpu.wait_indirect_dma semaphore(%arg7 : memref<!tpu.dma_semaphore, #tpu.memory_space<semaphore_mem>>) src(%dma_wait3A_1509 : memref<1000000x64xi8, #tpu.memory_space<hbm>>) dst(%dma_wait3A_1503 : memref<20x64xi8, #tpu.memory_space<vmem>>)
      %dma_wait3A_1510 = arith.constant 22 : i32
      %dma_wait3A_1511 = arith.constant 440 : i32
      %dma_wait3A_1512 = arith.constant 0 : i32
      %dma_wait3A_1513 = tpu.memref_slice %arg6[%dma_wait3A_1511, %dma_wait3A_1512] : memref<2560x64xi8, #tpu.memory_space<vmem>> -> memref<20x64xi8, #tpu.memory_space<vmem>>
      %dma_wait3A_1514 = arith.constant 0 : i32
      %dma_wait3A_1515 = tpu.memref_slice %arg5[%dma_wait3A_1510, %dma_wait3A_1514] : memref<128x20xi32, #tpu.memory_space<vmem>> -> memref<1x20xi32, #tpu.memory_space<vmem>>
      %dma_wait3A_1516 = tpu.memref_squeeze %dma_wait3A_1515 : memref<1x20xi32, #tpu.memory_space<vmem>> -> memref<20xi32, #tpu.memory_space<vmem>>
      %dma_wait3A_1517 = arith.constant 0 : i32
      %dma_wait3A_1518 = arith.constant 0 : i32
      %dma_wait3A_1519 = tpu.memref_slice %arg3[%dma_wait3A_1517, %dma_wait3A_1518] : memref<1000000x64xi8, #tpu.memory_space<hbm>> -> memref<1000000x64xi8, #tpu.memory_space<hbm>>
      tpu.wait_indirect_dma semaphore(%arg7 : memref<!tpu.dma_semaphore, #tpu.memory_space<semaphore_mem>>) src(%dma_wait3A_1519 : memref<1000000x64xi8, #tpu.memory_space<hbm>>) dst(%dma_wait3A_1513 : memref<20x64xi8, #tpu.memory_space<vmem>>)
      %dma_wait3A_1520 = arith.constant 23 : i32
      %dma_wait3A_1521 = arith.constant 460 : i32
      %dma_wait3A_1522 = arith.constant 0 : i32
      %dma_wait3A_1523 = tpu.memref_slice %arg6[%dma_wait3A_1521, %dma_wait3A_1522] : memref<2560x64xi8, #tpu.memory_space<vmem>> -> memref<20x64xi8, #tpu.memory_space<vmem>>
      %dma_wait3A_1524 = arith.constant 0 : i32
      %dma_wait3A_1525 = tpu.memref_slice %arg5[%dma_wait3A_1520, %dma_wait3A_1524] : memref<128x20xi32, #tpu.memory_space<vmem>> -> memref<1x20xi32, #tpu.memory_space<vmem>>
      %dma_wait3A_1526 = tpu.memref_squeeze %dma_wait3A_1525 : memref<1x20xi32, #tpu.memory_space<vmem>> -> memref<20xi32, #tpu.memory_space<vmem>>
      %dma_wait3A_1527 = arith.constant 0 : i32
      %dma_wait3A_1528 = arith.constant 0 : i32
      %dma_wait3A_1529 = tpu.memref_slice %arg3[%dma_wait3A_1527, %dma_wait3A_1528] : memref<1000000x64xi8, #tpu.memory_space<hbm>> -> memref<1000000x64xi8, #tpu.memory_space<hbm>>
      tpu.wait_indirect_dma semaphore(%arg7 : memref<!tpu.dma_semaphore, #tpu.memory_space<semaphore_mem>>) src(%dma_wait3A_1529 : memref<1000000x64xi8, #tpu.memory_space<hbm>>) dst(%dma_wait3A_1523 : memref<20x64xi8, #tpu.memory_space<vmem>>)
      %dma_wait3A_1530 = arith.constant 24 : i32
      %dma_wait3A_1531 = arith.constant 480 : i32
      %dma_wait3A_1532 = arith.constant 0 : i32
      %dma_wait3A_1533 = tpu.memref_slice %arg6[%dma_wait3A_1531, %dma_wait3A_1532] : memref<2560x64xi8, #tpu.memory_space<vmem>> -> memref<20x64xi8, #tpu.memory_space<vmem>>
      %dma_wait3A_1534 = arith.constant 0 : i32
      %dma_wait3A_1535 = tpu.memref_slice %arg5[%dma_wait3A_1530, %dma_wait3A_1534] : memref<128x20xi32, #tpu.memory_space<vmem>> -> memref<1x20xi32, #tpu.memory_space<vmem>>
      %dma_wait3A_1536 = tpu.memref_squeeze %dma_wait3A_1535 : memref<1x20xi32, #tpu.memory_space<vmem>> -> memref<20xi32, #tpu.memory_space<vmem>>
      %dma_wait3A_1537 = arith.constant 0 : i32
      %dma_wait3A_1538 = arith.constant 0 : i32
      %dma_wait3A_1539 = tpu.memref_slice %arg3[%dma_wait3A_1537, %dma_wait3A_1538] : memref<1000000x64xi8, #tpu.memory_space<hbm>> -> memref<1000000x64xi8, #tpu.memory_space<hbm>>
      tpu.wait_indirect_dma semaphore(%arg7 : memref<!tpu.dma_semaphore, #tpu.memory_space<semaphore_mem>>) src(%dma_wait3A_1539 : memref<1000000x64xi8, #tpu.memory_space<hbm>>) dst(%dma_wait3A_1533 : memref<20x64xi8, #tpu.memory_space<vmem>>)
      %dma_wait3A_1540 = arith.constant 25 : i32
      %dma_wait3A_1541 = arith.constant 500 : i32
      %dma_wait3A_1542 = arith.constant 0 : i32
      %dma_wait3A_1543 = tpu.memref_slice %arg6[%dma_wait3A_1541, %dma_wait3A_1542] : memref<2560x64xi8, #tpu.memory_space<vmem>> -> memref<20x64xi8, #tpu.memory_space<vmem>>
      %dma_wait3A_1544 = arith.constant 0 : i32
      %dma_wait3A_1545 = tpu.memref_slice %arg5[%dma_wait3A_1540, %dma_wait3A_1544] : memref<128x20xi32, #tpu.memory_space<vmem>> -> memref<1x20xi32, #tpu.memory_space<vmem>>
      %dma_wait3A_1546 = tpu.memref_squeeze %dma_wait3A_1545 : memref<1x20xi32, #tpu.memory_space<vmem>> -> memref<20xi32, #tpu.memory_space<vmem>>
      %dma_wait3A_1547 = arith.constant 0 : i32
      %dma_wait3A_1548 = arith.constant 0 : i32
      %dma_wait3A_1549 = tpu.memref_slice %arg3[%dma_wait3A_1547, %dma_wait3A_1548] : memref<1000000x64xi8, #tpu.memory_space<hbm>> -> memref<1000000x64xi8, #tpu.memory_space<hbm>>
      tpu.wait_indirect_dma semaphore(%arg7 : memref<!tpu.dma_semaphore, #tpu.memory_space<semaphore_mem>>) src(%dma_wait3A_1549 : memref<1000000x64xi8, #tpu.memory_space<hbm>>) dst(%dma_wait3A_1543 : memref<20x64xi8, #tpu.memory_space<vmem>>)
      %dma_wait3A_1550 = arith.constant 26 : i32
      %dma_wait3A_1551 = arith.constant 520 : i32
      %dma_wait3A_1552 = arith.constant 0 : i32
      %dma_wait3A_1553 = tpu.memref_slice %arg6[%dma_wait3A_1551, %dma_wait3A_1552] : memref<2560x64xi8, #tpu.memory_space<vmem>> -> memref<20x64xi8, #tpu.memory_space<vmem>>
      %dma_wait3A_1554 = arith.constant 0 : i32
      %dma_wait3A_1555 = tpu.memref_slice %arg5[%dma_wait3A_1550, %dma_wait3A_1554] : memref<128x20xi32, #tpu.memory_space<vmem>> -> memref<1x20xi32, #tpu.memory_space<vmem>>
      %dma_wait3A_1556 = tpu.memref_squeeze %dma_wait3A_1555 : memref<1x20xi32, #tpu.memory_space<vmem>> -> memref<20xi32, #tpu.memory_space<vmem>>
      %dma_wait3A_1557 = arith.constant 0 : i32
      %dma_wait3A_1558 = arith.constant 0 : i32
      %dma_wait3A_1559 = tpu.memref_slice %arg3[%dma_wait3A_1557, %dma_wait3A_1558] : memref<1000000x64xi8, #tpu.memory_space<hbm>> -> memref<1000000x64xi8, #tpu.memory_space<hbm>>
      tpu.wait_indirect_dma semaphore(%arg7 : memref<!tpu.dma_semaphore, #tpu.memory_space<semaphore_mem>>) src(%dma_wait3A_1559 : memref<1000000x64xi8, #tpu.memory_space<hbm>>) dst(%dma_wait3A_1553 : memref<20x64xi8, #tpu.memory_space<vmem>>)
      %dma_wait3A_1560 = arith.constant 27 : i32
      %dma_wait3A_1561 = arith.constant 540 : i32
      %dma_wait3A_1562 = arith.constant 0 : i32
      %dma_wait3A_1563 = tpu.memref_slice %arg6[%dma_wait3A_1561, %dma_wait3A_1562] : memref<2560x64xi8, #tpu.memory_space<vmem>> -> memref<20x64xi8, #tpu.memory_space<vmem>>
      %dma_wait3A_1564 = arith.constant 0 : i32
      %dma_wait3A_1565 = tpu.memref_slice %arg5[%dma_wait3A_1560, %dma_wait3A_1564] : memref<128x20xi32, #tpu.memory_space<vmem>> -> memref<1x20xi32, #tpu.memory_space<vmem>>
      %dma_wait3A_1566 = tpu.memref_squeeze %dma_wait3A_1565 : memref<1x20xi32, #tpu.memory_space<vmem>> -> memref<20xi32, #tpu.memory_space<vmem>>
      %dma_wait3A_1567 = arith.constant 0 : i32
      %dma_wait3A_1568 = arith.constant 0 : i32
      %dma_wait3A_1569 = tpu.memref_slice %arg3[%dma_wait3A_1567, %dma_wait3A_1568] : memref<1000000x64xi8, #tpu.memory_space<hbm>> -> memref<1000000x64xi8, #tpu.memory_space<hbm>>
      tpu.wait_indirect_dma semaphore(%arg7 : memref<!tpu.dma_semaphore, #tpu.memory_space<semaphore_mem>>) src(%dma_wait3A_1569 : memref<1000000x64xi8, #tpu.memory_space<hbm>>) dst(%dma_wait3A_1563 : memref<20x64xi8, #tpu.memory_space<vmem>>)
      %dma_wait3A_1570 = arith.constant 28 : i32
      %dma_wait3A_1571 = arith.constant 560 : i32
      %dma_wait3A_1572 = arith.constant 0 : i32
      %dma_wait3A_1573 = tpu.memref_slice %arg6[%dma_wait3A_1571, %dma_wait3A_1572] : memref<2560x64xi8, #tpu.memory_space<vmem>> -> memref<20x64xi8, #tpu.memory_space<vmem>>
      %dma_wait3A_1574 = arith.constant 0 : i32
      %dma_wait3A_1575 = tpu.memref_slice %arg5[%dma_wait3A_1570, %dma_wait3A_1574] : memref<128x20xi32, #tpu.memory_space<vmem>> -> memref<1x20xi32, #tpu.memory_space<vmem>>
      %dma_wait3A_1576 = tpu.memref_squeeze %dma_wait3A_1575 : memref<1x20xi32, #tpu.memory_space<vmem>> -> memref<20xi32, #tpu.memory_space<vmem>>
      %dma_wait3A_1577 = arith.constant 0 : i32
      %dma_wait3A_1578 = arith.constant 0 : i32
      %dma_wait3A_1579 = tpu.memref_slice %arg3[%dma_wait3A_1577, %dma_wait3A_1578] : memref<1000000x64xi8, #tpu.memory_space<hbm>> -> memref<1000000x64xi8, #tpu.memory_space<hbm>>
      tpu.wait_indirect_dma semaphore(%arg7 : memref<!tpu.dma_semaphore, #tpu.memory_space<semaphore_mem>>) src(%dma_wait3A_1579 : memref<1000000x64xi8, #tpu.memory_space<hbm>>) dst(%dma_wait3A_1573 : memref<20x64xi8, #tpu.memory_space<vmem>>)
      %dma_wait3A_1580 = arith.constant 29 : i32
      %dma_wait3A_1581 = arith.constant 580 : i32
      %dma_wait3A_1582 = arith.constant 0 : i32
      %dma_wait3A_1583 = tpu.memref_slice %arg6[%dma_wait3A_1581, %dma_wait3A_1582] : memref<2560x64xi8, #tpu.memory_space<vmem>> -> memref<20x64xi8, #tpu.memory_space<vmem>>
      %dma_wait3A_1584 = arith.constant 0 : i32
      %dma_wait3A_1585 = tpu.memref_slice %arg5[%dma_wait3A_1580, %dma_wait3A_1584] : memref<128x20xi32, #tpu.memory_space<vmem>> -> memref<1x20xi32, #tpu.memory_space<vmem>>
      %dma_wait3A_1586 = tpu.memref_squeeze %dma_wait3A_1585 : memref<1x20xi32, #tpu.memory_space<vmem>> -> memref<20xi32, #tpu.memory_space<vmem>>
      %dma_wait3A_1587 = arith.constant 0 : i32
      %dma_wait3A_1588 = arith.constant 0 : i32
      %dma_wait3A_1589 = tpu.memref_slice %arg3[%dma_wait3A_1587, %dma_wait3A_1588] : memref<1000000x64xi8, #tpu.memory_space<hbm>> -> memref<1000000x64xi8, #tpu.memory_space<hbm>>
      tpu.wait_indirect_dma semaphore(%arg7 : memref<!tpu.dma_semaphore, #tpu.memory_space<semaphore_mem>>) src(%dma_wait3A_1589 : memref<1000000x64xi8, #tpu.memory_space<hbm>>) dst(%dma_wait3A_1583 : memref<20x64xi8, #tpu.memory_space<vmem>>)
      %dma_wait3A_1590 = arith.constant 30 : i32
      %dma_wait3A_1591 = arith.constant 600 : i32
      %dma_wait3A_1592 = arith.constant 0 : i32
      %dma_wait3A_1593 = tpu.memref_slice %arg6[%dma_wait3A_1591, %dma_wait3A_1592] : memref<2560x64xi8, #tpu.memory_space<vmem>> -> memref<20x64xi8, #tpu.memory_space<vmem>>
      %dma_wait3A_1594 = arith.constant 0 : i32
      %dma_wait3A_1595 = tpu.memref_slice %arg5[%dma_wait3A_1590, %dma_wait3A_1594] : memref<128x20xi32, #tpu.memory_space<vmem>> -> memref<1x20xi32, #tpu.memory_space<vmem>>
      %dma_wait3A_1596 = tpu.memref_squeeze %dma_wait3A_1595 : memref<1x20xi32, #tpu.memory_space<vmem>> -> memref<20xi32, #tpu.memory_space<vmem>>
      %dma_wait3A_1597 = arith.constant 0 : i32
      %dma_wait3A_1598 = arith.constant 0 : i32
      %dma_wait3A_1599 = tpu.memref_slice %arg3[%dma_wait3A_1597, %dma_wait3A_1598] : memref<1000000x64xi8, #tpu.memory_space<hbm>> -> memref<1000000x64xi8, #tpu.memory_space<hbm>>
      tpu.wait_indirect_dma semaphore(%arg7 : memref<!tpu.dma_semaphore, #tpu.memory_space<semaphore_mem>>) src(%dma_wait3A_1599 : memref<1000000x64xi8, #tpu.memory_space<hbm>>) dst(%dma_wait3A_1593 : memref<20x64xi8, #tpu.memory_space<vmem>>)
      %dma_wait3A_1600 = arith.constant 31 : i32
      %dma_wait3A_1601 = arith.constant 620 : i32
      %dma_wait3A_1602 = arith.constant 0 : i32
      %dma_wait3A_1603 = tpu.memref_slice %arg6[%dma_wait3A_1601, %dma_wait3A_1602] : memref<2560x64xi8, #tpu.memory_space<vmem>> -> memref<20x64xi8, #tpu.memory_space<vmem>>
      %dma_wait3A_1604 = arith.constant 0 : i32
      %dma_wait3A_1605 = tpu.memref_slice %arg5[%dma_wait3A_1600, %dma_wait3A_1604] : memref<128x20xi32, #tpu.memory_space<vmem>> -> memref<1x20xi32, #tpu.memory_space<vmem>>
      %dma_wait3A_1606 = tpu.memref_squeeze %dma_wait3A_1605 : memref<1x20xi32, #tpu.memory_space<vmem>> -> memref<20xi32, #tpu.memory_space<vmem>>
      %dma_wait3A_1607 = arith.constant 0 : i32
      %dma_wait3A_1608 = arith.constant 0 : i32
      %dma_wait3A_1609 = tpu.memref_slice %arg3[%dma_wait3A_1607, %dma_wait3A_1608] : memref<1000000x64xi8, #tpu.memory_space<hbm>> -> memref<1000000x64xi8, #tpu.memory_space<hbm>>
      tpu.wait_indirect_dma semaphore(%arg7 : memref<!tpu.dma_semaphore, #tpu.memory_space<semaphore_mem>>) src(%dma_wait3A_1609 : memref<1000000x64xi8, #tpu.memory_space<hbm>>) dst(%dma_wait3A_1603 : memref<20x64xi8, #tpu.memory_space<vmem>>)
      %dma_wait3A_1610 = arith.constant 32 : i32
      %dma_wait3A_1611 = arith.constant 640 : i32
      %dma_wait3A_1612 = arith.constant 0 : i32
      %dma_wait3A_1613 = tpu.memref_slice %arg6[%dma_wait3A_1611, %dma_wait3A_1612] : memref<2560x64xi8, #tpu.memory_space<vmem>> -> memref<20x64xi8, #tpu.memory_space<vmem>>
      %dma_wait3A_1614 = arith.constant 0 : i32
      %dma_wait3A_1615 = tpu.memref_slice %arg5[%dma_wait3A_1610, %dma_wait3A_1614] : memref<128x20xi32, #tpu.memory_space<vmem>> -> memref<1x20xi32, #tpu.memory_space<vmem>>
      %dma_wait3A_1616 = tpu.memref_squeeze %dma_wait3A_1615 : memref<1x20xi32, #tpu.memory_space<vmem>> -> memref<20xi32, #tpu.memory_space<vmem>>
      %dma_wait3A_1617 = arith.constant 0 : i32
      %dma_wait3A_1618 = arith.constant 0 : i32
      %dma_wait3A_1619 = tpu.memref_slice %arg3[%dma_wait3A_1617, %dma_wait3A_1618] : memref<1000000x64xi8, #tpu.memory_space<hbm>> -> memref<1000000x64xi8, #tpu.memory_space<hbm>>
      tpu.wait_indirect_dma semaphore(%arg7 : memref<!tpu.dma_semaphore, #tpu.memory_space<semaphore_mem>>) src(%dma_wait3A_1619 : memref<1000000x64xi8, #tpu.memory_space<hbm>>) dst(%dma_wait3A_1613 : memref<20x64xi8, #tpu.memory_space<vmem>>)
      %dma_wait3A_1620 = arith.constant 33 : i32
      %dma_wait3A_1621 = arith.constant 660 : i32
      %dma_wait3A_1622 = arith.constant 0 : i32
      %dma_wait3A_1623 = tpu.memref_slice %arg6[%dma_wait3A_1621, %dma_wait3A_1622] : memref<2560x64xi8, #tpu.memory_space<vmem>> -> memref<20x64xi8, #tpu.memory_space<vmem>>
      %dma_wait3A_1624 = arith.constant 0 : i32
      %dma_wait3A_1625 = tpu.memref_slice %arg5[%dma_wait3A_1620, %dma_wait3A_1624] : memref<128x20xi32, #tpu.memory_space<vmem>> -> memref<1x20xi32, #tpu.memory_space<vmem>>
      %dma_wait3A_1626 = tpu.memref_squeeze %dma_wait3A_1625 : memref<1x20xi32, #tpu.memory_space<vmem>> -> memref<20xi32, #tpu.memory_space<vmem>>
      %dma_wait3A_1627 = arith.constant 0 : i32
      %dma_wait3A_1628 = arith.constant 0 : i32
      %dma_wait3A_1629 = tpu.memref_slice %arg3[%dma_wait3A_1627, %dma_wait3A_1628] : memref<1000000x64xi8, #tpu.memory_space<hbm>> -> memref<1000000x64xi8, #tpu.memory_space<hbm>>
      tpu.wait_indirect_dma semaphore(%arg7 : memref<!tpu.dma_semaphore, #tpu.memory_space<semaphore_mem>>) src(%dma_wait3A_1629 : memref<1000000x64xi8, #tpu.memory_space<hbm>>) dst(%dma_wait3A_1623 : memref<20x64xi8, #tpu.memory_space<vmem>>)
      %dma_wait3A_1630 = arith.constant 34 : i32
      %dma_wait3A_1631 = arith.constant 680 : i32
      %dma_wait3A_1632 = arith.constant 0 : i32
      %dma_wait3A_1633 = tpu.memref_slice %arg6[%dma_wait3A_1631, %dma_wait3A_1632] : memref<2560x64xi8, #tpu.memory_space<vmem>> -> memref<20x64xi8, #tpu.memory_space<vmem>>
      %dma_wait3A_1634 = arith.constant 0 : i32
      %dma_wait3A_1635 = tpu.memref_slice %arg5[%dma_wait3A_1630, %dma_wait3A_1634] : memref<128x20xi32, #tpu.memory_space<vmem>> -> memref<1x20xi32, #tpu.memory_space<vmem>>
      %dma_wait3A_1636 = tpu.memref_squeeze %dma_wait3A_1635 : memref<1x20xi32, #tpu.memory_space<vmem>> -> memref<20xi32, #tpu.memory_space<vmem>>
      %dma_wait3A_1637 = arith.constant 0 : i32
      %dma_wait3A_1638 = arith.constant 0 : i32
      %dma_wait3A_1639 = tpu.memref_slice %arg3[%dma_wait3A_1637, %dma_wait3A_1638] : memref<1000000x64xi8, #tpu.memory_space<hbm>> -> memref<1000000x64xi8, #tpu.memory_space<hbm>>
      tpu.wait_indirect_dma semaphore(%arg7 : memref<!tpu.dma_semaphore, #tpu.memory_space<semaphore_mem>>) src(%dma_wait3A_1639 : memref<1000000x64xi8, #tpu.memory_space<hbm>>) dst(%dma_wait3A_1633 : memref<20x64xi8, #tpu.memory_space<vmem>>)
      %dma_wait3A_1640 = arith.constant 35 : i32
      %dma_wait3A_1641 = arith.constant 700 : i32
      %dma_wait3A_1642 = arith.constant 0 : i32
      %dma_wait3A_1643 = tpu.memref_slice %arg6[%dma_wait3A_1641, %dma_wait3A_1642] : memref<2560x64xi8, #tpu.memory_space<vmem>> -> memref<20x64xi8, #tpu.memory_space<vmem>>
      %dma_wait3A_1644 = arith.constant 0 : i32
      %dma_wait3A_1645 = tpu.memref_slice %arg5[%dma_wait3A_1640, %dma_wait3A_1644] : memref<128x20xi32, #tpu.memory_space<vmem>> -> memref<1x20xi32, #tpu.memory_space<vmem>>
      %dma_wait3A_1646 = tpu.memref_squeeze %dma_wait3A_1645 : memref<1x20xi32, #tpu.memory_space<vmem>> -> memref<20xi32, #tpu.memory_space<vmem>>
      %dma_wait3A_1647 = arith.constant 0 : i32
      %dma_wait3A_1648 = arith.constant 0 : i32
      %dma_wait3A_1649 = tpu.memref_slice %arg3[%dma_wait3A_1647, %dma_wait3A_1648] : memref<1000000x64xi8, #tpu.memory_space<hbm>> -> memref<1000000x64xi8, #tpu.memory_space<hbm>>
      tpu.wait_indirect_dma semaphore(%arg7 : memref<!tpu.dma_semaphore, #tpu.memory_space<semaphore_mem>>) src(%dma_wait3A_1649 : memref<1000000x64xi8, #tpu.memory_space<hbm>>) dst(%dma_wait3A_1643 : memref<20x64xi8, #tpu.memory_space<vmem>>)
      %dma_wait3A_1650 = arith.constant 36 : i32
      %dma_wait3A_1651 = arith.constant 720 : i32
      %dma_wait3A_1652 = arith.constant 0 : i32
      %dma_wait3A_1653 = tpu.memref_slice %arg6[%dma_wait3A_1651, %dma_wait3A_1652] : memref<2560x64xi8, #tpu.memory_space<vmem>> -> memref<20x64xi8, #tpu.memory_space<vmem>>
      %dma_wait3A_1654 = arith.constant 0 : i32
      %dma_wait3A_1655 = tpu.memref_slice %arg5[%dma_wait3A_1650, %dma_wait3A_1654] : memref<128x20xi32, #tpu.memory_space<vmem>> -> memref<1x20xi32, #tpu.memory_space<vmem>>
      %dma_wait3A_1656 = tpu.memref_squeeze %dma_wait3A_1655 : memref<1x20xi32, #tpu.memory_space<vmem>> -> memref<20xi32, #tpu.memory_space<vmem>>
      %dma_wait3A_1657 = arith.constant 0 : i32
      %dma_wait3A_1658 = arith.constant 0 : i32
      %dma_wait3A_1659 = tpu.memref_slice %arg3[%dma_wait3A_1657, %dma_wait3A_1658] : memref<1000000x64xi8, #tpu.memory_space<hbm>> -> memref<1000000x64xi8, #tpu.memory_space<hbm>>
      tpu.wait_indirect_dma semaphore(%arg7 : memref<!tpu.dma_semaphore, #tpu.memory_space<semaphore_mem>>) src(%dma_wait3A_1659 : memref<1000000x64xi8, #tpu.memory_space<hbm>>) dst(%dma_wait3A_1653 : memref<20x64xi8, #tpu.memory_space<vmem>>)
      %dma_wait3A_1660 = arith.constant 37 : i32
      %dma_wait3A_1661 = arith.constant 740 : i32
      %dma_wait3A_1662 = arith.constant 0 : i32
      %dma_wait3A_1663 = tpu.memref_slice %arg6[%dma_wait3A_1661, %dma_wait3A_1662] : memref<2560x64xi8, #tpu.memory_space<vmem>> -> memref<20x64xi8, #tpu.memory_space<vmem>>
      %dma_wait3A_1664 = arith.constant 0 : i32
      %dma_wait3A_1665 = tpu.memref_slice %arg5[%dma_wait3A_1660, %dma_wait3A_1664] : memref<128x20xi32, #tpu.memory_space<vmem>> -> memref<1x20xi32, #tpu.memory_space<vmem>>
      %dma_wait3A_1666 = tpu.memref_squeeze %dma_wait3A_1665 : memref<1x20xi32, #tpu.memory_space<vmem>> -> memref<20xi32, #tpu.memory_space<vmem>>
      %dma_wait3A_1667 = arith.constant 0 : i32
      %dma_wait3A_1668 = arith.constant 0 : i32
      %dma_wait3A_1669 = tpu.memref_slice %arg3[%dma_wait3A_1667, %dma_wait3A_1668] : memref<1000000x64xi8, #tpu.memory_space<hbm>> -> memref<1000000x64xi8, #tpu.memory_space<hbm>>
      tpu.wait_indirect_dma semaphore(%arg7 : memref<!tpu.dma_semaphore, #tpu.memory_space<semaphore_mem>>) src(%dma_wait3A_1669 : memref<1000000x64xi8, #tpu.memory_space<hbm>>) dst(%dma_wait3A_1663 : memref<20x64xi8, #tpu.memory_space<vmem>>)
      %dma_wait3A_1670 = arith.constant 38 : i32
      %dma_wait3A_1671 = arith.constant 760 : i32
      %dma_wait3A_1672 = arith.constant 0 : i32
      %dma_wait3A_1673 = tpu.memref_slice %arg6[%dma_wait3A_1671, %dma_wait3A_1672] : memref<2560x64xi8, #tpu.memory_space<vmem>> -> memref<20x64xi8, #tpu.memory_space<vmem>>
      %dma_wait3A_1674 = arith.constant 0 : i32
      %dma_wait3A_1675 = tpu.memref_slice %arg5[%dma_wait3A_1670, %dma_wait3A_1674] : memref<128x20xi32, #tpu.memory_space<vmem>> -> memref<1x20xi32, #tpu.memory_space<vmem>>
      %dma_wait3A_1676 = tpu.memref_squeeze %dma_wait3A_1675 : memref<1x20xi32, #tpu.memory_space<vmem>> -> memref<20xi32, #tpu.memory_space<vmem>>
      %dma_wait3A_1677 = arith.constant 0 : i32
      %dma_wait3A_1678 = arith.constant 0 : i32
      %dma_wait3A_1679 = tpu.memref_slice %arg3[%dma_wait3A_1677, %dma_wait3A_1678] : memref<1000000x64xi8, #tpu.memory_space<hbm>> -> memref<1000000x64xi8, #tpu.memory_space<hbm>>
      tpu.wait_indirect_dma semaphore(%arg7 : memref<!tpu.dma_semaphore, #tpu.memory_space<semaphore_mem>>) src(%dma_wait3A_1679 : memref<1000000x64xi8, #tpu.memory_space<hbm>>) dst(%dma_wait3A_1673 : memref<20x64xi8, #tpu.memory_space<vmem>>)
      %dma_wait3A_1680 = arith.constant 39 : i32
      %dma_wait3A_1681 = arith.constant 780 : i32
      %dma_wait3A_1682 = arith.constant 0 : i32
      %dma_wait3A_1683 = tpu.memref_slice %arg6[%dma_wait3A_1681, %dma_wait3A_1682] : memref<2560x64xi8, #tpu.memory_space<vmem>> -> memref<20x64xi8, #tpu.memory_space<vmem>>
      %dma_wait3A_1684 = arith.constant 0 : i32
      %dma_wait3A_1685 = tpu.memref_slice %arg5[%dma_wait3A_1680, %dma_wait3A_1684] : memref<128x20xi32, #tpu.memory_space<vmem>> -> memref<1x20xi32, #tpu.memory_space<vmem>>
      %dma_wait3A_1686 = tpu.memref_squeeze %dma_wait3A_1685 : memref<1x20xi32, #tpu.memory_space<vmem>> -> memref<20xi32, #tpu.memory_space<vmem>>
      %dma_wait3A_1687 = arith.constant 0 : i32
      %dma_wait3A_1688 = arith.constant 0 : i32
      %dma_wait3A_1689 = tpu.memref_slice %arg3[%dma_wait3A_1687, %dma_wait3A_1688] : memref<1000000x64xi8, #tpu.memory_space<hbm>> -> memref<1000000x64xi8, #tpu.memory_space<hbm>>
      tpu.wait_indirect_dma semaphore(%arg7 : memref<!tpu.dma_semaphore, #tpu.memory_space<semaphore_mem>>) src(%dma_wait3A_1689 : memref<1000000x64xi8, #tpu.memory_space<hbm>>) dst(%dma_wait3A_1683 : memref<20x64xi8, #tpu.memory_space<vmem>>)
      %dma_wait3A_1690 = arith.constant 40 : i32
      %dma_wait3A_1691 = arith.constant 800 : i32
      %dma_wait3A_1692 = arith.constant 0 : i32
      %dma_wait3A_1693 = tpu.memref_slice %arg6[%dma_wait3A_1691, %dma_wait3A_1692] : memref<2560x64xi8, #tpu.memory_space<vmem>> -> memref<20x64xi8, #tpu.memory_space<vmem>>
      %dma_wait3A_1694 = arith.constant 0 : i32
      %dma_wait3A_1695 = tpu.memref_slice %arg5[%dma_wait3A_1690, %dma_wait3A_1694] : memref<128x20xi32, #tpu.memory_space<vmem>> -> memref<1x20xi32, #tpu.memory_space<vmem>>
      %dma_wait3A_1696 = tpu.memref_squeeze %dma_wait3A_1695 : memref<1x20xi32, #tpu.memory_space<vmem>> -> memref<20xi32, #tpu.memory_space<vmem>>
      %dma_wait3A_1697 = arith.constant 0 : i32
      %dma_wait3A_1698 = arith.constant 0 : i32
      %dma_wait3A_1699 = tpu.memref_slice %arg3[%dma_wait3A_1697, %dma_wait3A_1698] : memref<1000000x64xi8, #tpu.memory_space<hbm>> -> memref<1000000x64xi8, #tpu.memory_space<hbm>>
      tpu.wait_indirect_dma semaphore(%arg7 : memref<!tpu.dma_semaphore, #tpu.memory_space<semaphore_mem>>) src(%dma_wait3A_1699 : memref<1000000x64xi8, #tpu.memory_space<hbm>>) dst(%dma_wait3A_1693 : memref<20x64xi8, #tpu.memory_space<vmem>>)
      %dma_wait3A_1700 = arith.constant 41 : i32
      %dma_wait3A_1701 = arith.constant 820 : i32
      %dma_wait3A_1702 = arith.constant 0 : i32
      %dma_wait3A_1703 = tpu.memref_slice %arg6[%dma_wait3A_1701, %dma_wait3A_1702] : memref<2560x64xi8, #tpu.memory_space<vmem>> -> memref<20x64xi8, #tpu.memory_space<vmem>>
      %dma_wait3A_1704 = arith.constant 0 : i32
      %dma_wait3A_1705 = tpu.memref_slice %arg5[%dma_wait3A_1700, %dma_wait3A_1704] : memref<128x20xi32, #tpu.memory_space<vmem>> -> memref<1x20xi32, #tpu.memory_space<vmem>>
      %dma_wait3A_1706 = tpu.memref_squeeze %dma_wait3A_1705 : memref<1x20xi32, #tpu.memory_space<vmem>> -> memref<20xi32, #tpu.memory_space<vmem>>
      %dma_wait3A_1707 = arith.constant 0 : i32
      %dma_wait3A_1708 = arith.constant 0 : i32
      %dma_wait3A_1709 = tpu.memref_slice %arg3[%dma_wait3A_1707, %dma_wait3A_1708] : memref<1000000x64xi8, #tpu.memory_space<hbm>> -> memref<1000000x64xi8, #tpu.memory_space<hbm>>
      tpu.wait_indirect_dma semaphore(%arg7 : memref<!tpu.dma_semaphore, #tpu.memory_space<semaphore_mem>>) src(%dma_wait3A_1709 : memref<1000000x64xi8, #tpu.memory_space<hbm>>) dst(%dma_wait3A_1703 : memref<20x64xi8, #tpu.memory_space<vmem>>)
      %dma_wait3A_1710 = arith.constant 42 : i32
      %dma_wait3A_1711 = arith.constant 840 : i32
      %dma_wait3A_1712 = arith.constant 0 : i32
      %dma_wait3A_1713 = tpu.memref_slice %arg6[%dma_wait3A_1711, %dma_wait3A_1712] : memref<2560x64xi8, #tpu.memory_space<vmem>> -> memref<20x64xi8, #tpu.memory_space<vmem>>
      %dma_wait3A_1714 = arith.constant 0 : i32
      %dma_wait3A_1715 = tpu.memref_slice %arg5[%dma_wait3A_1710, %dma_wait3A_1714] : memref<128x20xi32, #tpu.memory_space<vmem>> -> memref<1x20xi32, #tpu.memory_space<vmem>>
      %dma_wait3A_1716 = tpu.memref_squeeze %dma_wait3A_1715 : memref<1x20xi32, #tpu.memory_space<vmem>> -> memref<20xi32, #tpu.memory_space<vmem>>
      %dma_wait3A_1717 = arith.constant 0 : i32
      %dma_wait3A_1718 = arith.constant 0 : i32
      %dma_wait3A_1719 = tpu.memref_slice %arg3[%dma_wait3A_1717, %dma_wait3A_1718] : memref<1000000x64xi8, #tpu.memory_space<hbm>> -> memref<1000000x64xi8, #tpu.memory_space<hbm>>
      tpu.wait_indirect_dma semaphore(%arg7 : memref<!tpu.dma_semaphore, #tpu.memory_space<semaphore_mem>>) src(%dma_wait3A_1719 : memref<1000000x64xi8, #tpu.memory_space<hbm>>) dst(%dma_wait3A_1713 : memref<20x64xi8, #tpu.memory_space<vmem>>)
      %dma_wait3A_1720 = arith.constant 43 : i32
      %dma_wait3A_1721 = arith.constant 860 : i32
      %dma_wait3A_1722 = arith.constant 0 : i32
      %dma_wait3A_1723 = tpu.memref_slice %arg6[%dma_wait3A_1721, %dma_wait3A_1722] : memref<2560x64xi8, #tpu.memory_space<vmem>> -> memref<20x64xi8, #tpu.memory_space<vmem>>
      %dma_wait3A_1724 = arith.constant 0 : i32
      %dma_wait3A_1725 = tpu.memref_slice %arg5[%dma_wait3A_1720, %dma_wait3A_1724] : memref<128x20xi32, #tpu.memory_space<vmem>> -> memref<1x20xi32, #tpu.memory_space<vmem>>
      %dma_wait3A_1726 = tpu.memref_squeeze %dma_wait3A_1725 : memref<1x20xi32, #tpu.memory_space<vmem>> -> memref<20xi32, #tpu.memory_space<vmem>>
      %dma_wait3A_1727 = arith.constant 0 : i32
      %dma_wait3A_1728 = arith.constant 0 : i32
      %dma_wait3A_1729 = tpu.memref_slice %arg3[%dma_wait3A_1727, %dma_wait3A_1728] : memref<1000000x64xi8, #tpu.memory_space<hbm>> -> memref<1000000x64xi8, #tpu.memory_space<hbm>>
      tpu.wait_indirect_dma semaphore(%arg7 : memref<!tpu.dma_semaphore, #tpu.memory_space<semaphore_mem>>) src(%dma_wait3A_1729 : memref<1000000x64xi8, #tpu.memory_space<hbm>>) dst(%dma_wait3A_1723 : memref<20x64xi8, #tpu.memory_space<vmem>>)
      %dma_wait3A_1730 = arith.constant 44 : i32
      %dma_wait3A_1731 = arith.constant 880 : i32
      %dma_wait3A_1732 = arith.constant 0 : i32
      %dma_wait3A_1733 = tpu.memref_slice %arg6[%dma_wait3A_1731, %dma_wait3A_1732] : memref<2560x64xi8, #tpu.memory_space<vmem>> -> memref<20x64xi8, #tpu.memory_space<vmem>>
      %dma_wait3A_1734 = arith.constant 0 : i32
      %dma_wait3A_1735 = tpu.memref_slice %arg5[%dma_wait3A_1730, %dma_wait3A_1734] : memref<128x20xi32, #tpu.memory_space<vmem>> -> memref<1x20xi32, #tpu.memory_space<vmem>>
      %dma_wait3A_1736 = tpu.memref_squeeze %dma_wait3A_1735 : memref<1x20xi32, #tpu.memory_space<vmem>> -> memref<20xi32, #tpu.memory_space<vmem>>
      %dma_wait3A_1737 = arith.constant 0 : i32
      %dma_wait3A_1738 = arith.constant 0 : i32
      %dma_wait3A_1739 = tpu.memref_slice %arg3[%dma_wait3A_1737, %dma_wait3A_1738] : memref<1000000x64xi8, #tpu.memory_space<hbm>> -> memref<1000000x64xi8, #tpu.memory_space<hbm>>
      tpu.wait_indirect_dma semaphore(%arg7 : memref<!tpu.dma_semaphore, #tpu.memory_space<semaphore_mem>>) src(%dma_wait3A_1739 : memref<1000000x64xi8, #tpu.memory_space<hbm>>) dst(%dma_wait3A_1733 : memref<20x64xi8, #tpu.memory_space<vmem>>)
      %dma_wait3A_1740 = arith.constant 45 : i32
      %dma_wait3A_1741 = arith.constant 900 : i32
      %dma_wait3A_1742 = arith.constant 0 : i32
      %dma_wait3A_1743 = tpu.memref_slice %arg6[%dma_wait3A_1741, %dma_wait3A_1742] : memref<2560x64xi8, #tpu.memory_space<vmem>> -> memref<20x64xi8, #tpu.memory_space<vmem>>
      %dma_wait3A_1744 = arith.constant 0 : i32
      %dma_wait3A_1745 = tpu.memref_slice %arg5[%dma_wait3A_1740, %dma_wait3A_1744] : memref<128x20xi32, #tpu.memory_space<vmem>> -> memref<1x20xi32, #tpu.memory_space<vmem>>
      %dma_wait3A_1746 = tpu.memref_squeeze %dma_wait3A_1745 : memref<1x20xi32, #tpu.memory_space<vmem>> -> memref<20xi32, #tpu.memory_space<vmem>>
      %dma_wait3A_1747 = arith.constant 0 : i32
      %dma_wait3A_1748 = arith.constant 0 : i32
      %dma_wait3A_1749 = tpu.memref_slice %arg3[%dma_wait3A_1747, %dma_wait3A_1748] : memref<1000000x64xi8, #tpu.memory_space<hbm>> -> memref<1000000x64xi8, #tpu.memory_space<hbm>>
      tpu.wait_indirect_dma semaphore(%arg7 : memref<!tpu.dma_semaphore, #tpu.memory_space<semaphore_mem>>) src(%dma_wait3A_1749 : memref<1000000x64xi8, #tpu.memory_space<hbm>>) dst(%dma_wait3A_1743 : memref<20x64xi8, #tpu.memory_space<vmem>>)
      %dma_wait3A_1750 = arith.constant 46 : i32
      %dma_wait3A_1751 = arith.constant 920 : i32
      %dma_wait3A_1752 = arith.constant 0 : i32
      %dma_wait3A_1753 = tpu.memref_slice %arg6[%dma_wait3A_1751, %dma_wait3A_1752] : memref<2560x64xi8, #tpu.memory_space<vmem>> -> memref<20x64xi8, #tpu.memory_space<vmem>>
      %dma_wait3A_1754 = arith.constant 0 : i32
      %dma_wait3A_1755 = tpu.memref_slice %arg5[%dma_wait3A_1750, %dma_wait3A_1754] : memref<128x20xi32, #tpu.memory_space<vmem>> -> memref<1x20xi32, #tpu.memory_space<vmem>>
      %dma_wait3A_1756 = tpu.memref_squeeze %dma_wait3A_1755 : memref<1x20xi32, #tpu.memory_space<vmem>> -> memref<20xi32, #tpu.memory_space<vmem>>
      %dma_wait3A_1757 = arith.constant 0 : i32
      %dma_wait3A_1758 = arith.constant 0 : i32
      %dma_wait3A_1759 = tpu.memref_slice %arg3[%dma_wait3A_1757, %dma_wait3A_1758] : memref<1000000x64xi8, #tpu.memory_space<hbm>> -> memref<1000000x64xi8, #tpu.memory_space<hbm>>
      tpu.wait_indirect_dma semaphore(%arg7 : memref<!tpu.dma_semaphore, #tpu.memory_space<semaphore_mem>>) src(%dma_wait3A_1759 : memref<1000000x64xi8, #tpu.memory_space<hbm>>) dst(%dma_wait3A_1753 : memref<20x64xi8, #tpu.memory_space<vmem>>)
      %dma_wait3A_1760 = arith.constant 47 : i32
      %dma_wait3A_1761 = arith.constant 940 : i32
      %dma_wait3A_1762 = arith.constant 0 : i32
      %dma_wait3A_1763 = tpu.memref_slice %arg6[%dma_wait3A_1761, %dma_wait3A_1762] : memref<2560x64xi8, #tpu.memory_space<vmem>> -> memref<20x64xi8, #tpu.memory_space<vmem>>
      %dma_wait3A_1764 = arith.constant 0 : i32
      %dma_wait3A_1765 = tpu.memref_slice %arg5[%dma_wait3A_1760, %dma_wait3A_1764] : memref<128x20xi32, #tpu.memory_space<vmem>> -> memref<1x20xi32, #tpu.memory_space<vmem>>
      %dma_wait3A_1766 = tpu.memref_squeeze %dma_wait3A_1765 : memref<1x20xi32, #tpu.memory_space<vmem>> -> memref<20xi32, #tpu.memory_space<vmem>>
      %dma_wait3A_1767 = arith.constant 0 : i32
      %dma_wait3A_1768 = arith.constant 0 : i32
      %dma_wait3A_1769 = tpu.memref_slice %arg3[%dma_wait3A_1767, %dma_wait3A_1768] : memref<1000000x64xi8, #tpu.memory_space<hbm>> -> memref<1000000x64xi8, #tpu.memory_space<hbm>>
      tpu.wait_indirect_dma semaphore(%arg7 : memref<!tpu.dma_semaphore, #tpu.memory_space<semaphore_mem>>) src(%dma_wait3A_1769 : memref<1000000x64xi8, #tpu.memory_space<hbm>>) dst(%dma_wait3A_1763 : memref<20x64xi8, #tpu.memory_space<vmem>>)
      %dma_wait3A_1770 = arith.constant 48 : i32
      %dma_wait3A_1771 = arith.constant 960 : i32
      %dma_wait3A_1772 = arith.constant 0 : i32
      %dma_wait3A_1773 = tpu.memref_slice %arg6[%dma_wait3A_1771, %dma_wait3A_1772] : memref<2560x64xi8, #tpu.memory_space<vmem>> -> memref<20x64xi8, #tpu.memory_space<vmem>>
      %dma_wait3A_1774 = arith.constant 0 : i32
      %dma_wait3A_1775 = tpu.memref_slice %arg5[%dma_wait3A_1770, %dma_wait3A_1774] : memref<128x20xi32, #tpu.memory_space<vmem>> -> memref<1x20xi32, #tpu.memory_space<vmem>>
      %dma_wait3A_1776 = tpu.memref_squeeze %dma_wait3A_1775 : memref<1x20xi32, #tpu.memory_space<vmem>> -> memref<20xi32, #tpu.memory_space<vmem>>
      %dma_wait3A_1777 = arith.constant 0 : i32
      %dma_wait3A_1778 = arith.constant 0 : i32
      %dma_wait3A_1779 = tpu.memref_slice %arg3[%dma_wait3A_1777, %dma_wait3A_1778] : memref<1000000x64xi8, #tpu.memory_space<hbm>> -> memref<1000000x64xi8, #tpu.memory_space<hbm>>
      tpu.wait_indirect_dma semaphore(%arg7 : memref<!tpu.dma_semaphore, #tpu.memory_space<semaphore_mem>>) src(%dma_wait3A_1779 : memref<1000000x64xi8, #tpu.memory_space<hbm>>) dst(%dma_wait3A_1773 : memref<20x64xi8, #tpu.memory_space<vmem>>)
      %dma_wait3A_1780 = arith.constant 49 : i32
      %dma_wait3A_1781 = arith.constant 980 : i32
      %dma_wait3A_1782 = arith.constant 0 : i32
      %dma_wait3A_1783 = tpu.memref_slice %arg6[%dma_wait3A_1781, %dma_wait3A_1782] : memref<2560x64xi8, #tpu.memory_space<vmem>> -> memref<20x64xi8, #tpu.memory_space<vmem>>
      %dma_wait3A_1784 = arith.constant 0 : i32
      %dma_wait3A_1785 = tpu.memref_slice %arg5[%dma_wait3A_1780, %dma_wait3A_1784] : memref<128x20xi32, #tpu.memory_space<vmem>> -> memref<1x20xi32, #tpu.memory_space<vmem>>
      %dma_wait3A_1786 = tpu.memref_squeeze %dma_wait3A_1785 : memref<1x20xi32, #tpu.memory_space<vmem>> -> memref<20xi32, #tpu.memory_space<vmem>>
      %dma_wait3A_1787 = arith.constant 0 : i32
      %dma_wait3A_1788 = arith.constant 0 : i32
      %dma_wait3A_1789 = tpu.memref_slice %arg3[%dma_wait3A_1787, %dma_wait3A_1788] : memref<1000000x64xi8, #tpu.memory_space<hbm>> -> memref<1000000x64xi8, #tpu.memory_space<hbm>>
      tpu.wait_indirect_dma semaphore(%arg7 : memref<!tpu.dma_semaphore, #tpu.memory_space<semaphore_mem>>) src(%dma_wait3A_1789 : memref<1000000x64xi8, #tpu.memory_space<hbm>>) dst(%dma_wait3A_1783 : memref<20x64xi8, #tpu.memory_space<vmem>>)
      %dma_wait3A_1790 = arith.constant 50 : i32
      %dma_wait3A_1791 = arith.constant 1000 : i32
      %dma_wait3A_1792 = arith.constant 0 : i32
      %dma_wait3A_1793 = tpu.memref_slice %arg6[%dma_wait3A_1791, %dma_wait3A_1792] : memref<2560x64xi8, #tpu.memory_space<vmem>> -> memref<20x64xi8, #tpu.memory_space<vmem>>
      %dma_wait3A_1794 = arith.constant 0 : i32
      %dma_wait3A_1795 = tpu.memref_slice %arg5[%dma_wait3A_1790, %dma_wait3A_1794] : memref<128x20xi32, #tpu.memory_space<vmem>> -> memref<1x20xi32, #tpu.memory_space<vmem>>
      %dma_wait3A_1796 = tpu.memref_squeeze %dma_wait3A_1795 : memref<1x20xi32, #tpu.memory_space<vmem>> -> memref<20xi32, #tpu.memory_space<vmem>>
      %dma_wait3A_1797 = arith.constant 0 : i32
      %dma_wait3A_1798 = arith.constant 0 : i32
      %dma_wait3A_1799 = tpu.memref_slice %arg3[%dma_wait3A_1797, %dma_wait3A_1798] : memref<1000000x64xi8, #tpu.memory_space<hbm>> -> memref<1000000x64xi8, #tpu.memory_space<hbm>>
      tpu.wait_indirect_dma semaphore(%arg7 : memref<!tpu.dma_semaphore, #tpu.memory_space<semaphore_mem>>) src(%dma_wait3A_1799 : memref<1000000x64xi8, #tpu.memory_space<hbm>>) dst(%dma_wait3A_1793 : memref<20x64xi8, #tpu.memory_space<vmem>>)
      %dma_wait3A_1800 = arith.constant 51 : i32
      %dma_wait3A_1801 = arith.constant 1020 : i32
      %dma_wait3A_1802 = arith.constant 0 : i32
      %dma_wait3A_1803 = tpu.memref_slice %arg6[%dma_wait3A_1801, %dma_wait3A_1802] : memref<2560x64xi8, #tpu.memory_space<vmem>> -> memref<20x64xi8, #tpu.memory_space<vmem>>
      %dma_wait3A_1804 = arith.constant 0 : i32
      %dma_wait3A_1805 = tpu.memref_slice %arg5[%dma_wait3A_1800, %dma_wait3A_1804] : memref<128x20xi32, #tpu.memory_space<vmem>> -> memref<1x20xi32, #tpu.memory_space<vmem>>
      %dma_wait3A_1806 = tpu.memref_squeeze %dma_wait3A_1805 : memref<1x20xi32, #tpu.memory_space<vmem>> -> memref<20xi32, #tpu.memory_space<vmem>>
      %dma_wait3A_1807 = arith.constant 0 : i32
      %dma_wait3A_1808 = arith.constant 0 : i32
      %dma_wait3A_1809 = tpu.memref_slice %arg3[%dma_wait3A_1807, %dma_wait3A_1808] : memref<1000000x64xi8, #tpu.memory_space<hbm>> -> memref<1000000x64xi8, #tpu.memory_space<hbm>>
      tpu.wait_indirect_dma semaphore(%arg7 : memref<!tpu.dma_semaphore, #tpu.memory_space<semaphore_mem>>) src(%dma_wait3A_1809 : memref<1000000x64xi8, #tpu.memory_space<hbm>>) dst(%dma_wait3A_1803 : memref<20x64xi8, #tpu.memory_space<vmem>>)
      %dma_wait3A_1810 = arith.constant 52 : i32
      %dma_wait3A_1811 = arith.constant 1040 : i32
      %dma_wait3A_1812 = arith.constant 0 : i32
      %dma_wait3A_1813 = tpu.memref_slice %arg6[%dma_wait3A_1811, %dma_wait3A_1812] : memref<2560x64xi8, #tpu.memory_space<vmem>> -> memref<20x64xi8, #tpu.memory_space<vmem>>
      %dma_wait3A_1814 = arith.constant 0 : i32
      %dma_wait3A_1815 = tpu.memref_slice %arg5[%dma_wait3A_1810, %dma_wait3A_1814] : memref<128x20xi32, #tpu.memory_space<vmem>> -> memref<1x20xi32, #tpu.memory_space<vmem>>
      %dma_wait3A_1816 = tpu.memref_squeeze %dma_wait3A_1815 : memref<1x20xi32, #tpu.memory_space<vmem>> -> memref<20xi32, #tpu.memory_space<vmem>>
      %dma_wait3A_1817 = arith.constant 0 : i32
      %dma_wait3A_1818 = arith.constant 0 : i32
      %dma_wait3A_1819 = tpu.memref_slice %arg3[%dma_wait3A_1817, %dma_wait3A_1818] : memref<1000000x64xi8, #tpu.memory_space<hbm>> -> memref<1000000x64xi8, #tpu.memory_space<hbm>>
      tpu.wait_indirect_dma semaphore(%arg7 : memref<!tpu.dma_semaphore, #tpu.memory_space<semaphore_mem>>) src(%dma_wait3A_1819 : memref<1000000x64xi8, #tpu.memory_space<hbm>>) dst(%dma_wait3A_1813 : memref<20x64xi8, #tpu.memory_space<vmem>>)
      %dma_wait3A_1820 = arith.constant 53 : i32
      %dma_wait3A_1821 = arith.constant 1060 : i32
      %dma_wait3A_1822 = arith.constant 0 : i32
      %dma_wait3A_1823 = tpu.memref_slice %arg6[%dma_wait3A_1821, %dma_wait3A_1822] : memref<2560x64xi8, #tpu.memory_space<vmem>> -> memref<20x64xi8, #tpu.memory_space<vmem>>
      %dma_wait3A_1824 = arith.constant 0 : i32
      %dma_wait3A_1825 = tpu.memref_slice %arg5[%dma_wait3A_1820, %dma_wait3A_1824] : memref<128x20xi32, #tpu.memory_space<vmem>> -> memref<1x20xi32, #tpu.memory_space<vmem>>
      %dma_wait3A_1826 = tpu.memref_squeeze %dma_wait3A_1825 : memref<1x20xi32, #tpu.memory_space<vmem>> -> memref<20xi32, #tpu.memory_space<vmem>>
      %dma_wait3A_1827 = arith.constant 0 : i32
      %dma_wait3A_1828 = arith.constant 0 : i32
      %dma_wait3A_1829 = tpu.memref_slice %arg3[%dma_wait3A_1827, %dma_wait3A_1828] : memref<1000000x64xi8, #tpu.memory_space<hbm>> -> memref<1000000x64xi8, #tpu.memory_space<hbm>>
      tpu.wait_indirect_dma semaphore(%arg7 : memref<!tpu.dma_semaphore, #tpu.memory_space<semaphore_mem>>) src(%dma_wait3A_1829 : memref<1000000x64xi8, #tpu.memory_space<hbm>>) dst(%dma_wait3A_1823 : memref<20x64xi8, #tpu.memory_space<vmem>>)
      %dma_wait3A_1830 = arith.constant 54 : i32
      %dma_wait3A_1831 = arith.constant 1080 : i32
      %dma_wait3A_1832 = arith.constant 0 : i32
      %dma_wait3A_1833 = tpu.memref_slice %arg6[%dma_wait3A_1831, %dma_wait3A_1832] : memref<2560x64xi8, #tpu.memory_space<vmem>> -> memref<20x64xi8, #tpu.memory_space<vmem>>
      %dma_wait3A_1834 = arith.constant 0 : i32
      %dma_wait3A_1835 = tpu.memref_slice %arg5[%dma_wait3A_1830, %dma_wait3A_1834] : memref<128x20xi32, #tpu.memory_space<vmem>> -> memref<1x20xi32, #tpu.memory_space<vmem>>
      %dma_wait3A_1836 = tpu.memref_squeeze %dma_wait3A_1835 : memref<1x20xi32, #tpu.memory_space<vmem>> -> memref<20xi32, #tpu.memory_space<vmem>>
      %dma_wait3A_1837 = arith.constant 0 : i32
      %dma_wait3A_1838 = arith.constant 0 : i32
      %dma_wait3A_1839 = tpu.memref_slice %arg3[%dma_wait3A_1837, %dma_wait3A_1838] : memref<1000000x64xi8, #tpu.memory_space<hbm>> -> memref<1000000x64xi8, #tpu.memory_space<hbm>>
      tpu.wait_indirect_dma semaphore(%arg7 : memref<!tpu.dma_semaphore, #tpu.memory_space<semaphore_mem>>) src(%dma_wait3A_1839 : memref<1000000x64xi8, #tpu.memory_space<hbm>>) dst(%dma_wait3A_1833 : memref<20x64xi8, #tpu.memory_space<vmem>>)
      %dma_wait3A_1840 = arith.constant 55 : i32
      %dma_wait3A_1841 = arith.constant 1100 : i32
      %dma_wait3A_1842 = arith.constant 0 : i32
      %dma_wait3A_1843 = tpu.memref_slice %arg6[%dma_wait3A_1841, %dma_wait3A_1842] : memref<2560x64xi8, #tpu.memory_space<vmem>> -> memref<20x64xi8, #tpu.memory_space<vmem>>
      %dma_wait3A_1844 = arith.constant 0 : i32
      %dma_wait3A_1845 = tpu.memref_slice %arg5[%dma_wait3A_1840, %dma_wait3A_1844] : memref<128x20xi32, #tpu.memory_space<vmem>> -> memref<1x20xi32, #tpu.memory_space<vmem>>
      %dma_wait3A_1846 = tpu.memref_squeeze %dma_wait3A_1845 : memref<1x20xi32, #tpu.memory_space<vmem>> -> memref<20xi32, #tpu.memory_space<vmem>>
      %dma_wait3A_1847 = arith.constant 0 : i32
      %dma_wait3A_1848 = arith.constant 0 : i32
      %dma_wait3A_1849 = tpu.memref_slice %arg3[%dma_wait3A_1847, %dma_wait3A_1848] : memref<1000000x64xi8, #tpu.memory_space<hbm>> -> memref<1000000x64xi8, #tpu.memory_space<hbm>>
      tpu.wait_indirect_dma semaphore(%arg7 : memref<!tpu.dma_semaphore, #tpu.memory_space<semaphore_mem>>) src(%dma_wait3A_1849 : memref<1000000x64xi8, #tpu.memory_space<hbm>>) dst(%dma_wait3A_1843 : memref<20x64xi8, #tpu.memory_space<vmem>>)
      %dma_wait3A_1850 = arith.constant 56 : i32
      %dma_wait3A_1851 = arith.constant 1120 : i32
      %dma_wait3A_1852 = arith.constant 0 : i32
      %dma_wait3A_1853 = tpu.memref_slice %arg6[%dma_wait3A_1851, %dma_wait3A_1852] : memref<2560x64xi8, #tpu.memory_space<vmem>> -> memref<20x64xi8, #tpu.memory_space<vmem>>
      %dma_wait3A_1854 = arith.constant 0 : i32
      %dma_wait3A_1855 = tpu.memref_slice %arg5[%dma_wait3A_1850, %dma_wait3A_1854] : memref<128x20xi32, #tpu.memory_space<vmem>> -> memref<1x20xi32, #tpu.memory_space<vmem>>
      %dma_wait3A_1856 = tpu.memref_squeeze %dma_wait3A_1855 : memref<1x20xi32, #tpu.memory_space<vmem>> -> memref<20xi32, #tpu.memory_space<vmem>>
      %dma_wait3A_1857 = arith.constant 0 : i32
      %dma_wait3A_1858 = arith.constant 0 : i32
      %dma_wait3A_1859 = tpu.memref_slice %arg3[%dma_wait3A_1857, %dma_wait3A_1858] : memref<1000000x64xi8, #tpu.memory_space<hbm>> -> memref<1000000x64xi8, #tpu.memory_space<hbm>>
      tpu.wait_indirect_dma semaphore(%arg7 : memref<!tpu.dma_semaphore, #tpu.memory_space<semaphore_mem>>) src(%dma_wait3A_1859 : memref<1000000x64xi8, #tpu.memory_space<hbm>>) dst(%dma_wait3A_1853 : memref<20x64xi8, #tpu.memory_space<vmem>>)
      %dma_wait3A_1860 = arith.constant 57 : i32
      %dma_wait3A_1861 = arith.constant 1140 : i32
      %dma_wait3A_1862 = arith.constant 0 : i32
      %dma_wait3A_1863 = tpu.memref_slice %arg6[%dma_wait3A_1861, %dma_wait3A_1862] : memref<2560x64xi8, #tpu.memory_space<vmem>> -> memref<20x64xi8, #tpu.memory_space<vmem>>
      %dma_wait3A_1864 = arith.constant 0 : i32
      %dma_wait3A_1865 = tpu.memref_slice %arg5[%dma_wait3A_1860, %dma_wait3A_1864] : memref<128x20xi32, #tpu.memory_space<vmem>> -> memref<1x20xi32, #tpu.memory_space<vmem>>
      %dma_wait3A_1866 = tpu.memref_squeeze %dma_wait3A_1865 : memref<1x20xi32, #tpu.memory_space<vmem>> -> memref<20xi32, #tpu.memory_space<vmem>>
      %dma_wait3A_1867 = arith.constant 0 : i32
      %dma_wait3A_1868 = arith.constant 0 : i32
      %dma_wait3A_1869 = tpu.memref_slice %arg3[%dma_wait3A_1867, %dma_wait3A_1868] : memref<1000000x64xi8, #tpu.memory_space<hbm>> -> memref<1000000x64xi8, #tpu.memory_space<hbm>>
      tpu.wait_indirect_dma semaphore(%arg7 : memref<!tpu.dma_semaphore, #tpu.memory_space<semaphore_mem>>) src(%dma_wait3A_1869 : memref<1000000x64xi8, #tpu.memory_space<hbm>>) dst(%dma_wait3A_1863 : memref<20x64xi8, #tpu.memory_space<vmem>>)
      %dma_wait3A_1870 = arith.constant 58 : i32
      %dma_wait3A_1871 = arith.constant 1160 : i32
      %dma_wait3A_1872 = arith.constant 0 : i32
      %dma_wait3A_1873 = tpu.memref_slice %arg6[%dma_wait3A_1871, %dma_wait3A_1872] : memref<2560x64xi8, #tpu.memory_space<vmem>> -> memref<20x64xi8, #tpu.memory_space<vmem>>
      %dma_wait3A_1874 = arith.constant 0 : i32
      %dma_wait3A_1875 = tpu.memref_slice %arg5[%dma_wait3A_1870, %dma_wait3A_1874] : memref<128x20xi32, #tpu.memory_space<vmem>> -> memref<1x20xi32, #tpu.memory_space<vmem>>
      %dma_wait3A_1876 = tpu.memref_squeeze %dma_wait3A_1875 : memref<1x20xi32, #tpu.memory_space<vmem>> -> memref<20xi32, #tpu.memory_space<vmem>>
      %dma_wait3A_1877 = arith.constant 0 : i32
      %dma_wait3A_1878 = arith.constant 0 : i32
      %dma_wait3A_1879 = tpu.memref_slice %arg3[%dma_wait3A_1877, %dma_wait3A_1878] : memref<1000000x64xi8, #tpu.memory_space<hbm>> -> memref<1000000x64xi8, #tpu.memory_space<hbm>>
      tpu.wait_indirect_dma semaphore(%arg7 : memref<!tpu.dma_semaphore, #tpu.memory_space<semaphore_mem>>) src(%dma_wait3A_1879 : memref<1000000x64xi8, #tpu.memory_space<hbm>>) dst(%dma_wait3A_1873 : memref<20x64xi8, #tpu.memory_space<vmem>>)
      %dma_wait3A_1880 = arith.constant 59 : i32
      %dma_wait3A_1881 = arith.constant 1180 : i32
      %dma_wait3A_1882 = arith.constant 0 : i32
      %dma_wait3A_1883 = tpu.memref_slice %arg6[%dma_wait3A_1881, %dma_wait3A_1882] : memref<2560x64xi8, #tpu.memory_space<vmem>> -> memref<20x64xi8, #tpu.memory_space<vmem>>
      %dma_wait3A_1884 = arith.constant 0 : i32
      %dma_wait3A_1885 = tpu.memref_slice %arg5[%dma_wait3A_1880, %dma_wait3A_1884] : memref<128x20xi32, #tpu.memory_space<vmem>> -> memref<1x20xi32, #tpu.memory_space<vmem>>
      %dma_wait3A_1886 = tpu.memref_squeeze %dma_wait3A_1885 : memref<1x20xi32, #tpu.memory_space<vmem>> -> memref<20xi32, #tpu.memory_space<vmem>>
      %dma_wait3A_1887 = arith.constant 0 : i32
      %dma_wait3A_1888 = arith.constant 0 : i32
      %dma_wait3A_1889 = tpu.memref_slice %arg3[%dma_wait3A_1887, %dma_wait3A_1888] : memref<1000000x64xi8, #tpu.memory_space<hbm>> -> memref<1000000x64xi8, #tpu.memory_space<hbm>>
      tpu.wait_indirect_dma semaphore(%arg7 : memref<!tpu.dma_semaphore, #tpu.memory_space<semaphore_mem>>) src(%dma_wait3A_1889 : memref<1000000x64xi8, #tpu.memory_space<hbm>>) dst(%dma_wait3A_1883 : memref<20x64xi8, #tpu.memory_space<vmem>>)
      %dma_wait3A_1890 = arith.constant 60 : i32
      %dma_wait3A_1891 = arith.constant 1200 : i32
      %dma_wait3A_1892 = arith.constant 0 : i32
      %dma_wait3A_1893 = tpu.memref_slice %arg6[%dma_wait3A_1891, %dma_wait3A_1892] : memref<2560x64xi8, #tpu.memory_space<vmem>> -> memref<20x64xi8, #tpu.memory_space<vmem>>
      %dma_wait3A_1894 = arith.constant 0 : i32
      %dma_wait3A_1895 = tpu.memref_slice %arg5[%dma_wait3A_1890, %dma_wait3A_1894] : memref<128x20xi32, #tpu.memory_space<vmem>> -> memref<1x20xi32, #tpu.memory_space<vmem>>
      %dma_wait3A_1896 = tpu.memref_squeeze %dma_wait3A_1895 : memref<1x20xi32, #tpu.memory_space<vmem>> -> memref<20xi32, #tpu.memory_space<vmem>>
      %dma_wait3A_1897 = arith.constant 0 : i32
      %dma_wait3A_1898 = arith.constant 0 : i32
      %dma_wait3A_1899 = tpu.memref_slice %arg3[%dma_wait3A_1897, %dma_wait3A_1898] : memref<1000000x64xi8, #tpu.memory_space<hbm>> -> memref<1000000x64xi8, #tpu.memory_space<hbm>>
      tpu.wait_indirect_dma semaphore(%arg7 : memref<!tpu.dma_semaphore, #tpu.memory_space<semaphore_mem>>) src(%dma_wait3A_1899 : memref<1000000x64xi8, #tpu.memory_space<hbm>>) dst(%dma_wait3A_1893 : memref<20x64xi8, #tpu.memory_space<vmem>>)
      %dma_wait3A_1900 = arith.constant 61 : i32
      %dma_wait3A_1901 = arith.constant 1220 : i32
      %dma_wait3A_1902 = arith.constant 0 : i32
      %dma_wait3A_1903 = tpu.memref_slice %arg6[%dma_wait3A_1901, %dma_wait3A_1902] : memref<2560x64xi8, #tpu.memory_space<vmem>> -> memref<20x64xi8, #tpu.memory_space<vmem>>
      %dma_wait3A_1904 = arith.constant 0 : i32
      %dma_wait3A_1905 = tpu.memref_slice %arg5[%dma_wait3A_1900, %dma_wait3A_1904] : memref<128x20xi32, #tpu.memory_space<vmem>> -> memref<1x20xi32, #tpu.memory_space<vmem>>
      %dma_wait3A_1906 = tpu.memref_squeeze %dma_wait3A_1905 : memref<1x20xi32, #tpu.memory_space<vmem>> -> memref<20xi32, #tpu.memory_space<vmem>>
      %dma_wait3A_1907 = arith.constant 0 : i32
      %dma_wait3A_1908 = arith.constant 0 : i32
      %dma_wait3A_1909 = tpu.memref_slice %arg3[%dma_wait3A_1907, %dma_wait3A_1908] : memref<1000000x64xi8, #tpu.memory_space<hbm>> -> memref<1000000x64xi8, #tpu.memory_space<hbm>>
      tpu.wait_indirect_dma semaphore(%arg7 : memref<!tpu.dma_semaphore, #tpu.memory_space<semaphore_mem>>) src(%dma_wait3A_1909 : memref<1000000x64xi8, #tpu.memory_space<hbm>>) dst(%dma_wait3A_1903 : memref<20x64xi8, #tpu.memory_space<vmem>>)
      %dma_wait3A_1910 = arith.constant 62 : i32
      %dma_wait3A_1911 = arith.constant 1240 : i32
      %dma_wait3A_1912 = arith.constant 0 : i32
      %dma_wait3A_1913 = tpu.memref_slice %arg6[%dma_wait3A_1911, %dma_wait3A_1912] : memref<2560x64xi8, #tpu.memory_space<vmem>> -> memref<20x64xi8, #tpu.memory_space<vmem>>
      %dma_wait3A_1914 = arith.constant 0 : i32
      %dma_wait3A_1915 = tpu.memref_slice %arg5[%dma_wait3A_1910, %dma_wait3A_1914] : memref<128x20xi32, #tpu.memory_space<vmem>> -> memref<1x20xi32, #tpu.memory_space<vmem>>
      %dma_wait3A_1916 = tpu.memref_squeeze %dma_wait3A_1915 : memref<1x20xi32, #tpu.memory_space<vmem>> -> memref<20xi32, #tpu.memory_space<vmem>>
      %dma_wait3A_1917 = arith.constant 0 : i32
      %dma_wait3A_1918 = arith.constant 0 : i32
      %dma_wait3A_1919 = tpu.memref_slice %arg3[%dma_wait3A_1917, %dma_wait3A_1918] : memref<1000000x64xi8, #tpu.memory_space<hbm>> -> memref<1000000x64xi8, #tpu.memory_space<hbm>>
      tpu.wait_indirect_dma semaphore(%arg7 : memref<!tpu.dma_semaphore, #tpu.memory_space<semaphore_mem>>) src(%dma_wait3A_1919 : memref<1000000x64xi8, #tpu.memory_space<hbm>>) dst(%dma_wait3A_1913 : memref<20x64xi8, #tpu.memory_space<vmem>>)
      %dma_wait3A_1920 = arith.constant 63 : i32
      %dma_wait3A_1921 = arith.constant 1260 : i32
      %dma_wait3A_1922 = arith.constant 0 : i32
      %dma_wait3A_1923 = tpu.memref_slice %arg6[%dma_wait3A_1921, %dma_wait3A_1922] : memref<2560x64xi8, #tpu.memory_space<vmem>> -> memref<20x64xi8, #tpu.memory_space<vmem>>
      %dma_wait3A_1924 = arith.constant 0 : i32
      %dma_wait3A_1925 = tpu.memref_slice %arg5[%dma_wait3A_1920, %dma_wait3A_1924] : memref<128x20xi32, #tpu.memory_space<vmem>> -> memref<1x20xi32, #tpu.memory_space<vmem>>
      %dma_wait3A_1926 = tpu.memref_squeeze %dma_wait3A_1925 : memref<1x20xi32, #tpu.memory_space<vmem>> -> memref<20xi32, #tpu.memory_space<vmem>>
      %dma_wait3A_1927 = arith.constant 0 : i32
      %dma_wait3A_1928 = arith.constant 0 : i32
      %dma_wait3A_1929 = tpu.memref_slice %arg3[%dma_wait3A_1927, %dma_wait3A_1928] : memref<1000000x64xi8, #tpu.memory_space<hbm>> -> memref<1000000x64xi8, #tpu.memory_space<hbm>>
      tpu.wait_indirect_dma semaphore(%arg7 : memref<!tpu.dma_semaphore, #tpu.memory_space<semaphore_mem>>) src(%dma_wait3A_1929 : memref<1000000x64xi8, #tpu.memory_space<hbm>>) dst(%dma_wait3A_1923 : memref<20x64xi8, #tpu.memory_space<vmem>>)
      %dma_wait3A_1930 = arith.constant 64 : i32
      %dma_wait3A_1931 = arith.constant 1280 : i32
      %dma_wait3A_1932 = arith.constant 0 : i32
      %dma_wait3A_1933 = tpu.memref_slice %arg6[%dma_wait3A_1931, %dma_wait3A_1932] : memref<2560x64xi8, #tpu.memory_space<vmem>> -> memref<20x64xi8, #tpu.memory_space<vmem>>
      %dma_wait3A_1934 = arith.constant 0 : i32
      %dma_wait3A_1935 = tpu.memref_slice %arg5[%dma_wait3A_1930, %dma_wait3A_1934] : memref<128x20xi32, #tpu.memory_space<vmem>> -> memref<1x20xi32, #tpu.memory_space<vmem>>
      %dma_wait3A_1936 = tpu.memref_squeeze %dma_wait3A_1935 : memref<1x20xi32, #tpu.memory_space<vmem>> -> memref<20xi32, #tpu.memory_space<vmem>>
      %dma_wait3A_1937 = arith.constant 0 : i32
      %dma_wait3A_1938 = arith.constant 0 : i32
      %dma_wait3A_1939 = tpu.memref_slice %arg3[%dma_wait3A_1937, %dma_wait3A_1938] : memref<1000000x64xi8, #tpu.memory_space<hbm>> -> memref<1000000x64xi8, #tpu.memory_space<hbm>>
      tpu.wait_indirect_dma semaphore(%arg7 : memref<!tpu.dma_semaphore, #tpu.memory_space<semaphore_mem>>) src(%dma_wait3A_1939 : memref<1000000x64xi8, #tpu.memory_space<hbm>>) dst(%dma_wait3A_1933 : memref<20x64xi8, #tpu.memory_space<vmem>>)
      %dma_wait3A_1940 = arith.constant 65 : i32
      %dma_wait3A_1941 = arith.constant 1300 : i32
      %dma_wait3A_1942 = arith.constant 0 : i32
      %dma_wait3A_1943 = tpu.memref_slice %arg6[%dma_wait3A_1941, %dma_wait3A_1942] : memref<2560x64xi8, #tpu.memory_space<vmem>> -> memref<20x64xi8, #tpu.memory_space<vmem>>
      %dma_wait3A_1944 = arith.constant 0 : i32
      %dma_wait3A_1945 = tpu.memref_slice %arg5[%dma_wait3A_1940, %dma_wait3A_1944] : memref<128x20xi32, #tpu.memory_space<vmem>> -> memref<1x20xi32, #tpu.memory_space<vmem>>
      %dma_wait3A_1946 = tpu.memref_squeeze %dma_wait3A_1945 : memref<1x20xi32, #tpu.memory_space<vmem>> -> memref<20xi32, #tpu.memory_space<vmem>>
      %dma_wait3A_1947 = arith.constant 0 : i32
      %dma_wait3A_1948 = arith.constant 0 : i32
      %dma_wait3A_1949 = tpu.memref_slice %arg3[%dma_wait3A_1947, %dma_wait3A_1948] : memref<1000000x64xi8, #tpu.memory_space<hbm>> -> memref<1000000x64xi8, #tpu.memory_space<hbm>>
      tpu.wait_indirect_dma semaphore(%arg7 : memref<!tpu.dma_semaphore, #tpu.memory_space<semaphore_mem>>) src(%dma_wait3A_1949 : memref<1000000x64xi8, #tpu.memory_space<hbm>>) dst(%dma_wait3A_1943 : memref<20x64xi8, #tpu.memory_space<vmem>>)
      %dma_wait3A_1950 = arith.constant 66 : i32
      %dma_wait3A_1951 = arith.constant 1320 : i32
      %dma_wait3A_1952 = arith.constant 0 : i32
      %dma_wait3A_1953 = tpu.memref_slice %arg6[%dma_wait3A_1951, %dma_wait3A_1952] : memref<2560x64xi8, #tpu.memory_space<vmem>> -> memref<20x64xi8, #tpu.memory_space<vmem>>
      %dma_wait3A_1954 = arith.constant 0 : i32
      %dma_wait3A_1955 = tpu.memref_slice %arg5[%dma_wait3A_1950, %dma_wait3A_1954] : memref<128x20xi32, #tpu.memory_space<vmem>> -> memref<1x20xi32, #tpu.memory_space<vmem>>
      %dma_wait3A_1956 = tpu.memref_squeeze %dma_wait3A_1955 : memref<1x20xi32, #tpu.memory_space<vmem>> -> memref<20xi32, #tpu.memory_space<vmem>>
      %dma_wait3A_1957 = arith.constant 0 : i32
      %dma_wait3A_1958 = arith.constant 0 : i32
      %dma_wait3A_1959 = tpu.memref_slice %arg3[%dma_wait3A_1957, %dma_wait3A_1958] : memref<1000000x64xi8, #tpu.memory_space<hbm>> -> memref<1000000x64xi8, #tpu.memory_space<hbm>>
      tpu.wait_indirect_dma semaphore(%arg7 : memref<!tpu.dma_semaphore, #tpu.memory_space<semaphore_mem>>) src(%dma_wait3A_1959 : memref<1000000x64xi8, #tpu.memory_space<hbm>>) dst(%dma_wait3A_1953 : memref<20x64xi8, #tpu.memory_space<vmem>>)
      %dma_wait3A_1960 = arith.constant 67 : i32
      %dma_wait3A_1961 = arith.constant 1340 : i32
      %dma_wait3A_1962 = arith.constant 0 : i32
      %dma_wait3A_1963 = tpu.memref_slice %arg6[%dma_wait3A_1961, %dma_wait3A_1962] : memref<2560x64xi8, #tpu.memory_space<vmem>> -> memref<20x64xi8, #tpu.memory_space<vmem>>
      %dma_wait3A_1964 = arith.constant 0 : i32
      %dma_wait3A_1965 = tpu.memref_slice %arg5[%dma_wait3A_1960, %dma_wait3A_1964] : memref<128x20xi32, #tpu.memory_space<vmem>> -> memref<1x20xi32, #tpu.memory_space<vmem>>
      %dma_wait3A_1966 = tpu.memref_squeeze %dma_wait3A_1965 : memref<1x20xi32, #tpu.memory_space<vmem>> -> memref<20xi32, #tpu.memory_space<vmem>>
      %dma_wait3A_1967 = arith.constant 0 : i32
      %dma_wait3A_1968 = arith.constant 0 : i32
      %dma_wait3A_1969 = tpu.memref_slice %arg3[%dma_wait3A_1967, %dma_wait3A_1968] : memref<1000000x64xi8, #tpu.memory_space<hbm>> -> memref<1000000x64xi8, #tpu.memory_space<hbm>>
      tpu.wait_indirect_dma semaphore(%arg7 : memref<!tpu.dma_semaphore, #tpu.memory_space<semaphore_mem>>) src(%dma_wait3A_1969 : memref<1000000x64xi8, #tpu.memory_space<hbm>>) dst(%dma_wait3A_1963 : memref<20x64xi8, #tpu.memory_space<vmem>>)
      %dma_wait3A_1970 = arith.constant 68 : i32
      %dma_wait3A_1971 = arith.constant 1360 : i32
      %dma_wait3A_1972 = arith.constant 0 : i32
      %dma_wait3A_1973 = tpu.memref_slice %arg6[%dma_wait3A_1971, %dma_wait3A_1972] : memref<2560x64xi8, #tpu.memory_space<vmem>> -> memref<20x64xi8, #tpu.memory_space<vmem>>
      %dma_wait3A_1974 = arith.constant 0 : i32
      %dma_wait3A_1975 = tpu.memref_slice %arg5[%dma_wait3A_1970, %dma_wait3A_1974] : memref<128x20xi32, #tpu.memory_space<vmem>> -> memref<1x20xi32, #tpu.memory_space<vmem>>
      %dma_wait3A_1976 = tpu.memref_squeeze %dma_wait3A_1975 : memref<1x20xi32, #tpu.memory_space<vmem>> -> memref<20xi32, #tpu.memory_space<vmem>>
      %dma_wait3A_1977 = arith.constant 0 : i32
      %dma_wait3A_1978 = arith.constant 0 : i32
      %dma_wait3A_1979 = tpu.memref_slice %arg3[%dma_wait3A_1977, %dma_wait3A_1978] : memref<1000000x64xi8, #tpu.memory_space<hbm>> -> memref<1000000x64xi8, #tpu.memory_space<hbm>>
      tpu.wait_indirect_dma semaphore(%arg7 : memref<!tpu.dma_semaphore, #tpu.memory_space<semaphore_mem>>) src(%dma_wait3A_1979 : memref<1000000x64xi8, #tpu.memory_space<hbm>>) dst(%dma_wait3A_1973 : memref<20x64xi8, #tpu.memory_space<vmem>>)
      %dma_wait3A_1980 = arith.constant 69 : i32
      %dma_wait3A_1981 = arith.constant 1380 : i32
      %dma_wait3A_1982 = arith.constant 0 : i32
      %dma_wait3A_1983 = tpu.memref_slice %arg6[%dma_wait3A_1981, %dma_wait3A_1982] : memref<2560x64xi8, #tpu.memory_space<vmem>> -> memref<20x64xi8, #tpu.memory_space<vmem>>
      %dma_wait3A_1984 = arith.constant 0 : i32
      %dma_wait3A_1985 = tpu.memref_slice %arg5[%dma_wait3A_1980, %dma_wait3A_1984] : memref<128x20xi32, #tpu.memory_space<vmem>> -> memref<1x20xi32, #tpu.memory_space<vmem>>
      %dma_wait3A_1986 = tpu.memref_squeeze %dma_wait3A_1985 : memref<1x20xi32, #tpu.memory_space<vmem>> -> memref<20xi32, #tpu.memory_space<vmem>>
      %dma_wait3A_1987 = arith.constant 0 : i32
      %dma_wait3A_1988 = arith.constant 0 : i32
      %dma_wait3A_1989 = tpu.memref_slice %arg3[%dma_wait3A_1987, %dma_wait3A_1988] : memref<1000000x64xi8, #tpu.memory_space<hbm>> -> memref<1000000x64xi8, #tpu.memory_space<hbm>>
      tpu.wait_indirect_dma semaphore(%arg7 : memref<!tpu.dma_semaphore, #tpu.memory_space<semaphore_mem>>) src(%dma_wait3A_1989 : memref<1000000x64xi8, #tpu.memory_space<hbm>>) dst(%dma_wait3A_1983 : memref<20x64xi8, #tpu.memory_space<vmem>>)
      %dma_wait3A_1990 = arith.constant 70 : i32
      %dma_wait3A_1991 = arith.constant 1400 : i32
      %dma_wait3A_1992 = arith.constant 0 : i32
      %dma_wait3A_1993 = tpu.memref_slice %arg6[%dma_wait3A_1991, %dma_wait3A_1992] : memref<2560x64xi8, #tpu.memory_space<vmem>> -> memref<20x64xi8, #tpu.memory_space<vmem>>
      %dma_wait3A_1994 = arith.constant 0 : i32
      %dma_wait3A_1995 = tpu.memref_slice %arg5[%dma_wait3A_1990, %dma_wait3A_1994] : memref<128x20xi32, #tpu.memory_space<vmem>> -> memref<1x20xi32, #tpu.memory_space<vmem>>
      %dma_wait3A_1996 = tpu.memref_squeeze %dma_wait3A_1995 : memref<1x20xi32, #tpu.memory_space<vmem>> -> memref<20xi32, #tpu.memory_space<vmem>>
      %dma_wait3A_1997 = arith.constant 0 : i32
      %dma_wait3A_1998 = arith.constant 0 : i32
      %dma_wait3A_1999 = tpu.memref_slice %arg3[%dma_wait3A_1997, %dma_wait3A_1998] : memref<1000000x64xi8, #tpu.memory_space<hbm>> -> memref<1000000x64xi8, #tpu.memory_space<hbm>>
      tpu.wait_indirect_dma semaphore(%arg7 : memref<!tpu.dma_semaphore, #tpu.memory_space<semaphore_mem>>) src(%dma_wait3A_1999 : memref<1000000x64xi8, #tpu.memory_space<hbm>>) dst(%dma_wait3A_1993 : memref<20x64xi8, #tpu.memory_space<vmem>>)
      %dma_wait3A_2000 = arith.constant 71 : i32
      %dma_wait3A_2001 = arith.constant 1420 : i32
      %dma_wait3A_2002 = arith.constant 0 : i32
      %dma_wait3A_2003 = tpu.memref_slice %arg6[%dma_wait3A_2001, %dma_wait3A_2002] : memref<2560x64xi8, #tpu.memory_space<vmem>> -> memref<20x64xi8, #tpu.memory_space<vmem>>
      %dma_wait3A_2004 = arith.constant 0 : i32
      %dma_wait3A_2005 = tpu.memref_slice %arg5[%dma_wait3A_2000, %dma_wait3A_2004] : memref<128x20xi32, #tpu.memory_space<vmem>> -> memref<1x20xi32, #tpu.memory_space<vmem>>
      %dma_wait3A_2006 = tpu.memref_squeeze %dma_wait3A_2005 : memref<1x20xi32, #tpu.memory_space<vmem>> -> memref<20xi32, #tpu.memory_space<vmem>>
      %dma_wait3A_2007 = arith.constant 0 : i32
      %dma_wait3A_2008 = arith.constant 0 : i32
      %dma_wait3A_2009 = tpu.memref_slice %arg3[%dma_wait3A_2007, %dma_wait3A_2008] : memref<1000000x64xi8, #tpu.memory_space<hbm>> -> memref<1000000x64xi8, #tpu.memory_space<hbm>>
      tpu.wait_indirect_dma semaphore(%arg7 : memref<!tpu.dma_semaphore, #tpu.memory_space<semaphore_mem>>) src(%dma_wait3A_2009 : memref<1000000x64xi8, #tpu.memory_space<hbm>>) dst(%dma_wait3A_2003 : memref<20x64xi8, #tpu.memory_space<vmem>>)
      %dma_wait3A_2010 = arith.constant 72 : i32
      %dma_wait3A_2011 = arith.constant 1440 : i32
      %dma_wait3A_2012 = arith.constant 0 : i32
      %dma_wait3A_2013 = tpu.memref_slice %arg6[%dma_wait3A_2011, %dma_wait3A_2012] : memref<2560x64xi8, #tpu.memory_space<vmem>> -> memref<20x64xi8, #tpu.memory_space<vmem>>
      %dma_wait3A_2014 = arith.constant 0 : i32
      %dma_wait3A_2015 = tpu.memref_slice %arg5[%dma_wait3A_2010, %dma_wait3A_2014] : memref<128x20xi32, #tpu.memory_space<vmem>> -> memref<1x20xi32, #tpu.memory_space<vmem>>
      %dma_wait3A_2016 = tpu.memref_squeeze %dma_wait3A_2015 : memref<1x20xi32, #tpu.memory_space<vmem>> -> memref<20xi32, #tpu.memory_space<vmem>>
      %dma_wait3A_2017 = arith.constant 0 : i32
      %dma_wait3A_2018 = arith.constant 0 : i32
      %dma_wait3A_2019 = tpu.memref_slice %arg3[%dma_wait3A_2017, %dma_wait3A_2018] : memref<1000000x64xi8, #tpu.memory_space<hbm>> -> memref<1000000x64xi8, #tpu.memory_space<hbm>>
      tpu.wait_indirect_dma semaphore(%arg7 : memref<!tpu.dma_semaphore, #tpu.memory_space<semaphore_mem>>) src(%dma_wait3A_2019 : memref<1000000x64xi8, #tpu.memory_space<hbm>>) dst(%dma_wait3A_2013 : memref<20x64xi8, #tpu.memory_space<vmem>>)
      %dma_wait3A_2020 = arith.constant 73 : i32
      %dma_wait3A_2021 = arith.constant 1460 : i32
      %dma_wait3A_2022 = arith.constant 0 : i32
      %dma_wait3A_2023 = tpu.memref_slice %arg6[%dma_wait3A_2021, %dma_wait3A_2022] : memref<2560x64xi8, #tpu.memory_space<vmem>> -> memref<20x64xi8, #tpu.memory_space<vmem>>
      %dma_wait3A_2024 = arith.constant 0 : i32
      %dma_wait3A_2025 = tpu.memref_slice %arg5[%dma_wait3A_2020, %dma_wait3A_2024] : memref<128x20xi32, #tpu.memory_space<vmem>> -> memref<1x20xi32, #tpu.memory_space<vmem>>
      %dma_wait3A_2026 = tpu.memref_squeeze %dma_wait3A_2025 : memref<1x20xi32, #tpu.memory_space<vmem>> -> memref<20xi32, #tpu.memory_space<vmem>>
      %dma_wait3A_2027 = arith.constant 0 : i32
      %dma_wait3A_2028 = arith.constant 0 : i32
      %dma_wait3A_2029 = tpu.memref_slice %arg3[%dma_wait3A_2027, %dma_wait3A_2028] : memref<1000000x64xi8, #tpu.memory_space<hbm>> -> memref<1000000x64xi8, #tpu.memory_space<hbm>>
      tpu.wait_indirect_dma semaphore(%arg7 : memref<!tpu.dma_semaphore, #tpu.memory_space<semaphore_mem>>) src(%dma_wait3A_2029 : memref<1000000x64xi8, #tpu.memory_space<hbm>>) dst(%dma_wait3A_2023 : memref<20x64xi8, #tpu.memory_space<vmem>>)
      %dma_wait3A_2030 = arith.constant 74 : i32
      %dma_wait3A_2031 = arith.constant 1480 : i32
      %dma_wait3A_2032 = arith.constant 0 : i32
      %dma_wait3A_2033 = tpu.memref_slice %arg6[%dma_wait3A_2031, %dma_wait3A_2032] : memref<2560x64xi8, #tpu.memory_space<vmem>> -> memref<20x64xi8, #tpu.memory_space<vmem>>
      %dma_wait3A_2034 = arith.constant 0 : i32
      %dma_wait3A_2035 = tpu.memref_slice %arg5[%dma_wait3A_2030, %dma_wait3A_2034] : memref<128x20xi32, #tpu.memory_space<vmem>> -> memref<1x20xi32, #tpu.memory_space<vmem>>
      %dma_wait3A_2036 = tpu.memref_squeeze %dma_wait3A_2035 : memref<1x20xi32, #tpu.memory_space<vmem>> -> memref<20xi32, #tpu.memory_space<vmem>>
      %dma_wait3A_2037 = arith.constant 0 : i32
      %dma_wait3A_2038 = arith.constant 0 : i32
      %dma_wait3A_2039 = tpu.memref_slice %arg3[%dma_wait3A_2037, %dma_wait3A_2038] : memref<1000000x64xi8, #tpu.memory_space<hbm>> -> memref<1000000x64xi8, #tpu.memory_space<hbm>>
      tpu.wait_indirect_dma semaphore(%arg7 : memref<!tpu.dma_semaphore, #tpu.memory_space<semaphore_mem>>) src(%dma_wait3A_2039 : memref<1000000x64xi8, #tpu.memory_space<hbm>>) dst(%dma_wait3A_2033 : memref<20x64xi8, #tpu.memory_space<vmem>>)
      %dma_wait3A_2040 = arith.constant 75 : i32
      %dma_wait3A_2041 = arith.constant 1500 : i32
      %dma_wait3A_2042 = arith.constant 0 : i32
      %dma_wait3A_2043 = tpu.memref_slice %arg6[%dma_wait3A_2041, %dma_wait3A_2042] : memref<2560x64xi8, #tpu.memory_space<vmem>> -> memref<20x64xi8, #tpu.memory_space<vmem>>
      %dma_wait3A_2044 = arith.constant 0 : i32
      %dma_wait3A_2045 = tpu.memref_slice %arg5[%dma_wait3A_2040, %dma_wait3A_2044] : memref<128x20xi32, #tpu.memory_space<vmem>> -> memref<1x20xi32, #tpu.memory_space<vmem>>
      %dma_wait3A_2046 = tpu.memref_squeeze %dma_wait3A_2045 : memref<1x20xi32, #tpu.memory_space<vmem>> -> memref<20xi32, #tpu.memory_space<vmem>>
      %dma_wait3A_2047 = arith.constant 0 : i32
      %dma_wait3A_2048 = arith.constant 0 : i32
      %dma_wait3A_2049 = tpu.memref_slice %arg3[%dma_wait3A_2047, %dma_wait3A_2048] : memref<1000000x64xi8, #tpu.memory_space<hbm>> -> memref<1000000x64xi8, #tpu.memory_space<hbm>>
      tpu.wait_indirect_dma semaphore(%arg7 : memref<!tpu.dma_semaphore, #tpu.memory_space<semaphore_mem>>) src(%dma_wait3A_2049 : memref<1000000x64xi8, #tpu.memory_space<hbm>>) dst(%dma_wait3A_2043 : memref<20x64xi8, #tpu.memory_space<vmem>>)
      %dma_wait3A_2050 = arith.constant 76 : i32
      %dma_wait3A_2051 = arith.constant 1520 : i32
      %dma_wait3A_2052 = arith.constant 0 : i32
      %dma_wait3A_2053 = tpu.memref_slice %arg6[%dma_wait3A_2051, %dma_wait3A_2052] : memref<2560x64xi8, #tpu.memory_space<vmem>> -> memref<20x64xi8, #tpu.memory_space<vmem>>
      %dma_wait3A_2054 = arith.constant 0 : i32
      %dma_wait3A_2055 = tpu.memref_slice %arg5[%dma_wait3A_2050, %dma_wait3A_2054] : memref<128x20xi32, #tpu.memory_space<vmem>> -> memref<1x20xi32, #tpu.memory_space<vmem>>
      %dma_wait3A_2056 = tpu.memref_squeeze %dma_wait3A_2055 : memref<1x20xi32, #tpu.memory_space<vmem>> -> memref<20xi32, #tpu.memory_space<vmem>>
      %dma_wait3A_2057 = arith.constant 0 : i32
      %dma_wait3A_2058 = arith.constant 0 : i32
      %dma_wait3A_2059 = tpu.memref_slice %arg3[%dma_wait3A_2057, %dma_wait3A_2058] : memref<1000000x64xi8, #tpu.memory_space<hbm>> -> memref<1000000x64xi8, #tpu.memory_space<hbm>>
      tpu.wait_indirect_dma semaphore(%arg7 : memref<!tpu.dma_semaphore, #tpu.memory_space<semaphore_mem>>) src(%dma_wait3A_2059 : memref<1000000x64xi8, #tpu.memory_space<hbm>>) dst(%dma_wait3A_2053 : memref<20x64xi8, #tpu.memory_space<vmem>>)
      %dma_wait3A_2060 = arith.constant 77 : i32
      %dma_wait3A_2061 = arith.constant 1540 : i32
      %dma_wait3A_2062 = arith.constant 0 : i32
      %dma_wait3A_2063 = tpu.memref_slice %arg6[%dma_wait3A_2061, %dma_wait3A_2062] : memref<2560x64xi8, #tpu.memory_space<vmem>> -> memref<20x64xi8, #tpu.memory_space<vmem>>
      %dma_wait3A_2064 = arith.constant 0 : i32
      %dma_wait3A_2065 = tpu.memref_slice %arg5[%dma_wait3A_2060, %dma_wait3A_2064] : memref<128x20xi32, #tpu.memory_space<vmem>> -> memref<1x20xi32, #tpu.memory_space<vmem>>
      %dma_wait3A_2066 = tpu.memref_squeeze %dma_wait3A_2065 : memref<1x20xi32, #tpu.memory_space<vmem>> -> memref<20xi32, #tpu.memory_space<vmem>>
      %dma_wait3A_2067 = arith.constant 0 : i32
      %dma_wait3A_2068 = arith.constant 0 : i32
      %dma_wait3A_2069 = tpu.memref_slice %arg3[%dma_wait3A_2067, %dma_wait3A_2068] : memref<1000000x64xi8, #tpu.memory_space<hbm>> -> memref<1000000x64xi8, #tpu.memory_space<hbm>>
      tpu.wait_indirect_dma semaphore(%arg7 : memref<!tpu.dma_semaphore, #tpu.memory_space<semaphore_mem>>) src(%dma_wait3A_2069 : memref<1000000x64xi8, #tpu.memory_space<hbm>>) dst(%dma_wait3A_2063 : memref<20x64xi8, #tpu.memory_space<vmem>>)
      %dma_wait3A_2070 = arith.constant 78 : i32
      %dma_wait3A_2071 = arith.constant 1560 : i32
      %dma_wait3A_2072 = arith.constant 0 : i32
      %dma_wait3A_2073 = tpu.memref_slice %arg6[%dma_wait3A_2071, %dma_wait3A_2072] : memref<2560x64xi8, #tpu.memory_space<vmem>> -> memref<20x64xi8, #tpu.memory_space<vmem>>
      %dma_wait3A_2074 = arith.constant 0 : i32
      %dma_wait3A_2075 = tpu.memref_slice %arg5[%dma_wait3A_2070, %dma_wait3A_2074] : memref<128x20xi32, #tpu.memory_space<vmem>> -> memref<1x20xi32, #tpu.memory_space<vmem>>
      %dma_wait3A_2076 = tpu.memref_squeeze %dma_wait3A_2075 : memref<1x20xi32, #tpu.memory_space<vmem>> -> memref<20xi32, #tpu.memory_space<vmem>>
      %dma_wait3A_2077 = arith.constant 0 : i32
      %dma_wait3A_2078 = arith.constant 0 : i32
      %dma_wait3A_2079 = tpu.memref_slice %arg3[%dma_wait3A_2077, %dma_wait3A_2078] : memref<1000000x64xi8, #tpu.memory_space<hbm>> -> memref<1000000x64xi8, #tpu.memory_space<hbm>>
      tpu.wait_indirect_dma semaphore(%arg7 : memref<!tpu.dma_semaphore, #tpu.memory_space<semaphore_mem>>) src(%dma_wait3A_2079 : memref<1000000x64xi8, #tpu.memory_space<hbm>>) dst(%dma_wait3A_2073 : memref<20x64xi8, #tpu.memory_space<vmem>>)
      %dma_wait3A_2080 = arith.constant 79 : i32
      %dma_wait3A_2081 = arith.constant 1580 : i32
      %dma_wait3A_2082 = arith.constant 0 : i32
      %dma_wait3A_2083 = tpu.memref_slice %arg6[%dma_wait3A_2081, %dma_wait3A_2082] : memref<2560x64xi8, #tpu.memory_space<vmem>> -> memref<20x64xi8, #tpu.memory_space<vmem>>
      %dma_wait3A_2084 = arith.constant 0 : i32
      %dma_wait3A_2085 = tpu.memref_slice %arg5[%dma_wait3A_2080, %dma_wait3A_2084] : memref<128x20xi32, #tpu.memory_space<vmem>> -> memref<1x20xi32, #tpu.memory_space<vmem>>
      %dma_wait3A_2086 = tpu.memref_squeeze %dma_wait3A_2085 : memref<1x20xi32, #tpu.memory_space<vmem>> -> memref<20xi32, #tpu.memory_space<vmem>>
      %dma_wait3A_2087 = arith.constant 0 : i32
      %dma_wait3A_2088 = arith.constant 0 : i32
      %dma_wait3A_2089 = tpu.memref_slice %arg3[%dma_wait3A_2087, %dma_wait3A_2088] : memref<1000000x64xi8, #tpu.memory_space<hbm>> -> memref<1000000x64xi8, #tpu.memory_space<hbm>>
      tpu.wait_indirect_dma semaphore(%arg7 : memref<!tpu.dma_semaphore, #tpu.memory_space<semaphore_mem>>) src(%dma_wait3A_2089 : memref<1000000x64xi8, #tpu.memory_space<hbm>>) dst(%dma_wait3A_2083 : memref<20x64xi8, #tpu.memory_space<vmem>>)
      %dma_wait3A_2090 = arith.constant 80 : i32
      %dma_wait3A_2091 = arith.constant 1600 : i32
      %dma_wait3A_2092 = arith.constant 0 : i32
      %dma_wait3A_2093 = tpu.memref_slice %arg6[%dma_wait3A_2091, %dma_wait3A_2092] : memref<2560x64xi8, #tpu.memory_space<vmem>> -> memref<20x64xi8, #tpu.memory_space<vmem>>
      %dma_wait3A_2094 = arith.constant 0 : i32
      %dma_wait3A_2095 = tpu.memref_slice %arg5[%dma_wait3A_2090, %dma_wait3A_2094] : memref<128x20xi32, #tpu.memory_space<vmem>> -> memref<1x20xi32, #tpu.memory_space<vmem>>
      %dma_wait3A_2096 = tpu.memref_squeeze %dma_wait3A_2095 : memref<1x20xi32, #tpu.memory_space<vmem>> -> memref<20xi32, #tpu.memory_space<vmem>>
      %dma_wait3A_2097 = arith.constant 0 : i32
      %dma_wait3A_2098 = arith.constant 0 : i32
      %dma_wait3A_2099 = tpu.memref_slice %arg3[%dma_wait3A_2097, %dma_wait3A_2098] : memref<1000000x64xi8, #tpu.memory_space<hbm>> -> memref<1000000x64xi8, #tpu.memory_space<hbm>>
      tpu.wait_indirect_dma semaphore(%arg7 : memref<!tpu.dma_semaphore, #tpu.memory_space<semaphore_mem>>) src(%dma_wait3A_2099 : memref<1000000x64xi8, #tpu.memory_space<hbm>>) dst(%dma_wait3A_2093 : memref<20x64xi8, #tpu.memory_space<vmem>>)
      %dma_wait3A_2100 = arith.constant 81 : i32
      %dma_wait3A_2101 = arith.constant 1620 : i32
      %dma_wait3A_2102 = arith.constant 0 : i32
      %dma_wait3A_2103 = tpu.memref_slice %arg6[%dma_wait3A_2101, %dma_wait3A_2102] : memref<2560x64xi8, #tpu.memory_space<vmem>> -> memref<20x64xi8, #tpu.memory_space<vmem>>
      %dma_wait3A_2104 = arith.constant 0 : i32
      %dma_wait3A_2105 = tpu.memref_slice %arg5[%dma_wait3A_2100, %dma_wait3A_2104] : memref<128x20xi32, #tpu.memory_space<vmem>> -> memref<1x20xi32, #tpu.memory_space<vmem>>
      %dma_wait3A_2106 = tpu.memref_squeeze %dma_wait3A_2105 : memref<1x20xi32, #tpu.memory_space<vmem>> -> memref<20xi32, #tpu.memory_space<vmem>>
      %dma_wait3A_2107 = arith.constant 0 : i32
      %dma_wait3A_2108 = arith.constant 0 : i32
      %dma_wait3A_2109 = tpu.memref_slice %arg3[%dma_wait3A_2107, %dma_wait3A_2108] : memref<1000000x64xi8, #tpu.memory_space<hbm>> -> memref<1000000x64xi8, #tpu.memory_space<hbm>>
      tpu.wait_indirect_dma semaphore(%arg7 : memref<!tpu.dma_semaphore, #tpu.memory_space<semaphore_mem>>) src(%dma_wait3A_2109 : memref<1000000x64xi8, #tpu.memory_space<hbm>>) dst(%dma_wait3A_2103 : memref<20x64xi8, #tpu.memory_space<vmem>>)
      %dma_wait3A_2110 = arith.constant 82 : i32
      %dma_wait3A_2111 = arith.constant 1640 : i32
      %dma_wait3A_2112 = arith.constant 0 : i32
      %dma_wait3A_2113 = tpu.memref_slice %arg6[%dma_wait3A_2111, %dma_wait3A_2112] : memref<2560x64xi8, #tpu.memory_space<vmem>> -> memref<20x64xi8, #tpu.memory_space<vmem>>
      %dma_wait3A_2114 = arith.constant 0 : i32
      %dma_wait3A_2115 = tpu.memref_slice %arg5[%dma_wait3A_2110, %dma_wait3A_2114] : memref<128x20xi32, #tpu.memory_space<vmem>> -> memref<1x20xi32, #tpu.memory_space<vmem>>
      %dma_wait3A_2116 = tpu.memref_squeeze %dma_wait3A_2115 : memref<1x20xi32, #tpu.memory_space<vmem>> -> memref<20xi32, #tpu.memory_space<vmem>>
      %dma_wait3A_2117 = arith.constant 0 : i32
      %dma_wait3A_2118 = arith.constant 0 : i32
      %dma_wait3A_2119 = tpu.memref_slice %arg3[%dma_wait3A_2117, %dma_wait3A_2118] : memref<1000000x64xi8, #tpu.memory_space<hbm>> -> memref<1000000x64xi8, #tpu.memory_space<hbm>>
      tpu.wait_indirect_dma semaphore(%arg7 : memref<!tpu.dma_semaphore, #tpu.memory_space<semaphore_mem>>) src(%dma_wait3A_2119 : memref<1000000x64xi8, #tpu.memory_space<hbm>>) dst(%dma_wait3A_2113 : memref<20x64xi8, #tpu.memory_space<vmem>>)
      %dma_wait3A_2120 = arith.constant 83 : i32
      %dma_wait3A_2121 = arith.constant 1660 : i32
      %dma_wait3A_2122 = arith.constant 0 : i32
      %dma_wait3A_2123 = tpu.memref_slice %arg6[%dma_wait3A_2121, %dma_wait3A_2122] : memref<2560x64xi8, #tpu.memory_space<vmem>> -> memref<20x64xi8, #tpu.memory_space<vmem>>
      %dma_wait3A_2124 = arith.constant 0 : i32
      %dma_wait3A_2125 = tpu.memref_slice %arg5[%dma_wait3A_2120, %dma_wait3A_2124] : memref<128x20xi32, #tpu.memory_space<vmem>> -> memref<1x20xi32, #tpu.memory_space<vmem>>
      %dma_wait3A_2126 = tpu.memref_squeeze %dma_wait3A_2125 : memref<1x20xi32, #tpu.memory_space<vmem>> -> memref<20xi32, #tpu.memory_space<vmem>>
      %dma_wait3A_2127 = arith.constant 0 : i32
      %dma_wait3A_2128 = arith.constant 0 : i32
      %dma_wait3A_2129 = tpu.memref_slice %arg3[%dma_wait3A_2127, %dma_wait3A_2128] : memref<1000000x64xi8, #tpu.memory_space<hbm>> -> memref<1000000x64xi8, #tpu.memory_space<hbm>>
      tpu.wait_indirect_dma semaphore(%arg7 : memref<!tpu.dma_semaphore, #tpu.memory_space<semaphore_mem>>) src(%dma_wait3A_2129 : memref<1000000x64xi8, #tpu.memory_space<hbm>>) dst(%dma_wait3A_2123 : memref<20x64xi8, #tpu.memory_space<vmem>>)
      %dma_wait3A_2130 = arith.constant 84 : i32
      %dma_wait3A_2131 = arith.constant 1680 : i32
      %dma_wait3A_2132 = arith.constant 0 : i32
      %dma_wait3A_2133 = tpu.memref_slice %arg6[%dma_wait3A_2131, %dma_wait3A_2132] : memref<2560x64xi8, #tpu.memory_space<vmem>> -> memref<20x64xi8, #tpu.memory_space<vmem>>
      %dma_wait3A_2134 = arith.constant 0 : i32
      %dma_wait3A_2135 = tpu.memref_slice %arg5[%dma_wait3A_2130, %dma_wait3A_2134] : memref<128x20xi32, #tpu.memory_space<vmem>> -> memref<1x20xi32, #tpu.memory_space<vmem>>
      %dma_wait3A_2136 = tpu.memref_squeeze %dma_wait3A_2135 : memref<1x20xi32, #tpu.memory_space<vmem>> -> memref<20xi32, #tpu.memory_space<vmem>>
      %dma_wait3A_2137 = arith.constant 0 : i32
      %dma_wait3A_2138 = arith.constant 0 : i32
      %dma_wait3A_2139 = tpu.memref_slice %arg3[%dma_wait3A_2137, %dma_wait3A_2138] : memref<1000000x64xi8, #tpu.memory_space<hbm>> -> memref<1000000x64xi8, #tpu.memory_space<hbm>>
      tpu.wait_indirect_dma semaphore(%arg7 : memref<!tpu.dma_semaphore, #tpu.memory_space<semaphore_mem>>) src(%dma_wait3A_2139 : memref<1000000x64xi8, #tpu.memory_space<hbm>>) dst(%dma_wait3A_2133 : memref<20x64xi8, #tpu.memory_space<vmem>>)
      %dma_wait3A_2140 = arith.constant 85 : i32
      %dma_wait3A_2141 = arith.constant 1700 : i32
      %dma_wait3A_2142 = arith.constant 0 : i32
      %dma_wait3A_2143 = tpu.memref_slice %arg6[%dma_wait3A_2141, %dma_wait3A_2142] : memref<2560x64xi8, #tpu.memory_space<vmem>> -> memref<20x64xi8, #tpu.memory_space<vmem>>
      %dma_wait3A_2144 = arith.constant 0 : i32
      %dma_wait3A_2145 = tpu.memref_slice %arg5[%dma_wait3A_2140, %dma_wait3A_2144] : memref<128x20xi32, #tpu.memory_space<vmem>> -> memref<1x20xi32, #tpu.memory_space<vmem>>
      %dma_wait3A_2146 = tpu.memref_squeeze %dma_wait3A_2145 : memref<1x20xi32, #tpu.memory_space<vmem>> -> memref<20xi32, #tpu.memory_space<vmem>>
      %dma_wait3A_2147 = arith.constant 0 : i32
      %dma_wait3A_2148 = arith.constant 0 : i32
      %dma_wait3A_2149 = tpu.memref_slice %arg3[%dma_wait3A_2147, %dma_wait3A_2148] : memref<1000000x64xi8, #tpu.memory_space<hbm>> -> memref<1000000x64xi8, #tpu.memory_space<hbm>>
      tpu.wait_indirect_dma semaphore(%arg7 : memref<!tpu.dma_semaphore, #tpu.memory_space<semaphore_mem>>) src(%dma_wait3A_2149 : memref<1000000x64xi8, #tpu.memory_space<hbm>>) dst(%dma_wait3A_2143 : memref<20x64xi8, #tpu.memory_space<vmem>>)
      %dma_wait3A_2150 = arith.constant 86 : i32
      %dma_wait3A_2151 = arith.constant 1720 : i32
      %dma_wait3A_2152 = arith.constant 0 : i32
      %dma_wait3A_2153 = tpu.memref_slice %arg6[%dma_wait3A_2151, %dma_wait3A_2152] : memref<2560x64xi8, #tpu.memory_space<vmem>> -> memref<20x64xi8, #tpu.memory_space<vmem>>
      %dma_wait3A_2154 = arith.constant 0 : i32
      %dma_wait3A_2155 = tpu.memref_slice %arg5[%dma_wait3A_2150, %dma_wait3A_2154] : memref<128x20xi32, #tpu.memory_space<vmem>> -> memref<1x20xi32, #tpu.memory_space<vmem>>
      %dma_wait3A_2156 = tpu.memref_squeeze %dma_wait3A_2155 : memref<1x20xi32, #tpu.memory_space<vmem>> -> memref<20xi32, #tpu.memory_space<vmem>>
      %dma_wait3A_2157 = arith.constant 0 : i32
      %dma_wait3A_2158 = arith.constant 0 : i32
      %dma_wait3A_2159 = tpu.memref_slice %arg3[%dma_wait3A_2157, %dma_wait3A_2158] : memref<1000000x64xi8, #tpu.memory_space<hbm>> -> memref<1000000x64xi8, #tpu.memory_space<hbm>>
      tpu.wait_indirect_dma semaphore(%arg7 : memref<!tpu.dma_semaphore, #tpu.memory_space<semaphore_mem>>) src(%dma_wait3A_2159 : memref<1000000x64xi8, #tpu.memory_space<hbm>>) dst(%dma_wait3A_2153 : memref<20x64xi8, #tpu.memory_space<vmem>>)
      %dma_wait3A_2160 = arith.constant 87 : i32
      %dma_wait3A_2161 = arith.constant 1740 : i32
      %dma_wait3A_2162 = arith.constant 0 : i32
      %dma_wait3A_2163 = tpu.memref_slice %arg6[%dma_wait3A_2161, %dma_wait3A_2162] : memref<2560x64xi8, #tpu.memory_space<vmem>> -> memref<20x64xi8, #tpu.memory_space<vmem>>
      %dma_wait3A_2164 = arith.constant 0 : i32
      %dma_wait3A_2165 = tpu.memref_slice %arg5[%dma_wait3A_2160, %dma_wait3A_2164] : memref<128x20xi32, #tpu.memory_space<vmem>> -> memref<1x20xi32, #tpu.memory_space<vmem>>
      %dma_wait3A_2166 = tpu.memref_squeeze %dma_wait3A_2165 : memref<1x20xi32, #tpu.memory_space<vmem>> -> memref<20xi32, #tpu.memory_space<vmem>>
      %dma_wait3A_2167 = arith.constant 0 : i32
      %dma_wait3A_2168 = arith.constant 0 : i32
      %dma_wait3A_2169 = tpu.memref_slice %arg3[%dma_wait3A_2167, %dma_wait3A_2168] : memref<1000000x64xi8, #tpu.memory_space<hbm>> -> memref<1000000x64xi8, #tpu.memory_space<hbm>>
      tpu.wait_indirect_dma semaphore(%arg7 : memref<!tpu.dma_semaphore, #tpu.memory_space<semaphore_mem>>) src(%dma_wait3A_2169 : memref<1000000x64xi8, #tpu.memory_space<hbm>>) dst(%dma_wait3A_2163 : memref<20x64xi8, #tpu.memory_space<vmem>>)
      %dma_wait3A_2170 = arith.constant 88 : i32
      %dma_wait3A_2171 = arith.constant 1760 : i32
      %dma_wait3A_2172 = arith.constant 0 : i32
      %dma_wait3A_2173 = tpu.memref_slice %arg6[%dma_wait3A_2171, %dma_wait3A_2172] : memref<2560x64xi8, #tpu.memory_space<vmem>> -> memref<20x64xi8, #tpu.memory_space<vmem>>
      %dma_wait3A_2174 = arith.constant 0 : i32
      %dma_wait3A_2175 = tpu.memref_slice %arg5[%dma_wait3A_2170, %dma_wait3A_2174] : memref<128x20xi32, #tpu.memory_space<vmem>> -> memref<1x20xi32, #tpu.memory_space<vmem>>
      %dma_wait3A_2176 = tpu.memref_squeeze %dma_wait3A_2175 : memref<1x20xi32, #tpu.memory_space<vmem>> -> memref<20xi32, #tpu.memory_space<vmem>>
      %dma_wait3A_2177 = arith.constant 0 : i32
      %dma_wait3A_2178 = arith.constant 0 : i32
      %dma_wait3A_2179 = tpu.memref_slice %arg3[%dma_wait3A_2177, %dma_wait3A_2178] : memref<1000000x64xi8, #tpu.memory_space<hbm>> -> memref<1000000x64xi8, #tpu.memory_space<hbm>>
      tpu.wait_indirect_dma semaphore(%arg7 : memref<!tpu.dma_semaphore, #tpu.memory_space<semaphore_mem>>) src(%dma_wait3A_2179 : memref<1000000x64xi8, #tpu.memory_space<hbm>>) dst(%dma_wait3A_2173 : memref<20x64xi8, #tpu.memory_space<vmem>>)
      %dma_wait3A_2180 = arith.constant 89 : i32
      %dma_wait3A_2181 = arith.constant 1780 : i32
      %dma_wait3A_2182 = arith.constant 0 : i32
      %dma_wait3A_2183 = tpu.memref_slice %arg6[%dma_wait3A_2181, %dma_wait3A_2182] : memref<2560x64xi8, #tpu.memory_space<vmem>> -> memref<20x64xi8, #tpu.memory_space<vmem>>
      %dma_wait3A_2184 = arith.constant 0 : i32
      %dma_wait3A_2185 = tpu.memref_slice %arg5[%dma_wait3A_2180, %dma_wait3A_2184] : memref<128x20xi32, #tpu.memory_space<vmem>> -> memref<1x20xi32, #tpu.memory_space<vmem>>
      %dma_wait3A_2186 = tpu.memref_squeeze %dma_wait3A_2185 : memref<1x20xi32, #tpu.memory_space<vmem>> -> memref<20xi32, #tpu.memory_space<vmem>>
      %dma_wait3A_2187 = arith.constant 0 : i32
      %dma_wait3A_2188 = arith.constant 0 : i32
      %dma_wait3A_2189 = tpu.memref_slice %arg3[%dma_wait3A_2187, %dma_wait3A_2188] : memref<1000000x64xi8, #tpu.memory_space<hbm>> -> memref<1000000x64xi8, #tpu.memory_space<hbm>>
      tpu.wait_indirect_dma semaphore(%arg7 : memref<!tpu.dma_semaphore, #tpu.memory_space<semaphore_mem>>) src(%dma_wait3A_2189 : memref<1000000x64xi8, #tpu.memory_space<hbm>>) dst(%dma_wait3A_2183 : memref<20x64xi8, #tpu.memory_space<vmem>>)
      %dma_wait3A_2190 = arith.constant 90 : i32
      %dma_wait3A_2191 = arith.constant 1800 : i32
      %dma_wait3A_2192 = arith.constant 0 : i32
      %dma_wait3A_2193 = tpu.memref_slice %arg6[%dma_wait3A_2191, %dma_wait3A_2192] : memref<2560x64xi8, #tpu.memory_space<vmem>> -> memref<20x64xi8, #tpu.memory_space<vmem>>
      %dma_wait3A_2194 = arith.constant 0 : i32
      %dma_wait3A_2195 = tpu.memref_slice %arg5[%dma_wait3A_2190, %dma_wait3A_2194] : memref<128x20xi32, #tpu.memory_space<vmem>> -> memref<1x20xi32, #tpu.memory_space<vmem>>
      %dma_wait3A_2196 = tpu.memref_squeeze %dma_wait3A_2195 : memref<1x20xi32, #tpu.memory_space<vmem>> -> memref<20xi32, #tpu.memory_space<vmem>>
      %dma_wait3A_2197 = arith.constant 0 : i32
      %dma_wait3A_2198 = arith.constant 0 : i32
      %dma_wait3A_2199 = tpu.memref_slice %arg3[%dma_wait3A_2197, %dma_wait3A_2198] : memref<1000000x64xi8, #tpu.memory_space<hbm>> -> memref<1000000x64xi8, #tpu.memory_space<hbm>>
      tpu.wait_indirect_dma semaphore(%arg7 : memref<!tpu.dma_semaphore, #tpu.memory_space<semaphore_mem>>) src(%dma_wait3A_2199 : memref<1000000x64xi8, #tpu.memory_space<hbm>>) dst(%dma_wait3A_2193 : memref<20x64xi8, #tpu.memory_space<vmem>>)
      %dma_wait3A_2200 = arith.constant 91 : i32
      %dma_wait3A_2201 = arith.constant 1820 : i32
      %dma_wait3A_2202 = arith.constant 0 : i32
      %dma_wait3A_2203 = tpu.memref_slice %arg6[%dma_wait3A_2201, %dma_wait3A_2202] : memref<2560x64xi8, #tpu.memory_space<vmem>> -> memref<20x64xi8, #tpu.memory_space<vmem>>
      %dma_wait3A_2204 = arith.constant 0 : i32
      %dma_wait3A_2205 = tpu.memref_slice %arg5[%dma_wait3A_2200, %dma_wait3A_2204] : memref<128x20xi32, #tpu.memory_space<vmem>> -> memref<1x20xi32, #tpu.memory_space<vmem>>
      %dma_wait3A_2206 = tpu.memref_squeeze %dma_wait3A_2205 : memref<1x20xi32, #tpu.memory_space<vmem>> -> memref<20xi32, #tpu.memory_space<vmem>>
      %dma_wait3A_2207 = arith.constant 0 : i32
      %dma_wait3A_2208 = arith.constant 0 : i32
      %dma_wait3A_2209 = tpu.memref_slice %arg3[%dma_wait3A_2207, %dma_wait3A_2208] : memref<1000000x64xi8, #tpu.memory_space<hbm>> -> memref<1000000x64xi8, #tpu.memory_space<hbm>>
      tpu.wait_indirect_dma semaphore(%arg7 : memref<!tpu.dma_semaphore, #tpu.memory_space<semaphore_mem>>) src(%dma_wait3A_2209 : memref<1000000x64xi8, #tpu.memory_space<hbm>>) dst(%dma_wait3A_2203 : memref<20x64xi8, #tpu.memory_space<vmem>>)
      %dma_wait3A_2210 = arith.constant 92 : i32
      %dma_wait3A_2211 = arith.constant 1840 : i32
      %dma_wait3A_2212 = arith.constant 0 : i32
      %dma_wait3A_2213 = tpu.memref_slice %arg6[%dma_wait3A_2211, %dma_wait3A_2212] : memref<2560x64xi8, #tpu.memory_space<vmem>> -> memref<20x64xi8, #tpu.memory_space<vmem>>
      %dma_wait3A_2214 = arith.constant 0 : i32
      %dma_wait3A_2215 = tpu.memref_slice %arg5[%dma_wait3A_2210, %dma_wait3A_2214] : memref<128x20xi32, #tpu.memory_space<vmem>> -> memref<1x20xi32, #tpu.memory_space<vmem>>
      %dma_wait3A_2216 = tpu.memref_squeeze %dma_wait3A_2215 : memref<1x20xi32, #tpu.memory_space<vmem>> -> memref<20xi32, #tpu.memory_space<vmem>>
      %dma_wait3A_2217 = arith.constant 0 : i32
      %dma_wait3A_2218 = arith.constant 0 : i32
      %dma_wait3A_2219 = tpu.memref_slice %arg3[%dma_wait3A_2217, %dma_wait3A_2218] : memref<1000000x64xi8, #tpu.memory_space<hbm>> -> memref<1000000x64xi8, #tpu.memory_space<hbm>>
      tpu.wait_indirect_dma semaphore(%arg7 : memref<!tpu.dma_semaphore, #tpu.memory_space<semaphore_mem>>) src(%dma_wait3A_2219 : memref<1000000x64xi8, #tpu.memory_space<hbm>>) dst(%dma_wait3A_2213 : memref<20x64xi8, #tpu.memory_space<vmem>>)
      %dma_wait3A_2220 = arith.constant 93 : i32
      %dma_wait3A_2221 = arith.constant 1860 : i32
      %dma_wait3A_2222 = arith.constant 0 : i32
      %dma_wait3A_2223 = tpu.memref_slice %arg6[%dma_wait3A_2221, %dma_wait3A_2222] : memref<2560x64xi8, #tpu.memory_space<vmem>> -> memref<20x64xi8, #tpu.memory_space<vmem>>
      %dma_wait3A_2224 = arith.constant 0 : i32
      %dma_wait3A_2225 = tpu.memref_slice %arg5[%dma_wait3A_2220, %dma_wait3A_2224] : memref<128x20xi32, #tpu.memory_space<vmem>> -> memref<1x20xi32, #tpu.memory_space<vmem>>
      %dma_wait3A_2226 = tpu.memref_squeeze %dma_wait3A_2225 : memref<1x20xi32, #tpu.memory_space<vmem>> -> memref<20xi32, #tpu.memory_space<vmem>>
      %dma_wait3A_2227 = arith.constant 0 : i32
      %dma_wait3A_2228 = arith.constant 0 : i32
      %dma_wait3A_2229 = tpu.memref_slice %arg3[%dma_wait3A_2227, %dma_wait3A_2228] : memref<1000000x64xi8, #tpu.memory_space<hbm>> -> memref<1000000x64xi8, #tpu.memory_space<hbm>>
      tpu.wait_indirect_dma semaphore(%arg7 : memref<!tpu.dma_semaphore, #tpu.memory_space<semaphore_mem>>) src(%dma_wait3A_2229 : memref<1000000x64xi8, #tpu.memory_space<hbm>>) dst(%dma_wait3A_2223 : memref<20x64xi8, #tpu.memory_space<vmem>>)
      %dma_wait3A_2230 = arith.constant 94 : i32
      %dma_wait3A_2231 = arith.constant 1880 : i32
      %dma_wait3A_2232 = arith.constant 0 : i32
      %dma_wait3A_2233 = tpu.memref_slice %arg6[%dma_wait3A_2231, %dma_wait3A_2232] : memref<2560x64xi8, #tpu.memory_space<vmem>> -> memref<20x64xi8, #tpu.memory_space<vmem>>
      %dma_wait3A_2234 = arith.constant 0 : i32
      %dma_wait3A_2235 = tpu.memref_slice %arg5[%dma_wait3A_2230, %dma_wait3A_2234] : memref<128x20xi32, #tpu.memory_space<vmem>> -> memref<1x20xi32, #tpu.memory_space<vmem>>
      %dma_wait3A_2236 = tpu.memref_squeeze %dma_wait3A_2235 : memref<1x20xi32, #tpu.memory_space<vmem>> -> memref<20xi32, #tpu.memory_space<vmem>>
      %dma_wait3A_2237 = arith.constant 0 : i32
      %dma_wait3A_2238 = arith.constant 0 : i32
      %dma_wait3A_2239 = tpu.memref_slice %arg3[%dma_wait3A_2237, %dma_wait3A_2238] : memref<1000000x64xi8, #tpu.memory_space<hbm>> -> memref<1000000x64xi8, #tpu.memory_space<hbm>>
      tpu.wait_indirect_dma semaphore(%arg7 : memref<!tpu.dma_semaphore, #tpu.memory_space<semaphore_mem>>) src(%dma_wait3A_2239 : memref<1000000x64xi8, #tpu.memory_space<hbm>>) dst(%dma_wait3A_2233 : memref<20x64xi8, #tpu.memory_space<vmem>>)
      %dma_wait3A_2240 = arith.constant 95 : i32
      %dma_wait3A_2241 = arith.constant 1900 : i32
      %dma_wait3A_2242 = arith.constant 0 : i32
      %dma_wait3A_2243 = tpu.memref_slice %arg6[%dma_wait3A_2241, %dma_wait3A_2242] : memref<2560x64xi8, #tpu.memory_space<vmem>> -> memref<20x64xi8, #tpu.memory_space<vmem>>
      %dma_wait3A_2244 = arith.constant 0 : i32
      %dma_wait3A_2245 = tpu.memref_slice %arg5[%dma_wait3A_2240, %dma_wait3A_2244] : memref<128x20xi32, #tpu.memory_space<vmem>> -> memref<1x20xi32, #tpu.memory_space<vmem>>
      %dma_wait3A_2246 = tpu.memref_squeeze %dma_wait3A_2245 : memref<1x20xi32, #tpu.memory_space<vmem>> -> memref<20xi32, #tpu.memory_space<vmem>>
      %dma_wait3A_2247 = arith.constant 0 : i32
      %dma_wait3A_2248 = arith.constant 0 : i32
      %dma_wait3A_2249 = tpu.memref_slice %arg3[%dma_wait3A_2247, %dma_wait3A_2248] : memref<1000000x64xi8, #tpu.memory_space<hbm>> -> memref<1000000x64xi8, #tpu.memory_space<hbm>>
      tpu.wait_indirect_dma semaphore(%arg7 : memref<!tpu.dma_semaphore, #tpu.memory_space<semaphore_mem>>) src(%dma_wait3A_2249 : memref<1000000x64xi8, #tpu.memory_space<hbm>>) dst(%dma_wait3A_2243 : memref<20x64xi8, #tpu.memory_space<vmem>>)
      %dma_wait3A_2250 = arith.constant 96 : i32
      %dma_wait3A_2251 = arith.constant 1920 : i32
      %dma_wait3A_2252 = arith.constant 0 : i32
      %dma_wait3A_2253 = tpu.memref_slice %arg6[%dma_wait3A_2251, %dma_wait3A_2252] : memref<2560x64xi8, #tpu.memory_space<vmem>> -> memref<20x64xi8, #tpu.memory_space<vmem>>
      %dma_wait3A_2254 = arith.constant 0 : i32
      %dma_wait3A_2255 = tpu.memref_slice %arg5[%dma_wait3A_2250, %dma_wait3A_2254] : memref<128x20xi32, #tpu.memory_space<vmem>> -> memref<1x20xi32, #tpu.memory_space<vmem>>
      %dma_wait3A_2256 = tpu.memref_squeeze %dma_wait3A_2255 : memref<1x20xi32, #tpu.memory_space<vmem>> -> memref<20xi32, #tpu.memory_space<vmem>>
      %dma_wait3A_2257 = arith.constant 0 : i32
      %dma_wait3A_2258 = arith.constant 0 : i32
      %dma_wait3A_2259 = tpu.memref_slice %arg3[%dma_wait3A_2257, %dma_wait3A_2258] : memref<1000000x64xi8, #tpu.memory_space<hbm>> -> memref<1000000x64xi8, #tpu.memory_space<hbm>>
      tpu.wait_indirect_dma semaphore(%arg7 : memref<!tpu.dma_semaphore, #tpu.memory_space<semaphore_mem>>) src(%dma_wait3A_2259 : memref<1000000x64xi8, #tpu.memory_space<hbm>>) dst(%dma_wait3A_2253 : memref<20x64xi8, #tpu.memory_space<vmem>>)
      %dma_wait3A_2260 = arith.constant 97 : i32
      %dma_wait3A_2261 = arith.constant 1940 : i32
      %dma_wait3A_2262 = arith.constant 0 : i32
      %dma_wait3A_2263 = tpu.memref_slice %arg6[%dma_wait3A_2261, %dma_wait3A_2262] : memref<2560x64xi8, #tpu.memory_space<vmem>> -> memref<20x64xi8, #tpu.memory_space<vmem>>
      %dma_wait3A_2264 = arith.constant 0 : i32
      %dma_wait3A_2265 = tpu.memref_slice %arg5[%dma_wait3A_2260, %dma_wait3A_2264] : memref<128x20xi32, #tpu.memory_space<vmem>> -> memref<1x20xi32, #tpu.memory_space<vmem>>
      %dma_wait3A_2266 = tpu.memref_squeeze %dma_wait3A_2265 : memref<1x20xi32, #tpu.memory_space<vmem>> -> memref<20xi32, #tpu.memory_space<vmem>>
      %dma_wait3A_2267 = arith.constant 0 : i32
      %dma_wait3A_2268 = arith.constant 0 : i32
      %dma_wait3A_2269 = tpu.memref_slice %arg3[%dma_wait3A_2267, %dma_wait3A_2268] : memref<1000000x64xi8, #tpu.memory_space<hbm>> -> memref<1000000x64xi8, #tpu.memory_space<hbm>>
      tpu.wait_indirect_dma semaphore(%arg7 : memref<!tpu.dma_semaphore, #tpu.memory_space<semaphore_mem>>) src(%dma_wait3A_2269 : memref<1000000x64xi8, #tpu.memory_space<hbm>>) dst(%dma_wait3A_2263 : memref<20x64xi8, #tpu.memory_space<vmem>>)
      %dma_wait3A_2270 = arith.constant 98 : i32
      %dma_wait3A_2271 = arith.constant 1960 : i32
      %dma_wait3A_2272 = arith.constant 0 : i32
      %dma_wait3A_2273 = tpu.memref_slice %arg6[%dma_wait3A_2271, %dma_wait3A_2272] : memref<2560x64xi8, #tpu.memory_space<vmem>> -> memref<20x64xi8, #tpu.memory_space<vmem>>
      %dma_wait3A_2274 = arith.constant 0 : i32
      %dma_wait3A_2275 = tpu.memref_slice %arg5[%dma_wait3A_2270, %dma_wait3A_2274] : memref<128x20xi32, #tpu.memory_space<vmem>> -> memref<1x20xi32, #tpu.memory_space<vmem>>
      %dma_wait3A_2276 = tpu.memref_squeeze %dma_wait3A_2275 : memref<1x20xi32, #tpu.memory_space<vmem>> -> memref<20xi32, #tpu.memory_space<vmem>>
      %dma_wait3A_2277 = arith.constant 0 : i32
      %dma_wait3A_2278 = arith.constant 0 : i32
      %dma_wait3A_2279 = tpu.memref_slice %arg3[%dma_wait3A_2277, %dma_wait3A_2278] : memref<1000000x64xi8, #tpu.memory_space<hbm>> -> memref<1000000x64xi8, #tpu.memory_space<hbm>>
      tpu.wait_indirect_dma semaphore(%arg7 : memref<!tpu.dma_semaphore, #tpu.memory_space<semaphore_mem>>) src(%dma_wait3A_2279 : memref<1000000x64xi8, #tpu.memory_space<hbm>>) dst(%dma_wait3A_2273 : memref<20x64xi8, #tpu.memory_space<vmem>>)
      %dma_wait3A_2280 = arith.constant 99 : i32
      %dma_wait3A_2281 = arith.constant 1980 : i32
      %dma_wait3A_2282 = arith.constant 0 : i32
      %dma_wait3A_2283 = tpu.memref_slice %arg6[%dma_wait3A_2281, %dma_wait3A_2282] : memref<2560x64xi8, #tpu.memory_space<vmem>> -> memref<20x64xi8, #tpu.memory_space<vmem>>
      %dma_wait3A_2284 = arith.constant 0 : i32
      %dma_wait3A_2285 = tpu.memref_slice %arg5[%dma_wait3A_2280, %dma_wait3A_2284] : memref<128x20xi32, #tpu.memory_space<vmem>> -> memref<1x20xi32, #tpu.memory_space<vmem>>
      %dma_wait3A_2286 = tpu.memref_squeeze %dma_wait3A_2285 : memref<1x20xi32, #tpu.memory_space<vmem>> -> memref<20xi32, #tpu.memory_space<vmem>>
      %dma_wait3A_2287 = arith.constant 0 : i32
      %dma_wait3A_2288 = arith.constant 0 : i32
      %dma_wait3A_2289 = tpu.memref_slice %arg3[%dma_wait3A_2287, %dma_wait3A_2288] : memref<1000000x64xi8, #tpu.memory_space<hbm>> -> memref<1000000x64xi8, #tpu.memory_space<hbm>>
      tpu.wait_indirect_dma semaphore(%arg7 : memref<!tpu.dma_semaphore, #tpu.memory_space<semaphore_mem>>) src(%dma_wait3A_2289 : memref<1000000x64xi8, #tpu.memory_space<hbm>>) dst(%dma_wait3A_2283 : memref<20x64xi8, #tpu.memory_space<vmem>>)
      %dma_wait3A_2290 = arith.constant 100 : i32
      %dma_wait3A_2291 = arith.constant 2000 : i32
      %dma_wait3A_2292 = arith.constant 0 : i32
      %dma_wait3A_2293 = tpu.memref_slice %arg6[%dma_wait3A_2291, %dma_wait3A_2292] : memref<2560x64xi8, #tpu.memory_space<vmem>> -> memref<20x64xi8, #tpu.memory_space<vmem>>
      %dma_wait3A_2294 = arith.constant 0 : i32
      %dma_wait3A_2295 = tpu.memref_slice %arg5[%dma_wait3A_2290, %dma_wait3A_2294] : memref<128x20xi32, #tpu.memory_space<vmem>> -> memref<1x20xi32, #tpu.memory_space<vmem>>
      %dma_wait3A_2296 = tpu.memref_squeeze %dma_wait3A_2295 : memref<1x20xi32, #tpu.memory_space<vmem>> -> memref<20xi32, #tpu.memory_space<vmem>>
      %dma_wait3A_2297 = arith.constant 0 : i32
      %dma_wait3A_2298 = arith.constant 0 : i32
      %dma_wait3A_2299 = tpu.memref_slice %arg3[%dma_wait3A_2297, %dma_wait3A_2298] : memref<1000000x64xi8, #tpu.memory_space<hbm>> -> memref<1000000x64xi8, #tpu.memory_space<hbm>>
      tpu.wait_indirect_dma semaphore(%arg7 : memref<!tpu.dma_semaphore, #tpu.memory_space<semaphore_mem>>) src(%dma_wait3A_2299 : memref<1000000x64xi8, #tpu.memory_space<hbm>>) dst(%dma_wait3A_2293 : memref<20x64xi8, #tpu.memory_space<vmem>>)
      %dma_wait3A_2300 = arith.constant 101 : i32
      %dma_wait3A_2301 = arith.constant 2020 : i32
      %dma_wait3A_2302 = arith.constant 0 : i32
      %dma_wait3A_2303 = tpu.memref_slice %arg6[%dma_wait3A_2301, %dma_wait3A_2302] : memref<2560x64xi8, #tpu.memory_space<vmem>> -> memref<20x64xi8, #tpu.memory_space<vmem>>
      %dma_wait3A_2304 = arith.constant 0 : i32
      %dma_wait3A_2305 = tpu.memref_slice %arg5[%dma_wait3A_2300, %dma_wait3A_2304] : memref<128x20xi32, #tpu.memory_space<vmem>> -> memref<1x20xi32, #tpu.memory_space<vmem>>
      %dma_wait3A_2306 = tpu.memref_squeeze %dma_wait3A_2305 : memref<1x20xi32, #tpu.memory_space<vmem>> -> memref<20xi32, #tpu.memory_space<vmem>>
      %dma_wait3A_2307 = arith.constant 0 : i32
      %dma_wait3A_2308 = arith.constant 0 : i32
      %dma_wait3A_2309 = tpu.memref_slice %arg3[%dma_wait3A_2307, %dma_wait3A_2308] : memref<1000000x64xi8, #tpu.memory_space<hbm>> -> memref<1000000x64xi8, #tpu.memory_space<hbm>>
      tpu.wait_indirect_dma semaphore(%arg7 : memref<!tpu.dma_semaphore, #tpu.memory_space<semaphore_mem>>) src(%dma_wait3A_2309 : memref<1000000x64xi8, #tpu.memory_space<hbm>>) dst(%dma_wait3A_2303 : memref<20x64xi8, #tpu.memory_space<vmem>>)
      %dma_wait3A_2310 = arith.constant 102 : i32
      %dma_wait3A_2311 = arith.constant 2040 : i32
      %dma_wait3A_2312 = arith.constant 0 : i32
      %dma_wait3A_2313 = tpu.memref_slice %arg6[%dma_wait3A_2311, %dma_wait3A_2312] : memref<2560x64xi8, #tpu.memory_space<vmem>> -> memref<20x64xi8, #tpu.memory_space<vmem>>
      %dma_wait3A_2314 = arith.constant 0 : i32
      %dma_wait3A_2315 = tpu.memref_slice %arg5[%dma_wait3A_2310, %dma_wait3A_2314] : memref<128x20xi32, #tpu.memory_space<vmem>> -> memref<1x20xi32, #tpu.memory_space<vmem>>
      %dma_wait3A_2316 = tpu.memref_squeeze %dma_wait3A_2315 : memref<1x20xi32, #tpu.memory_space<vmem>> -> memref<20xi32, #tpu.memory_space<vmem>>
      %dma_wait3A_2317 = arith.constant 0 : i32
      %dma_wait3A_2318 = arith.constant 0 : i32
      %dma_wait3A_2319 = tpu.memref_slice %arg3[%dma_wait3A_2317, %dma_wait3A_2318] : memref<1000000x64xi8, #tpu.memory_space<hbm>> -> memref<1000000x64xi8, #tpu.memory_space<hbm>>
      tpu.wait_indirect_dma semaphore(%arg7 : memref<!tpu.dma_semaphore, #tpu.memory_space<semaphore_mem>>) src(%dma_wait3A_2319 : memref<1000000x64xi8, #tpu.memory_space<hbm>>) dst(%dma_wait3A_2313 : memref<20x64xi8, #tpu.memory_space<vmem>>)
      %dma_wait3A_2320 = arith.constant 103 : i32
      %dma_wait3A_2321 = arith.constant 2060 : i32
      %dma_wait3A_2322 = arith.constant 0 : i32
      %dma_wait3A_2323 = tpu.memref_slice %arg6[%dma_wait3A_2321, %dma_wait3A_2322] : memref<2560x64xi8, #tpu.memory_space<vmem>> -> memref<20x64xi8, #tpu.memory_space<vmem>>
      %dma_wait3A_2324 = arith.constant 0 : i32
      %dma_wait3A_2325 = tpu.memref_slice %arg5[%dma_wait3A_2320, %dma_wait3A_2324] : memref<128x20xi32, #tpu.memory_space<vmem>> -> memref<1x20xi32, #tpu.memory_space<vmem>>
      %dma_wait3A_2326 = tpu.memref_squeeze %dma_wait3A_2325 : memref<1x20xi32, #tpu.memory_space<vmem>> -> memref<20xi32, #tpu.memory_space<vmem>>
      %dma_wait3A_2327 = arith.constant 0 : i32
      %dma_wait3A_2328 = arith.constant 0 : i32
      %dma_wait3A_2329 = tpu.memref_slice %arg3[%dma_wait3A_2327, %dma_wait3A_2328] : memref<1000000x64xi8, #tpu.memory_space<hbm>> -> memref<1000000x64xi8, #tpu.memory_space<hbm>>
      tpu.wait_indirect_dma semaphore(%arg7 : memref<!tpu.dma_semaphore, #tpu.memory_space<semaphore_mem>>) src(%dma_wait3A_2329 : memref<1000000x64xi8, #tpu.memory_space<hbm>>) dst(%dma_wait3A_2323 : memref<20x64xi8, #tpu.memory_space<vmem>>)
      %dma_wait3A_2330 = arith.constant 104 : i32
      %dma_wait3A_2331 = arith.constant 2080 : i32
      %dma_wait3A_2332 = arith.constant 0 : i32
      %dma_wait3A_2333 = tpu.memref_slice %arg6[%dma_wait3A_2331, %dma_wait3A_2332] : memref<2560x64xi8, #tpu.memory_space<vmem>> -> memref<20x64xi8, #tpu.memory_space<vmem>>
      %dma_wait3A_2334 = arith.constant 0 : i32
      %dma_wait3A_2335 = tpu.memref_slice %arg5[%dma_wait3A_2330, %dma_wait3A_2334] : memref<128x20xi32, #tpu.memory_space<vmem>> -> memref<1x20xi32, #tpu.memory_space<vmem>>
      %dma_wait3A_2336 = tpu.memref_squeeze %dma_wait3A_2335 : memref<1x20xi32, #tpu.memory_space<vmem>> -> memref<20xi32, #tpu.memory_space<vmem>>
      %dma_wait3A_2337 = arith.constant 0 : i32
      %dma_wait3A_2338 = arith.constant 0 : i32
      %dma_wait3A_2339 = tpu.memref_slice %arg3[%dma_wait3A_2337, %dma_wait3A_2338] : memref<1000000x64xi8, #tpu.memory_space<hbm>> -> memref<1000000x64xi8, #tpu.memory_space<hbm>>
      tpu.wait_indirect_dma semaphore(%arg7 : memref<!tpu.dma_semaphore, #tpu.memory_space<semaphore_mem>>) src(%dma_wait3A_2339 : memref<1000000x64xi8, #tpu.memory_space<hbm>>) dst(%dma_wait3A_2333 : memref<20x64xi8, #tpu.memory_space<vmem>>)
      %dma_wait3A_2340 = arith.constant 105 : i32
      %dma_wait3A_2341 = arith.constant 2100 : i32
      %dma_wait3A_2342 = arith.constant 0 : i32
      %dma_wait3A_2343 = tpu.memref_slice %arg6[%dma_wait3A_2341, %dma_wait3A_2342] : memref<2560x64xi8, #tpu.memory_space<vmem>> -> memref<20x64xi8, #tpu.memory_space<vmem>>
      %dma_wait3A_2344 = arith.constant 0 : i32
      %dma_wait3A_2345 = tpu.memref_slice %arg5[%dma_wait3A_2340, %dma_wait3A_2344] : memref<128x20xi32, #tpu.memory_space<vmem>> -> memref<1x20xi32, #tpu.memory_space<vmem>>
      %dma_wait3A_2346 = tpu.memref_squeeze %dma_wait3A_2345 : memref<1x20xi32, #tpu.memory_space<vmem>> -> memref<20xi32, #tpu.memory_space<vmem>>
      %dma_wait3A_2347 = arith.constant 0 : i32
      %dma_wait3A_2348 = arith.constant 0 : i32
      %dma_wait3A_2349 = tpu.memref_slice %arg3[%dma_wait3A_2347, %dma_wait3A_2348] : memref<1000000x64xi8, #tpu.memory_space<hbm>> -> memref<1000000x64xi8, #tpu.memory_space<hbm>>
      tpu.wait_indirect_dma semaphore(%arg7 : memref<!tpu.dma_semaphore, #tpu.memory_space<semaphore_mem>>) src(%dma_wait3A_2349 : memref<1000000x64xi8, #tpu.memory_space<hbm>>) dst(%dma_wait3A_2343 : memref<20x64xi8, #tpu.memory_space<vmem>>)
      %dma_wait3A_2350 = arith.constant 106 : i32
      %dma_wait3A_2351 = arith.constant 2120 : i32
      %dma_wait3A_2352 = arith.constant 0 : i32
      %dma_wait3A_2353 = tpu.memref_slice %arg6[%dma_wait3A_2351, %dma_wait3A_2352] : memref<2560x64xi8, #tpu.memory_space<vmem>> -> memref<20x64xi8, #tpu.memory_space<vmem>>
      %dma_wait3A_2354 = arith.constant 0 : i32
      %dma_wait3A_2355 = tpu.memref_slice %arg5[%dma_wait3A_2350, %dma_wait3A_2354] : memref<128x20xi32, #tpu.memory_space<vmem>> -> memref<1x20xi32, #tpu.memory_space<vmem>>
      %dma_wait3A_2356 = tpu.memref_squeeze %dma_wait3A_2355 : memref<1x20xi32, #tpu.memory_space<vmem>> -> memref<20xi32, #tpu.memory_space<vmem>>
      %dma_wait3A_2357 = arith.constant 0 : i32
      %dma_wait3A_2358 = arith.constant 0 : i32
      %dma_wait3A_2359 = tpu.memref_slice %arg3[%dma_wait3A_2357, %dma_wait3A_2358] : memref<1000000x64xi8, #tpu.memory_space<hbm>> -> memref<1000000x64xi8, #tpu.memory_space<hbm>>
      tpu.wait_indirect_dma semaphore(%arg7 : memref<!tpu.dma_semaphore, #tpu.memory_space<semaphore_mem>>) src(%dma_wait3A_2359 : memref<1000000x64xi8, #tpu.memory_space<hbm>>) dst(%dma_wait3A_2353 : memref<20x64xi8, #tpu.memory_space<vmem>>)
      %dma_wait3A_2360 = arith.constant 107 : i32
      %dma_wait3A_2361 = arith.constant 2140 : i32
      %dma_wait3A_2362 = arith.constant 0 : i32
      %dma_wait3A_2363 = tpu.memref_slice %arg6[%dma_wait3A_2361, %dma_wait3A_2362] : memref<2560x64xi8, #tpu.memory_space<vmem>> -> memref<20x64xi8, #tpu.memory_space<vmem>>
      %dma_wait3A_2364 = arith.constant 0 : i32
      %dma_wait3A_2365 = tpu.memref_slice %arg5[%dma_wait3A_2360, %dma_wait3A_2364] : memref<128x20xi32, #tpu.memory_space<vmem>> -> memref<1x20xi32, #tpu.memory_space<vmem>>
      %dma_wait3A_2366 = tpu.memref_squeeze %dma_wait3A_2365 : memref<1x20xi32, #tpu.memory_space<vmem>> -> memref<20xi32, #tpu.memory_space<vmem>>
      %dma_wait3A_2367 = arith.constant 0 : i32
      %dma_wait3A_2368 = arith.constant 0 : i32
      %dma_wait3A_2369 = tpu.memref_slice %arg3[%dma_wait3A_2367, %dma_wait3A_2368] : memref<1000000x64xi8, #tpu.memory_space<hbm>> -> memref<1000000x64xi8, #tpu.memory_space<hbm>>
      tpu.wait_indirect_dma semaphore(%arg7 : memref<!tpu.dma_semaphore, #tpu.memory_space<semaphore_mem>>) src(%dma_wait3A_2369 : memref<1000000x64xi8, #tpu.memory_space<hbm>>) dst(%dma_wait3A_2363 : memref<20x64xi8, #tpu.memory_space<vmem>>)
      %dma_wait3A_2370 = arith.constant 108 : i32
      %dma_wait3A_2371 = arith.constant 2160 : i32
      %dma_wait3A_2372 = arith.constant 0 : i32
      %dma_wait3A_2373 = tpu.memref_slice %arg6[%dma_wait3A_2371, %dma_wait3A_2372] : memref<2560x64xi8, #tpu.memory_space<vmem>> -> memref<20x64xi8, #tpu.memory_space<vmem>>
      %dma_wait3A_2374 = arith.constant 0 : i32
      %dma_wait3A_2375 = tpu.memref_slice %arg5[%dma_wait3A_2370, %dma_wait3A_2374] : memref<128x20xi32, #tpu.memory_space<vmem>> -> memref<1x20xi32, #tpu.memory_space<vmem>>
      %dma_wait3A_2376 = tpu.memref_squeeze %dma_wait3A_2375 : memref<1x20xi32, #tpu.memory_space<vmem>> -> memref<20xi32, #tpu.memory_space<vmem>>
      %dma_wait3A_2377 = arith.constant 0 : i32
      %dma_wait3A_2378 = arith.constant 0 : i32
      %dma_wait3A_2379 = tpu.memref_slice %arg3[%dma_wait3A_2377, %dma_wait3A_2378] : memref<1000000x64xi8, #tpu.memory_space<hbm>> -> memref<1000000x64xi8, #tpu.memory_space<hbm>>
      tpu.wait_indirect_dma semaphore(%arg7 : memref<!tpu.dma_semaphore, #tpu.memory_space<semaphore_mem>>) src(%dma_wait3A_2379 : memref<1000000x64xi8, #tpu.memory_space<hbm>>) dst(%dma_wait3A_2373 : memref<20x64xi8, #tpu.memory_space<vmem>>)
      %dma_wait3A_2380 = arith.constant 109 : i32
      %dma_wait3A_2381 = arith.constant 2180 : i32
      %dma_wait3A_2382 = arith.constant 0 : i32
      %dma_wait3A_2383 = tpu.memref_slice %arg6[%dma_wait3A_2381, %dma_wait3A_2382] : memref<2560x64xi8, #tpu.memory_space<vmem>> -> memref<20x64xi8, #tpu.memory_space<vmem>>
      %dma_wait3A_2384 = arith.constant 0 : i32
      %dma_wait3A_2385 = tpu.memref_slice %arg5[%dma_wait3A_2380, %dma_wait3A_2384] : memref<128x20xi32, #tpu.memory_space<vmem>> -> memref<1x20xi32, #tpu.memory_space<vmem>>
      %dma_wait3A_2386 = tpu.memref_squeeze %dma_wait3A_2385 : memref<1x20xi32, #tpu.memory_space<vmem>> -> memref<20xi32, #tpu.memory_space<vmem>>
      %dma_wait3A_2387 = arith.constant 0 : i32
      %dma_wait3A_2388 = arith.constant 0 : i32
      %dma_wait3A_2389 = tpu.memref_slice %arg3[%dma_wait3A_2387, %dma_wait3A_2388] : memref<1000000x64xi8, #tpu.memory_space<hbm>> -> memref<1000000x64xi8, #tpu.memory_space<hbm>>
      tpu.wait_indirect_dma semaphore(%arg7 : memref<!tpu.dma_semaphore, #tpu.memory_space<semaphore_mem>>) src(%dma_wait3A_2389 : memref<1000000x64xi8, #tpu.memory_space<hbm>>) dst(%dma_wait3A_2383 : memref<20x64xi8, #tpu.memory_space<vmem>>)
      %dma_wait3A_2390 = arith.constant 110 : i32
      %dma_wait3A_2391 = arith.constant 2200 : i32
      %dma_wait3A_2392 = arith.constant 0 : i32
      %dma_wait3A_2393 = tpu.memref_slice %arg6[%dma_wait3A_2391, %dma_wait3A_2392] : memref<2560x64xi8, #tpu.memory_space<vmem>> -> memref<20x64xi8, #tpu.memory_space<vmem>>
      %dma_wait3A_2394 = arith.constant 0 : i32
      %dma_wait3A_2395 = tpu.memref_slice %arg5[%dma_wait3A_2390, %dma_wait3A_2394] : memref<128x20xi32, #tpu.memory_space<vmem>> -> memref<1x20xi32, #tpu.memory_space<vmem>>
      %dma_wait3A_2396 = tpu.memref_squeeze %dma_wait3A_2395 : memref<1x20xi32, #tpu.memory_space<vmem>> -> memref<20xi32, #tpu.memory_space<vmem>>
      %dma_wait3A_2397 = arith.constant 0 : i32
      %dma_wait3A_2398 = arith.constant 0 : i32
      %dma_wait3A_2399 = tpu.memref_slice %arg3[%dma_wait3A_2397, %dma_wait3A_2398] : memref<1000000x64xi8, #tpu.memory_space<hbm>> -> memref<1000000x64xi8, #tpu.memory_space<hbm>>
      tpu.wait_indirect_dma semaphore(%arg7 : memref<!tpu.dma_semaphore, #tpu.memory_space<semaphore_mem>>) src(%dma_wait3A_2399 : memref<1000000x64xi8, #tpu.memory_space<hbm>>) dst(%dma_wait3A_2393 : memref<20x64xi8, #tpu.memory_space<vmem>>)
      %dma_wait3A_2400 = arith.constant 111 : i32
      %dma_wait3A_2401 = arith.constant 2220 : i32
      %dma_wait3A_2402 = arith.constant 0 : i32
      %dma_wait3A_2403 = tpu.memref_slice %arg6[%dma_wait3A_2401, %dma_wait3A_2402] : memref<2560x64xi8, #tpu.memory_space<vmem>> -> memref<20x64xi8, #tpu.memory_space<vmem>>
      %dma_wait3A_2404 = arith.constant 0 : i32
      %dma_wait3A_2405 = tpu.memref_slice %arg5[%dma_wait3A_2400, %dma_wait3A_2404] : memref<128x20xi32, #tpu.memory_space<vmem>> -> memref<1x20xi32, #tpu.memory_space<vmem>>
      %dma_wait3A_2406 = tpu.memref_squeeze %dma_wait3A_2405 : memref<1x20xi32, #tpu.memory_space<vmem>> -> memref<20xi32, #tpu.memory_space<vmem>>
      %dma_wait3A_2407 = arith.constant 0 : i32
      %dma_wait3A_2408 = arith.constant 0 : i32
      %dma_wait3A_2409 = tpu.memref_slice %arg3[%dma_wait3A_2407, %dma_wait3A_2408] : memref<1000000x64xi8, #tpu.memory_space<hbm>> -> memref<1000000x64xi8, #tpu.memory_space<hbm>>
      tpu.wait_indirect_dma semaphore(%arg7 : memref<!tpu.dma_semaphore, #tpu.memory_space<semaphore_mem>>) src(%dma_wait3A_2409 : memref<1000000x64xi8, #tpu.memory_space<hbm>>) dst(%dma_wait3A_2403 : memref<20x64xi8, #tpu.memory_space<vmem>>)
      %dma_wait3A_2410 = arith.constant 112 : i32
      %dma_wait3A_2411 = arith.constant 2240 : i32
      %dma_wait3A_2412 = arith.constant 0 : i32
      %dma_wait3A_2413 = tpu.memref_slice %arg6[%dma_wait3A_2411, %dma_wait3A_2412] : memref<2560x64xi8, #tpu.memory_space<vmem>> -> memref<20x64xi8, #tpu.memory_space<vmem>>
      %dma_wait3A_2414 = arith.constant 0 : i32
      %dma_wait3A_2415 = tpu.memref_slice %arg5[%dma_wait3A_2410, %dma_wait3A_2414] : memref<128x20xi32, #tpu.memory_space<vmem>> -> memref<1x20xi32, #tpu.memory_space<vmem>>
      %dma_wait3A_2416 = tpu.memref_squeeze %dma_wait3A_2415 : memref<1x20xi32, #tpu.memory_space<vmem>> -> memref<20xi32, #tpu.memory_space<vmem>>
      %dma_wait3A_2417 = arith.constant 0 : i32
      %dma_wait3A_2418 = arith.constant 0 : i32
      %dma_wait3A_2419 = tpu.memref_slice %arg3[%dma_wait3A_2417, %dma_wait3A_2418] : memref<1000000x64xi8, #tpu.memory_space<hbm>> -> memref<1000000x64xi8, #tpu.memory_space<hbm>>
      tpu.wait_indirect_dma semaphore(%arg7 : memref<!tpu.dma_semaphore, #tpu.memory_space<semaphore_mem>>) src(%dma_wait3A_2419 : memref<1000000x64xi8, #tpu.memory_space<hbm>>) dst(%dma_wait3A_2413 : memref<20x64xi8, #tpu.memory_space<vmem>>)
      %dma_wait3A_2420 = arith.constant 113 : i32
      %dma_wait3A_2421 = arith.constant 2260 : i32
      %dma_wait3A_2422 = arith.constant 0 : i32
      %dma_wait3A_2423 = tpu.memref_slice %arg6[%dma_wait3A_2421, %dma_wait3A_2422] : memref<2560x64xi8, #tpu.memory_space<vmem>> -> memref<20x64xi8, #tpu.memory_space<vmem>>
      %dma_wait3A_2424 = arith.constant 0 : i32
      %dma_wait3A_2425 = tpu.memref_slice %arg5[%dma_wait3A_2420, %dma_wait3A_2424] : memref<128x20xi32, #tpu.memory_space<vmem>> -> memref<1x20xi32, #tpu.memory_space<vmem>>
      %dma_wait3A_2426 = tpu.memref_squeeze %dma_wait3A_2425 : memref<1x20xi32, #tpu.memory_space<vmem>> -> memref<20xi32, #tpu.memory_space<vmem>>
      %dma_wait3A_2427 = arith.constant 0 : i32
      %dma_wait3A_2428 = arith.constant 0 : i32
      %dma_wait3A_2429 = tpu.memref_slice %arg3[%dma_wait3A_2427, %dma_wait3A_2428] : memref<1000000x64xi8, #tpu.memory_space<hbm>> -> memref<1000000x64xi8, #tpu.memory_space<hbm>>
      tpu.wait_indirect_dma semaphore(%arg7 : memref<!tpu.dma_semaphore, #tpu.memory_space<semaphore_mem>>) src(%dma_wait3A_2429 : memref<1000000x64xi8, #tpu.memory_space<hbm>>) dst(%dma_wait3A_2423 : memref<20x64xi8, #tpu.memory_space<vmem>>)
      %dma_wait3A_2430 = arith.constant 114 : i32
      %dma_wait3A_2431 = arith.constant 2280 : i32
      %dma_wait3A_2432 = arith.constant 0 : i32
      %dma_wait3A_2433 = tpu.memref_slice %arg6[%dma_wait3A_2431, %dma_wait3A_2432] : memref<2560x64xi8, #tpu.memory_space<vmem>> -> memref<20x64xi8, #tpu.memory_space<vmem>>
      %dma_wait3A_2434 = arith.constant 0 : i32
      %dma_wait3A_2435 = tpu.memref_slice %arg5[%dma_wait3A_2430, %dma_wait3A_2434] : memref<128x20xi32, #tpu.memory_space<vmem>> -> memref<1x20xi32, #tpu.memory_space<vmem>>
      %dma_wait3A_2436 = tpu.memref_squeeze %dma_wait3A_2435 : memref<1x20xi32, #tpu.memory_space<vmem>> -> memref<20xi32, #tpu.memory_space<vmem>>
      %dma_wait3A_2437 = arith.constant 0 : i32
      %dma_wait3A_2438 = arith.constant 0 : i32
      %dma_wait3A_2439 = tpu.memref_slice %arg3[%dma_wait3A_2437, %dma_wait3A_2438] : memref<1000000x64xi8, #tpu.memory_space<hbm>> -> memref<1000000x64xi8, #tpu.memory_space<hbm>>
      tpu.wait_indirect_dma semaphore(%arg7 : memref<!tpu.dma_semaphore, #tpu.memory_space<semaphore_mem>>) src(%dma_wait3A_2439 : memref<1000000x64xi8, #tpu.memory_space<hbm>>) dst(%dma_wait3A_2433 : memref<20x64xi8, #tpu.memory_space<vmem>>)
      %dma_wait3A_2440 = arith.constant 115 : i32
      %dma_wait3A_2441 = arith.constant 2300 : i32
      %dma_wait3A_2442 = arith.constant 0 : i32
      %dma_wait3A_2443 = tpu.memref_slice %arg6[%dma_wait3A_2441, %dma_wait3A_2442] : memref<2560x64xi8, #tpu.memory_space<vmem>> -> memref<20x64xi8, #tpu.memory_space<vmem>>
      %dma_wait3A_2444 = arith.constant 0 : i32
      %dma_wait3A_2445 = tpu.memref_slice %arg5[%dma_wait3A_2440, %dma_wait3A_2444] : memref<128x20xi32, #tpu.memory_space<vmem>> -> memref<1x20xi32, #tpu.memory_space<vmem>>
      %dma_wait3A_2446 = tpu.memref_squeeze %dma_wait3A_2445 : memref<1x20xi32, #tpu.memory_space<vmem>> -> memref<20xi32, #tpu.memory_space<vmem>>
      %dma_wait3A_2447 = arith.constant 0 : i32
      %dma_wait3A_2448 = arith.constant 0 : i32
      %dma_wait3A_2449 = tpu.memref_slice %arg3[%dma_wait3A_2447, %dma_wait3A_2448] : memref<1000000x64xi8, #tpu.memory_space<hbm>> -> memref<1000000x64xi8, #tpu.memory_space<hbm>>
      tpu.wait_indirect_dma semaphore(%arg7 : memref<!tpu.dma_semaphore, #tpu.memory_space<semaphore_mem>>) src(%dma_wait3A_2449 : memref<1000000x64xi8, #tpu.memory_space<hbm>>) dst(%dma_wait3A_2443 : memref<20x64xi8, #tpu.memory_space<vmem>>)
      %dma_wait3A_2450 = arith.constant 116 : i32
      %dma_wait3A_2451 = arith.constant 2320 : i32
      %dma_wait3A_2452 = arith.constant 0 : i32
      %dma_wait3A_2453 = tpu.memref_slice %arg6[%dma_wait3A_2451, %dma_wait3A_2452] : memref<2560x64xi8, #tpu.memory_space<vmem>> -> memref<20x64xi8, #tpu.memory_space<vmem>>
      %dma_wait3A_2454 = arith.constant 0 : i32
      %dma_wait3A_2455 = tpu.memref_slice %arg5[%dma_wait3A_2450, %dma_wait3A_2454] : memref<128x20xi32, #tpu.memory_space<vmem>> -> memref<1x20xi32, #tpu.memory_space<vmem>>
      %dma_wait3A_2456 = tpu.memref_squeeze %dma_wait3A_2455 : memref<1x20xi32, #tpu.memory_space<vmem>> -> memref<20xi32, #tpu.memory_space<vmem>>
      %dma_wait3A_2457 = arith.constant 0 : i32
      %dma_wait3A_2458 = arith.constant 0 : i32
      %dma_wait3A_2459 = tpu.memref_slice %arg3[%dma_wait3A_2457, %dma_wait3A_2458] : memref<1000000x64xi8, #tpu.memory_space<hbm>> -> memref<1000000x64xi8, #tpu.memory_space<hbm>>
      tpu.wait_indirect_dma semaphore(%arg7 : memref<!tpu.dma_semaphore, #tpu.memory_space<semaphore_mem>>) src(%dma_wait3A_2459 : memref<1000000x64xi8, #tpu.memory_space<hbm>>) dst(%dma_wait3A_2453 : memref<20x64xi8, #tpu.memory_space<vmem>>)
      %dma_wait3A_2460 = arith.constant 117 : i32
      %dma_wait3A_2461 = arith.constant 2340 : i32
      %dma_wait3A_2462 = arith.constant 0 : i32
      %dma_wait3A_2463 = tpu.memref_slice %arg6[%dma_wait3A_2461, %dma_wait3A_2462] : memref<2560x64xi8, #tpu.memory_space<vmem>> -> memref<20x64xi8, #tpu.memory_space<vmem>>
      %dma_wait3A_2464 = arith.constant 0 : i32
      %dma_wait3A_2465 = tpu.memref_slice %arg5[%dma_wait3A_2460, %dma_wait3A_2464] : memref<128x20xi32, #tpu.memory_space<vmem>> -> memref<1x20xi32, #tpu.memory_space<vmem>>
      %dma_wait3A_2466 = tpu.memref_squeeze %dma_wait3A_2465 : memref<1x20xi32, #tpu.memory_space<vmem>> -> memref<20xi32, #tpu.memory_space<vmem>>
      %dma_wait3A_2467 = arith.constant 0 : i32
      %dma_wait3A_2468 = arith.constant 0 : i32
      %dma_wait3A_2469 = tpu.memref_slice %arg3[%dma_wait3A_2467, %dma_wait3A_2468] : memref<1000000x64xi8, #tpu.memory_space<hbm>> -> memref<1000000x64xi8, #tpu.memory_space<hbm>>
      tpu.wait_indirect_dma semaphore(%arg7 : memref<!tpu.dma_semaphore, #tpu.memory_space<semaphore_mem>>) src(%dma_wait3A_2469 : memref<1000000x64xi8, #tpu.memory_space<hbm>>) dst(%dma_wait3A_2463 : memref<20x64xi8, #tpu.memory_space<vmem>>)
      %dma_wait3A_2470 = arith.constant 118 : i32
      %dma_wait3A_2471 = arith.constant 2360 : i32
      %dma_wait3A_2472 = arith.constant 0 : i32
      %dma_wait3A_2473 = tpu.memref_slice %arg6[%dma_wait3A_2471, %dma_wait3A_2472] : memref<2560x64xi8, #tpu.memory_space<vmem>> -> memref<20x64xi8, #tpu.memory_space<vmem>>
      %dma_wait3A_2474 = arith.constant 0 : i32
      %dma_wait3A_2475 = tpu.memref_slice %arg5[%dma_wait3A_2470, %dma_wait3A_2474] : memref<128x20xi32, #tpu.memory_space<vmem>> -> memref<1x20xi32, #tpu.memory_space<vmem>>
      %dma_wait3A_2476 = tpu.memref_squeeze %dma_wait3A_2475 : memref<1x20xi32, #tpu.memory_space<vmem>> -> memref<20xi32, #tpu.memory_space<vmem>>
      %dma_wait3A_2477 = arith.constant 0 : i32
      %dma_wait3A_2478 = arith.constant 0 : i32
      %dma_wait3A_2479 = tpu.memref_slice %arg3[%dma_wait3A_2477, %dma_wait3A_2478] : memref<1000000x64xi8, #tpu.memory_space<hbm>> -> memref<1000000x64xi8, #tpu.memory_space<hbm>>
      tpu.wait_indirect_dma semaphore(%arg7 : memref<!tpu.dma_semaphore, #tpu.memory_space<semaphore_mem>>) src(%dma_wait3A_2479 : memref<1000000x64xi8, #tpu.memory_space<hbm>>) dst(%dma_wait3A_2473 : memref<20x64xi8, #tpu.memory_space<vmem>>)
      %dma_wait3A_2480 = arith.constant 119 : i32
      %dma_wait3A_2481 = arith.constant 2380 : i32
      %dma_wait3A_2482 = arith.constant 0 : i32
      %dma_wait3A_2483 = tpu.memref_slice %arg6[%dma_wait3A_2481, %dma_wait3A_2482] : memref<2560x64xi8, #tpu.memory_space<vmem>> -> memref<20x64xi8, #tpu.memory_space<vmem>>
      %dma_wait3A_2484 = arith.constant 0 : i32
      %dma_wait3A_2485 = tpu.memref_slice %arg5[%dma_wait3A_2480, %dma_wait3A_2484] : memref<128x20xi32, #tpu.memory_space<vmem>> -> memref<1x20xi32, #tpu.memory_space<vmem>>
      %dma_wait3A_2486 = tpu.memref_squeeze %dma_wait3A_2485 : memref<1x20xi32, #tpu.memory_space<vmem>> -> memref<20xi32, #tpu.memory_space<vmem>>
      %dma_wait3A_2487 = arith.constant 0 : i32
      %dma_wait3A_2488 = arith.constant 0 : i32
      %dma_wait3A_2489 = tpu.memref_slice %arg3[%dma_wait3A_2487, %dma_wait3A_2488] : memref<1000000x64xi8, #tpu.memory_space<hbm>> -> memref<1000000x64xi8, #tpu.memory_space<hbm>>
      tpu.wait_indirect_dma semaphore(%arg7 : memref<!tpu.dma_semaphore, #tpu.memory_space<semaphore_mem>>) src(%dma_wait3A_2489 : memref<1000000x64xi8, #tpu.memory_space<hbm>>) dst(%dma_wait3A_2483 : memref<20x64xi8, #tpu.memory_space<vmem>>)
      %dma_wait3A_2490 = arith.constant 120 : i32
      %dma_wait3A_2491 = arith.constant 2400 : i32
      %dma_wait3A_2492 = arith.constant 0 : i32
      %dma_wait3A_2493 = tpu.memref_slice %arg6[%dma_wait3A_2491, %dma_wait3A_2492] : memref<2560x64xi8, #tpu.memory_space<vmem>> -> memref<20x64xi8, #tpu.memory_space<vmem>>
      %dma_wait3A_2494 = arith.constant 0 : i32
      %dma_wait3A_2495 = tpu.memref_slice %arg5[%dma_wait3A_2490, %dma_wait3A_2494] : memref<128x20xi32, #tpu.memory_space<vmem>> -> memref<1x20xi32, #tpu.memory_space<vmem>>
      %dma_wait3A_2496 = tpu.memref_squeeze %dma_wait3A_2495 : memref<1x20xi32, #tpu.memory_space<vmem>> -> memref<20xi32, #tpu.memory_space<vmem>>
      %dma_wait3A_2497 = arith.constant 0 : i32
      %dma_wait3A_2498 = arith.constant 0 : i32
      %dma_wait3A_2499 = tpu.memref_slice %arg3[%dma_wait3A_2497, %dma_wait3A_2498] : memref<1000000x64xi8, #tpu.memory_space<hbm>> -> memref<1000000x64xi8, #tpu.memory_space<hbm>>
      tpu.wait_indirect_dma semaphore(%arg7 : memref<!tpu.dma_semaphore, #tpu.memory_space<semaphore_mem>>) src(%dma_wait3A_2499 : memref<1000000x64xi8, #tpu.memory_space<hbm>>) dst(%dma_wait3A_2493 : memref<20x64xi8, #tpu.memory_space<vmem>>)
      %dma_wait3A_2500 = arith.constant 121 : i32
      %dma_wait3A_2501 = arith.constant 2420 : i32
      %dma_wait3A_2502 = arith.constant 0 : i32
      %dma_wait3A_2503 = tpu.memref_slice %arg6[%dma_wait3A_2501, %dma_wait3A_2502] : memref<2560x64xi8, #tpu.memory_space<vmem>> -> memref<20x64xi8, #tpu.memory_space<vmem>>
      %dma_wait3A_2504 = arith.constant 0 : i32
      %dma_wait3A_2505 = tpu.memref_slice %arg5[%dma_wait3A_2500, %dma_wait3A_2504] : memref<128x20xi32, #tpu.memory_space<vmem>> -> memref<1x20xi32, #tpu.memory_space<vmem>>
      %dma_wait3A_2506 = tpu.memref_squeeze %dma_wait3A_2505 : memref<1x20xi32, #tpu.memory_space<vmem>> -> memref<20xi32, #tpu.memory_space<vmem>>
      %dma_wait3A_2507 = arith.constant 0 : i32
      %dma_wait3A_2508 = arith.constant 0 : i32
      %dma_wait3A_2509 = tpu.memref_slice %arg3[%dma_wait3A_2507, %dma_wait3A_2508] : memref<1000000x64xi8, #tpu.memory_space<hbm>> -> memref<1000000x64xi8, #tpu.memory_space<hbm>>
      tpu.wait_indirect_dma semaphore(%arg7 : memref<!tpu.dma_semaphore, #tpu.memory_space<semaphore_mem>>) src(%dma_wait3A_2509 : memref<1000000x64xi8, #tpu.memory_space<hbm>>) dst(%dma_wait3A_2503 : memref<20x64xi8, #tpu.memory_space<vmem>>)
      %dma_wait3A_2510 = arith.constant 122 : i32
      %dma_wait3A_2511 = arith.constant 2440 : i32
      %dma_wait3A_2512 = arith.constant 0 : i32
      %dma_wait3A_2513 = tpu.memref_slice %arg6[%dma_wait3A_2511, %dma_wait3A_2512] : memref<2560x64xi8, #tpu.memory_space<vmem>> -> memref<20x64xi8, #tpu.memory_space<vmem>>
      %dma_wait3A_2514 = arith.constant 0 : i32
      %dma_wait3A_2515 = tpu.memref_slice %arg5[%dma_wait3A_2510, %dma_wait3A_2514] : memref<128x20xi32, #tpu.memory_space<vmem>> -> memref<1x20xi32, #tpu.memory_space<vmem>>
      %dma_wait3A_2516 = tpu.memref_squeeze %dma_wait3A_2515 : memref<1x20xi32, #tpu.memory_space<vmem>> -> memref<20xi32, #tpu.memory_space<vmem>>
      %dma_wait3A_2517 = arith.constant 0 : i32
      %dma_wait3A_2518 = arith.constant 0 : i32
      %dma_wait3A_2519 = tpu.memref_slice %arg3[%dma_wait3A_2517, %dma_wait3A_2518] : memref<1000000x64xi8, #tpu.memory_space<hbm>> -> memref<1000000x64xi8, #tpu.memory_space<hbm>>
      tpu.wait_indirect_dma semaphore(%arg7 : memref<!tpu.dma_semaphore, #tpu.memory_space<semaphore_mem>>) src(%dma_wait3A_2519 : memref<1000000x64xi8, #tpu.memory_space<hbm>>) dst(%dma_wait3A_2513 : memref<20x64xi8, #tpu.memory_space<vmem>>)
      %dma_wait3A_2520 = arith.constant 123 : i32
      %dma_wait3A_2521 = arith.constant 2460 : i32
      %dma_wait3A_2522 = arith.constant 0 : i32
      %dma_wait3A_2523 = tpu.memref_slice %arg6[%dma_wait3A_2521, %dma_wait3A_2522] : memref<2560x64xi8, #tpu.memory_space<vmem>> -> memref<20x64xi8, #tpu.memory_space<vmem>>
      %dma_wait3A_2524 = arith.constant 0 : i32
      %dma_wait3A_2525 = tpu.memref_slice %arg5[%dma_wait3A_2520, %dma_wait3A_2524] : memref<128x20xi32, #tpu.memory_space<vmem>> -> memref<1x20xi32, #tpu.memory_space<vmem>>
      %dma_wait3A_2526 = tpu.memref_squeeze %dma_wait3A_2525 : memref<1x20xi32, #tpu.memory_space<vmem>> -> memref<20xi32, #tpu.memory_space<vmem>>
      %dma_wait3A_2527 = arith.constant 0 : i32
      %dma_wait3A_2528 = arith.constant 0 : i32
      %dma_wait3A_2529 = tpu.memref_slice %arg3[%dma_wait3A_2527, %dma_wait3A_2528] : memref<1000000x64xi8, #tpu.memory_space<hbm>> -> memref<1000000x64xi8, #tpu.memory_space<hbm>>
      tpu.wait_indirect_dma semaphore(%arg7 : memref<!tpu.dma_semaphore, #tpu.memory_space<semaphore_mem>>) src(%dma_wait3A_2529 : memref<1000000x64xi8, #tpu.memory_space<hbm>>) dst(%dma_wait3A_2523 : memref<20x64xi8, #tpu.memory_space<vmem>>)
      %dma_wait3A_2530 = arith.constant 124 : i32
      %dma_wait3A_2531 = arith.constant 2480 : i32
      %dma_wait3A_2532 = arith.constant 0 : i32
      %dma_wait3A_2533 = tpu.memref_slice %arg6[%dma_wait3A_2531, %dma_wait3A_2532] : memref<2560x64xi8, #tpu.memory_space<vmem>> -> memref<20x64xi8, #tpu.memory_space<vmem>>
      %dma_wait3A_2534 = arith.constant 0 : i32
      %dma_wait3A_2535 = tpu.memref_slice %arg5[%dma_wait3A_2530, %dma_wait3A_2534] : memref<128x20xi32, #tpu.memory_space<vmem>> -> memref<1x20xi32, #tpu.memory_space<vmem>>
      %dma_wait3A_2536 = tpu.memref_squeeze %dma_wait3A_2535 : memref<1x20xi32, #tpu.memory_space<vmem>> -> memref<20xi32, #tpu.memory_space<vmem>>
      %dma_wait3A_2537 = arith.constant 0 : i32
      %dma_wait3A_2538 = arith.constant 0 : i32
      %dma_wait3A_2539 = tpu.memref_slice %arg3[%dma_wait3A_2537, %dma_wait3A_2538] : memref<1000000x64xi8, #tpu.memory_space<hbm>> -> memref<1000000x64xi8, #tpu.memory_space<hbm>>
      tpu.wait_indirect_dma semaphore(%arg7 : memref<!tpu.dma_semaphore, #tpu.memory_space<semaphore_mem>>) src(%dma_wait3A_2539 : memref<1000000x64xi8, #tpu.memory_space<hbm>>) dst(%dma_wait3A_2533 : memref<20x64xi8, #tpu.memory_space<vmem>>)
      %dma_wait3A_2540 = arith.constant 125 : i32
      %dma_wait3A_2541 = arith.constant 2500 : i32
      %dma_wait3A_2542 = arith.constant 0 : i32
      %dma_wait3A_2543 = tpu.memref_slice %arg6[%dma_wait3A_2541, %dma_wait3A_2542] : memref<2560x64xi8, #tpu.memory_space<vmem>> -> memref<20x64xi8, #tpu.memory_space<vmem>>
      %dma_wait3A_2544 = arith.constant 0 : i32
      %dma_wait3A_2545 = tpu.memref_slice %arg5[%dma_wait3A_2540, %dma_wait3A_2544] : memref<128x20xi32, #tpu.memory_space<vmem>> -> memref<1x20xi32, #tpu.memory_space<vmem>>
      %dma_wait3A_2546 = tpu.memref_squeeze %dma_wait3A_2545 : memref<1x20xi32, #tpu.memory_space<vmem>> -> memref<20xi32, #tpu.memory_space<vmem>>
      %dma_wait3A_2547 = arith.constant 0 : i32
      %dma_wait3A_2548 = arith.constant 0 : i32
      %dma_wait3A_2549 = tpu.memref_slice %arg3[%dma_wait3A_2547, %dma_wait3A_2548] : memref<1000000x64xi8, #tpu.memory_space<hbm>> -> memref<1000000x64xi8, #tpu.memory_space<hbm>>
      tpu.wait_indirect_dma semaphore(%arg7 : memref<!tpu.dma_semaphore, #tpu.memory_space<semaphore_mem>>) src(%dma_wait3A_2549 : memref<1000000x64xi8, #tpu.memory_space<hbm>>) dst(%dma_wait3A_2543 : memref<20x64xi8, #tpu.memory_space<vmem>>)
      %dma_wait3A_2550 = arith.constant 126 : i32
      %dma_wait3A_2551 = arith.constant 2520 : i32
      %dma_wait3A_2552 = arith.constant 0 : i32
      %dma_wait3A_2553 = tpu.memref_slice %arg6[%dma_wait3A_2551, %dma_wait3A_2552] : memref<2560x64xi8, #tpu.memory_space<vmem>> -> memref<20x64xi8, #tpu.memory_space<vmem>>
      %dma_wait3A_2554 = arith.constant 0 : i32
      %dma_wait3A_2555 = tpu.memref_slice %arg5[%dma_wait3A_2550, %dma_wait3A_2554] : memref<128x20xi32, #tpu.memory_space<vmem>> -> memref<1x20xi32, #tpu.memory_space<vmem>>
      %dma_wait3A_2556 = tpu.memref_squeeze %dma_wait3A_2555 : memref<1x20xi32, #tpu.memory_space<vmem>> -> memref<20xi32, #tpu.memory_space<vmem>>
      %dma_wait3A_2557 = arith.constant 0 : i32
      %dma_wait3A_2558 = arith.constant 0 : i32
      %dma_wait3A_2559 = tpu.memref_slice %arg3[%dma_wait3A_2557, %dma_wait3A_2558] : memref<1000000x64xi8, #tpu.memory_space<hbm>> -> memref<1000000x64xi8, #tpu.memory_space<hbm>>
      tpu.wait_indirect_dma semaphore(%arg7 : memref<!tpu.dma_semaphore, #tpu.memory_space<semaphore_mem>>) src(%dma_wait3A_2559 : memref<1000000x64xi8, #tpu.memory_space<hbm>>) dst(%dma_wait3A_2553 : memref<20x64xi8, #tpu.memory_space<vmem>>)
      %dma_wait3A_2560 = arith.constant 127 : i32
      %dma_wait3A_2561 = arith.constant 2540 : i32
      %dma_wait3A_2562 = arith.constant 0 : i32
      %dma_wait3A_2563 = tpu.memref_slice %arg6[%dma_wait3A_2561, %dma_wait3A_2562] : memref<2560x64xi8, #tpu.memory_space<vmem>> -> memref<20x64xi8, #tpu.memory_space<vmem>>
      %dma_wait3A_2564 = arith.constant 0 : i32
      %dma_wait3A_2565 = tpu.memref_slice %arg5[%dma_wait3A_2560, %dma_wait3A_2564] : memref<128x20xi32, #tpu.memory_space<vmem>> -> memref<1x20xi32, #tpu.memory_space<vmem>>
      %dma_wait3A_2566 = tpu.memref_squeeze %dma_wait3A_2565 : memref<1x20xi32, #tpu.memory_space<vmem>> -> memref<20xi32, #tpu.memory_space<vmem>>
      %dma_wait3A_2567 = arith.constant 0 : i32
      %dma_wait3A_2568 = arith.constant 0 : i32
      %dma_wait3A_2569 = tpu.memref_slice %arg3[%dma_wait3A_2567, %dma_wait3A_2568] : memref<1000000x64xi8, #tpu.memory_space<hbm>> -> memref<1000000x64xi8, #tpu.memory_space<hbm>>
      tpu.wait_indirect_dma semaphore(%arg7 : memref<!tpu.dma_semaphore, #tpu.memory_space<semaphore_mem>>) src(%dma_wait3A_2569 : memref<1000000x64xi8, #tpu.memory_space<hbm>>) dst(%dma_wait3A_2563 : memref<20x64xi8, #tpu.memory_space<vmem>>)
      %mul3A_2570 = arith.constant 20 : i32
      %mul3A_2571 = arith.muli %add3A_11, %mul3A_2570 : i32
      "tpu.region"() ({
        %run_scoped3A = tpu.sem_alloc : memref<!tpu.dma_semaphore, #tpu.memory_space<semaphore_mem>>
        %dma_start3A_2572 = arith.constant 0 : i32
        %dma_start3A_2573 = tpu.memref_slice %arg4[%mul3A_2571, %dma_start3A_2572] : memref<327680x64xi8, #tpu.memory_space<hbm>> -> memref<2560x64xi8, #tpu.memory_space<hbm>>
        %dma_start3A_2574 = arith.constant 0 : i32
        %dma_start3A_2575 = tpu.memref_slice %arg4[%mul3A_2571, %dma_start3A_2574] : memref<327680x64xi8, #tpu.memory_space<hbm>> -> memref<2560x64xi8, #tpu.memory_space<hbm>>
        tpu.enqueue_dma source(%arg6 : memref<2560x64xi8, #tpu.memory_space<vmem>>) target(%dma_start3A_2575 : memref<2560x64xi8, #tpu.memory_space<hbm>>) target_semaphore(%run_scoped3A : memref<!tpu.dma_semaphore, #tpu.memory_space<semaphore_mem>>)
        %dma_wait3A_2576 = arith.constant 0 : i32
        %dma_wait3A_2577 = tpu.memref_slice %arg4[%mul3A_2571, %dma_wait3A_2576] : memref<327680x64xi8, #tpu.memory_space<hbm>> -> memref<2560x64xi8, #tpu.memory_space<hbm>>
        %dma_wait3A_2578 = arith.constant 0 : i32
        %dma_wait3A_2579 = tpu.memref_slice %arg4[%mul3A_2571, %dma_wait3A_2578] : memref<327680x64xi8, #tpu.memory_space<hbm>> -> memref<2560x64xi8, #tpu.memory_space<hbm>>
        tpu.wait_dma2 semaphore(%run_scoped3A : memref<!tpu.dma_semaphore, #tpu.memory_space<semaphore_mem>>) src(%arg6 : memref<2560x64xi8, #tpu.memory_space<vmem>>) dst(%dma_wait3A_2579 : memref<2560x64xi8, #tpu.memory_space<hbm>>)
        tpu.yield
      }) : () -> ()
    }
    %scan3A_5 = arith.constant 4 : i32
    return
  }
}

module attributes {stable_mosaic.version = 14 : i64} {
  func.func @_dequant_body(%arg0: i32, %arg1: memref<1024x20x64xi8, #tpu.memory_space<vmem>>, %arg2: memref<8x128xf32, #tpu.memory_space<vmem>>, %arg3: memref<1024x20x64xbf16, #tpu.memory_space<vmem>>) attributes {dimension_semantics = [#tpu.dimension_semantics<arbitrary>], iteration_bounds = array<i64: 16>, scalar_prefetch = 0 : i64, scratch_operands = 0 : i64, tpu.core_type = #tpu.core_type<tc>, window_params = [{transform_indices = @transform_0, window_bounds = array<i64: 1024, 20, 64>}, {pipeline_mode = #tpu.pipeline_mode<synchronous>, transform_indices = @transform_1, window_bounds = array<i64: 8, 128>}, {transform_indices = @transform_2, window_bounds = array<i64: 1024, 20, 64>}]} {
    %get3A = arith.constant 0 : index
    %get3A_0 = arith.constant 0 : index
    %get3A_1 = vector.load %arg2[%get3A, %get3A_0] : memref<8x128xf32, #tpu.memory_space<vmem>>, vector<1x64xf32>
    %reshape3A = vector.shape_cast %get3A_1 : vector<1x64xf32> to vector<1x1x64xf32>
    %get3A_2 = arith.constant 0 : index
    %get3A_3 = arith.constant 0 : index
    %get3A_4 = arith.constant 0 : index
    %get3A_5 = vector.load %arg1[%get3A_2, %get3A_3, %get3A_4] : memref<1024x20x64xi8, #tpu.memory_space<vmem>>, vector<1024x20x64xi8>
    %convert_element_type3A = arith.sitofp %get3A_5 : vector<1024x20x64xi8> to vector<1024x20x64xf32>
    %mul3A = vector.broadcast %reshape3A : vector<1x1x64xf32> to vector<1024x20x64xf32>
    %mul3A_6 = arith.mulf %convert_element_type3A, %mul3A : vector<1024x20x64xf32>
    %convert_element_type3A_7 = arith.truncf %mul3A_6 : vector<1024x20x64xf32> to vector<1024x20x64xbf16>
    %swap3A = arith.constant 0 : index
    %swap3A_8 = arith.constant 0 : index
    %swap3A_9 = arith.constant 0 : index
    %swap3A_10 = vector.load %arg3[%swap3A, %swap3A_8, %swap3A_9] : memref<1024x20x64xbf16, #tpu.memory_space<vmem>>, vector<1024x20x64xbf16>
    tpu.vector_store %arg3[%swap3A, %swap3A_8, %swap3A_9], %convert_element_type3A_7 {strides = array<i32>} : memref<1024x20x64xbf16, #tpu.memory_space<vmem>>, vector<1024x20x64xbf16>,
    return
  }
  func.func @transform_0(%arg0: i32) -> (i32, i32, i32) {
    %c0_i32 = arith.constant 0 : i32
    %c0_i32_0 = arith.constant 0 : i32
    %c0_i32_1 = arith.constant 0 : i32
    return %arg0, %c0_i32, %c0_i32_0 : i32, i32, i32
  }
  func.func @transform_1(%arg0: i32) -> (i32, i32) {
    %c0_i32 = arith.constant 0 : i32
    %c0_i32_0 = arith.constant 0 : i32
    %c0_i32_1 = arith.constant 0 : i32
    return %c0_i32, %c0_i32_0 : i32, i32
  }
  func.func @transform_2(%arg0: i32) -> (i32, i32, i32) {
    %c0_i32 = arith.constant 0 : i32
    %c0_i32_0 = arith.constant 0 : i32
    %c0_i32_1 = arith.constant 0 : i32
    return %arg0, %c0_i32, %c0_i32_0 : i32, i32, i32
  }
}

</mosaic_0001>

<sc_bundles>
// kernel: kernel.4.cloned.1.call-start
scs
__scs_entry_jumppad:
0x0: {  	(pc) =	sbr.rel $0x88, $3  }
0x1: {  	(tag) =	ssettag $0x0;
	lr =	simm.s32 $0x1  }
0x2: {  	[smem:$0x3F9E] =	sst lr;
	_ =	strace $0xD0000000  }
0x3: {  	_ = 	snop  }
0x4: {  	_ = 	snop  }
0x5: {  	_ = 	snop  }
0x6: {  	_ = 	snop  }
0x7: {  	_ = 	snop  }
__scs_overlays_trampoline_lowered:
0x8: {  	[smem:$0x3FAD] =	sst s0  }
0x9: {  	[smem:$0x3FAE] =	sst s1  }
0xa: {  	[smem:$0x3FAF] =	sst s2  }
0xb: {  	[smem:$0x3FB0] =	sst s3  }
0xc: {  	[smem:$0x3FB1] =	sst s4  }
0xd: {  	[smem:$0x3FB2] =	sst s5  }
0xe: {  	[smem:$0x3FB3] =	sst s6  }
0xf: {  	[smem:$0x3FB4] =	sst s7  }
0x10: {  	[smem:$0x3FB5] =	sst s8  }
0x11: {  	[smem:$0x3FB6] =	sst s9;
	s0 =	simm.s32 @!p0 $0x0  }
0x12: {  	s1 =	sld [smem:$0x3F9C];
	s0 =	simm.s32 @p0 $0x1  }
0x13: {  	[smem:$0x3FB7] =	sst s0;
	s0 =	simm.s32 @!p1 $0x0  }
0x14: {  	s2 =	sld [smem:$0x3F9B];
	s0 =	simm.s32 @p1 $0x1  }
0x15: {  	[smem:$0x3FB8] =	sst s0;
	s0 =	simm.s32 @!p2 $0x0  }
0x16: {  	s3 =	sld [smem:$0x3FDB];
	s0 =	simm.s32 @p2 $0x1  }
0x17: {  	s4 =	simm.s32 $0x1BF5;
	[smem:$0x3FBA] =	sst s0  }
0x18: {  	s0 =	sld [smem:$0x3F9D];
	_ =	swait.ge [sflag:s4], $0x0  }
0x19: {  	s7 =	sld [smem:$0x3F9E]  }
0x1a: {  	s8 =	sadd.s32 $0xFFFFE003, lr  }
0x1b: {  	s9 =	sadd.s32 $0xFFFFFEF7, lr;
	s5 =	simm.s32 $0xFFFFFFFF;
	p2 =	slt.u32 s8, $0xFFFFF086  }
0x1c: {  	p1 =	slt.u32 s9, $0xF7A;
	s5 =	simm.s32 @!p2 $0x0  }
0x1d: {  	s5 =	simm.s32 @p1 $0x1;
	p0 =	seq.s32 s7, s2  }
0x1e: {  	s7 =	smul.u32 @!p0 $0xF7A, s2;
	p2 =	seq.s32 @!p0 s5, $0x0  }
0x1f: {  	s9 =	smul.u32 $0xF7A, s1;
	s8 =	simm.s32 @!p0 $0x1BF5;
	p2 =	por !p2, p0  }
0x20: {  	[sflag:s8] =	ssyncset.s32 @!p0 $0xFFFFF086;
	s6 =	sadd.s32 @!p0 s3, s7;
	s7 =	simm.s32 @!p0 $0x108  }
0x21: {  	s3 =	sadd.s32 s3, s9;
	s6 =	sadd.s32 @!p0 $0x88, s6;
	s7 =	simm.s32 @p2 $0x1082  }
0x22: {  	[simem:s7], [sflag:s8] =	dma.local @!p0 [hbm:s6], $0xF7A  }
0x23: {  	s9 =	sor.u32 $0xD0000000, s2;
	s6 =	simm.s32 $0x108;
	_ =	swait.ge @!p0 [sflag:s8], $0x0  }
0x24: {  	s3 =	sadd.s32 $0x88, s3;
	s6 =	simm.s32 @!p1 $0x1082;
	[sflag:s4] =	ssyncset.s32 $0xFFFFF086  }
0x25: {  	[simem:s6], [sflag:s4] =	dma.local [hbm:s3], $0xF7A  }
0x26: {  	[smem:$0x3F9E] =	sst s1;
	(tag) =	ssettag s2;
	_ =	strace s9  }
0x27: {  	s1 =	sld [smem:$0x3FAE]  }
0x28: {  	s2 =	sld [smem:$0x3FAF]  }
0x29: {  	s4 =	sld [smem:$0x3FB1]  }
0x2a: {  	p0 =	seq.s32 s5, $0x0;
	s5 =	sld [smem:$0x3FB2]  }
0x2b: {  	s6 =	sld [smem:$0x3FB3]  }
0x2c: {  	s7 =	sld [smem:$0x3FB4]  }
0x2d: {  	s3 =	simm.s32 $0x108;
	s8 =	sld [smem:$0x3FB5]  }
0x2e: {  	s3 =	simm.s32 @!p0 $0x1082;
	s9 =	sld [smem:$0x3FB6]  }
0x2f: {  	lr =	sadd.s32 s0, s3;
	s0 =	sld [smem:$0x3FAD]  }
0x30: {  	s3 =	sld [smem:$0x3FB0]  }
0x31: {  	[smem:$0x3FB9] =	sst s10  }
0x32: {  	s10 =	sld [smem:$0x3FB7];
	_ =	sdelay $0x3  }
0x33: {  	p0 =	seq.s32 s10, $0x1;
	s10 =	sld [smem:$0x3FB9];
	_ =	sdelay $0x3  }
0x34: {  	[smem:$0x3FB9] =	sst s10  }
0x35: {  	s10 =	sld [smem:$0x3FB8];
	_ =	sdelay $0x3  }
0x36: {  	p1 =	seq.s32 s10, $0x1;
	s10 =	sld [smem:$0x3FB9];
	_ =	sdelay $0x3  }
0x37: {  	[smem:$0x3FB9] =	sst s10  }
0x38: {  	s10 =	sld [smem:$0x3FBA]  }
0x39: {  	_ = 	snop;
	(pc) =	sbr.ind lr, $3  }
0x3a: {  	_ = 	snop  }
0x3b: {  	_ = 	snop  }
0x3c: {  	p2 =	seq.s32 s10, $0x1;
	s10 =	sld [smem:$0x3FB9]  }
0x3d: {  	_ =	shalt  }
0x3e: {  	_ =	shalt  }
0x3f: {  	_ =	shalt  }
0x40: {  	_ =	shalt  }
0x41: {  	_ =	shalt  }
0x42: {  	_ =	shalt  }
0x43: {  	_ =	shalt  }
0x44: {  	_ =	shalt  }
0x45: {  	_ =	shalt  }
0x46: {  	_ =	shalt  }
0x47: {  	_ =	shalt  }
0x48: {  	_ =	shalt  }
0x49: {  	_ =	shalt  }
0x4a: {  	_ =	shalt  }
0x4b: {  	_ =	shalt  }
0x4c: {  	_ =	shalt  }
0x4d: {  	_ =	shalt  }
0x4e: {  	_ =	shalt  }
0x4f: {  	_ =	shalt  }
0x50: {  	_ =	shalt  }
0x51: {  	_ =	shalt  }
0x52: {  	_ =	shalt  }
0x53: {  	_ =	shalt  }
0x54: {  	_ =	shalt  }
0x55: {  	_ =	shalt  }
0x56: {  	_ =	shalt  }
0x57: {  	_ =	shalt  }
0x58: {  	_ =	shalt  }
0x59: {  	_ =	shalt  }
0x5a: {  	_ =	shalt  }
0x5b: {  	_ =	shalt  }
0x5c: {  	_ =	shalt  }
0x5d: {  	_ =	shalt  }
0x5e: {  	_ =	shalt  }
0x5f: {  	_ =	shalt  }
0x60: {  	_ =	shalt  }
0x61: {  	_ =	shalt  }
0x62: {  	_ =	shalt  }
0x63: {  	_ =	shalt  }
0x64: {  	_ =	shalt  }
0x65: {  	_ =	shalt  }
0x66: {  	_ =	shalt  }
0x67: {  	_ =	shalt  }
0x68: {  	_ =	shalt  }
0x69: {  	_ =	shalt  }
0x6a: {  	_ =	shalt  }
0x6b: {  	_ =	shalt  }
0x6c: {  	_ =	shalt  }
0x6d: {  	_ =	shalt  }
0x6e: {  	_ =	shalt  }
0x6f: {  	_ =	shalt  }
0x70: {  	_ =	shalt  }
0x71: {  	_ =	shalt  }
0x72: {  	_ =	shalt  }
0x73: {  	_ =	shalt  }
0x74: {  	_ =	shalt  }
0x75: {  	_ =	shalt  }
0x76: {  	_ =	shalt  }
0x77: {  	_ =	shalt  }
0x78: {  	_ =	shalt  }
0x79: {  	_ =	shalt  }
0x7a: {  	_ =	shalt  }
0x7b: {  	_ =	shalt  }
0x7c: {  	_ =	shalt  }
0x7d: {  	_ =	shalt  }
0x7e: {  	_ =	shalt  }
0x7f: {  	_ =	shalt  }
0x80: {  	_ =	shalt  }
0x81: {  	_ =	shalt  }
0x82: {  	_ =	shalt  }
0x83: {  	_ =	shalt  }
0x84: {  	_ =	shalt  }
0x85: {  	_ =	shalt  }
0x86: {  	_ =	shalt  }
0x87: {  	_ =	shalt  }
.Lfunc_end0:
.L_simem_size_0:
called_computation.1_lowered:
.L_overlay_start_0:
0x88: {  	s2 =	sld [smem:$0x3FD9]  }
0x89: {  	s3 =	sld [smem:$0x3FFE];
	_ =	sdelay $0x1  }
0x8a: {  	s1 =	srdreg.scid  }
0x8b: {  	s0 =	sand.u32 $0x1, s1  }
0x8c: {  	s17 =	sshll.u32 s0, $0xA;
	s2 =	sadd.s32 s3, s2  }
0x8d: {  	s2 =	sadd.s32 s2, s17  }
0x8e: {  	[smem:$0x3FC5] =	sst s2  }
0x8f: {  	_ = 	snop  }
0x90: {  	s2 =	sld [smem:$0x3FD0];
	(tm) =	ssettm $0x1  }
0x91: {  	s18 =	sld [smem:$0x3FFB];
	_ =	sdelay $0x3  }
0x92: {  	_ =	strace s18  }
0x93: {  	s3 =	sld [smem:$0x3FFC];
	_ =	sdelay $0x3  }
0x94: {  	_ =	strace s3  }
0x95: {  	s3 =	sld [smem:$0x3FFD];
	_ =	sdelay $0x3  }
0x96: {  	_ =	strace s3  }
0x97: {  	_ =	strace $0x8FFFFFFF  }
0x98: {  	s19 =	sld [smem:$0x3FDB];
	_ =	sdelay $0x1  }
0x99: {  	s4 =	simm.s32 $_scs_section_size  }
0x9a: {  	s5 =	simm.s32 $_size__tile_overlayer_lowered;
	s6 =	simm.s32 $_tile_overlayer_lowered  }
0x9b: {  	s22 =	simm.s32 $0x1BFF;
	s21 =	sshll.u32 s6, $0x1;
	s3 =	sadd.s32 s4, s19  }
0x9c: {  	s7 =	simm.s32 $0x0;
	s20 =	sshll.u32 s5, $0x1;
	s5 =	sadd.s32 s21, s3  }
0x9d: {  	[timem:s7], [sflag:s22] =	dma.local [hbm:s5], s20  }
0x9e: {  	_ =	swait.ge [sflag:s22], s20  }
0x9f: {  	s4 =	ssub.s32 $0x0, s20;
	[sflag:s22] =	ssyncset.done $0x0  }
0xa0: {  	[sflag:s22] =	ssyncadd.s32 s4;
	_ =	sdelay $0x1  }
0xa1: {  	s23 =	simm.s32 $0x1B8B  }
0xa2: {  	_ =	swait.ge [sflag:s23], $0x1  }
0xa3: {  	[sflag:s23] =	ssyncset.done $0x0  }
0xa4: {  	s25 =	simm.s32 $0x1B8E;
	s24 =	sld [smem:$0x3FFE];
	[sflag:s23] =	ssyncadd.s32 $0xFFFFFFFF  }
0xa5: {  	s26 =	simm.s32 $execute0_lowered;
	[smem:$0x3FD2] =	sst s25  }
0xa6: {  	s5 =	sshll.u32 s26, $0x1;
	_ =	strace $0x80000049;
	[dreg:$0x1] =	wrdreg $0xFFFFFFFF  }
0xa7: {  	s28 =	simm.s32 $_size_execute0_lowered;
	s3 =	sadd.s32 s3, s5;
	[dreg:$0x0] =	wrdreg $0x0  }
0xa8: {  	s5 =	sshll.u32 s28, $0x1;
	[dreg:$0x2] =	wrdreg s3  }
0xa9: {  	[dreg:$0x3] =	wrdreg s5  }
0xaa: {  	[dreg:$0x4] =	wrdreg $0xC0  }
0xab: {  	_ =	task [dreg:s7], $0x5FFFF  }
0xac: {  	[dreg:$0x1] =	wrdreg $0xFFFFFFFF  }
0xad: {  	[dreg:$0x0] =	wrdreg $0x60  }
0xae: {  	[dreg:$0x2] =	wrdreg s24  }
0xaf: {  	[dreg:$0x3] =	wrdreg s2  }
0xb0: {  	[dreg:$0x4] =	wrdreg $0x9  }
0xb1: {  	_ =	task.clear_ibuf [dreg:s7], $0x5FFFF;
	_ =	strace $0x90000049  }
0xb2: {  	s29 =	simm.s32 $0x9;
	_ =	strace $0x8000004B  }
0xb3: {  	_ =	swait.ge [sflag:s29], $0x1  }
0xb4: {  	[sflag:s29] =	ssyncadd.s32 $0xFFFFFFFF  }
0xb5: {  	_ =	strace $0x9000004B  }
0xb6: {  	_ =	sfence  }
0xb7: {  	s30 =	sld [smem:$0x0];
	_ =	sdelay $0x2  }
0xb8: {  	s31 =	sshll.u32 s1, $0xD;
	s1 =	sshrl.u32 s1, $0x2  }
0xb9: {  	s3 =	sand.u32 $0x4000, s31;
	s1 =	sadd.s32 s1, s30  }
0xba: {  	s0 =	sor.u32 s3, s0;
	s1 =	sshll.u32 s1, $0x11  }
0xbb: {  	s0 =	sor.u32 s1, s0  }
0xbc: {  	s0 =	sadd.s32 $0x8F2B, s0  }
0xbd: {  	[sflag:s0] =	ssyncadd.remote.s32 $0x1  }
0xbe: {  	_ =	sfence.sel $0xFFFF  }
0xbf: {  	[dreg:$0x0] =	wrdreg $0xFFFFFFFF;
	(pc) =	sbr.abs _section_cstart, $3  }
0xc0: {  	[dreg:$0x1] =	wrdreg $0xFFFFFFFF  }
0xc1: {  	_ =	task.clear_ibuf [dreg:s7], $0x2FFFF;
	_ =	strace $0x9FFFFFFF  }
0xc2: {  	(tm) =	ssettm $0x7FFFFFFF  }
0xc3: {  	_ =	shalt  }
tec
execute0_lowered:
.L_overlay_start_1:
0x0: {  	(tag) =	ssettag $0x1  }
0x1: {  	s0 =	srdreg.scid;
	s3 =	rddreg [dreg:$0x0]  }
0x2: {  	s2 =	simm.s32 $0x0;
	s1 =	sand.u32 $0x1, s0;
	s0 =	rddreg [dreg:$0x1]  }
0x3: {  	s11 =	simm.s32 $0x18;
	[smem:$0x7FF] =	sst s2  }
0x4: {  	s12 =	simm.s32 $0xD40;
	_ =	strace $0x8000004A;
	[dreg:$0x4] =	wrdreg s11  }
0x5: {  	s13 =	simm.s32 $0x30;
	[dreg:$0x5] =	wrdreg s12  }
0x6: {  	s14 =	simm.s32 $0xE80;
	[dreg:$0x6] =	wrdreg s13  }
0x7: {  	s15 =	simm.s32 $0x48;
	[dreg:$0x7] =	wrdreg s14  }
0x8: {  	s16 =	simm.s32 $0xFC0;
	[dreg:$0x8] =	wrdreg s15  }
0x9: {  	s17 =	simm.s32 $0x60;
	[dreg:$0x9] =	wrdreg s16  }
0xa: {  	s18 =	simm.s32 $0x1100;
	[dreg:$0xa] =	wrdreg s17  }
0xb: {  	s19 =	simm.s32 $0x78;
	[dreg:$0xb] =	wrdreg s18  }
0xc: {  	s20 =	simm.s32 $0x1240;
	[dreg:$0xc] =	wrdreg s19  }
0xd: {  	s21 =	simm.s32 $0x90;
	[dreg:$0xd] =	wrdreg s20  }
0xe: {  	s22 =	simm.s32 $0x1380;
	[dreg:$0xe] =	wrdreg s21  }
0xf: {  	s23 =	simm.s32 $0xA8;
	[dreg:$0xf] =	wrdreg s22  }
0x10: {  	s24 =	simm.s32 $0x14C0;
	[dreg:$0x10] =	wrdreg s23  }
0x11: {  	s25 =	simm.s32 $0xC0;
	[dreg:$0x11] =	wrdreg s24  }
0x12: {  	s26 =	simm.s32 $0x1600;
	[dreg:$0x12] =	wrdreg s25  }
0x13: {  	s31 =	simm.s32 $0xD8;
	[dreg:$0x13] =	wrdreg s26  }
0x14: {  	s6 =	simm.s32 $0xF0;
	[dreg:$0x14] =	wrdreg s31  }
0x15: {  	s8 =	simm.s32 $0x1880;
	[dreg:$0x16] =	wrdreg s6  }
0x16: {  	s9 =	simm.s32 $0x108;
	[dreg:$0x17] =	wrdreg s8  }
0x17: {  	s10 =	simm.s32 $0x19C0;
	[dreg:$0x18] =	wrdreg s9  }
0x18: {  	[dreg:$0x19] =	wrdreg s10;
	s11 =	simm.s32 $0x120  }
0x19: {  	s12 =	simm.s32 $0x1B00;
	[dreg:$0x1a] =	wrdreg s11  }
0x1a: {  	s13 =	simm.s32 $0x138;
	[dreg:$0x1b] =	wrdreg s12  }
0x1b: {  	s14 =	simm.s32 $0x1C40;
	[dreg:$0x1c] =	wrdreg s13  }
0x1c: {  	s15 =	simm.s32 $0x150;
	[dreg:$0x1d] =	wrdreg s14  }
0x1d: {  	s16 =	simm.s32 $0x1D80;
	[dreg:$0x1e] =	wrdreg s15  }
0x1e: {  	s17 =	simm.s32 $0x168;
	[dreg:$0x1f] =	wrdreg s16  }
0x1f: {  	s18 =	simm.s32 $0x1EC0;
	[smem:$0x72E] =	sst s17  }
0x20: {  	s19 =	simm.s32 $0x180;
	[smem:$0x72F] =	sst s18  }
0x21: {  	s20 =	simm.s32 $0x2000;
	[smem:$0x730] =	sst s19  }
0x22: {  	s21 =	simm.s32 $0x198;
	[smem:$0x731] =	sst s20  }
0x23: {  	s22 =	simm.s32 $0x2140;
	[smem:$0x732] =	sst s21  }
0x24: {  	s23 =	simm.s32 $0x1B0;
	[smem:$0x733] =	sst s22  }
0x25: {  	s24 =	simm.s32 $0x2280;
	[smem:$0x734] =	sst s23  }
0x26: {  	s25 =	simm.s32 $0x1C8;
	[smem:$0x735] =	sst s24  }
0x27: {  	s26 =	simm.s32 $0x23C0;
	[smem:$0x736] =	sst s25  }
0x28: {  	s31 =	simm.s32 $0x1E0;
	[smem:$0x737] =	sst s26  }
0x29: {  	s6 =	simm.s32 $0x1F8;
	[smem:$0x738] =	sst s31  }
0x2a: {  	s8 =	simm.s32 $0x2640;
	[smem:$0x73A] =	sst s6  }
0x2b: {  	s9 =	simm.s32 $0x210;
	[smem:$0x73B] =	sst s8  }
0x2c: {  	s10 =	simm.s32 $0x2780;
	[smem:$0x73C] =	sst s9  }
0x2d: {  	[smem:$0x73D] =	sst s10;
	s11 =	simm.s32 $0x228  }
0x2e: {  	s12 =	simm.s32 $0x28C0;
	[smem:$0x73E] =	sst s11  }
0x2f: {  	s13 =	simm.s32 $0x240;
	[smem:$0x73F] =	sst s12  }
0x30: {  	s14 =	simm.s32 $0x2A00;
	[smem:$0x740] =	sst s13  }
0x31: {  	s15 =	simm.s32 $0x258;
	[smem:$0x741] =	sst s14  }
0x32: {  	s16 =	simm.s32 $0x2B40;
	[smem:$0x742] =	sst s15  }
0x33: {  	s17 =	simm.s32 $0x270;
	[smem:$0x743] =	sst s16  }
0x34: {  	s18 =	simm.s32 $0x2C80;
	[smem:$0x744] =	sst s17  }
0x35: {  	s19 =	simm.s32 $0x288;
	[smem:$0x745] =	sst s18  }
0x36: {  	s20 =	simm.s32 $0x2DC0;
	[smem:$0x746] =	sst s19  }
0x37: {  	s21 =	simm.s32 $0x2A0;
	[smem:$0x747] =	sst s20  }
0x38: {  	s22 =	simm.s32 $0x2F00;
	[smem:$0x748] =	sst s21  }
0x39: {  	s23 =	simm.s32 $0x2B8;
	[smem:$0x749] =	sst s22  }
0x3a: {  	s24 =	simm.s32 $0x3040;
	[smem:$0x74A] =	sst s23  }
0x3b: {  	s25 =	simm.s32 $0x2D0;
	[smem:$0x74B] =	sst s24  }
0x3c: {  	s26 =	simm.s32 $0x3180;
	[smem:$0x74C] =	sst s25  }
0x3d: {  	s31 =	simm.s32 $0x2E8;
	[smem:$0x74D] =	sst s26  }
0x3e: {  	s7 =	stileid.u32;
	s6 =	simm.s32 $0x300;
	[smem:$0x74E] =	sst s31  }
0x3f: {  	s4 =	smul.u32 $0xC00, s7;
	s8 =	simm.s32 $0x3400;
	[smem:$0x750] =	sst s6  }
0x40: {  	s5 =	smul.u32 $0x600, s1;
	s9 =	simm.s32 $0x318;
	[smem:$0x751] =	sst s8  }
0x41: {  	s4 =	sadd.s32 s4, s3;
	s10 =	simm.s32 $0x3540;
	[smem:$0x752] =	sst s9  }
0x42: {  	s4 =	sadd.s32 s5, s4;
	s5 =	simm.s32 $0x1740;
	[smem:$0x753] =	sst s10  }
0x43: {  	s11 =	simm.s32 $0x330;
	[dreg:$0x15] =	wrdreg s5  }
0x44: {  	s12 =	simm.s32 $0x3680;
	[smem:$0x754] =	sst s11  }
0x45: {  	s13 =	simm.s32 $0x348;
	[smem:$0x755] =	sst s12  }
0x46: {  	s14 =	simm.s32 $0x37C0;
	[smem:$0x756] =	sst s13  }
0x47: {  	s15 =	simm.s32 $0x360;
	[smem:$0x757] =	sst s14  }
0x48: {  	s16 =	simm.s32 $0x3900;
	[smem:$0x758] =	sst s15  }
0x49: {  	s17 =	simm.s32 $0x378;
	[smem:$0x759] =	sst s16  }
0x4a: {  	s18 =	simm.s32 $0x3A40;
	[smem:$0x75A] =	sst s17  }
0x4b: {  	s19 =	simm.s32 $0x390;
	[smem:$0x75B] =	sst s18  }
0x4c: {  	s20 =	simm.s32 $0x3B80;
	[smem:$0x75C] =	sst s19  }
0x4d: {  	s21 =	simm.s32 $0x3A8;
	[smem:$0x75D] =	sst s20  }
0x4e: {  	s22 =	simm.s32 $0x3CC0;
	[smem:$0x75E] =	sst s21  }
0x4f: {  	s23 =	simm.s32 $0x3C0;
	[smem:$0x75F] =	sst s22  }
0x50: {  	s24 =	simm.s32 $0x3E00;
	[smem:$0x760] =	sst s23  }
0x51: {  	s25 =	simm.s32 $0x3D8;
	[smem:$0x761] =	sst s24  }
0x52: {  	s26 =	simm.s32 $0x3F40;
	[smem:$0x762] =	sst s25  }
0x53: {  	s31 =	simm.s32 $0x3F0;
	[smem:$0x763] =	sst s26  }
0x54: {  	s6 =	simm.s32 $0x408;
	[smem:$0x764] =	sst s31  }
0x55: {  	s8 =	simm.s32 $0x41C0;
	[smem:$0x766] =	sst s6  }
0x56: {  	s9 =	simm.s32 $0x420;
	[smem:$0x767] =	sst s8  }
0x57: {  	s10 =	simm.s32 $0x4300;
	[smem:$0x768] =	sst s9  }
0x58: {  	s4 =	sadd.s32 $0x3D1800, s4;
	[smem:$0x769] =	sst s10  }
0x59: {  	s5 =	simm.s32 $0x2500;
	[dreg:$0x3] =	wrdreg s4  }
0x5a: {  	s11 =	simm.s32 $0x438;
	[smem:$0x739] =	sst s5  }
0x5b: {  	s12 =	simm.s32 $0x4440;
	[smem:$0x76A] =	sst s11  }
0x5c: {  	s13 =	simm.s32 $0x450;
	[smem:$0x76B] =	sst s12  }
0x5d: {  	s14 =	simm.s32 $0x4580;
	[smem:$0x76C] =	sst s13  }
0x5e: {  	s15 =	simm.s32 $0x468;
	[smem:$0x76D] =	sst s14  }
0x5f: {  	s16 =	simm.s32 $0x46C0;
	[smem:$0x76E] =	sst s15  }
0x60: {  	s17 =	simm.s32 $0x480;
	[smem:$0x76F] =	sst s16  }
0x61: {  	s18 =	simm.s32 $0x4800;
	[smem:$0x770] =	sst s17  }
0x62: {  	s19 =	simm.s32 $0x498;
	[smem:$0x771] =	sst s18  }
0x63: {  	s20 =	simm.s32 $0x4940;
	[smem:$0x772] =	sst s19  }
0x64: {  	s21 =	simm.s32 $0x4B0;
	[smem:$0x773] =	sst s20  }
0x65: {  	s22 =	simm.s32 $0x4A80;
	[smem:$0x774] =	sst s21  }
0x66: {  	s23 =	simm.s32 $0x4C8;
	[smem:$0x775] =	sst s22  }
0x67: {  	s24 =	simm.s32 $0x4BC0;
	[smem:$0x776] =	sst s23  }
0x68: {  	s25 =	simm.s32 $0x4E0;
	[smem:$0x777] =	sst s24  }
0x69: {  	s26 =	simm.s32 $0x4D00;
	[smem:$0x778] =	sst s25  }
0x6a: {  	s31 =	simm.s32 $0x4F8;
	[smem:$0x779] =	sst s26  }
0x6b: {  	s6 =	simm.s32 $0x510;
	[smem:$0x77A] =	sst s31  }
0x6c: {  	s8 =	simm.s32 $0x4F80;
	[smem:$0x77C] =	sst s6  }
0x6d: {  	s9 =	simm.s32 $0x528;
	[smem:$0x77D] =	sst s8  }
0x6e: {  	s10 =	simm.s32 $0x50C0;
	[smem:$0x77E] =	sst s9  }
0x6f: {  	s5 =	simm.s32 $0x32C0;
	[smem:$0x77F] =	sst s10  }
0x70: {  	s11 =	simm.s32 $0x540;
	[smem:$0x74F] =	sst s5  }
0x71: {  	s12 =	simm.s32 $0x5200;
	[smem:$0x780] =	sst s11  }
0x72: {  	s13 =	simm.s32 $0x558;
	[smem:$0x781] =	sst s12  }
0x73: {  	s14 =	simm.s32 $0x5340;
	[smem:$0x782] =	sst s13  }
0x74: {  	s15 =	simm.s32 $0x570;
	[smem:$0x783] =	sst s14  }
0x75: {  	s16 =	simm.s32 $0x5480;
	[smem:$0x784] =	sst s15  }
0x76: {  	s17 =	simm.s32 $0x588;
	[smem:$0x785] =	sst s16  }
0x77: {  	s18 =	simm.s32 $0x55C0;
	[smem:$0x786] =	sst s17  }
0x78: {  	s19 =	simm.s32 $0x5A0;
	[smem:$0x787] =	sst s18  }
0x79: {  	s20 =	simm.s32 $0x5700;
	[smem:$0x788] =	sst s19  }
0x7a: {  	s21 =	simm.s32 $0x5B8;
	[smem:$0x789] =	sst s20  }
0x7b: {  	s22 =	simm.s32 $0x5840;
	[smem:$0x78A] =	sst s21  }
0x7c: {  	s23 =	simm.s32 $0x5D0;
	[smem:$0x78B] =	sst s22  }
0x7d: {  	s24 =	simm.s32 $0x5980;
	[smem:$0x78C] =	sst s23  }
0x7e: {  	s25 =	simm.s32 $0x5E8;
	[smem:$0x78D] =	sst s24  }
0x7f: {  	s26 =	simm.s32 $0x5AC0;
	[smem:$0x78E] =	sst s25  }
0x80: {  	s31 =	simm.s32 $0x600;
	[smem:$0x78F] =	sst s26  }
0x81: {  	s6 =	simm.s32 $0x618;
	[smem:$0x790] =	sst s31  }
0x82: {  	s8 =	simm.s32 $0x5D40;
	[smem:$0x792] =	sst s6  }
0x83: {  	s9 =	simm.s32 $0x630;
	[smem:$0x793] =	sst s8  }
0x84: {  	s10 =	simm.s32 $0x5E80;
	[smem:$0x794] =	sst s9  }
0x85: {  	s5 =	simm.s32 $0x4080;
	[smem:$0x795] =	sst s10  }
0x86: {  	s11 =	simm.s32 $0x648;
	[smem:$0x765] =	sst s5  }
0x87: {  	s12 =	simm.s32 $0x5FC0;
	[smem:$0x796] =	sst s11  }
0x88: {  	s13 =	simm.s32 $0x660;
	[smem:$0x797] =	sst s12  }
0x89: {  	s14 =	simm.s32 $0x6100;
	[smem:$0x798] =	sst s13  }
0x8a: {  	s15 =	simm.s32 $0x678;
	[smem:$0x799] =	sst s14  }
0x8b: {  	s16 =	simm.s32 $0x6240;
	[smem:$0x79A] =	sst s15  }
0x8c: {  	s17 =	simm.s32 $0x690;
	[smem:$0x79B] =	sst s16  }
0x8d: {  	s18 =	simm.s32 $0x6380;
	[smem:$0x79C] =	sst s17  }
0x8e: {  	s19 =	simm.s32 $0x6A8;
	[smem:$0x79D] =	sst s18  }
0x8f: {  	s20 =	simm.s32 $0x64C0;
	[smem:$0x79E] =	sst s19  }
0x90: {  	s21 =	simm.s32 $0x6C0;
	[smem:$0x79F] =	sst s20  }
0x91: {  	s22 =	simm.s32 $0x6600;
	[smem:$0x7A0] =	sst s21  }
0x92: {  	s23 =	simm.s32 $0x6D8;
	[smem:$0x7A1] =	sst s22  }
0x93: {  	s24 =	simm.s32 $0x6740;
	[smem:$0x7A2] =	sst s23  }
0x94: {  	s25 =	simm.s32 $0x6F0;
	[smem:$0x7A3] =	sst s24  }
0x95: {  	s26 =	simm.s32 $0x6880;
	[smem:$0x7A4] =	sst s25  }
0x96: {  	s31 =	simm.s32 $0x708;
	[smem:$0x7A5] =	sst s26  }
0x97: {  	s6 =	simm.s32 $0x720;
	[smem:$0x7A6] =	sst s31  }
0x98: {  	s8 =	simm.s32 $0x6B00;
	[smem:$0x7A8] =	sst s6  }
0x99: {  	s9 =	simm.s32 $0x738;
	[smem:$0x7A9] =	sst s8  }
0x9a: {  	s10 =	simm.s32 $0x6C40;
	[smem:$0x7AA] =	sst s9  }
0x9b: {  	s5 =	simm.s32 $0x4E40;
	[smem:$0x7AB] =	sst s10  }
0x9c: {  	s11 =	simm.s32 $0x750;
	[smem:$0x77B] =	sst s5  }
0x9d: {  	s12 =	simm.s32 $0x6D80;
	[smem:$0x7AC] =	sst s11  }
0x9e: {  	s13 =	simm.s32 $0x768;
	[smem:$0x7AD] =	sst s12  }
0x9f: {  	s14 =	simm.s32 $0x6EC0;
	[smem:$0x7AE] =	sst s13  }
0xa0: {  	s15 =	simm.s32 $0x780;
	[smem:$0x7AF] =	sst s14  }
0xa1: {  	s16 =	simm.s32 $0x7000;
	[smem:$0x7B0] =	sst s15  }
0xa2: {  	s17 =	simm.s32 $0x798;
	[smem:$0x7B1] =	sst s16  }
0xa3: {  	s18 =	simm.s32 $0x7140;
	[smem:$0x7B2] =	sst s17  }
0xa4: {  	s19 =	simm.s32 $0x7B0;
	[smem:$0x7B3] =	sst s18  }
0xa5: {  	s20 =	simm.s32 $0x7280;
	[smem:$0x7B4] =	sst s19  }
0xa6: {  	s21 =	simm.s32 $0x7C8;
	[smem:$0x7B5] =	sst s20  }
0xa7: {  	s22 =	simm.s32 $0x73C0;
	[smem:$0x7B6] =	sst s21  }
0xa8: {  	s23 =	simm.s32 $0x7E0;
	[smem:$0x7B7] =	sst s22  }
0xa9: {  	s24 =	simm.s32 $0x7500;
	[smem:$0x7B8] =	sst s23  }
0xaa: {  	s25 =	simm.s32 $0x7F8;
	[smem:$0x7B9] =	sst s24  }
0xab: {  	s26 =	simm.s32 $0x7640;
	[smem:$0x7BA] =	sst s25  }
0xac: {  	s31 =	simm.s32 $0x810;
	[smem:$0x7BB] =	sst s26  }
0xad: {  	s6 =	simm.s32 $0x828;
	[smem:$0x7BC] =	sst s31  }
0xae: {  	s8 =	simm.s32 $0x78C0;
	[smem:$0x7BE] =	sst s6  }
0xaf: {  	s9 =	simm.s32 $0x840;
	[smem:$0x7BF] =	sst s8  }
0xb0: {  	s10 =	simm.s32 $0x7A00;
	[smem:$0x7C0] =	sst s9  }
0xb1: {  	s5 =	simm.s32 $0x5C00;
	[smem:$0x7C1] =	sst s10  }
0xb2: {  	s11 =	simm.s32 $0x858;
	[smem:$0x791] =	sst s5  }
0xb3: {  	s12 =	simm.s32 $0x7B40;
	[smem:$0x7C2] =	sst s11  }
0xb4: {  	s13 =	simm.s32 $0x870;
	[smem:$0x7C3] =	sst s12  }
0xb5: {  	s14 =	simm.s32 $0x7C80;
	[smem:$0x7C4] =	sst s13  }
0xb6: {  	s15 =	simm.s32 $0x888;
	[smem:$0x7C5] =	sst s14  }
0xb7: {  	s16 =	simm.s32 $0x7DC0;
	[smem:$0x7C6] =	sst s15  }
0xb8: {  	s17 =	simm.s32 $0x8A0;
	[smem:$0x7C7] =	sst s16  }
0xb9: {  	s18 =	simm.s32 $0x7F00;
	[smem:$0x7C8] =	sst s17  }
0xba: {  	s19 =	simm.s32 $0x8B8;
	[smem:$0x7C9] =	sst s18  }
0xbb: {  	s20 =	simm.s32 $0x8040;
	[smem:$0x7CA] =	sst s19  }
0xbc: {  	s21 =	simm.s32 $0x8D0;
	[smem:$0x7CB] =	sst s20  }
0xbd: {  	s22 =	simm.s32 $0x8180;
	[smem:$0x7CC] =	sst s21  }
0xbe: {  	s23 =	simm.s32 $0x8E8;
	[smem:$0x7CD] =	sst s22  }
0xbf: {  	s24 =	simm.s32 $0x82C0;
	[smem:$0x7CE] =	sst s23  }
0xc0: {  	s25 =	simm.s32 $0x900;
	[smem:$0x7CF] =	sst s24  }
0xc1: {  	s26 =	simm.s32 $0x8400;
	[smem:$0x7D0] =	sst s25  }
0xc2: {  	s31 =	simm.s32 $0x918;
	[smem:$0x7D1] =	sst s26  }
0xc3: {  	s6 =	simm.s32 $0x930;
	[smem:$0x7D2] =	sst s31  }
0xc4: {  	s8 =	simm.s32 $0x8680;
	[smem:$0x7D4] =	sst s6  }
0xc5: {  	s9 =	simm.s32 $0x948;
	[smem:$0x7D5] =	sst s8  }
0xc6: {  	s10 =	simm.s32 $0x87C0;
	[smem:$0x7D6] =	sst s9  }
0xc7: {  	s5 =	simm.s32 $0x69C0;
	[smem:$0x7D7] =	sst s10  }
0xc8: {  	s11 =	simm.s32 $0x960;
	[smem:$0x7A7] =	sst s5  }
0xc9: {  	s12 =	simm.s32 $0x8900;
	[smem:$0x7D8] =	sst s11  }
0xca: {  	s13 =	simm.s32 $0x978;
	[smem:$0x7D9] =	sst s12  }
0xcb: {  	s14 =	simm.s32 $0x8A40;
	[smem:$0x7DA] =	sst s13  }
0xcc: {  	s15 =	simm.s32 $0x990;
	[smem:$0x7DB] =	sst s14  }
0xcd: {  	s16 =	simm.s32 $0x8B80;
	[smem:$0x7DC] =	sst s15  }
0xce: {  	s17 =	simm.s32 $0x9A8;
	[smem:$0x7DD] =	sst s16  }
0xcf: {  	s18 =	simm.s32 $0x8CC0;
	[smem:$0x7DE] =	sst s17  }
0xd0: {  	s19 =	simm.s32 $0x9C0;
	[smem:$0x7DF] =	sst s18  }
0xd1: {  	s20 =	simm.s32 $0x8E00;
	[smem:$0x7E0] =	sst s19  }
0xd2: {  	s21 =	simm.s32 $0x9D8;
	[smem:$0x7E1] =	sst s20  }
0xd3: {  	s22 =	simm.s32 $0x8F40;
	[smem:$0x7E2] =	sst s21  }
0xd4: {  	s23 =	simm.s32 $0x9F0;
	[smem:$0x7E3] =	sst s22  }
0xd5: {  	s24 =	simm.s32 $0x9080;
	[smem:$0x7E4] =	sst s23  }
0xd6: {  	s25 =	simm.s32 $0xA08;
	[smem:$0x7E5] =	sst s24  }
0xd7: {  	s26 =	simm.s32 $0x91C0;
	[smem:$0x7E6] =	sst s25  }
0xd8: {  	s31 =	simm.s32 $0xA20;
	[smem:$0x7E7] =	sst s26  }
0xd9: {  	s6 =	simm.s32 $0xA38;
	[smem:$0x7E8] =	sst s31  }
0xda: {  	s8 =	simm.s32 $0x9440;
	[smem:$0x7EA] =	sst s6  }
0xdb: {  	s9 =	simm.s32 $0xA50;
	[smem:$0x7EB] =	sst s8  }
0xdc: {  	s10 =	simm.s32 $0x9580;
	[smem:$0x7EC] =	sst s9  }
0xdd: {  	s5 =	simm.s32 $0x7780;
	[smem:$0x7ED] =	sst s10  }
0xde: {  	s11 =	simm.s32 $0xA68;
	[smem:$0x7BD] =	sst s5  }
0xdf: {  	s12 =	simm.s32 $0x96C0;
	[smem:$0x7EE] =	sst s11  }
0xe0: {  	s13 =	simm.s32 $0xA80;
	[smem:$0x7EF] =	sst s12  }
0xe1: {  	s14 =	simm.s32 $0x9800;
	[smem:$0x7F0] =	sst s13  }
0xe2: {  	s28 =	simm.s32 $0xBE8;
	s16 =	simm.s32 $0xA98;
	[smem:$0x7F1] =	sst s14  }
0xe3: {  	s29 =	simm.s32 $0xAAC0;
	s17 =	simm.s32 $0x9940;
	[smem:$0x7F2] =	sst s16  }
0xe4: {  	s30 =	simm.s32 $0x1;
	s18 =	simm.s32 $0xAB0;
	[smem:$0x7F3] =	sst s17  }
0xe5: {  	s3 =	sadd.s32 $0x1E9200, s3;
	s20 =	simm.s32 $0x9A80;
	[smem:$0x7F5] =	sst s18  }
0xe6: {  	s15 =	ssub.s32 $0x2, s1;
	s22 =	simm.s32 $0xAC8;
	[smem:$0x7F6] =	sst s20  }
0xe7: {  	s21 =	smul.u32 $0xA000, s7;
	s23 =	simm.s32 $0x9BC0;
	[smem:$0x7F7] =	sst s22  }
0xe8: {  	s1 =	smul.u32 $0x5000, s1;
	s24 =	simm.s32 $0xAE0;
	[smem:$0x7F8] =	sst s23  }
0xe9: {  	s25 =	simm.s32 $0x9D00;
	s26 =	simm.s32 $0xAF8;
	[smem:$0x7FA] =	sst s24  }
0xea: {  	s7 =	simm.s32 $0x14;
	s31 =	simm.s32 $0x9E40;
	[smem:$0x7FB] =	sst s25  }
0xeb: {  	s8 =	simm.s32 $0xC00;
	s10 =	simm.s32 $0x9F80;
	[smem:$0x7FC] =	sst s26  }
0xec: {  	s5 =	simm.s32 $0x8540;
	s6 =	sshrl.u32 s15, $0x1;
	[smem:$0x7FD] =	sst s31  }
0xed: {  	s11 =	simm.s32 $0xB28;
	s12 =	simm.s32 $0xA0C0;
	s13 =	simm.s32 $0xB40  }
0xee: {  	s14 =	simm.s32 $0xA200;
	s16 =	simm.s32 $0xA340;
	s17 =	simm.s32 $0xB70  }
0xef: {  	s18 =	simm.s32 $0xA480;
	s20 =	simm.s32 $0xA5C0;
	s22 =	simm.s32 $0xA700  }
0xf0: {  	s23 =	simm.s32 $0xBB8;
	s24 =	simm.s32 $0xA840;
	s25 =	simm.s32 $0xBD0  }
0xf1: {  	s26 =	simm.s32 $0xA980;
	[smem:$0x7D3] =	sst s5;
	s5 =	simm.s32 $0x9300  }
0xf2: {  	s0 =	sadd.s32 s21, s0;
	s21 =	simm.s32 $0xBA0;
	[smem:$0x7E9] =	sst s5  }
0xf3: {  	s5 =	ssub.s32 s15, s6;
	s0 =	sadd.s32 s1, s0;
	s6 =	simm.s32 $0x2  }
0xf4: {  	s15 =	simm.s32 $0xB58;
	s19 =	smax.u32 s5, $0x1;
	[smem:$0x7F9] =	sst s0  }
0xf5: {  	s1 =	simm.s32 $0x0;
	[smem:$0x7F4] =	sst s19;
	s19 =	simm.s32 $0xB88  }
.LBB2_1:
0xf6: {  	[smem:$0x72D] =	sst s1  }
0xf7: {  	s5 =	sld [smem:$0x7F9];
	s0 =	simm.s32 $0x0  }
.LBB2_2:
0xf8: {  	s4 =	rddreg [dreg:$0x3]  }
0xf9: {  	s4 =	sadd.s32 s0, s4  }
0xfa: {  	[tilespmem:s2], [sflag:$0x2] =	stream.linear.gather [hbm4b:s4+s2], $0xC00, $0x38;
	[tilespmem:$0xAC00] =	vst v63  }
0xfb: {  	_ =	swait.ge [sflag:s6], $0xC00  }
0xfc: {  	s4 =	rddreg [dreg:$0x4]  }
0xfd: {  	[sflag:s6] =	ssyncset.done $0x0;
	s1 =	rddreg [dreg:$0x5]  }
0xfe: {  	s31 =	rddreg [dreg:$0x6];
	[sflag:s6] =	ssyncadd.s32 $0xFFFFF400  }
0xff: {  	[tilespmem:s8], [sflag:$0x1] =	stream.indirect.gather [hbm4b:s3+s7], $0x10, s2, s7, $0xb8;
	[tilespmem:$0xAC00] =	vst v63  }
0x100: {  	s9 =	rddreg [dreg:$0x7]  }
0x101: {  	[tilespmem:s1], [sflag:$0x1] =	stream.indirect.gather [hbm4b:s3+s7], $0x10, s4, s7, $0xb8;
	[tilespmem:$0xAC00] =	vst v63  }
0x102: {  	s1 =	rddreg [dreg:$0x8]  }
0x103: {  	s4 =	rddreg [dreg:$0x9]  }
0x104: {  	[tilespmem:s9], [sflag:$0x1] =	stream.indirect.gather [hbm4b:s3+s7], $0x10, s31, s7, $0xb8;
	[tilespmem:$0xAC00] =	vst v63  }
0x105: {  	s9 =	rddreg [dreg:$0xa]  }
0x106: {  	s31 =	rddreg [dreg:$0xb]  }
0x107: {  	[tilespmem:s4], [sflag:$0x1] =	stream.indirect.gather [hbm4b:s3+s7], $0x10, s1, s7, $0xb8;
	[tilespmem:$0xAC00] =	vst v63  }
0x108: {  	s1 =	rddreg [dreg:$0xc]  }
0x109: {  	s4 =	rddreg [dreg:$0xd]  }
0x10a: {  	[tilespmem:s31], [sflag:$0x1] =	stream.indirect.gather [hbm4b:s3+s7], $0x10, s9, s7, $0xb8;
	[tilespmem:$0xAC00] =	vst v63  }
0x10b: {  	s9 =	rddreg [dreg:$0xe]  }
0x10c: {  	s31 =	rddreg [dreg:$0xf]  }
0x10d: {  	[tilespmem:s4], [sflag:$0x1] =	stream.indirect.gather [hbm4b:s3+s7], $0x10, s1, s7, $0xb8;
	[tilespmem:$0xAC00] =	vst v63  }
0x10e: {  	s1 =	rddreg [dreg:$0x10]  }
0x10f: {  	s4 =	rddreg [dreg:$0x11]  }
0x110: {  	[tilespmem:s31], [sflag:$0x1] =	stream.indirect.gather [hbm4b:s3+s7], $0x10, s9, s7, $0xb8;
	[tilespmem:$0xAC00] =	vst v63  }
0x111: {  	s9 =	rddreg [dreg:$0x12]  }
0x112: {  	s31 =	rddreg [dreg:$0x13]  }
0x113: {  	[tilespmem:s4], [sflag:$0x1] =	stream.indirect.gather [hbm4b:s3+s7], $0x10, s1, s7, $0xb8;
	[tilespmem:$0xAC00] =	vst v63  }
0x114: {  	s1 =	rddreg [dreg:$0x14]  }
0x115: {  	s4 =	rddreg [dreg:$0x15]  }
0x116: {  	[tilespmem:s31], [sflag:$0x1] =	stream.indirect.gather [hbm4b:s3+s7], $0x10, s9, s7, $0xb8;
	[tilespmem:$0xAC00] =	vst v63  }
0x117: {  	s9 =	rddreg [dreg:$0x16]  }
0x118: {  	s31 =	rddreg [dreg:$0x17]  }
0x119: {  	[tilespmem:s4], [sflag:$0x1] =	stream.indirect.gather [hbm4b:s3+s7], $0x10, s1, s7, $0xb8;
	[tilespmem:$0xAC00] =	vst v63  }
0x11a: {  	s1 =	rddreg [dreg:$0x18]  }
0x11b: {  	s4 =	rddreg [dreg:$0x19]  }
0x11c: {  	[tilespmem:s31], [sflag:$0x1] =	stream.indirect.gather [hbm4b:s3+s7], $0x10, s9, s7, $0xb8;
	[tilespmem:$0xAC00] =	vst v63  }
0x11d: {  	s9 =	rddreg [dreg:$0x1a]  }
0x11e: {  	s31 =	rddreg [dreg:$0x1b]  }
0x11f: {  	[tilespmem:s4], [sflag:$0x1] =	stream.indirect.gather [hbm4b:s3+s7], $0x10, s1, s7, $0xb8;
	[tilespmem:$0xAC00] =	vst v63  }
0x120: {  	s1 =	rddreg [dreg:$0x1c]  }
0x121: {  	s4 =	rddreg [dreg:$0x1d]  }
0x122: {  	[tilespmem:s31], [sflag:$0x1] =	stream.indirect.gather [hbm4b:s3+s7], $0x10, s9, s7, $0xb8;
	[tilespmem:$0xAC00] =	vst v63  }
0x123: {  	s9 =	rddreg [dreg:$0x1e]  }
0x124: {  	s31 =	rddreg [dreg:$0x1f]  }
0x125: {  	[tilespmem:s4], [sflag:$0x1] =	stream.indirect.gather [hbm4b:s3+s7], $0x10, s1, s7, $0xb8;
	[tilespmem:$0xAC00] =	vst v63  }
0x126: {  	s1 =	sld [smem:$0x72E]  }
0x127: {  	s4 =	sld [smem:$0x72F]  }
0x128: {  	[tilespmem:s31], [sflag:$0x1] =	stream.indirect.gather [hbm4b:s3+s7], $0x10, s9, s7, $0xb8;
	[tilespmem:$0xAC00] =	vst v63  }
0x129: {  	s9 =	sld [smem:$0x730]  }
0x12a: {  	s31 =	sld [smem:$0x731]  }
0x12b: {  	[tilespmem:s4], [sflag:$0x1] =	stream.indirect.gather [hbm4b:s3+s7], $0x10, s1, s7, $0xb8;
	[tilespmem:$0xAC00] =	vst v63  }
0x12c: {  	s1 =	sld [smem:$0x732]  }
0x12d: {  	s4 =	sld [smem:$0x733]  }
0x12e: {  	[tilespmem:s31], [sflag:$0x1] =	stream.indirect.gather [hbm4b:s3+s7], $0x10, s9, s7, $0xb8;
	[tilespmem:$0xAC00] =	vst v63  }
0x12f: {  	s9 =	sld [smem:$0x734]  }
0x130: {  	s31 =	sld [smem:$0x735]  }
0x131: {  	[tilespmem:s4], [sflag:$0x1] =	stream.indirect.gather [hbm4b:s3+s7], $0x10, s1, s7, $0xb8;
	[tilespmem:$0xAC00] =	vst v63  }
0x132: {  	s1 =	sld [smem:$0x736]  }
0x133: {  	s4 =	sld [smem:$0x737]  }
0x134: {  	[tilespmem:s31], [sflag:$0x1] =	stream.indirect.gather [hbm4b:s3+s7], $0x10, s9, s7, $0xb8;
	[tilespmem:$0xAC00] =	vst v63  }
0x135: {  	s9 =	sld [smem:$0x738]  }
0x136: {  	s31 =	sld [smem:$0x739]  }
0x137: {  	[tilespmem:s4], [sflag:$0x1] =	stream.indirect.gather [hbm4b:s3+s7], $0x10, s1, s7, $0xb8;
	[tilespmem:$0xAC00] =	vst v63  }
0x138: {  	s1 =	sld [smem:$0x73A]  }
0x139: {  	s4 =	sld [smem:$0x73B]  }
0x13a: {  	[tilespmem:s31], [sflag:$0x1] =	stream.indirect.gather [hbm4b:s3+s7], $0x10, s9, s7, $0xb8;
	[tilespmem:$0xAC00] =	vst v63  }
0x13b: {  	s9 =	sld [smem:$0x73C]  }
0x13c: {  	s31 =	sld [smem:$0x73D]  }
0x13d: {  	[tilespmem:s4], [sflag:$0x1] =	stream.indirect.gather [hbm4b:s3+s7], $0x10, s1, s7, $0xb8;
	[tilespmem:$0xAC00] =	vst v63  }
0x13e: {  	s1 =	sld [smem:$0x73E]  }
0x13f: {  	s4 =	sld [smem:$0x73F]  }
0x140: {  	[tilespmem:s31], [sflag:$0x1] =	stream.indirect.gather [hbm4b:s3+s7], $0x10, s9, s7, $0xb8;
	[tilespmem:$0xAC00] =	vst v63  }
0x141: {  	s9 =	sld [smem:$0x740]  }
0x142: {  	s31 =	sld [smem:$0x741]  }
0x143: {  	[tilespmem:s4], [sflag:$0x1] =	stream.indirect.gather [hbm4b:s3+s7], $0x10, s1, s7, $0xb8;
	[tilespmem:$0xAC00] =	vst v63  }
0x144: {  	s1 =	sld [smem:$0x742]  }
0x145: {  	s4 =	sld [smem:$0x743]  }
0x146: {  	[tilespmem:s31], [sflag:$0x1] =	stream.indirect.gather [hbm4b:s3+s7], $0x10, s9, s7, $0xb8;
	[tilespmem:$0xAC00] =	vst v63  }
0x147: {  	s9 =	sld [smem:$0x744]  }
0x148: {  	s31 =	sld [smem:$0x745]  }
0x149: {  	[tilespmem:s4], [sflag:$0x1] =	stream.indirect.gather [hbm4b:s3+s7], $0x10, s1, s7, $0xb8;
	[tilespmem:$0xAC00] =	vst v63  }
0x14a: {  	s1 =	sld [smem:$0x746]  }
0x14b: {  	s4 =	sld [smem:$0x747]  }
0x14c: {  	[tilespmem:s31], [sflag:$0x1] =	stream.indirect.gather [hbm4b:s3+s7], $0x10, s9, s7, $0xb8;
	[tilespmem:$0xAC00] =	vst v63  }
0x14d: {  	s9 =	sld [smem:$0x748]  }
0x14e: {  	s31 =	sld [smem:$0x749]  }
0x14f: {  	[tilespmem:s4], [sflag:$0x1] =	stream.indirect.gather [hbm4b:s3+s7], $0x10, s1, s7, $0xb8;
	[tilespmem:$0xAC00] =	vst v63  }
0x150: {  	s1 =	sld [smem:$0x74A]  }
0x151: {  	s4 =	sld [smem:$0x74B]  }
0x152: {  	[tilespmem:s31], [sflag:$0x1] =	stream.indirect.gather [hbm4b:s3+s7], $0x10, s9, s7, $0xb8;
	[tilespmem:$0xAC00] =	vst v63  }
0x153: {  	s9 =	sld [smem:$0x74C]  }
0x154: {  	s31 =	sld [smem:$0x74D]  }
0x155: {  	[tilespmem:s4], [sflag:$0x1] =	stream.indirect.gather [hbm4b:s3+s7], $0x10, s1, s7, $0xb8;
	[tilespmem:$0xAC00] =	vst v63  }
0x156: {  	s1 =	sld [smem:$0x74E]  }
0x157: {  	s4 =	sld [smem:$0x74F]  }
0x158: {  	[tilespmem:s31], [sflag:$0x1] =	stream.indirect.gather [hbm4b:s3+s7], $0x10, s9, s7, $0xb8;
	[tilespmem:$0xAC00] =	vst v63  }
0x159: {  	s9 =	sld [smem:$0x750]  }
0x15a: {  	s31 =	sld [smem:$0x751]  }
0x15b: {  	[tilespmem:s4], [sflag:$0x1] =	stream.indirect.gather [hbm4b:s3+s7], $0x10, s1, s7, $0xb8;
	[tilespmem:$0xAC00] =	vst v63  }
0x15c: {  	s1 =	sld [smem:$0x752]  }
0x15d: {  	s4 =	sld [smem:$0x753]  }
0x15e: {  	[tilespmem:s31], [sflag:$0x1] =	stream.indirect.gather [hbm4b:s3+s7], $0x10, s9, s7, $0xb8;
	[tilespmem:$0xAC00] =	vst v63  }
0x15f: {  	s9 =	sld [smem:$0x754]  }
0x160: {  	s31 =	sld [smem:$0x755]  }
0x161: {  	[tilespmem:s4], [sflag:$0x1] =	stream.indirect.gather [hbm4b:s3+s7], $0x10, s1, s7, $0xb8;
	[tilespmem:$0xAC00] =	vst v63  }
0x162: {  	s1 =	sld [smem:$0x756]  }
0x163: {  	s4 =	sld [smem:$0x757]  }
0x164: {  	[tilespmem:s31], [sflag:$0x1] =	stream.indirect.gather [hbm4b:s3+s7], $0x10, s9, s7, $0xb8;
	[tilespmem:$0xAC00] =	vst v63  }
0x165: {  	s9 =	sld [smem:$0x758]  }
0x166: {  	s31 =	sld [smem:$0x759]  }
0x167: {  	[tilespmem:s4], [sflag:$0x1] =	stream.indirect.gather [hbm4b:s3+s7], $0x10, s1, s7, $0xb8;
	[tilespmem:$0xAC00] =	vst v63  }
0x168: {  	s1 =	sld [smem:$0x75A]  }
0x169: {  	s4 =	sld [smem:$0x75B]  }
0x16a: {  	[tilespmem:s31], [sflag:$0x1] =	stream.indirect.gather [hbm4b:s3+s7], $0x10, s9, s7, $0xb8;
	[tilespmem:$0xAC00] =	vst v63  }
0x16b: {  	s9 =	sld [smem:$0x75C]  }
0x16c: {  	s31 =	sld [smem:$0x75D]  }
0x16d: {  	[tilespmem:s4], [sflag:$0x1] =	stream.indirect.gather [hbm4b:s3+s7], $0x10, s1, s7, $0xb8;
	[tilespmem:$0xAC00] =	vst v63  }
0x16e: {  	s1 =	sld [smem:$0x75E]  }
0x16f: {  	s4 =	sld [smem:$0x75F]  }
0x170: {  	[tilespmem:s31], [sflag:$0x1] =	stream.indirect.gather [hbm4b:s3+s7], $0x10, s9, s7, $0xb8;
	[tilespmem:$0xAC00] =	vst v63  }
0x171: {  	s9 =	sld [smem:$0x760]  }
0x172: {  	s31 =	sld [smem:$0x761]  }
0x173: {  	[tilespmem:s4], [sflag:$0x1] =	stream.indirect.gather [hbm4b:s3+s7], $0x10, s1, s7, $0xb8;
	[tilespmem:$0xAC00] =	vst v63  }
0x174: {  	_ = 	snop  }
0x175: {  	[tilespmem:s31], [sflag:$0x1] =	stream.indirect.gather [hbm4b:s3+s7], $0x10, s9, s7, $0xb8;
	[tilespmem:$0xAC00] =	vst v63  }
0x176: {  	s1 =	sld [smem:$0x762]  }
0x177: {  	s31 =	sld [smem:$0x763];
	_ =	sdelay $0x1  }
0x178: {  	s4 =	sld [smem:$0x765]  }
0x179: {  	[tilespmem:s31], [sflag:$0x1] =	stream.indirect.gather [hbm4b:s3+s7], $0x10, s1, s7, $0xb8;
	[tilespmem:$0xAC00] =	vst v63  }
0x17a: {  	s1 =	sld [smem:$0x764]  }
0x17b: {  	s9 =	sld [smem:$0x766]  }
0x17c: {  	s31 =	sld [smem:$0x767]  }
0x17d: {  	[tilespmem:s4], [sflag:$0x1] =	stream.indirect.gather [hbm4b:s3+s7], $0x10, s1, s7, $0xb8;
	[tilespmem:$0xAC00] =	vst v63  }
0x17e: {  	s1 =	sld [smem:$0x768]  }
0x17f: {  	s4 =	sld [smem:$0x769]  }
0x180: {  	[tilespmem:s31], [sflag:$0x1] =	stream.indirect.gather [hbm4b:s3+s7], $0x10, s9, s7, $0xb8;
	[tilespmem:$0xAC00] =	vst v63  }
0x181: {  	s9 =	sld [smem:$0x76A]  }
0x182: {  	s31 =	sld [smem:$0x76B]  }
0x183: {  	[tilespmem:s4], [sflag:$0x1] =	stream.indirect.gather [hbm4b:s3+s7], $0x10, s1, s7, $0xb8;
	[tilespmem:$0xAC00] =	vst v63  }
0x184: {  	s1 =	sld [smem:$0x76C]  }
0x185: {  	s4 =	sld [smem:$0x76D]  }
0x186: {  	[tilespmem:s31], [sflag:$0x1] =	stream.indirect.gather [hbm4b:s3+s7], $0x10, s9, s7, $0xb8;
	[tilespmem:$0xAC00] =	vst v63  }
0x187: {  	s9 =	sld [smem:$0x76E]  }
0x188: {  	s31 =	sld [smem:$0x76F]  }
0x189: {  	[tilespmem:s4], [sflag:$0x1] =	stream.indirect.gather [hbm4b:s3+s7], $0x10, s1, s7, $0xb8;
	[tilespmem:$0xAC00] =	vst v63  }
0x18a: {  	s1 =	sld [smem:$0x770]  }
0x18b: {  	s4 =	sld [smem:$0x771]  }
0x18c: {  	[tilespmem:s31], [sflag:$0x1] =	stream.indirect.gather [hbm4b:s3+s7], $0x10, s9, s7, $0xb8;
	[tilespmem:$0xAC00] =	vst v63  }
0x18d: {  	s9 =	sld [smem:$0x772]  }
0x18e: {  	s31 =	sld [smem:$0x773]  }
0x18f: {  	[tilespmem:s4], [sflag:$0x1] =	stream.indirect.gather [hbm4b:s3+s7], $0x10, s1, s7, $0xb8;
	[tilespmem:$0xAC00] =	vst v63  }
0x190: {  	s1 =	sld [smem:$0x774]  }
0x191: {  	s4 =	sld [smem:$0x775]  }
0x192: {  	[tilespmem:s31], [sflag:$0x1] =	stream.indirect.gather [hbm4b:s3+s7], $0x10, s9, s7, $0xb8;
	[tilespmem:$0xAC00] =	vst v63  }
0x193: {  	s9 =	sld [smem:$0x776]  }
0x194: {  	s31 =	sld [smem:$0x777]  }
0x195: {  	[tilespmem:s4], [sflag:$0x1] =	stream.indirect.gather [hbm4b:s3+s7], $0x10, s1, s7, $0xb8;
	[tilespmem:$0xAC00] =	vst v63  }
0x196: {  	s1 =	sld [smem:$0x778]  }
0x197: {  	s4 =	sld [smem:$0x779]  }
0x198: {  	[tilespmem:s31], [sflag:$0x1] =	stream.indirect.gather [hbm4b:s3+s7], $0x10, s9, s7, $0xb8;
	[tilespmem:$0xAC00] =	vst v63  }
0x199: {  	s9 =	sld [smem:$0x77A]  }
0x19a: {  	s31 =	sld [smem:$0x77B]  }
0x19b: {  	[tilespmem:s4], [sflag:$0x1] =	stream.indirect.gather [hbm4b:s3+s7], $0x10, s1, s7, $0xb8;
	[tilespmem:$0xAC00] =	vst v63  }
0x19c: {  	s1 =	sld [smem:$0x77C]  }
0x19d: {  	s4 =	sld [smem:$0x77D]  }
0x19e: {  	[tilespmem:s31], [sflag:$0x1] =	stream.indirect.gather [hbm4b:s3+s7], $0x10, s9, s7, $0xb8;
	[tilespmem:$0xAC00] =	vst v63  }
0x19f: {  	s9 =	sld [smem:$0x77E]  }
0x1a0: {  	s31 =	sld [smem:$0x77F]  }
0x1a1: {  	[tilespmem:s4], [sflag:$0x1] =	stream.indirect.gather [hbm4b:s3+s7], $0x10, s1, s7, $0xb8;
	[tilespmem:$0xAC00] =	vst v63  }
0x1a2: {  	s1 =	sld [smem:$0x780]  }
0x1a3: {  	s4 =	sld [smem:$0x781]  }
0x1a4: {  	[tilespmem:s31], [sflag:$0x1] =	stream.indirect.gather [hbm4b:s3+s7], $0x10, s9, s7, $0xb8;
	[tilespmem:$0xAC00] =	vst v63  }
0x1a5: {  	s9 =	sld [smem:$0x782]  }
0x1a6: {  	s31 =	sld [smem:$0x783]  }
0x1a7: {  	[tilespmem:s4], [sflag:$0x1] =	stream.indirect.gather [hbm4b:s3+s7], $0x10, s1, s7, $0xb8;
	[tilespmem:$0xAC00] =	vst v63  }
0x1a8: {  	s1 =	sld [smem:$0x784]  }
0x1a9: {  	s4 =	sld [smem:$0x785]  }
0x1aa: {  	[tilespmem:s31], [sflag:$0x1] =	stream.indirect.gather [hbm4b:s3+s7], $0x10, s9, s7, $0xb8;
	[tilespmem:$0xAC00] =	vst v63  }
0x1ab: {  	s9 =	sld [smem:$0x786]  }
0x1ac: {  	s31 =	sld [smem:$0x787]  }
0x1ad: {  	[tilespmem:s4], [sflag:$0x1] =	stream.indirect.gather [hbm4b:s3+s7], $0x10, s1, s7, $0xb8;
	[tilespmem:$0xAC00] =	vst v63  }
0x1ae: {  	s1 =	sld [smem:$0x788]  }
0x1af: {  	s4 =	sld [smem:$0x789]  }
0x1b0: {  	[tilespmem:s31], [sflag:$0x1] =	stream.indirect.gather [hbm4b:s3+s7], $0x10, s9, s7, $0xb8;
	[tilespmem:$0xAC00] =	vst v63  }
0x1b1: {  	s9 =	sld [smem:$0x78A]  }
0x1b2: {  	s31 =	sld [smem:$0x78B]  }
0x1b3: {  	[tilespmem:s4], [sflag:$0x1] =	stream.indirect.gather [hbm4b:s3+s7], $0x10, s1, s7, $0xb8;
	[tilespmem:$0xAC00] =	vst v63  }
0x1b4: {  	s1 =	sld [smem:$0x78C]  }
0x1b5: {  	s4 =	sld [smem:$0x78D]  }
0x1b6: {  	[tilespmem:s31], [sflag:$0x1] =	stream.indirect.gather [hbm4b:s3+s7], $0x10, s9, s7, $0xb8;
	[tilespmem:$0xAC00] =	vst v63  }
0x1b7: {  	s9 =	sld [smem:$0x78E]  }
0x1b8: {  	s31 =	sld [smem:$0x78F]  }
0x1b9: {  	[tilespmem:s4], [sflag:$0x1] =	stream.indirect.gather [hbm4b:s3+s7], $0x10, s1, s7, $0xb8;
	[tilespmem:$0xAC00] =	vst v63  }
0x1ba: {  	s1 =	sld [smem:$0x790]  }
0x1bb: {  	s4 =	sld [smem:$0x791]  }
0x1bc: {  	[tilespmem:s31], [sflag:$0x1] =	stream.indirect.gather [hbm4b:s3+s7], $0x10, s9, s7, $0xb8;
	[tilespmem:$0xAC00] =	vst v63  }
0x1bd: {  	s9 =	sld [smem:$0x792]  }
0x1be: {  	s31 =	sld [smem:$0x793]  }
0x1bf: {  	[tilespmem:s4], [sflag:$0x1] =	stream.indirect.gather [hbm4b:s3+s7], $0x10, s1, s7, $0xb8;
	[tilespmem:$0xAC00] =	vst v63  }
0x1c0: {  	s1 =	sld [smem:$0x794]  }
0x1c1: {  	s4 =	sld [smem:$0x795]  }
0x1c2: {  	[tilespmem:s31], [sflag:$0x1] =	stream.indirect.gather [hbm4b:s3+s7], $0x10, s9, s7, $0xb8;
	[tilespmem:$0xAC00] =	vst v63  }
0x1c3: {  	s9 =	sld [smem:$0x796]  }
0x1c4: {  	s31 =	sld [smem:$0x797]  }
0x1c5: {  	[tilespmem:s4], [sflag:$0x1] =	stream.indirect.gather [hbm4b:s3+s7], $0x10, s1, s7, $0xb8;
	[tilespmem:$0xAC00] =	vst v63  }
0x1c6: {  	s1 =	sld [smem:$0x798]  }
0x1c7: {  	s4 =	sld [smem:$0x799]  }
0x1c8: {  	[tilespmem:s31], [sflag:$0x1] =	stream.indirect.gather [hbm4b:s3+s7], $0x10, s9, s7, $0xb8;
	[tilespmem:$0xAC00] =	vst v63  }
0x1c9: {  	s9 =	sld [smem:$0x79A]  }
0x1ca: {  	s31 =	sld [smem:$0x79B]  }
0x1cb: {  	[tilespmem:s4], [sflag:$0x1] =	stream.indirect.gather [hbm4b:s3+s7], $0x10, s1, s7, $0xb8;
	[tilespmem:$0xAC00] =	vst v63  }
0x1cc: {  	s1 =	sld [smem:$0x79C]  }
0x1cd: {  	s4 =	sld [smem:$0x79D]  }
0x1ce: {  	[tilespmem:s31], [sflag:$0x1] =	stream.indirect.gather [hbm4b:s3+s7], $0x10, s9, s7, $0xb8;
	[tilespmem:$0xAC00] =	vst v63  }
0x1cf: {  	s9 =	sld [smem:$0x79E]  }
0x1d0: {  	s31 =	sld [smem:$0x79F]  }
0x1d1: {  	[tilespmem:s4], [sflag:$0x1] =	stream.indirect.gather [hbm4b:s3+s7], $0x10, s1, s7, $0xb8;
	[tilespmem:$0xAC00] =	vst v63  }
0x1d2: {  	s1 =	sld [smem:$0x7A0]  }
0x1d3: {  	s4 =	sld [smem:$0x7A1]  }
0x1d4: {  	[tilespmem:s31], [sflag:$0x1] =	stream.indirect.gather [hbm4b:s3+s7], $0x10, s9, s7, $0xb8;
	[tilespmem:$0xAC00] =	vst v63  }
0x1d5: {  	s9 =	sld [smem:$0x7A2]  }
0x1d6: {  	s31 =	sld [smem:$0x7A3]  }
0x1d7: {  	[tilespmem:s4], [sflag:$0x1] =	stream.indirect.gather [hbm4b:s3+s7], $0x10, s1, s7, $0xb8;
	[tilespmem:$0xAC00] =	vst v63  }
0x1d8: {  	s1 =	sld [smem:$0x7A4]  }
0x1d9: {  	s4 =	sld [smem:$0x7A5]  }
0x1da: {  	[tilespmem:s31], [sflag:$0x1] =	stream.indirect.gather [hbm4b:s3+s7], $0x10, s9, s7, $0xb8;
	[tilespmem:$0xAC00] =	vst v63  }
0x1db: {  	s9 =	sld [smem:$0x7A6]  }
0x1dc: {  	s31 =	sld [smem:$0x7A7]  }
0x1dd: {  	[tilespmem:s4], [sflag:$0x1] =	stream.indirect.gather [hbm4b:s3+s7], $0x10, s1, s7, $0xb8;
	[tilespmem:$0xAC00] =	vst v63  }
0x1de: {  	s1 =	sld [smem:$0x7A8]  }
0x1df: {  	s4 =	sld [smem:$0x7A9]  }
0x1e0: {  	[tilespmem:s31], [sflag:$0x1] =	stream.indirect.gather [hbm4b:s3+s7], $0x10, s9, s7, $0xb8;
	[tilespmem:$0xAC00] =	vst v63  }
0x1e1: {  	s9 =	sld [smem:$0x7AA]  }
0x1e2: {  	s31 =	sld [smem:$0x7AB]  }
0x1e3: {  	[tilespmem:s4], [sflag:$0x1] =	stream.indirect.gather [hbm4b:s3+s7], $0x10, s1, s7, $0xb8;
	[tilespmem:$0xAC00] =	vst v63  }
0x1e4: {  	s1 =	sld [smem:$0x7AC]  }
0x1e5: {  	s4 =	sld [smem:$0x7AD]  }
0x1e6: {  	[tilespmem:s31], [sflag:$0x1] =	stream.indirect.gather [hbm4b:s3+s7], $0x10, s9, s7, $0xb8;
	[tilespmem:$0xAC00] =	vst v63  }
0x1e7: {  	s9 =	sld [smem:$0x7AE]  }
0x1e8: {  	s31 =	sld [smem:$0x7AF]  }
0x1e9: {  	[tilespmem:s4], [sflag:$0x1] =	stream.indirect.gather [hbm4b:s3+s7], $0x10, s1, s7, $0xb8;
	[tilespmem:$0xAC00] =	vst v63  }
0x1ea: {  	s1 =	sld [smem:$0x7B0]  }
0x1eb: {  	s4 =	sld [smem:$0x7B1]  }
0x1ec: {  	[tilespmem:s31], [sflag:$0x1] =	stream.indirect.gather [hbm4b:s3+s7], $0x10, s9, s7, $0xb8;
	[tilespmem:$0xAC00] =	vst v63  }
0x1ed: {  	s9 =	sld [smem:$0x7B2]  }
0x1ee: {  	s31 =	sld [smem:$0x7B3]  }
0x1ef: {  	[tilespmem:s4], [sflag:$0x1] =	stream.indirect.gather [hbm4b:s3+s7], $0x10, s1, s7, $0xb8;
	[tilespmem:$0xAC00] =	vst v63  }
0x1f0: {  	s1 =	sld [smem:$0x7B4]  }
0x1f1: {  	s4 =	sld [smem:$0x7B5]  }
0x1f2: {  	[tilespmem:s31], [sflag:$0x1] =	stream.indirect.gather [hbm4b:s3+s7], $0x10, s9, s7, $0xb8;
	[tilespmem:$0xAC00] =	vst v63  }
0x1f3: {  	s9 =	sld [smem:$0x7B6]  }
0x1f4: {  	s31 =	sld [smem:$0x7B7]  }
0x1f5: {  	[tilespmem:s4], [sflag:$0x1] =	stream.indirect.gather [hbm4b:s3+s7], $0x10, s1, s7, $0xb8;
	[tilespmem:$0xAC00] =	vst v63  }
0x1f6: {  	s1 =	sld [smem:$0x7B8]  }
0x1f7: {  	s4 =	sld [smem:$0x7B9]  }
0x1f8: {  	[tilespmem:s31], [sflag:$0x1] =	stream.indirect.gather [hbm4b:s3+s7], $0x10, s9, s7, $0xb8;
	[tilespmem:$0xAC00] =	vst v63  }
0x1f9: {  	s9 =	sld [smem:$0x7BA]  }
0x1fa: {  	s31 =	sld [smem:$0x7BB]  }
0x1fb: {  	[tilespmem:s4], [sflag:$0x1] =	stream.indirect.gather [hbm4b:s3+s7], $0x10, s1, s7, $0xb8;
	[tilespmem:$0xAC00] =	vst v63  }
0x1fc: {  	s1 =	sld [smem:$0x7BC]  }
0x1fd: {  	s4 =	sld [smem:$0x7BD]  }
0x1fe: {  	[tilespmem:s31], [sflag:$0x1] =	stream.indirect.gather [hbm4b:s3+s7], $0x10, s9, s7, $0xb8;
	[tilespmem:$0xAC00] =	vst v63  }
0x1ff: {  	s9 =	sld [smem:$0x7BE]  }
0x200: {  	s31 =	sld [smem:$0x7BF]  }
0x201: {  	[tilespmem:s4], [sflag:$0x1] =	stream.indirect.gather [hbm4b:s3+s7], $0x10, s1, s7, $0xb8;
	[tilespmem:$0xAC00] =	vst v63  }
0x202: {  	s1 =	sld [smem:$0x7C0]  }
0x203: {  	s4 =	sld [smem:$0x7C1]  }
0x204: {  	[tilespmem:s31], [sflag:$0x1] =	stream.indirect.gather [hbm4b:s3+s7], $0x10, s9, s7, $0xb8;
	[tilespmem:$0xAC00] =	vst v63  }
0x205: {  	s9 =	sld [smem:$0x7C2]  }
0x206: {  	s31 =	sld [smem:$0x7C3]  }
0x207: {  	[tilespmem:s4], [sflag:$0x1] =	stream.indirect.gather [hbm4b:s3+s7], $0x10, s1, s7, $0xb8;
	[tilespmem:$0xAC00] =	vst v63  }
0x208: {  	s1 =	sld [smem:$0x7C4]  }
0x209: {  	s4 =	sld [smem:$0x7C5]  }
0x20a: {  	[tilespmem:s31], [sflag:$0x1] =	stream.indirect.gather [hbm4b:s3+s7], $0x10, s9, s7, $0xb8;
	[tilespmem:$0xAC00] =	vst v63  }
0x20b: {  	s9 =	sld [smem:$0x7C6]  }
0x20c: {  	s31 =	sld [smem:$0x7C7]  }
0x20d: {  	[tilespmem:s4], [sflag:$0x1] =	stream.indirect.gather [hbm4b:s3+s7], $0x10, s1, s7, $0xb8;
	[tilespmem:$0xAC00] =	vst v63  }
0x20e: {  	s1 =	sld [smem:$0x7C8]  }
0x20f: {  	s4 =	sld [smem:$0x7C9]  }
0x210: {  	[tilespmem:s31], [sflag:$0x1] =	stream.indirect.gather [hbm4b:s3+s7], $0x10, s9, s7, $0xb8;
	[tilespmem:$0xAC00] =	vst v63  }
0x211: {  	s9 =	sld [smem:$0x7CA]  }
0x212: {  	s31 =	sld [smem:$0x7CB]  }
0x213: {  	[tilespmem:s4], [sflag:$0x1] =	stream.indirect.gather [hbm4b:s3+s7], $0x10, s1, s7, $0xb8;
	[tilespmem:$0xAC00] =	vst v63  }
0x214: {  	s1 =	sld [smem:$0x7CC]  }
0x215: {  	s4 =	sld [smem:$0x7CD]  }
0x216: {  	[tilespmem:s31], [sflag:$0x1] =	stream.indirect.gather [hbm4b:s3+s7], $0x10, s9, s7, $0xb8;
	[tilespmem:$0xAC00] =	vst v63  }
0x217: {  	s9 =	sld [smem:$0x7CE]  }
0x218: {  	s31 =	sld [smem:$0x7CF]  }
0x219: {  	[tilespmem:s4], [sflag:$0x1] =	stream.indirect.gather [hbm4b:s3+s7], $0x10, s1, s7, $0xb8;
	[tilespmem:$0xAC00] =	vst v63  }
0x21a: {  	s1 =	sld [smem:$0x7D0]  }
0x21b: {  	s4 =	sld [smem:$0x7D1]  }
0x21c: {  	[tilespmem:s31], [sflag:$0x1] =	stream.indirect.gather [hbm4b:s3+s7], $0x10, s9, s7, $0xb8;
	[tilespmem:$0xAC00] =	vst v63  }
0x21d: {  	s9 =	sld [smem:$0x7D2]  }
0x21e: {  	s31 =	sld [smem:$0x7D3]  }
0x21f: {  	[tilespmem:s4], [sflag:$0x1] =	stream.indirect.gather [hbm4b:s3+s7], $0x10, s1, s7, $0xb8;
	[tilespmem:$0xAC00] =	vst v63  }
0x220: {  	s1 =	sld [smem:$0x7D4]  }
0x221: {  	s4 =	sld [smem:$0x7D5]  }
0x222: {  	[tilespmem:s31], [sflag:$0x1] =	stream.indirect.gather [hbm4b:s3+s7], $0x10, s9, s7, $0xb8;
	[tilespmem:$0xAC00] =	vst v63  }
0x223: {  	s9 =	sld [smem:$0x7D6]  }
0x224: {  	s31 =	sld [smem:$0x7D7]  }
0x225: {  	[tilespmem:s4], [sflag:$0x1] =	stream.indirect.gather [hbm4b:s3+s7], $0x10, s1, s7, $0xb8;
	[tilespmem:$0xAC00] =	vst v63  }
0x226: {  	s1 =	sld [smem:$0x7D8]  }
0x227: {  	s4 =	sld [smem:$0x7D9]  }
0x228: {  	[tilespmem:s31], [sflag:$0x1] =	stream.indirect.gather [hbm4b:s3+s7], $0x10, s9, s7, $0xb8;
	[tilespmem:$0xAC00] =	vst v63  }
0x229: {  	s9 =	sld [smem:$0x7DA]  }
0x22a: {  	s31 =	sld [smem:$0x7DB]  }
0x22b: {  	[tilespmem:s4], [sflag:$0x1] =	stream.indirect.gather [hbm4b:s3+s7], $0x10, s1, s7, $0xb8;
	[tilespmem:$0xAC00] =	vst v63  }
0x22c: {  	s1 =	sld [smem:$0x7DC]  }
0x22d: {  	s4 =	sld [smem:$0x7DD]  }
0x22e: {  	[tilespmem:s31], [sflag:$0x1] =	stream.indirect.gather [hbm4b:s3+s7], $0x10, s9, s7, $0xb8;
	[tilespmem:$0xAC00] =	vst v63  }
0x22f: {  	s9 =	sld [smem:$0x7DE]  }
0x230: {  	s31 =	sld [smem:$0x7DF]  }
0x231: {  	[tilespmem:s4], [sflag:$0x1] =	stream.indirect.gather [hbm4b:s3+s7], $0x10, s1, s7, $0xb8;
	[tilespmem:$0xAC00] =	vst v63  }
0x232: {  	s1 =	sld [smem:$0x7E0]  }
0x233: {  	s4 =	sld [smem:$0x7E1]  }
0x234: {  	[tilespmem:s31], [sflag:$0x1] =	stream.indirect.gather [hbm4b:s3+s7], $0x10, s9, s7, $0xb8;
	[tilespmem:$0xAC00] =	vst v63  }
0x235: {  	s9 =	sld [smem:$0x7E2]  }
0x236: {  	s31 =	sld [smem:$0x7E3]  }
0x237: {  	[tilespmem:s4], [sflag:$0x1] =	stream.indirect.gather [hbm4b:s3+s7], $0x10, s1, s7, $0xb8;
	[tilespmem:$0xAC00] =	vst v63  }
0x238: {  	s1 =	sld [smem:$0x7E4]  }
0x239: {  	s4 =	sld [smem:$0x7E5]  }
0x23a: {  	[tilespmem:s31], [sflag:$0x1] =	stream.indirect.gather [hbm4b:s3+s7], $0x10, s9, s7, $0xb8;
	[tilespmem:$0xAC00] =	vst v63  }
0x23b: {  	s9 =	sld [smem:$0x7E6]  }
0x23c: {  	s31 =	sld [smem:$0x7E7]  }
0x23d: {  	[tilespmem:s4], [sflag:$0x1] =	stream.indirect.gather [hbm4b:s3+s7], $0x10, s1, s7, $0xb8;
	[tilespmem:$0xAC00] =	vst v63  }
0x23e: {  	s1 =	sld [smem:$0x7E8]  }
0x23f: {  	s4 =	sld [smem:$0x7E9]  }
0x240: {  	[tilespmem:s31], [sflag:$0x1] =	stream.indirect.gather [hbm4b:s3+s7], $0x10, s9, s7, $0xb8;
	[tilespmem:$0xAC00] =	vst v63  }
0x241: {  	s9 =	sld [smem:$0x7EA]  }
0x242: {  	s31 =	sld [smem:$0x7EB]  }
0x243: {  	[tilespmem:s4], [sflag:$0x1] =	stream.indirect.gather [hbm4b:s3+s7], $0x10, s1, s7, $0xb8;
	[tilespmem:$0xAC00] =	vst v63  }
0x244: {  	s1 =	sld [smem:$0x7EC]  }
0x245: {  	s4 =	sld [smem:$0x7ED]  }
0x246: {  	[tilespmem:s31], [sflag:$0x1] =	stream.indirect.gather [hbm4b:s3+s7], $0x10, s9, s7, $0xb8;
	[tilespmem:$0xAC00] =	vst v63  }
0x247: {  	s9 =	sld [smem:$0x7EE]  }
0x248: {  	s31 =	sld [smem:$0x7EF]  }
0x249: {  	[tilespmem:s4], [sflag:$0x1] =	stream.indirect.gather [hbm4b:s3+s7], $0x10, s1, s7, $0xb8;
	[tilespmem:$0xAC00] =	vst v63  }
0x24a: {  	s1 =	sld [smem:$0x7F0]  }
0x24b: {  	s4 =	sld [smem:$0x7F1]  }
0x24c: {  	[tilespmem:s31], [sflag:$0x1] =	stream.indirect.gather [hbm4b:s3+s7], $0x10, s9, s7, $0xb8;
	[tilespmem:$0xAC00] =	vst v63  }
0x24d: {  	s9 =	sld [smem:$0x7F2]  }
0x24e: {  	s31 =	sld [smem:$0x7F3]  }
0x24f: {  	[tilespmem:s4], [sflag:$0x1] =	stream.indirect.gather [hbm4b:s3+s7], $0x10, s1, s7, $0xb8;
	[tilespmem:$0xAC00] =	vst v63  }
0x250: {  	s1 =	sld [smem:$0x7F5]  }
0x251: {  	s4 =	sld [smem:$0x7F6]  }
0x252: {  	[tilespmem:s31], [sflag:$0x1] =	stream.indirect.gather [hbm4b:s3+s7], $0x10, s9, s7, $0xb8;
	[tilespmem:$0xAC00] =	vst v63  }
0x253: {  	s9 =	sld [smem:$0x7F7]  }
0x254: {  	s31 =	sld [smem:$0x7F8]  }
0x255: {  	[tilespmem:s4], [sflag:$0x1] =	stream.indirect.gather [hbm4b:s3+s7], $0x10, s1, s7, $0xb8;
	[tilespmem:$0xAC00] =	vst v63  }
0x256: {  	s1 =	sld [smem:$0x7FA]  }
0x257: {  	s4 =	sld [smem:$0x7FB]  }
0x258: {  	[tilespmem:s31], [sflag:$0x1] =	stream.indirect.gather [hbm4b:s3+s7], $0x10, s9, s7, $0xb8;
	[tilespmem:$0xAC00] =	vst v63  }
0x259: {  	s9 =	sld [smem:$0x7FC]  }
0x25a: {  	s31 =	sld [smem:$0x7FD]  }
0x25b: {  	[tilespmem:s4], [sflag:$0x1] =	stream.indirect.gather [hbm4b:s3+s7], $0x10, s1, s7, $0xb8;
	[tilespmem:$0xAC00] =	vst v63  }
0x25c: {  	_ = 	snop  }
0x25d: {  	[tilespmem:s31], [sflag:$0x1] =	stream.indirect.gather [hbm4b:s3+s7], $0x10, s9, s7, $0xb8;
	[tilespmem:$0xAC00] =	vst v63  }
0x25e: {  	s4 =	simm.s32 $0xB10  }
0x25f: {  	[tilespmem:s10], [sflag:$0x1] =	stream.indirect.gather [hbm4b:s3+s7], $0x10, s4, s7, $0xb8;
	[tilespmem:$0xAC00] =	vst v63  }
0x260: {  	_ = 	snop  }
0x261: {  	[tilespmem:s12], [sflag:$0x1] =	stream.indirect.gather [hbm4b:s3+s7], $0x10, s11, s7, $0xb8;
	[tilespmem:$0xAC00] =	vst v63  }
0x262: {  	_ = 	snop  }
0x263: {  	[tilespmem:s14], [sflag:$0x1] =	stream.indirect.gather [hbm4b:s3+s7], $0x10, s13, s7, $0xb8;
	[tilespmem:$0xAC00] =	vst v63  }
0x264: {  	_ = 	snop  }
0x265: {  	[tilespmem:s16], [sflag:$0x1] =	stream.indirect.gather [hbm4b:s3+s7], $0x10, s15, s7, $0xb8;
	[tilespmem:$0xAC00] =	vst v63  }
0x266: {  	_ = 	snop  }
0x267: {  	[tilespmem:s18], [sflag:$0x1] =	stream.indirect.gather [hbm4b:s3+s7], $0x10, s17, s7, $0xb8;
	[tilespmem:$0xAC00] =	vst v63  }
0x268: {  	_ = 	snop  }
0x269: {  	[tilespmem:s20], [sflag:$0x1] =	stream.indirect.gather [hbm4b:s3+s7], $0x10, s19, s7, $0xb8;
	[tilespmem:$0xAC00] =	vst v63  }
0x26a: {  	_ = 	snop  }
0x26b: {  	[tilespmem:s22], [sflag:$0x1] =	stream.indirect.gather [hbm4b:s3+s7], $0x10, s21, s7, $0xb8;
	[tilespmem:$0xAC00] =	vst v63  }
0x26c: {  	_ = 	snop  }
0x26d: {  	[tilespmem:s24], [sflag:$0x1] =	stream.indirect.gather [hbm4b:s3+s7], $0x10, s23, s7, $0xb8;
	[tilespmem:$0xAC00] =	vst v63  }
0x26e: {  	_ = 	snop  }
0x26f: {  	[tilespmem:s26], [sflag:$0x1] =	stream.indirect.gather [hbm4b:s3+s7], $0x10, s25, s7, $0xb8;
	[tilespmem:$0xAC00] =	vst v63  }
0x270: {  	_ = 	snop  }
0x271: {  	[tilespmem:s29], [sflag:$0x1] =	stream.indirect.gather [hbm4b:s3+s7], $0x10, s28, s7, $0xb8;
	[tilespmem:$0xAC00] =	vst v63  }
0x272: {  	_ =	swait.ge [sflag:s30], $0x140  }
0x273: {  	[sflag:s30] =	ssyncset.done $0x0  }
0x274: {  	[sflag:s30] =	ssyncadd.s32 $0xFFFFFEC0  }
0x275: {  	_ =	swait.ge [sflag:s30], $0x140  }
0x276: {  	[sflag:s30] =	ssyncset.done $0x0  }
0x277: {  	[sflag:s30] =	ssyncadd.s32 $0xFFFFFEC0  }
0x278: {  	_ =	swait.ge [sflag:s30], $0x140  }
0x279: {  	[sflag:s30] =	ssyncset.done $0x0  }
0x27a: {  	[sflag:s30] =	ssyncadd.s32 $0xFFFFFEC0  }
0x27b: {  	_ =	swait.ge [sflag:s30], $0x140  }
0x27c: {  	[sflag:s30] =	ssyncset.done $0x0  }
0x27d: {  	[sflag:s30] =	ssyncadd.s32 $0xFFFFFEC0  }
0x27e: {  	_ =	swait.ge [sflag:s30], $0x140  }
0x27f: {  	[sflag:s30] =	ssyncset.done $0x0  }
0x280: {  	[sflag:s30] =	ssyncadd.s32 $0xFFFFFEC0  }
0x281: {  	_ =	swait.ge [sflag:s30], $0x140  }
0x282: {  	[sflag:s30] =	ssyncset.done $0x0  }
0x283: {  	[sflag:s30] =	ssyncadd.s32 $0xFFFFFEC0  }
0x284: {  	_ =	swait.ge [sflag:s30], $0x140  }
0x285: {  	[sflag:s30] =	ssyncset.done $0x0  }
0x286: {  	[sflag:s30] =	ssyncadd.s32 $0xFFFFFEC0  }
0x287: {  	_ =	swait.ge [sflag:s30], $0x140  }
0x288: {  	[sflag:s30] =	ssyncset.done $0x0  }
0x289: {  	[sflag:s30] =	ssyncadd.s32 $0xFFFFFEC0  }
0x28a: {  	_ =	swait.ge [sflag:s30], $0x140  }
0x28b: {  	[sflag:s30] =	ssyncset.done $0x0  }
0x28c: {  	[sflag:s30] =	ssyncadd.s32 $0xFFFFFEC0  }
0x28d: {  	_ =	swait.ge [sflag:s30], $0x140  }
0x28e: {  	[sflag:s30] =	ssyncset.done $0x0  }
0x28f: {  	[sflag:s30] =	ssyncadd.s32 $0xFFFFFEC0  }
0x290: {  	_ =	swait.ge [sflag:s30], $0x140  }
0x291: {  	[sflag:s30] =	ssyncset.done $0x0  }
0x292: {  	[sflag:s30] =	ssyncadd.s32 $0xFFFFFEC0  }
0x293: {  	_ =	swait.ge [sflag:s30], $0x140  }
0x294: {  	[sflag:s30] =	ssyncset.done $0x0  }
0x295: {  	[sflag:s30] =	ssyncadd.s32 $0xFFFFFEC0  }
0x296: {  	_ =	swait.ge [sflag:s30], $0x140  }
0x297: {  	[sflag:s30] =	ssyncset.done $0x0  }
0x298: {  	[sflag:s30] =	ssyncadd.s32 $0xFFFFFEC0  }
0x299: {  	_ =	swait.ge [sflag:s30], $0x140  }
0x29a: {  	[sflag:s30] =	ssyncset.done $0x0  }
0x29b: {  	[sflag:s30] =	ssyncadd.s32 $0xFFFFFEC0  }
0x29c: {  	_ =	swait.ge [sflag:s30], $0x140  }
0x29d: {  	[sflag:s30] =	ssyncset.done $0x0  }
0x29e: {  	[sflag:s30] =	ssyncadd.s32 $0xFFFFFEC0  }
0x29f: {  	_ =	swait.ge [sflag:s30], $0x140  }
0x2a0: {  	[sflag:s30] =	ssyncset.done $0x0  }
0x2a1: {  	[sflag:s30] =	ssyncadd.s32 $0xFFFFFEC0  }
0x2a2: {  	_ =	swait.ge [sflag:s30], $0x140  }
0x2a3: {  	[sflag:s30] =	ssyncset.done $0x0  }
0x2a4: {  	[sflag:s30] =	ssyncadd.s32 $0xFFFFFEC0  }
0x2a5: {  	_ =	swait.ge [sflag:s30], $0x140  }
0x2a6: {  	[sflag:s30] =	ssyncset.done $0x0  }
0x2a7: {  	[sflag:s30] =	ssyncadd.s32 $0xFFFFFEC0  }
0x2a8: {  	_ =	swait.ge [sflag:s30], $0x140  }
0x2a9: {  	[sflag:s30] =	ssyncset.done $0x0  }
0x2aa: {  	[sflag:s30] =	ssyncadd.s32 $0xFFFFFEC0  }
0x2ab: {  	_ =	swait.ge [sflag:s30], $0x140  }
0x2ac: {  	[sflag:s30] =	ssyncset.done $0x0  }
0x2ad: {  	[sflag:s30] =	ssyncadd.s32 $0xFFFFFEC0  }
0x2ae: {  	_ =	swait.ge [sflag:s30], $0x140  }
0x2af: {  	[sflag:s30] =	ssyncset.done $0x0  }
0x2b0: {  	[sflag:s30] =	ssyncadd.s32 $0xFFFFFEC0  }
0x2b1: {  	_ =	swait.ge [sflag:s30], $0x140  }
0x2b2: {  	[sflag:s30] =	ssyncset.done $0x0  }
0x2b3: {  	[sflag:s30] =	ssyncadd.s32 $0xFFFFFEC0  }
0x2b4: {  	_ =	swait.ge [sflag:s30], $0x140  }
0x2b5: {  	[sflag:s30] =	ssyncset.done $0x0  }
0x2b6: {  	[sflag:s30] =	ssyncadd.s32 $0xFFFFFEC0  }
0x2b7: {  	_ =	swait.ge [sflag:s30], $0x140  }
0x2b8: {  	[sflag:s30] =	ssyncset.done $0x0  }
0x2b9: {  	[sflag:s30] =	ssyncadd.s32 $0xFFFFFEC0  }
0x2ba: {  	_ =	swait.ge [sflag:s30], $0x140  }
0x2bb: {  	[sflag:s30] =	ssyncset.done $0x0  }
0x2bc: {  	[sflag:s30] =	ssyncadd.s32 $0xFFFFFEC0  }
0x2bd: {  	_ =	swait.ge [sflag:s30], $0x140  }
0x2be: {  	[sflag:s30] =	ssyncset.done $0x0  }
0x2bf: {  	[sflag:s30] =	ssyncadd.s32 $0xFFFFFEC0  }
0x2c0: {  	_ =	swait.ge [sflag:s30], $0x140  }
0x2c1: {  	[sflag:s30] =	ssyncset.done $0x0  }
0x2c2: {  	[sflag:s30] =	ssyncadd.s32 $0xFFFFFEC0  }
0x2c3: {  	_ =	swait.ge [sflag:s30], $0x140  }
0x2c4: {  	[sflag:s30] =	ssyncset.done $0x0  }
0x2c5: {  	[sflag:s30] =	ssyncadd.s32 $0xFFFFFEC0  }
0x2c6: {  	_ =	swait.ge [sflag:s30], $0x140  }
0x2c7: {  	[sflag:s30] =	ssyncset.done $0x0  }
0x2c8: {  	[sflag:s30] =	ssyncadd.s32 $0xFFFFFEC0  }
0x2c9: {  	_ =	swait.ge [sflag:s30], $0x140  }
0x2ca: {  	[sflag:s30] =	ssyncset.done $0x0  }
0x2cb: {  	[sflag:s30] =	ssyncadd.s32 $0xFFFFFEC0  }
0x2cc: {  	_ =	swait.ge [sflag:s30], $0x140  }
0x2cd: {  	[sflag:s30] =	ssyncset.done $0x0  }
0x2ce: {  	[sflag:s30] =	ssyncadd.s32 $0xFFFFFEC0  }
0x2cf: {  	_ =	swait.ge [sflag:s30], $0x140  }
0x2d0: {  	[sflag:s30] =	ssyncset.done $0x0  }
0x2d1: {  	[sflag:s30] =	ssyncadd.s32 $0xFFFFFEC0  }
0x2d2: {  	_ =	swait.ge [sflag:s30], $0x140  }
0x2d3: {  	[sflag:s30] =	ssyncset.done $0x0  }
0x2d4: {  	[sflag:s30] =	ssyncadd.s32 $0xFFFFFEC0  }
0x2d5: {  	_ =	swait.ge [sflag:s30], $0x140  }
0x2d6: {  	[sflag:s30] =	ssyncset.done $0x0  }
0x2d7: {  	[sflag:s30] =	ssyncadd.s32 $0xFFFFFEC0  }
0x2d8: {  	_ =	swait.ge [sflag:s30], $0x140  }
0x2d9: {  	[sflag:s30] =	ssyncset.done $0x0  }
0x2da: {  	[sflag:s30] =	ssyncadd.s32 $0xFFFFFEC0  }
0x2db: {  	_ =	swait.ge [sflag:s30], $0x140  }
0x2dc: {  	[sflag:s30] =	ssyncset.done $0x0  }
0x2dd: {  	[sflag:s30] =	ssyncadd.s32 $0xFFFFFEC0  }
0x2de: {  	_ =	swait.ge [sflag:s30], $0x140  }
0x2df: {  	[sflag:s30] =	ssyncset.done $0x0  }
0x2e0: {  	[sflag:s30] =	ssyncadd.s32 $0xFFFFFEC0  }
0x2e1: {  	_ =	swait.ge [sflag:s30], $0x140  }
0x2e2: {  	[sflag:s30] =	ssyncset.done $0x0  }
0x2e3: {  	[sflag:s30] =	ssyncadd.s32 $0xFFFFFEC0  }
0x2e4: {  	_ =	swait.ge [sflag:s30], $0x140  }
0x2e5: {  	[sflag:s30] =	ssyncset.done $0x0  }
0x2e6: {  	[sflag:s30] =	ssyncadd.s32 $0xFFFFFEC0  }
0x2e7: {  	_ =	swait.ge [sflag:s30], $0x140  }
0x2e8: {  	[sflag:s30] =	ssyncset.done $0x0  }
0x2e9: {  	[sflag:s30] =	ssyncadd.s32 $0xFFFFFEC0  }
0x2ea: {  	_ =	swait.ge [sflag:s30], $0x140  }
0x2eb: {  	[sflag:s30] =	ssyncset.done $0x0  }
0x2ec: {  	[sflag:s30] =	ssyncadd.s32 $0xFFFFFEC0  }
0x2ed: {  	_ =	swait.ge [sflag:s30], $0x140  }
0x2ee: {  	[sflag:s30] =	ssyncset.done $0x0  }
0x2ef: {  	[sflag:s30] =	ssyncadd.s32 $0xFFFFFEC0  }
0x2f0: {  	_ =	swait.ge [sflag:s30], $0x140  }
0x2f1: {  	[sflag:s30] =	ssyncset.done $0x0  }
0x2f2: {  	[sflag:s30] =	ssyncadd.s32 $0xFFFFFEC0  }
0x2f3: {  	_ =	swait.ge [sflag:s30], $0x140  }
0x2f4: {  	[sflag:s30] =	ssyncset.done $0x0  }
0x2f5: {  	[sflag:s30] =	ssyncadd.s32 $0xFFFFFEC0  }
0x2f6: {  	_ =	swait.ge [sflag:s30], $0x140  }
0x2f7: {  	[sflag:s30] =	ssyncset.done $0x0  }
0x2f8: {  	[sflag:s30] =	ssyncadd.s32 $0xFFFFFEC0  }
0x2f9: {  	_ =	swait.ge [sflag:s30], $0x140  }
0x2fa: {  	[sflag:s30] =	ssyncset.done $0x0  }
0x2fb: {  	[sflag:s30] =	ssyncadd.s32 $0xFFFFFEC0  }
0x2fc: {  	_ =	swait.ge [sflag:s30], $0x140  }
0x2fd: {  	[sflag:s30] =	ssyncset.done $0x0  }
0x2fe: {  	[sflag:s30] =	ssyncadd.s32 $0xFFFFFEC0  }
0x2ff: {  	_ =	swait.ge [sflag:s30], $0x140  }
0x300: {  	[sflag:s30] =	ssyncset.done $0x0  }
0x301: {  	[sflag:s30] =	ssyncadd.s32 $0xFFFFFEC0  }
0x302: {  	_ =	swait.ge [sflag:s30], $0x140  }
0x303: {  	[sflag:s30] =	ssyncset.done $0x0  }
0x304: {  	[sflag:s30] =	ssyncadd.s32 $0xFFFFFEC0  }
0x305: {  	_ =	swait.ge [sflag:s30], $0x140  }
0x306: {  	[sflag:s30] =	ssyncset.done $0x0  }
0x307: {  	[sflag:s30] =	ssyncadd.s32 $0xFFFFFEC0  }
0x308: {  	_ =	swait.ge [sflag:s30], $0x140  }
0x309: {  	[sflag:s30] =	ssyncset.done $0x0  }
0x30a: {  	[sflag:s30] =	ssyncadd.s32 $0xFFFFFEC0  }
0x30b: {  	_ =	swait.ge [sflag:s30], $0x140  }
0x30c: {  	[sflag:s30] =	ssyncset.done $0x0  }
0x30d: {  	[sflag:s30] =	ssyncadd.s32 $0xFFFFFEC0  }
0x30e: {  	_ =	swait.ge [sflag:s30], $0x140  }
0x30f: {  	[sflag:s30] =	ssyncset.done $0x0  }
0x310: {  	[sflag:s30] =	ssyncadd.s32 $0xFFFFFEC0  }
0x311: {  	_ =	swait.ge [sflag:s30], $0x140  }
0x312: {  	[sflag:s30] =	ssyncset.done $0x0  }
0x313: {  	[sflag:s30] =	ssyncadd.s32 $0xFFFFFEC0  }
0x314: {  	_ =	swait.ge [sflag:s30], $0x140  }
0x315: {  	[sflag:s30] =	ssyncset.done $0x0  }
0x316: {  	[sflag:s30] =	ssyncadd.s32 $0xFFFFFEC0  }
0x317: {  	_ =	swait.ge [sflag:s30], $0x140  }
0x318: {  	[sflag:s30] =	ssyncset.done $0x0  }
0x319: {  	[sflag:s30] =	ssyncadd.s32 $0xFFFFFEC0  }
0x31a: {  	_ =	swait.ge [sflag:s30], $0x140  }
0x31b: {  	[sflag:s30] =	ssyncset.done $0x0  }
0x31c: {  	[sflag:s30] =	ssyncadd.s32 $0xFFFFFEC0  }
0x31d: {  	_ =	swait.ge [sflag:s30], $0x140  }
0x31e: {  	[sflag:s30] =	ssyncset.done $0x0  }
0x31f: {  	[sflag:s30] =	ssyncadd.s32 $0xFFFFFEC0  }
0x320: {  	_ =	swait.ge [sflag:s30], $0x140  }
0x321: {  	[sflag:s30] =	ssyncset.done $0x0  }
0x322: {  	[sflag:s30] =	ssyncadd.s32 $0xFFFFFEC0  }
0x323: {  	_ =	swait.ge [sflag:s30], $0x140  }
0x324: {  	[sflag:s30] =	ssyncset.done $0x0  }
0x325: {  	[sflag:s30] =	ssyncadd.s32 $0xFFFFFEC0  }
0x326: {  	_ =	swait.ge [sflag:s30], $0x140  }
0x327: {  	[sflag:s30] =	ssyncset.done $0x0  }
0x328: {  	[sflag:s30] =	ssyncadd.s32 $0xFFFFFEC0  }
0x329: {  	_ =	swait.ge [sflag:s30], $0x140  }
0x32a: {  	[sflag:s30] =	ssyncset.done $0x0  }
0x32b: {  	[sflag:s30] =	ssyncadd.s32 $0xFFFFFEC0  }
0x32c: {  	_ =	swait.ge [sflag:s30], $0x140  }
0x32d: {  	[sflag:s30] =	ssyncset.done $0x0  }
0x32e: {  	[sflag:s30] =	ssyncadd.s32 $0xFFFFFEC0  }
0x32f: {  	_ =	swait.ge [sflag:s30], $0x140  }
0x330: {  	[sflag:s30] =	ssyncset.done $0x0  }
0x331: {  	[sflag:s30] =	ssyncadd.s32 $0xFFFFFEC0  }
0x332: {  	_ =	swait.ge [sflag:s30], $0x140  }
0x333: {  	[sflag:s30] =	ssyncset.done $0x0  }
0x334: {  	[sflag:s30] =	ssyncadd.s32 $0xFFFFFEC0  }
0x335: {  	_ =	swait.ge [sflag:s30], $0x140  }
0x336: {  	[sflag:s30] =	ssyncset.done $0x0  }
0x337: {  	[sflag:s30] =	ssyncadd.s32 $0xFFFFFEC0  }
0x338: {  	_ =	swait.ge [sflag:s30], $0x140  }
0x339: {  	[sflag:s30] =	ssyncset.done $0x0  }
0x33a: {  	[sflag:s30] =	ssyncadd.s32 $0xFFFFFEC0  }
0x33b: {  	_ =	swait.ge [sflag:s30], $0x140  }
0x33c: {  	[sflag:s30] =	ssyncset.done $0x0  }
0x33d: {  	[sflag:s30] =	ssyncadd.s32 $0xFFFFFEC0  }
0x33e: {  	_ =	swait.ge [sflag:s30], $0x140  }
0x33f: {  	[sflag:s30] =	ssyncset.done $0x0  }
0x340: {  	[sflag:s30] =	ssyncadd.s32 $0xFFFFFEC0  }
0x341: {  	_ =	swait.ge [sflag:s30], $0x140  }
0x342: {  	[sflag:s30] =	ssyncset.done $0x0  }
0x343: {  	[sflag:s30] =	ssyncadd.s32 $0xFFFFFEC0  }
0x344: {  	_ =	swait.ge [sflag:s30], $0x140  }
0x345: {  	[sflag:s30] =	ssyncset.done $0x0  }
0x346: {  	[sflag:s30] =	ssyncadd.s32 $0xFFFFFEC0  }
0x347: {  	_ =	swait.ge [sflag:s30], $0x140  }
0x348: {  	[sflag:s30] =	ssyncset.done $0x0  }
0x349: {  	[sflag:s30] =	ssyncadd.s32 $0xFFFFFEC0  }
0x34a: {  	_ =	swait.ge [sflag:s30], $0x140  }
0x34b: {  	[sflag:s30] =	ssyncset.done $0x0  }
0x34c: {  	[sflag:s30] =	ssyncadd.s32 $0xFFFFFEC0  }
0x34d: {  	_ =	swait.ge [sflag:s30], $0x140  }
0x34e: {  	[sflag:s30] =	ssyncset.done $0x0  }
0x34f: {  	[sflag:s30] =	ssyncadd.s32 $0xFFFFFEC0  }
0x350: {  	_ =	swait.ge [sflag:s30], $0x140  }
0x351: {  	[sflag:s30] =	ssyncset.done $0x0  }
0x352: {  	[sflag:s30] =	ssyncadd.s32 $0xFFFFFEC0  }
0x353: {  	_ =	swait.ge [sflag:s30], $0x140  }
0x354: {  	[sflag:s30] =	ssyncset.done $0x0  }
0x355: {  	[sflag:s30] =	ssyncadd.s32 $0xFFFFFEC0  }
0x356: {  	_ =	swait.ge [sflag:s30], $0x140  }
0x357: {  	[sflag:s30] =	ssyncset.done $0x0  }
0x358: {  	[sflag:s30] =	ssyncadd.s32 $0xFFFFFEC0  }
0x359: {  	_ =	swait.ge [sflag:s30], $0x140  }
0x35a: {  	[sflag:s30] =	ssyncset.done $0x0  }
0x35b: {  	[sflag:s30] =	ssyncadd.s32 $0xFFFFFEC0  }
0x35c: {  	_ =	swait.ge [sflag:s30], $0x140  }
0x35d: {  	[sflag:s30] =	ssyncset.done $0x0  }
0x35e: {  	[sflag:s30] =	ssyncadd.s32 $0xFFFFFEC0  }
0x35f: {  	_ =	swait.ge [sflag:s30], $0x140  }
0x360: {  	[sflag:s30] =	ssyncset.done $0x0  }
0x361: {  	[sflag:s30] =	ssyncadd.s32 $0xFFFFFEC0  }
0x362: {  	_ =	swait.ge [sflag:s30], $0x140  }
0x363: {  	[sflag:s30] =	ssyncset.done $0x0  }
0x364: {  	[sflag:s30] =	ssyncadd.s32 $0xFFFFFEC0  }
0x365: {  	_ =	swait.ge [sflag:s30], $0x140  }
0x366: {  	[sflag:s30] =	ssyncset.done $0x0  }
0x367: {  	[sflag:s30] =	ssyncadd.s32 $0xFFFFFEC0  }
0x368: {  	_ =	swait.ge [sflag:s30], $0x140  }
0x369: {  	[sflag:s30] =	ssyncset.done $0x0  }
0x36a: {  	[sflag:s30] =	ssyncadd.s32 $0xFFFFFEC0  }
0x36b: {  	_ =	swait.ge [sflag:s30], $0x140  }
0x36c: {  	[sflag:s30] =	ssyncset.done $0x0  }
0x36d: {  	[sflag:s30] =	ssyncadd.s32 $0xFFFFFEC0  }
0x36e: {  	_ =	swait.ge [sflag:s30], $0x140  }
0x36f: {  	[sflag:s30] =	ssyncset.done $0x0  }
0x370: {  	[sflag:s30] =	ssyncadd.s32 $0xFFFFFEC0  }
0x371: {  	_ =	swait.ge [sflag:s30], $0x140  }
0x372: {  	[sflag:s30] =	ssyncset.done $0x0  }
0x373: {  	[sflag:s30] =	ssyncadd.s32 $0xFFFFFEC0  }
0x374: {  	_ =	swait.ge [sflag:s30], $0x140  }
0x375: {  	[sflag:s30] =	ssyncset.done $0x0  }
0x376: {  	[sflag:s30] =	ssyncadd.s32 $0xFFFFFEC0  }
0x377: {  	_ =	swait.ge [sflag:s30], $0x140  }
0x378: {  	[sflag:s30] =	ssyncset.done $0x0  }
0x379: {  	[sflag:s30] =	ssyncadd.s32 $0xFFFFFEC0  }
0x37a: {  	_ =	swait.ge [sflag:s30], $0x140  }
0x37b: {  	[sflag:s30] =	ssyncset.done $0x0  }
0x37c: {  	[sflag:s30] =	ssyncadd.s32 $0xFFFFFEC0  }
0x37d: {  	_ =	swait.ge [sflag:s30], $0x140  }
0x37e: {  	[sflag:s30] =	ssyncset.done $0x0  }
0x37f: {  	[sflag:s30] =	ssyncadd.s32 $0xFFFFFEC0  }
0x380: {  	_ =	swait.ge [sflag:s30], $0x140  }
0x381: {  	[sflag:s30] =	ssyncset.done $0x0  }
0x382: {  	[sflag:s30] =	ssyncadd.s32 $0xFFFFFEC0  }
0x383: {  	_ =	swait.ge [sflag:s30], $0x140  }
0x384: {  	[sflag:s30] =	ssyncset.done $0x0  }
0x385: {  	[sflag:s30] =	ssyncadd.s32 $0xFFFFFEC0  }
0x386: {  	_ =	swait.ge [sflag:s30], $0x140  }
0x387: {  	[sflag:s30] =	ssyncset.done $0x0  }
0x388: {  	[sflag:s30] =	ssyncadd.s32 $0xFFFFFEC0  }
0x389: {  	_ =	swait.ge [sflag:s30], $0x140  }
0x38a: {  	[sflag:s30] =	ssyncset.done $0x0  }
0x38b: {  	[sflag:s30] =	ssyncadd.s32 $0xFFFFFEC0  }
0x38c: {  	_ =	swait.ge [sflag:s30], $0x140  }
0x38d: {  	[sflag:s30] =	ssyncset.done $0x0  }
0x38e: {  	[sflag:s30] =	ssyncadd.s32 $0xFFFFFEC0  }
0x38f: {  	_ =	swait.ge [sflag:s30], $0x140  }
0x390: {  	[sflag:s30] =	ssyncset.done $0x0  }
0x391: {  	[sflag:s30] =	ssyncadd.s32 $0xFFFFFEC0  }
0x392: {  	_ =	swait.ge [sflag:s30], $0x140  }
0x393: {  	[sflag:s30] =	ssyncset.done $0x0  }
0x394: {  	[sflag:s30] =	ssyncadd.s32 $0xFFFFFEC0  }
0x395: {  	_ =	swait.ge [sflag:s30], $0x140  }
0x396: {  	[sflag:s30] =	ssyncset.done $0x0  }
0x397: {  	[sflag:s30] =	ssyncadd.s32 $0xFFFFFEC0  }
0x398: {  	_ =	swait.ge [sflag:s30], $0x140  }
0x399: {  	[sflag:s30] =	ssyncset.done $0x0  }
0x39a: {  	[sflag:s30] =	ssyncadd.s32 $0xFFFFFEC0  }
0x39b: {  	_ =	swait.ge [sflag:s30], $0x140  }
0x39c: {  	[sflag:s30] =	ssyncset.done $0x0  }
0x39d: {  	[sflag:s30] =	ssyncadd.s32 $0xFFFFFEC0  }
0x39e: {  	_ =	swait.ge [sflag:s30], $0x140  }
0x39f: {  	[sflag:s30] =	ssyncset.done $0x0  }
0x3a0: {  	[sflag:s30] =	ssyncadd.s32 $0xFFFFFEC0  }
0x3a1: {  	_ =	swait.ge [sflag:s30], $0x140  }
0x3a2: {  	[sflag:s30] =	ssyncset.done $0x0  }
0x3a3: {  	[sflag:s30] =	ssyncadd.s32 $0xFFFFFEC0  }
0x3a4: {  	_ =	swait.ge [sflag:s30], $0x140  }
0x3a5: {  	[sflag:s30] =	ssyncset.done $0x0  }
0x3a6: {  	[sflag:s30] =	ssyncadd.s32 $0xFFFFFEC0  }
0x3a7: {  	_ =	swait.ge [sflag:s30], $0x140  }
0x3a8: {  	[sflag:s30] =	ssyncset.done $0x0  }
0x3a9: {  	[sflag:s30] =	ssyncadd.s32 $0xFFFFFEC0  }
0x3aa: {  	_ =	swait.ge [sflag:s30], $0x140  }
0x3ab: {  	[sflag:s30] =	ssyncset.done $0x0  }
0x3ac: {  	[sflag:s30] =	ssyncadd.s32 $0xFFFFFEC0  }
0x3ad: {  	_ =	swait.ge [sflag:s30], $0x140  }
0x3ae: {  	[sflag:s30] =	ssyncset.done $0x0  }
0x3af: {  	[sflag:s30] =	ssyncadd.s32 $0xFFFFFEC0  }
0x3b0: {  	_ =	swait.ge [sflag:s30], $0x140  }
0x3b1: {  	[sflag:s30] =	ssyncset.done $0x0  }
0x3b2: {  	[sflag:s30] =	ssyncadd.s32 $0xFFFFFEC0  }
0x3b3: {  	_ =	swait.ge [sflag:s30], $0x140  }
0x3b4: {  	[sflag:s30] =	ssyncset.done $0x0  }
0x3b5: {  	[sflag:s30] =	ssyncadd.s32 $0xFFFFFEC0  }
0x3b6: {  	_ =	swait.ge [sflag:s30], $0x140  }
0x3b7: {  	[sflag:s30] =	ssyncset.done $0x0  }
0x3b8: {  	[sflag:s30] =	ssyncadd.s32 $0xFFFFFEC0  }
0x3b9: {  	_ =	swait.ge [sflag:s30], $0x140  }
0x3ba: {  	[sflag:s30] =	ssyncset.done $0x0  }
0x3bb: {  	[sflag:s30] =	ssyncadd.s32 $0xFFFFFEC0  }
0x3bc: {  	_ =	swait.ge [sflag:s30], $0x140  }
0x3bd: {  	[sflag:s30] =	ssyncset.done $0x0  }
0x3be: {  	[sflag:s30] =	ssyncadd.s32 $0xFFFFFEC0  }
0x3bf: {  	_ =	swait.ge [sflag:s30], $0x140  }
0x3c0: {  	[sflag:s30] =	ssyncset.done $0x0  }
0x3c1: {  	[sflag:s30] =	ssyncadd.s32 $0xFFFFFEC0  }
0x3c2: {  	_ =	swait.ge [sflag:s30], $0x140  }
0x3c3: {  	[sflag:s30] =	ssyncset.done $0x0  }
0x3c4: {  	[sflag:s30] =	ssyncadd.s32 $0xFFFFFEC0  }
0x3c5: {  	_ =	swait.ge [sflag:s30], $0x140  }
0x3c6: {  	[sflag:s30] =	ssyncset.done $0x0  }
0x3c7: {  	[sflag:s30] =	ssyncadd.s32 $0xFFFFFEC0  }
0x3c8: {  	_ =	swait.ge [sflag:s30], $0x140  }
0x3c9: {  	[sflag:s30] =	ssyncset.done $0x0  }
0x3ca: {  	[sflag:s30] =	ssyncadd.s32 $0xFFFFFEC0  }
0x3cb: {  	_ =	swait.ge [sflag:s30], $0x140  }
0x3cc: {  	[sflag:s30] =	ssyncset.done $0x0  }
0x3cd: {  	[sflag:s30] =	ssyncadd.s32 $0xFFFFFEC0  }
0x3ce: {  	_ =	swait.ge [sflag:s30], $0x140  }
0x3cf: {  	[sflag:s30] =	ssyncset.done $0x0  }
0x3d0: {  	[sflag:s30] =	ssyncadd.s32 $0xFFFFFEC0  }
0x3d1: {  	_ =	swait.ge [sflag:s30], $0x140  }
0x3d2: {  	[sflag:s30] =	ssyncset.done $0x0  }
0x3d3: {  	[sflag:s30] =	ssyncadd.s32 $0xFFFFFEC0  }
0x3d4: {  	_ =	swait.ge [sflag:s30], $0x140  }
0x3d5: {  	[sflag:s30] =	ssyncset.done $0x0  }
0x3d6: {  	[sflag:s30] =	ssyncadd.s32 $0xFFFFFEC0  }
0x3d7: {  	_ =	swait.ge [sflag:s30], $0x140  }
0x3d8: {  	[sflag:s30] =	ssyncset.done $0x0  }
0x3d9: {  	[sflag:s30] =	ssyncadd.s32 $0xFFFFFEC0  }
0x3da: {  	_ =	swait.ge [sflag:s30], $0x140  }
0x3db: {  	[sflag:s30] =	ssyncset.done $0x0  }
0x3dc: {  	[sflag:s30] =	ssyncadd.s32 $0xFFFFFEC0  }
0x3dd: {  	_ =	swait.ge [sflag:s30], $0x140  }
0x3de: {  	[sflag:s30] =	ssyncset.done $0x0  }
0x3df: {  	[sflag:s30] =	ssyncadd.s32 $0xFFFFFEC0  }
0x3e0: {  	_ =	swait.ge [sflag:s30], $0x140  }
0x3e1: {  	[sflag:s30] =	ssyncset.done $0x0  }
0x3e2: {  	[sflag:s30] =	ssyncadd.s32 $0xFFFFFEC0  }
0x3e3: {  	_ =	swait.ge [sflag:s30], $0x140  }
0x3e4: {  	[sflag:s30] =	ssyncset.done $0x0  }
0x3e5: {  	[sflag:s30] =	ssyncadd.s32 $0xFFFFFEC0  }
0x3e6: {  	_ =	swait.ge [sflag:s30], $0x140  }
0x3e7: {  	[sflag:s30] =	ssyncset.done $0x0  }
0x3e8: {  	[sflag:s30] =	ssyncadd.s32 $0xFFFFFEC0  }
0x3e9: {  	_ =	swait.ge [sflag:s30], $0x140  }
0x3ea: {  	[sflag:s30] =	ssyncset.done $0x0  }
0x3eb: {  	[sflag:s30] =	ssyncadd.s32 $0xFFFFFEC0  }
0x3ec: {  	_ =	swait.ge [sflag:s30], $0x140  }
0x3ed: {  	[sflag:s30] =	ssyncset.done $0x0  }
0x3ee: {  	[sflag:s30] =	ssyncadd.s32 $0xFFFFFEC0  }
0x3ef: {  	_ =	swait.ge [sflag:s30], $0x140  }
0x3f0: {  	p0 =	sne.s32 s0, $0x480;
	[sflag:s30] =	ssyncset.done $0x0  }
.Ltmp0:
0x3f1: {  	[sflag:s30] =	ssyncadd.s32 $0xFFFFFEC0;
	(pc) =	sbr.rel @p0 .LBB2_2-.Ltmp0, $4  }
0x3f2: {  	[hbm4b:s5+s2] =	stream.linear.scatter [tilespmem:s8], [sflag:$0x2], $0xA000, $0x38;
	[tilespmem:$0xAC00] =	vst v63  }
0x3f3: {  	_ =	swait.ge [sflag:s6], $0xA000  }
0x3f4: {  	[sflag:s6] =	ssyncset.done $0x0  }
0x3f5: {  	s0 =	sadd.s32 $0x180, s0;
	s5 =	sadd.s32 $0x1400, s5;
	[sflag:s6] =	ssyncadd.s32 $0xFFFF6000  }
0x3f6: {  	s1 =	sld [smem:$0x72D]  }
0x3f7: {  	s0 =	sld [smem:$0x7F4];
	_ =	sdelay $0x1  }
0x3f8: {  	s1 =	sadd.s32 $0x1, s1  }
0x3f9: {  	p0 =	sne.s32 s1, s0  }
.Ltmp1:
0x3fa: {  	_ = 	snop;
	(pc) =	sbr.rel @p0 .LBB2_1-.Ltmp1, $1  }
0x3fb: {  	_ =	sdelay $0x3  }
0x3fc: {  	_ =	sfence.sel $0x180000  }
0x3fd: {  	[bflag:$0x0] =	sbarrier.arrive $0xFFFF  }
0x3fe: {  	_ =	strace $0x9000004A  }
0x3ff: {  	s0 =	stileid.u32;
	[bflag:$0x2] =	sbarrier.arrive $0xFFFF  }
0x400: {  	p0 =	sne.s32 s0, $0x0;
	s0 =	rddreg [dreg:$0x2]  }
0x401: {  	s0 =	sadd.s32 @!p0 $0x100000, s0  }
0x402: {  	[sflag:s0] =	ssyncadd.tile.s32 @!p0 $0x1;
	_ =	shalt  }
.Lfunc_end2:
_tile_overlayer_lowered:
.L_overlay_start_2:
0x403: {  	(tag) =	ssettag $0x2  }
0x404: {  	s0 =	rddreg [dreg:$0x0];
	s2 =	stileid.u32  }
0x405: {  	s1 =	rddreg [dreg:$0x1];
	p0 =	sne.s32 s2, $0x0  }
0x406: {  	s3 =	rddreg [dreg:$0x2];
	[bflag:$0x3] =	sbarrier.arrive $0xFFFF;
	s2 =	simm.s32 @!p0 $0x1C02  }
0x407: {  	[timem:s3], [sflag:s2] =	dma.local @!p0 [hbm:s0], s1  }
0x408: {  	s0 =	simm.s32 @!p0 $0x2  }
0x409: {  	_ =	swait.ge @!p0 [sflag:s0], s1  }
0x40a: {  	s1 =	ssub.s32 @!p0 $0x0, s1;
	[sflag:s0] =	ssyncset.done @!p0 $0x0  }
0x40b: {  	[sflag:s0] =	ssyncadd.s32 @!p0 s1  }
0x40c: {  	[bflag:$0x3] =	sbarrier.arrive $0xFFFF  }
0x40d: {  	_ =	shalt  }

// kernel: sparse-core-data-format-call.cloned.1.call-start
scs
called_computation_lowered:
.L_overlay_start_0:
0x0: {  	s1 =	sld [smem:$0x3FD9]  }
0x1: {  	s2 =	sld [smem:$0x3FFE];
	_ =	sdelay $0x1  }
0x2: {  	s3 =	srdreg.scid  }
0x3: {  	s0 =	sand.u32 $0x1, s3  }
0x4: {  	s17 =	sshll.u32 s0, $0xA;
	s1 =	sadd.s32 s2, s1  }
0x5: {  	s1 =	sadd.s32 s1, s17  }
0x6: {  	[smem:$0x3FC5] =	sst s1  }
0x7: {  	_ = 	snop  }
0x8: {  	(tm) =	ssettm $0x1  }
0x9: {  	s18 =	sld [smem:$0x3FFB];
	_ =	sdelay $0x3  }
0xa: {  	_ =	strace s18  }
0xb: {  	s1 =	sld [smem:$0x3FFC];
	_ =	sdelay $0x3  }
0xc: {  	_ =	strace s1  }
0xd: {  	s1 =	sld [smem:$0x3FFD];
	_ =	sdelay $0x3  }
0xe: {  	_ =	strace s1  }
0xf: {  	_ =	strace $0x8FFFFFFF  }
0x10: {  	s19 =	sld [smem:$0x3FDB];
	_ =	sdelay $0x1  }
0x11: {  	s20 =	simm.s32 $_scs_section_size  }
0x12: {  	s4 =	simm.s32 $_size__tile_overlayer_lowered;
	s5 =	simm.s32 $_tile_overlayer_lowered  }
0x13: {  	s23 =	simm.s32 $0x1BFF;
	s22 =	sshll.u32 s5, $0x1;
	s1 =	sadd.s32 s20, s19  }
0x14: {  	s6 =	simm.s32 $0x0;
	s21 =	sshll.u32 s4, $0x1;
	s4 =	sadd.s32 s22, s1  }
0x15: {  	[timem:s6], [sflag:s23] =	dma.local [hbm:s4], s21  }
0x16: {  	_ =	swait.ge [sflag:s23], s21  }
0x17: {  	s2 =	ssub.s32 $0x0, s21;
	[sflag:s23] =	ssyncset.done $0x0  }
0x18: {  	[sflag:s23] =	ssyncadd.s32 s2;
	_ =	sdelay $0x1  }
0x19: {  	s24 =	simm.s32 $0x1B8B  }
0x1a: {  	_ =	swait.ge [sflag:s24], $0x1  }
0x1b: {  	[sflag:s24] =	ssyncset.done $0x0  }
0x1c: {  	s26 =	simm.s32 $0x1B8E;
	s25 =	sld [smem:$0x3FFE];
	[sflag:s24] =	ssyncadd.s32 $0xFFFFFFFF  }
0x1d: {  	s27 =	simm.s32 $execute0_lowered;
	[smem:$0x3FD2] =	sst s26  }
0x1e: {  	s4 =	sshll.u32 s27, $0x1;
	_ =	strace $0x80000046;
	[dreg:$0x1] =	wrdreg $0xFFFFFFFF  }
0x1f: {  	s28 =	simm.s32 $_size_execute0_lowered;
	s1 =	sadd.s32 s1, s4;
	[dreg:$0x0] =	wrdreg $0x0  }
0x20: {  	s4 =	sshll.u32 s28, $0x1;
	[dreg:$0x2] =	wrdreg s1  }
0x21: {  	[dreg:$0x3] =	wrdreg s4  }
0x22: {  	[dreg:$0x4] =	wrdreg $0xC0  }
0x23: {  	_ =	task [dreg:s6], $0x5FFFF  }
0x24: {  	[dreg:$0x1] =	wrdreg $0xFFFFFFFF  }
0x25: {  	[dreg:$0x0] =	wrdreg $0x60  }
0x26: {  	[dreg:$0x2] =	wrdreg s25  }
0x27: {  	[dreg:$0x3] =	wrdreg $0x9  }
0x28: {  	_ =	task.clear_ibuf [dreg:s6], $0x4FFFF;
	_ =	strace $0x90000046  }
0x29: {  	s29 =	simm.s32 $0x9;
	_ =	strace $0x80000048  }
0x2a: {  	_ =	swait.ge [sflag:s29], $0x1  }
0x2b: {  	[sflag:s29] =	ssyncadd.s32 $0xFFFFFFFF  }
0x2c: {  	_ =	strace $0x90000048  }
0x2d: {  	_ =	sfence  }
0x2e: {  	s30 =	sld [smem:$0x0];
	_ =	sdelay $0x2  }
0x2f: {  	s31 =	sshll.u32 s3, $0xD;
	s3 =	sshrl.u32 s3, $0x2  }
0x30: {  	s2 =	sand.u32 $0x4000, s31;
	s1 =	sadd.s32 s3, s30  }
0x31: {  	s0 =	sor.u32 s2, s0;
	s1 =	sshll.u32 s1, $0x11  }
0x32: {  	s0 =	sor.u32 s1, s0  }
0x33: {  	s0 =	sadd.s32 $0x8F2B, s0  }
0x34: {  	[sflag:s0] =	ssyncadd.remote.s32 $0x1  }
0x35: {  	_ =	sfence.sel $0xFFFF  }
0x36: {  	[dreg:$0x0] =	wrdreg $0xFFFFFFFF;
	(pc) =	sbr.abs _section_cstart, $3  }
0x37: {  	[dreg:$0x1] =	wrdreg $0xFFFFFFFF  }
0x38: {  	_ =	task.clear_ibuf [dreg:s6], $0x2FFFF;
	_ =	strace $0x9FFFFFFF  }
0x39: {  	(tm) =	ssettm $0x7FFFFFFF  }
tec
execute0_lowered:
.L_overlay_start_1:
0x0: {  	(tag) =	ssettag $0x1  }
0x1: {  	s0 =	srdreg.scid  }
0x2: {  	s4 =	rddreg [dreg:$0x0];
	s1 =	stileid.u32  }
0x3: {  	s5 =	simm.s32 $0x1;
	s7 =	simm.s32 $0x2;
	s0 =	sshll.u32 s0, $0x4  }
0x4: {  	s8 =	simm.s32 $0x0;
	s12 =	simm.s32 $0x0;
	s2 =	sand.u32 $0x10, s0  }
.Ltmp0:
0x5: {  	s10 =	simm.s32 $0x0;
	s3 =	sor.u32 s1, s2;
	(pc) =	sbr.rel .LBB1_1-.Ltmp0, $4  }
0x6: {  	s11 =	simm.s32 $0x0;
	s0 =	rddreg [dreg:$0x1];
	s3 =	sshll.u32 s3, $0x3  }
0x7: {  	_ =	strace $0x80000047;
	s2 =	sadd.s32 $0xC00, s4;
	s6 =	ssub.s32 $0x3D08, s3  }
0x8: {  	s4 =	sadd.s32 $0x1E9200, s4;
	[sflag:s5] =	ssyncpa.u1 $0x0;
	s6 =	sshrl.u32 s6, $0x8  }
0x9: {  	[sflag:s7] =	ssyncpa.u1 $0x0;
	s9 =	smov.u32 s3;
	s7 =	sor.u32 $0x2, s6  }
.LBB1_9:
0xa: {  	s14 =	sshll.u32 s10, $0x7  }
0xb: {  	s14 =	sadd.s32 s4, s14  }
0xc: {  	[hbm4b:s14+s8] =	stream.linear.scatter [tilespmem:s15], [sflag:$0x2], s13, $0x38;
	[tilespmem:$0x8000] =	vst v63  }
.LBB1_10:
0xd: {  	p0 =	slt.u32 s11, $0x2  }
0xe: {  	p1 =	sgt.s32 @!p0 s12, $0x3D01  }
0xf: {  	s13 =	smov.u32 s12;
	s14 =	sshra.s32 @!p0 s12, $0x1F;
	p1 =	por !p1, p0  }
0x10: {  	s12 =	sand.u32 @!p0 s14, s12;
	s13 =	simm.s32 @p1 $0x3D01  }
0x11: {  	s12 =	ssub.s32 @!p0 s13, s12  }
0x12: {  	s12 =	sadd.s32 @!p0 $0xFFFFC2FF, s12  }
0x13: {  	s13 =	sshll.u32 @!p0 s12, $0xC  }
0x14: {  	p1 =	sgt.s32 @!p0 s12, $0x7;
	s12 =	ssub.s32 @!p0 $0x8000, s13  }
0x15: {  	s14 =	sadd.s32 $0x100, s9;
	p1 =	por !p1, p0;
	s12 =	sshrl.u32 @!p0 s12, $0x2  }
0x16: {  	s12 =	simm.s32 @!p1 $0x0;
	p1 =	sgt.s32 s14, $0x3D08  }
0x17: {  	s14 =	smov.u32 @p1 s3;
	p1 =	sne.s32 s11, s7  }
.Ltmp1:
0x18: {  	_ = 	snop;
	(pc) =	sbr.rel @!p1 .LBB1_11-.Ltmp1, $4  }
0x19: {  	s13 =	simm.s32 @!p0 $0x2  }
0x1a: {  	_ =	swait.ge @!p0 [sflag:s13], s12;
	s15 =	ssub.s32 @!p0 $0x0, s12  }
0x1b: {  	s12 =	smov.u32 s10;
	s11 =	sadd.s32 $0x1, s11;
	[sflag:s13] =	ssyncset.done @!p0 $0x0  }
0x1c: {  	s10 =	smov.u32 s9;
	s9 =	smov.u32 s14;
	[sflag:s13] =	ssyncadd.s32 @!p0 s15  }
.LBB1_1:
0x1d: {  	p0 =	sgt.u32 s11, s6  }
0x1e: {  	p1 =	sgt.s32 @!p0 s9, $0x3D01  }
0x1f: {  	s13 =	smov.u32 s9;
	s14 =	sshra.s32 @!p0 s9, $0x1F;
	p1 =	por !p1, p0  }
0x20: {  	s14 =	sand.u32 @!p0 s14, s9;
	s13 =	simm.s32 @p1 $0x3D01  }
0x21: {  	s13 =	ssub.s32 @!p0 s13, s14  }
0x22: {  	s13 =	sadd.s32 @!p0 $0xFFFFC2FF, s13  }
0x23: {  	s15 =	sshll.u32 @!p0 s9, $0x7;
	s16 =	simm.s32 @!p0 $0x0;
	s14 =	sshll.u32 @!p0 s13, $0xC  }
0x24: {  	p1 =	sgt.s32 @!p0 s13, $0x7;
	s13 =	ssub.s32 @!p0 $0x8000, s14;
	s14 =	sxor.u32 @!p0 $0xFFFFFFFF, s11  }
0x25: {  	p1 =	por !p1, p0;
	s13 =	sshrl.u32 @!p0 s13, $0x2;
	s14 =	sshll.u32 @!p0 s14, $0xD  }
0x26: {  	s15 =	sadd.s32 @!p0 s2, s15;
	s13 =	simm.s32 @!p1 $0x0;
	s14 =	sand.u32 @!p0 $0x2000, s14  }
0x27: {  	[tilespmem:s14], [sflag:$0x1] =	stream.linear.gather @!p0 [hbm4b:s15+s16], s13, $0x38;
	[tilespmem:$0x8000] =	vst v63  }
0x28: {  	p0 =	seq.s32 s11, $0x0  }
0x29: {  	p1 =	sge.u32 @!p0 s11, s7  }
0x2a: {  	p0 =	por p0, p1  }
.Ltmp2:
0x2b: {  	_ = 	snop;
	(pc) =	sbr.rel @p0 .LBB1_10-.Ltmp2, $1  }
0x2c: {  	_ =	sdelay $0x3  }
0x2d: {  	p0 =	sgt.s32 s10, $0x3D01;
	s13 =	smov.u32 s10;
	s14 =	sshra.s32 s10, $0x1F  }
0x2e: {  	s13 =	simm.s32 @!p0 $0x3D01;
	s14 =	sand.u32 s14, s10  }
0x2f: {  	s13 =	ssub.s32 s13, s14  }
0x30: {  	s13 =	sadd.s32 $0xFFFFC2FF, s13  }
0x31: {  	s31 =	sshll.u32 s13, $0xC  }
0x32: {  	s14 =	ssub.s32 $0x8000, s31  }
0x33: {  	p0 =	sgt.s32 s13, $0x7;
	s13 =	sshrl.u32 s14, $0x2;
	s14 =	sadd.s32 $0x8, s10  }
0x34: {  	s13 =	simm.s32 @p0 $0x0;
	p0 =	slt.s32 s14, $0x3D09  }
0x35: {  	s14 =	simm.s32 @!p0 $0x3D09  }
0x36: {  	s14 =	ssub.s32 s14, s10  }
0x37: {  	p0 =	slt.s32 s14, $0x1  }
.Ltmp3:
0x38: {  	_ = 	snop;
	(pc) =	sbr.rel @p0 .LBB1_9-.Ltmp3, $4  }
0x39: {  	s16 =	sshll.u32 s11, $0xF  }
0x3a: {  	s16 =	sand.u32 $0x8000, s16;
	_ =	swait.ge [sflag:s5], s13  }
0x3b: {  	s16 =	sshrl.u32 s16, $0x2;
	s15 =	ssub.s32 $0x0, s13;
	[sflag:s5] =	ssyncset.done $0x0  }
0x3c: {  	[sflag:s5] =	ssyncadd.s32 s15;
	s15 =	sor.u32 $0x4000, s16  }
0x3d: {  	s17 =	simm.s32 $0x0  }
.LBB1_4:
0x3e: {  	s18 =	sshll.u32 s17, $0xC  }
0x3f: {  	s18 =	sshra.s32 s18, $0x2  }
0x40: {  	s19 =	sadd.s32 s18, s16  }
0x41: {  	s20 =	sadd.s32 $0x100, s19;
	v0 =	vmov s19  }
0x42: {  	s21 =	sadd.s32 $0x200, s19;
	v1 =	vmov s20  }
0x43: {  	s22 =	sadd.s32 $0x300, s19;
	v2 =	vmov s21  }
0x44: {  	p1 =	por $0x1, $0x1;
	s18 =	sadd.s32 s18, s15;
	v3 =	vmov s22;
	s20 =	simm.s32 $0x0  }
.LBB1_5:
0x45: {  	s19 =	sshll.u32 s20, $0x7  }
0x46: {  	s21 =	sand.u32 $0x3FFFFF80, s19  }
0x47: {  	p0 =	por p1, p1;
	s21 =	sadd.s32 s21, s18  }
0x48: {  	s22 =	sadd.s32 $0x80, s21;
	s23 =	sadd.s32 $0x100, s21;
	s24 =	sadd.s32 $0x180, s21;
	v4 =	vmov s21  }
0x49: {  	s20 =	sshll.u32 s20, $0x5;
	p1 =	por $0x1, $0x1;
	s21 =	simm.s32 $0x0;
	v5 =	vmov s22;
	v6 =	vmov s23;
	v7 =	vmov s24  }
.LBB1_6:
0x4a: {  	s22 =	sor.u32 s20, s21  }
0x4b: {  	v8 =	vld.idx.msk [tilespmem:v0+s22+$0x0 ss:$0x1], $0xffff  }
0x4c: {  	v9 =	vld.idx.msk [tilespmem:v1+s22+$0x0 ss:$0x1], $0xffff  }
0x4d: {  	v10 =	vld.idx.msk [tilespmem:v2+s22+$0x0 ss:$0x1], $0xffff;
	_ =	sdelay $0x1  }
0x4e: {  	v13 =	vld.idx.msk [tilespmem:v3+s22+$0x0 ss:$0x1], $0xffff  }
0x4f: {  	v24 =	vld.idx.msk [tilespmem:v0+s22+$0x10 ss:$0x1], $0xffff;
	v11 =	vshrl.u32 v8, $0x10;
	v12 =	vshrl.u32 v8, $0x8;
	v14 =	vshrl.u32 v8, $0x18  }
0x50: {  	v38 =	vld.idx.msk [tilespmem:v1+s22+$0x10 ss:$0x1], $0xffff;
	v8 =	vand.u32 $0xFF, v8;
	v15 =	vshrl.u32 v9, $0x10;
	v16 =	vshrl.u32 v9, $0x8  }
0x51: {  	v43 =	vld.idx.msk [tilespmem:v2+s22+$0x10 ss:$0x1], $0xffff;
	v17 =	vshrl.u32 v9, $0x18;
	v9 =	vand.u32 $0xFF, v9;
	v18 =	vshrl.u32 v10, $0x10  }
0x52: {  	v46 =	vld.idx.msk [tilespmem:v3+s22+$0x10 ss:$0x1], $0xffff;
	v19 =	vshrl.u32 v10, $0x8;
	v20 =	vshrl.u32 v10, $0x18;
	v10 =	vand.u32 $0xFF, v10  }
0x53: {  	v21 =	vshrl.u32 v13, $0x18;
	v22 =	vshrl.u32 v13, $0x10;
	v23 =	vshrl.u32 v13, $0x8  }
0x54: {  	v13 =	vand.u32 $0xFF, v13;
	v44 =	vshrl.u32 v24, $0x10;
	v45 =	vshrl.u32 v24, $0x8  }
0x55: {  	v47 =	vshrl.u32 v24, $0x18;
	v48 =	vand.u32 $0xFF, v24;
	v49 =	vshrl.u32 v38, $0x10  }
0x56: {  	v50 =	vshrl.u32 v38, $0x8;
	v51 =	vshrl.u32 v38, $0x18;
	v52 =	vshrl.u32 v43, $0x10  }
0x57: {  	v53 =	vshrl.u32 v43, $0x8;
	v54 =	vshrl.u32 v43, $0x18;
	v25 =	vshrl.u32 v46, $0x10  }
0x58: {  	v26 =	vand.u32 $0xFF, v46;
	v55 =	vshrl.u32 v46, $0x8;
	v11 =	vand.u32 $0xFF, v11  }
0x59: {  	v12 =	vand.u32 $0xFF, v12;
	v15 =	vand.u32 $0xFF, v15;
	v16 =	vand.u32 $0xFF, v16  }
0x5a: {  	v18 =	vand.u32 $0xFF, v18;
	v19 =	vand.u32 $0xFF, v19;
	v22 =	vand.u32 $0xFF, v22  }
0x5b: {  	v23 =	vand.u32 $0xFF, v23;
	v8 =	vpack.i.b32.b16 v10, v8;
	v9 =	vpack.i.b32.b16 v13, v9  }
0x5c: {  	s23 =	sshll.u32 s21, $0x2;
	v41 =	vpack.i.b32.b16 v20, v14;
	v42 =	vpack.i.b32.b16 v21, v17;
	v13 =	vand.u32 $0xFF, v44  }
0x5d: {  	s21 =	sor.u32 $0x80, s23;
	v20 =	vand.u32 $0xFF, v50;
	v14 =	vand.u32 $0xFF, v43;
	v25 =	vand.u32 $0xFF, v25  }
0x5e: {  	s31 =	sor.u32 s19, s21;
	v62 =	vpack.i.b32.b16 v54, v47;
	v8 =	vpack.i.b16.b8 v9, v8;
	v36 =	vpack.i.b32.b16 v19, v12  }
0x5f: {  	s22 =	sshra.s32 s31, $0x2;
	v37 =	vpack.i.b32.b16 v23, v16;
	v39 =	vpack.i.b32.b16 v18, v11;
	v40 =	vpack.i.b32.b16 v22, v15  }
0x60: {  	v56 =	vld.idx.msk [tilespmem:v0+s22+$0x0 ss:$0x1], $0xffff;
	v11 =	vpack.i.b16.b8 v42, v41;
	v15 =	vand.u32 $0xFF, v45;
	v19 =	vand.u32 $0xFF, v49  }
0x61: {  	v59 =	vld.idx.msk [tilespmem:v1+s22+$0x0 ss:$0x1], $0xffff;
	v12 =	vand.u32 $0xFF, v38;
	v22 =	vand.u32 $0xFF, v52;
	v23 =	vand.u32 $0xFF, v53  }
0x62: {  	v61 =	vld.idx.msk [tilespmem:v2+s22+$0x0 ss:$0x1], $0xffff;
	v14 =	vpack.i.b32.b16 v14, v48;
	v16 =	vshrl.u32 v46, $0x18;
	v18 =	vand.u32 $0xFF, v55  }
0x63: {  	v63 =	vld.idx.msk [tilespmem:v3+s22+$0x0 ss:$0x1], $0xffff;
	v9 =	vpack.i.b16.b8 v37, v36;
	v10 =	vpack.i.b16.b8 v40, v39;
	v12 =	vpack.i.b32.b16 v26, v12  }
0x64: {  	v57 =	vpack.i.b32.b16 v23, v15;
	v58 =	vpack.i.b32.b16 v18, v20;
	v13 =	vpack.i.b32.b16 v22, v13  }
0x65: {  	v60 =	vpack.i.b32.b16 v25, v19;
	v16 =	vpack.i.b32.b16 v16, v51;
	v25 =	vshrl.u32 v56, $0x10  }
0x66: {  	v27 =	vshrl.u32 v56, $0x8;
	v28 =	vshrl.u32 v56, $0x18;
	v29 =	vand.u32 $0xFF, v56  }
0x67: {  	v30 =	vshrl.u32 v59, $0x18;
	v31 =	vshrl.u32 v59, $0x10;
	v32 =	vshrl.u32 v59, $0x8  }
0x68: {  	s23 =	sshra.s32 s23, $0x2;
	v33 =	vand.u32 $0xFF, v61;
	v18 =	vand.u32 $0xFF, v59;
	v34 =	vand.u32 $0xFF, v63  }
0x69: {  	v35 =	vshrl.u32 v61, $0x10;
	[tilespmem:v4+s23+$0x0 ss:$0x1] =	vst.idx.msk $0xffff, v8;
	v8 =	vshrl.u32 v61, $0x18;
	v19 =	vshrl.u32 v61, $0x8  }
0x6a: {  	v37 =	vshrl.u32 v63, $0x8;
	v39 =	vshrl.u32 v63, $0x10;
	v40 =	vshrl.u32 v63, $0x18  }
0x6b: {  	v12 =	vpack.i.b16.b8 v12, v14;
	v14 =	vpack.i.b16.b8 v58, v57;
	v13 =	vpack.i.b16.b8 v60, v13  }
0x6c: {  	v15 =	vpack.i.b16.b8 v16, v62;
	v16 =	vand.u32 $0xFF, v25;
	v20 =	vand.u32 $0xFF, v27  }
0x6d: {  	[tilespmem:v7+s23+$0x0 ss:$0x1] =	vst.idx.msk $0xffff, v11;
	v24 =	vand.u32 $0xFF, v31;
	v22 =	vpack.i.b32.b16 v33, v29;
	v25 =	vand.u32 $0xFF, v32  }
0x6e: {  	v43 =	vld.idx.msk [tilespmem:v2+s22+$0x10 ss:$0x1], $0xffff;
	v18 =	vpack.i.b32.b16 v34, v18;
	v26 =	vand.u32 $0xFF, v35;
	[tilespmem:v5+s23+$0x0 ss:$0x1] =	vst.idx.msk $0xffff, v9;
	v36 =	vand.u32 $0xFF, v19  }
0x6f: {  	v38 =	vld.idx.msk [tilespmem:v0+s22+$0x10 ss:$0x1], $0xffff;
	[tilespmem:v6+s23+$0x0 ss:$0x1] =	vst.idx.msk $0xffff, v10;
	v19 =	vand.u32 $0xFF, v37;
	v10 =	vand.u32 $0xFF, v39;
	v8 =	vpack.i.b32.b16 v8, v28  }
0x70: {  	v42 =	vld.idx.msk [tilespmem:v1+s22+$0x10 ss:$0x1], $0xffff;
	v11 =	vpack.i.b32.b16 v40, v30;
	v18 =	vpack.i.b16.b8 v18, v22;
	v9 =	vpack.i.b32.b16 v36, v20  }
0x71: {  	v41 =	vpack.i.b32.b16 v19, v25;
	v16 =	vpack.i.b32.b16 v26, v16;
	v10 =	vpack.i.b32.b16 v10, v24  }
0x72: {  	v46 =	vld.idx.msk [tilespmem:v3+s22+$0x10 ss:$0x1], $0xffff;
	v8 =	vpack.i.b16.b8 v11, v8;
	v9 =	vpack.i.b16.b8 v41, v9;
	v10 =	vpack.i.b16.b8 v10, v16  }
0x73: {  	v53 =	vshrl.u32 v43, $0x18;
	v54 =	vshrl.u32 v43, $0x8;
	v55 =	vshrl.u32 v43, $0x10  }
0x74: {  	[tilespmem:v4+s23+$0x10 ss:$0x1] =	vst.idx.msk $0xffff, v12;
	v16 =	vand.u32 $0xFF, v43;
	v44 =	vshrl.u32 v38, $0x10;
	v45 =	vshrl.u32 v38, $0x8  }
0x75: {  	[tilespmem:v5+s23+$0x10 ss:$0x1] =	vst.idx.msk $0xffff, v14;
	v47 =	vshrl.u32 v38, $0x18;
	v48 =	vand.u32 $0xFF, v38;
	v49 =	vshrl.u32 v42, $0x10  }
0x76: {  	[tilespmem:v6+s23+$0x10 ss:$0x1] =	vst.idx.msk $0xffff, v13;
	v50 =	vshrl.u32 v42, $0x8;
	v51 =	vshrl.u32 v42, $0x18;
	v52 =	vand.u32 $0xFF, v42  }
0x77: {  	s21 =	sshrl.u32 s21, $0x2;
	[tilespmem:v7+s23+$0x10 ss:$0x1] =	vst.idx.msk $0xffff, v15;
	v22 =	vand.u32 $0xFF, v54;
	v56 =	vshrl.u32 v46, $0x10;
	v57 =	vshrl.u32 v46, $0x8  }
0x78: {  	[tilespmem:v5+s21+$0x0 ss:$0x1] =	vst.idx.msk $0xffff, v9;
	v58 =	vand.u32 $0xFF, v46;
	v9 =	vand.u32 $0xFF, v55;
	v11 =	vand.u32 $0xFF, v44  }
0x79: {  	[tilespmem:v4+s21+$0x0 ss:$0x1] =	vst.idx.msk $0xffff, v18;
	v12 =	vand.u32 $0xFF, v45;
	v20 =	vand.u32 $0xFF, v49;
	v21 =	vand.u32 $0xFF, v50  }
0x7a: {  	[tilespmem:v7+s21+$0x0 ss:$0x1] =	vst.idx.msk $0xffff, v8;
	v8 =	vand.u32 $0xFF, v57;
	v13 =	vpack.i.b32.b16 v16, v48;
	v59 =	vpack.i.b32.b16 v58, v52  }
0x7b: {  	p2 =	por p1, p1;
	[tilespmem:v6+s21+$0x0 ss:$0x1] =	vst.idx.msk $0xffff, v10;
	v10 =	vand.u32 $0xFF, v56;
	v12 =	vpack.i.b32.b16 v22, v12;
	v8 =	vpack.i.b32.b16 v8, v21  }
.Ltmp4:
0x7c: {  	v62 =	vpack.i.b32.b16 v53, v47;
	v13 =	vpack.i.b16.b8 v59, v13;
	v8 =	vpack.i.b16.b8 v8, v12;
	(pc) =	sbr.rel @p2 .LBB1_6-.Ltmp4, $4  }
0x7d: {  	v60 =	vshrl.u32 v46, $0x18;
	v61 =	vpack.i.b32.b16 v10, v20;
	[tilespmem:v5+s21+$0x10 ss:$0x1] =	vst.idx.msk $0xffff, v8;
	v8 =	vpack.i.b32.b16 v9, v11  }
0x7e: {  	v63 =	vpack.i.b32.b16 v60, v51;
	[tilespmem:v4+s21+$0x10 ss:$0x1] =	vst.idx.msk $0xffff, v13;
	v8 =	vpack.i.b16.b8 v61, v8  }
0x7f: {  	[tilespmem:v6+s21+$0x10 ss:$0x1] =	vst.idx.msk $0xffff, v8;
	v8 =	vpack.i.b16.b8 v63, v62  }
0x80: {  	p1 =	por $0x0, $0x0;
	[tilespmem:v7+s21+$0x10 ss:$0x1] =	vst.idx.msk $0xffff, v8;
	s21 =	simm.s32 $0x40  }
.Ltmp5:
0x81: {  	(pc) =	sbr.rel @p0 .LBB1_5-.Ltmp5, $2  }
0x82: {  	_ =	sdelay $0x2  }
0x83: {  	s20 =	simm.s32 $0x4;
	p1 =	por $0x0, $0x0  }
0x84: {  	s17 =	sadd.s32 $0x1, s17  }
0x85: {  	p0 =	sne.s32 s17, s14  }
.Ltmp6:
0x86: {  	_ = 	snop;
	(pc) =	sbr.rel @p0 .LBB1_4-.Ltmp6, $4  }
.Ltmp7:
0x87: {  	_ = 	snop;
	(pc) =	sbr.rel @!p0 .LBB1_9-.Ltmp7, $4  }
0x88: {  	_ = 	snop  }
0x89: {  	_ = 	snop  }
0x8a: {  	_ = 	snop  }
0x8b: {  	_ = 	snop  }
.LBB1_11:
0x8c: {  	_ =	sfence.sel $0x180000  }
0x8d: {  	s2 =	simm.s32 $0x1;
	[bflag:$0x0] =	sbarrier.arrive $0xFFFF  }
0x8e: {  	s31 =	simm.s32 $0x2;
	[sflag:s2] =	ssyncpa.u1 $0x1  }
0x8f: {  	[sflag:s31] =	ssyncpa.u1 $0x1  }
0x90: {  	p0 =	sne.s32 s1, $0x0;
	_ =	strace $0x90000047  }
0x91: {  	s0 =	sadd.s32 @!p0 $0x100000, s0;
	[bflag:$0x2] =	sbarrier.arrive $0xFFFF  }
0x92: {  	[sflag:s0] =	ssyncadd.tile.s32 @!p0 $0x1;
	_ =	shalt  }
.Lfunc_end1:
_tile_overlayer_lowered:
.L_overlay_start_2:
0x93: {  	(tag) =	ssettag $0x2  }
0x94: {  	s0 =	rddreg [dreg:$0x0];
	s2 =	stileid.u32  }
0x95: {  	s1 =	rddreg [dreg:$0x1];
	p0 =	sne.s32 s2, $0x0  }
0x96: {  	s3 =	rddreg [dreg:$0x2];
	[bflag:$0x3] =	sbarrier.arrive $0xFFFF;
	s2 =	simm.s32 @!p0 $0x1C01  }
0x97: {  	[timem:s3], [sflag:s2] =	dma.local @!p0 [hbm:s0], s1  }
0x98: {  	s0 =	simm.s32 @!p0 $0x1  }
0x99: {  	_ =	swait.ge @!p0 [sflag:s0], s1  }
0x9a: {  	s1 =	ssub.s32 @!p0 $0x0, s1;
	[sflag:s0] =	ssyncset.done @!p0 $0x0  }
0x9b: {  	[sflag:s0] =	ssyncadd.s32 @!p0 s1  }
0x9c: {  	[bflag:$0x3] =	sbarrier.arrive $0xFFFF  }
0x9d: {  	_ =	shalt  }

</sc_bundles>
